<compile_context>
chip_gen: v7x
topology: tpu7x:2x2x1
jax: 0.10.2.dev20260603
libtpu: 0.0.44.dev20260713+nightly
codegen_flags: <defaults>
</compile_context>

<pallas_src>
import functools

import jax
import jax.numpy as jnp
from jax import lax
from jax.experimental import pallas as pl
from jax.experimental.pallas import tpu as pltpu
from jax.experimental.pallas import tpu_sc as plsc

K = 1024
D = 256
Q = 4
N = 32768
BN = 1024
NB = N // BN
NC = 2
NS = 16
NW = NC * NS
CHUNK = N // NW
LANES = 16

_PREC = lax.Precision.DEFAULT


def _argmin_rows(dist):
    m = jnp.min(dist, axis=1, keepdims=True)
    iot = lax.broadcasted_iota(jnp.int32, dist.shape, 1)
    idx = jnp.min(jnp.where(dist == m, iot, jnp.int32(K)), axis=1)
    return idx, m[:, 0]


def _cdist_code_kernel(y_ref, a2_ref, cb_ref, b2_ref, codes_ref, rowd2_ref):
    y = y_ref[...]
    a2 = a2_ref[0, 0, :]
    cb = cb_ref[...]
    b2 = b2_ref[0, 0, :]
    ab = lax.dot_general(y, cb, (((1,), (1,)), ((), ())),
                         precision=_PREC)
    d2 = (a2[:, None] + b2[None, :]) - 2.0 * ab
    dist = jnp.sqrt(jnp.maximum(d2, 0.0))
    idx, _ = _argmin_rows(dist)
    codes_ref[0, 0, :] = idx
    rowd2_ref[0, 0, :] = jnp.maximum(jnp.min(d2, axis=1), 0.0)


def _mapping_kernel(a_ref, b_ref, a2_ref, b2_ref, map_ref, md2_ref):
    a = a_ref[0]
    bm = b_ref[0]
    a2 = a2_ref[0, 0, :]
    b2 = b2_ref[0, 0, :]
    ab = lax.dot_general(a, bm, (((1,), (1,)), ((), ())),
                         precision=_PREC)
    d2 = (a2[:, None] + b2[None, :]) - 2.0 * ab
    dist = jnp.sqrt(jnp.maximum(d2, 0.0))
    idx, _ = _argmin_rows(dist)
    map_ref[0, 0, :] = idx
    md2_ref[0, 0, :] = jnp.maximum(jnp.min(d2, axis=1), 0.0)


def _sc_chain_kernel(codes0_hbm, rowd2_hbm, maps_hbm, md2_hbm,
                     codesq_hbm, occ_hbm, accs_hbm,
                     codes_v, rowd2_v, m1_v, m2_v, m3_v, d1_v, d2_v, d3_v,
                     c1_v, c2_v, c3_v, occ0_v, occ1_v, occ2_v, occ3_v,
                     acc_v):
    wid = lax.axis_index("s") * NC + lax.axis_index("c")
    base = wid * CHUNK

    pltpu.sync_copy(codes0_hbm.at[pl.ds(base, CHUNK)], codes_v)
    pltpu.sync_copy(rowd2_hbm.at[pl.ds(base, CHUNK)], rowd2_v)
    pltpu.sync_copy(maps_hbm.at[pl.ds(0, K)], m1_v)
    pltpu.sync_copy(maps_hbm.at[pl.ds(K, K)], m2_v)
    pltpu.sync_copy(maps_hbm.at[pl.ds(2 * K, K)], m3_v)
    pltpu.sync_copy(md2_hbm.at[pl.ds(0, K)], d1_v)
    pltpu.sync_copy(md2_hbm.at[pl.ds(K, K)], d2_v)
    pltpu.sync_copy(md2_hbm.at[pl.ds(2 * K, K)], d3_v)

    zeros = jnp.zeros((LANES,), jnp.int32)
    for j in range(K // LANES):
        sl = pl.ds(j * LANES, LANES)
        occ0_v[sl] = zeros
        occ1_v[sl] = zeros
        occ2_v[sl] = zeros
        occ3_v[sl] = zeros

    ones = jnp.ones((LANES,), jnp.int32)
    acc0 = jnp.zeros((LANES,), jnp.float32)
    acc1 = jnp.zeros((LANES,), jnp.float32)
    acc2 = jnp.zeros((LANES,), jnp.float32)
    acc3 = jnp.zeros((LANES,), jnp.float32)
    for j in range(CHUNK // LANES):
        sl = pl.ds(j * LANES, LANES)
        v0 = codes_v[sl]
        acc0 = acc0 + rowd2_v[sl]
        c1 = plsc.load_gather(m1_v, [v0])
        c2 = plsc.load_gather(m2_v, [c1])
        c3 = plsc.load_gather(m3_v, [c2])
        acc1 = acc1 + plsc.load_gather(d1_v, [v0])
        acc2 = acc2 + plsc.load_gather(d2_v, [c1])
        acc3 = acc3 + plsc.load_gather(d3_v, [c2])
        c1_v[sl] = c1
        c2_v[sl] = c2
        c3_v[sl] = c3
        plsc.store_scatter(occ0_v, [v0], ones)
        plsc.store_scatter(occ1_v, [c1], ones)
        plsc.store_scatter(occ2_v, [c2], ones)
        plsc.store_scatter(occ3_v, [c3], ones)

    acc_v[pl.ds(0, LANES)] = acc0
    acc_v[pl.ds(LANES, LANES)] = acc1
    acc_v[pl.ds(2 * LANES, LANES)] = acc2
    acc_v[pl.ds(3 * LANES, LANES)] = acc3

    pltpu.sync_copy(c1_v, codesq_hbm.at[pl.ds(0 * N + base, CHUNK)])
    pltpu.sync_copy(c2_v, codesq_hbm.at[pl.ds(1 * N + base, CHUNK)])
    pltpu.sync_copy(c3_v, codesq_hbm.at[pl.ds(2 * N + base, CHUNK)])
    obase = wid * Q * K
    pltpu.sync_copy(occ0_v, occ_hbm.at[pl.ds(obase, K)])
    pltpu.sync_copy(occ1_v, occ_hbm.at[pl.ds(obase + K, K)])
    pltpu.sync_copy(occ2_v, occ_hbm.at[pl.ds(obase + 2 * K, K)])
    pltpu.sync_copy(occ3_v, occ_hbm.at[pl.ds(obase + 3 * K, K)])
    pltpu.sync_copy(acc_v, accs_hbm.at[pl.ds(wid * Q * LANES, Q * LANES)])


def _scalars_kernel(accs_ref, occ_ref, loss_ref, perp_ref, used_ref):
    accs = accs_ref[...]
    sums = jnp.sum(jnp.sum(accs, axis=0), axis=1)
    mse = sums / jnp.float32(N * D)
    loss = jnp.sum(1.25 * mse) / jnp.float32(Q)

    occ = occ_ref[...]
    tot = jnp.sum(occ, axis=0)
    uniq = jnp.sum((tot > 0).astype(jnp.float32), axis=1)
    perp = jnp.sum(uniq) / jnp.float32(Q)
    union = jnp.sum(tot, axis=0)
    used = jnp.sum((union > 0).astype(jnp.int32))

    loss_ref[0, 0] = loss
    perp_ref[0, 0] = perp
    used_ref[0, 0] = used


def _big_cdist(y, a2, cb0, b20):
    a2r = a2.reshape(NB, 1, BN)
    b2r = b20.reshape(1, 1, K)
    codes, rowd2 = pl.pallas_call(
        _cdist_code_kernel,
        grid=(NB,),
        in_specs=[
            pl.BlockSpec((BN, D), lambda i: (i, 0)),
            pl.BlockSpec((1, 1, BN), lambda i: (i, 0, 0)),
            pl.BlockSpec((K, D), lambda i: (0, 0)),
            pl.BlockSpec((1, 1, K), lambda i: (0, 0, 0)),
        ],
        out_specs=[
            pl.BlockSpec((1, 1, BN), lambda i: (i, 0, 0)),
            pl.BlockSpec((1, 1, BN), lambda i: (i, 0, 0)),
        ],
        out_shape=[
            jax.ShapeDtypeStruct((NB, 1, BN), jnp.int32),
            jax.ShapeDtypeStruct((NB, 1, BN), jnp.float32),
        ],
    )(y, a2r, cb0, b2r)
    return codes.reshape(N), rowd2.reshape(N)


def _mappings(codebooks, cbn):
    cbn3 = cbn.reshape(Q, 1, K)
    maps, md2 = pl.pallas_call(
        _mapping_kernel,
        grid=(Q - 1,),
        in_specs=[
            pl.BlockSpec((1, K, D), lambda q: (q, 0, 0)),
            pl.BlockSpec((1, K, D), lambda q: (q + 1, 0, 0)),
            pl.BlockSpec((1, 1, K), lambda q: (q, 0, 0)),
            pl.BlockSpec((1, 1, K), lambda q: (q + 1, 0, 0)),
        ],
        out_specs=[
            pl.BlockSpec((1, 1, K), lambda q: (q, 0, 0)),
            pl.BlockSpec((1, 1, K), lambda q: (q, 0, 0)),
        ],
        out_shape=[
            jax.ShapeDtypeStruct((Q - 1, 1, K), jnp.int32),
            jax.ShapeDtypeStruct((Q - 1, 1, K), jnp.float32),
        ],
    )(codebooks, codebooks, cbn3, cbn3)
    return maps.reshape(Q - 1, K), md2.reshape(Q - 1, K)


def _sc_chain(codes0, rowd2, maps, md2):
    mesh = plsc.VectorSubcoreMesh(core_axis_name="c", subcore_axis_name="s",
                                  num_cores=NC, num_subcores=NS)
    f = pl.kernel(
        _sc_chain_kernel,
        out_type=[
            jax.ShapeDtypeStruct(((Q - 1) * N,), jnp.int32),
            jax.ShapeDtypeStruct((NW * Q * K,), jnp.int32),
            jax.ShapeDtypeStruct((NW * Q * LANES,), jnp.float32),
        ],
        mesh=mesh,
        compiler_params=pltpu.CompilerParams(needs_layout_passes=False),
        scratch_types=[
            pltpu.VMEM((CHUNK,), jnp.int32),
            pltpu.VMEM((CHUNK,), jnp.float32),
            pltpu.VMEM((K,), jnp.int32),
            pltpu.VMEM((K,), jnp.int32),
            pltpu.VMEM((K,), jnp.int32),
            pltpu.VMEM((K,), jnp.float32),
            pltpu.VMEM((K,), jnp.float32),
            pltpu.VMEM((K,), jnp.float32),
            pltpu.VMEM((CHUNK,), jnp.int32),
            pltpu.VMEM((CHUNK,), jnp.int32),
            pltpu.VMEM((CHUNK,), jnp.int32),
            pltpu.VMEM((K,), jnp.int32),
            pltpu.VMEM((K,), jnp.int32),
            pltpu.VMEM((K,), jnp.int32),
            pltpu.VMEM((K,), jnp.int32),
            pltpu.VMEM((Q * LANES,), jnp.float32),
        ],
    )
    codesq, occ, accs = f(codes0, rowd2, maps.reshape(-1), md2.reshape(-1))
    return (codesq.reshape(Q - 1, N), occ.reshape(NW, Q, K),
            accs.reshape(NW, Q, LANES))


def _scalars(accs, occ):
    loss, perp, used = pl.pallas_call(
        _scalars_kernel,
        out_specs=[
            pl.BlockSpec(memory_space=pltpu.SMEM),
            pl.BlockSpec(memory_space=pltpu.SMEM),
            pl.BlockSpec(memory_space=pltpu.SMEM),
        ],
        out_shape=[
            jax.ShapeDtypeStruct((1, 1), jnp.float32),
            jax.ShapeDtypeStruct((1, 1), jnp.float32),
            jax.ShapeDtypeStruct((1, 1), jnp.int32),
        ],
    )(accs, occ)
    return loss, perp, used


def kernel(x, W, b, codebooks):
    B, C, H, Wd = x.shape
    x_flat = jnp.transpose(x, (0, 2, 3, 1)).reshape(-1, C)
    y = x_flat @ W + b
    a2 = jnp.sum(y * y, axis=1)
    y, a2 = lax.optimization_barrier((y, a2))
    cbn = jnp.sum(codebooks * codebooks, axis=2)

    codes0, rowd2 = _big_cdist(y, a2, codebooks[0], cbn[0])
    maps, md2 = _mappings(codebooks, cbn)
    codesq, occ, accs = _sc_chain(codes0, rowd2, maps, md2)
    loss, perp, used = _scalars(accs, occ)

    codes = jnp.concatenate([codes0[None, :], codesq], axis=0)
    codes = codes.reshape(Q, B, H, Wd)
    return (codes, loss.reshape(()), perp.reshape(()),
            used.reshape(()).astype(jnp.int32))

# --- scband reference (transcript-rebuilt; emitter-appended) ---
"""Pipeline reference for scband-latent-encoder-87643102642412 (READ-ONLY COPY).

The authoritative reference and input builder live on the scoring server;
editing this copy changes nothing except your own understanding.
"""

import jax, jax.numpy as jnp
import numpy as np

CODEBOOK_SIZE = 1024
EMBED_DIM = 256
NUM_QUANT = 4
COMMIT_W = 0.25


def setup_inputs(seed: int = 0) -> dict:
    key = jax.random.key(seed)
    k1, k2, k3, k4 = jax.random.split(key, 4)
    x = jax.random.normal(k1, (8, 4, 64, 64), dtype=jnp.float32)
    # pre_quant_proj: Linear(4, EMBED_DIM). Store as W [4, D], b [D].
    bound = 1.0 / np.sqrt(4.0)
    W = jax.random.uniform(k2, (4, EMBED_DIM), dtype=jnp.float32, minval=-bound, maxval=bound)
    b = jax.random.uniform(k3, (EMBED_DIM,), dtype=jnp.float32, minval=-bound, maxval=bound)
    codebooks = jax.random.normal(k4, (NUM_QUANT, CODEBOOK_SIZE, EMBED_DIM), dtype=jnp.float32) / CODEBOOK_SIZE
    return {"x": x, "W": W, "b": b, "codebooks": codebooks}


def _cdist(a, cb):
    # Euclidean distance matrix [N, K]
    d2 = (jnp.sum(a * a, axis=1, keepdims=True)
          + jnp.sum(cb * cb, axis=1)[None, :]
          - 2.0 * (a @ cb.T))
    return jnp.sqrt(jnp.maximum(d2, 0.0))


def reference(x, W, b, codebooks):
    B, C, H, Wd = x.shape
    x_flat = jnp.transpose(x, (0, 2, 3, 1)).reshape(-1, C)
    x_emb = x_flat @ W + b
    codes_list = []
    losses = []
    Q, K, D = codebooks.shape
    for q in range(Q):
        cb = codebooks[q]
        dist = _cdist(x_emb, cb)
        codes = jnp.argmin(dist, axis=1)
        codes_list.append(codes)
        quantized = jnp.take(cb, codes, axis=0)
        e_latent_loss = jnp.mean((jax.lax.stop_gradient(x_emb) - quantized) ** 2)
        q_latent_loss = jnp.mean((x_emb - jax.lax.stop_gradient(quantized)) ** 2)
        losses.append(e_latent_loss * COMMIT_W + q_latent_loss)
        x_emb = quantized
    codes = jnp.stack(codes_list, axis=0).reshape(Q, B, H, Wd)
    loss = jnp.mean(jnp.stack(losses))
    # perplexity: average number of unique codes per quantizer
    uniq_counts = [jnp.sum(jnp.bincount(c, length=K) > 0).astype(jnp.float32) for c in codes_list]
    perplexity = jnp.mean(jnp.stack(uniq_counts))
    # used_codes: unique codes across all quantizers
    all_codes = jnp.concatenate(codes_list)
    used_codes = jnp.sum(jnp.bincount(all_codes, length=K) > 0).astype(jnp.int32)
    return codes, loss, perplexity, used_codes

if __name__ == "__main__":
    import jax
    _d = setup_inputs()
    print(jax.jit(kernel)(*tuple(_d.values())))

</pallas_src>

<mosaic_0001>
#map = affine_map<(d0, d1) -> (0)>
module attributes {stable_mosaic.version = 14 : i64} {
  func.func @_sc_chain_kernel(%arg0: i32, %arg1: i32, %arg2: memref<32768xi32, #tpu.memory_space<hbm>>, %arg3: memref<32768xf32, #tpu.memory_space<hbm>>, %arg4: memref<3072xi32, #tpu.memory_space<hbm>>, %arg5: memref<3072xf32, #tpu.memory_space<hbm>>, %arg6: memref<98304xi32, #tpu.memory_space<hbm>>, %arg7: memref<131072xi32, #tpu.memory_space<hbm>>, %arg8: memref<2048xf32, #tpu.memory_space<hbm>>, %arg9: memref<1024xi32, #tpu.memory_space<vmem>>, %arg10: memref<1024xf32, #tpu.memory_space<vmem>>, %arg11: memref<1024xi32, #tpu.memory_space<vmem>>, %arg12: memref<1024xi32, #tpu.memory_space<vmem>>, %arg13: memref<1024xi32, #tpu.memory_space<vmem>>, %arg14: memref<1024xf32, #tpu.memory_space<vmem>>, %arg15: memref<1024xf32, #tpu.memory_space<vmem>>, %arg16: memref<1024xf32, #tpu.memory_space<vmem>>, %arg17: memref<1024xi32, #tpu.memory_space<vmem>>, %arg18: memref<1024xi32, #tpu.memory_space<vmem>>, %arg19: memref<1024xi32, #tpu.memory_space<vmem>>, %arg20: memref<1024xi32, #tpu.memory_space<vmem>>, %arg21: memref<1024xi32, #tpu.memory_space<vmem>>, %arg22: memref<1024xi32, #tpu.memory_space<vmem>>, %arg23: memref<1024xi32, #tpu.memory_space<vmem>>, %arg24: memref<64xf32, #tpu.memory_space<vmem>>) attributes {dimension_semantics = [#tpu.dimension_semantics<core_parallel>, #tpu.dimension_semantics<subcore_parallel>], iteration_bounds = array<i64: 2, 16>, scalar_prefetch = 0 : i64, scratch_operands = 16 : i64, tpu.core_type = #tpu.core_type<sc_vector_subcore>, window_params = [{transform_indices = #map}, {transform_indices = #map}, {transform_indices = #map}, {transform_indices = #map}, {transform_indices = #map}, {transform_indices = #map}, {transform_indices = #map}]} {
    %mul3A = arith.constant 2 : i32
    %mul3A_0 = arith.muli %arg1, %mul3A : i32
    %add3A = arith.addi %mul3A_0, %arg0 : i32
    %mul3A_1 = arith.constant 1024 : i32
    %mul3A_2 = arith.muli %add3A, %mul3A_1 : i32
    "tpu.region"() ({
      %run_scoped3A = tpu.sem_alloc : memref<!tpu.dma_semaphore, #tpu.memory_space<semaphore_mem>>
      %dma_start3A = tpu.memref_slice %arg2[%mul3A_2] : memref<32768xi32, #tpu.memory_space<hbm>> -> memref<1024xi32, #tpu.memory_space<hbm>>
      %dma_start3A_1831 = tpu.memref_slice %arg2[%mul3A_2] : memref<32768xi32, #tpu.memory_space<hbm>> -> memref<1024xi32, #tpu.memory_space<hbm>>
      tpu.enqueue_dma source(%dma_start3A_1831 : memref<1024xi32, #tpu.memory_space<hbm>>) target(%arg9 : memref<1024xi32, #tpu.memory_space<vmem>>) target_semaphore(%run_scoped3A : memref<!tpu.dma_semaphore, #tpu.memory_space<semaphore_mem>>)
      %dma_wait3A = tpu.memref_slice %arg2[%mul3A_2] : memref<32768xi32, #tpu.memory_space<hbm>> -> memref<1024xi32, #tpu.memory_space<hbm>>
      %dma_wait3A_1832 = tpu.memref_slice %arg2[%mul3A_2] : memref<32768xi32, #tpu.memory_space<hbm>> -> memref<1024xi32, #tpu.memory_space<hbm>>
      tpu.wait_dma2 semaphore(%run_scoped3A : memref<!tpu.dma_semaphore, #tpu.memory_space<semaphore_mem>>) src(%dma_wait3A_1832 : memref<1024xi32, #tpu.memory_space<hbm>>) dst(%arg9 : memref<1024xi32, #tpu.memory_space<vmem>>)
      tpu.yield
    }) : () -> ()
    "tpu.region"() ({
      %run_scoped3A = tpu.sem_alloc : memref<!tpu.dma_semaphore, #tpu.memory_space<semaphore_mem>>
      %dma_start3A = tpu.memref_slice %arg3[%mul3A_2] : memref<32768xf32, #tpu.memory_space<hbm>> -> memref<1024xf32, #tpu.memory_space<hbm>>
      %dma_start3A_1831 = tpu.memref_slice %arg3[%mul3A_2] : memref<32768xf32, #tpu.memory_space<hbm>> -> memref<1024xf32, #tpu.memory_space<hbm>>
      tpu.enqueue_dma source(%dma_start3A_1831 : memref<1024xf32, #tpu.memory_space<hbm>>) target(%arg10 : memref<1024xf32, #tpu.memory_space<vmem>>) target_semaphore(%run_scoped3A : memref<!tpu.dma_semaphore, #tpu.memory_space<semaphore_mem>>)
      %dma_wait3A = tpu.memref_slice %arg3[%mul3A_2] : memref<32768xf32, #tpu.memory_space<hbm>> -> memref<1024xf32, #tpu.memory_space<hbm>>
      %dma_wait3A_1832 = tpu.memref_slice %arg3[%mul3A_2] : memref<32768xf32, #tpu.memory_space<hbm>> -> memref<1024xf32, #tpu.memory_space<hbm>>
      tpu.wait_dma2 semaphore(%run_scoped3A : memref<!tpu.dma_semaphore, #tpu.memory_space<semaphore_mem>>) src(%dma_wait3A_1832 : memref<1024xf32, #tpu.memory_space<hbm>>) dst(%arg10 : memref<1024xf32, #tpu.memory_space<vmem>>)
      tpu.yield
    }) : () -> ()
    "tpu.region"() ({
      %run_scoped3A = tpu.sem_alloc : memref<!tpu.dma_semaphore, #tpu.memory_space<semaphore_mem>>
      %dma_start3A = arith.constant 0 : i32
      %dma_start3A_1831 = tpu.memref_slice %arg4[%dma_start3A] : memref<3072xi32, #tpu.memory_space<hbm>> -> memref<1024xi32, #tpu.memory_space<hbm>>
      %dma_start3A_1832 = arith.constant 0 : i32
      %dma_start3A_1833 = tpu.memref_slice %arg4[%dma_start3A_1832] : memref<3072xi32, #tpu.memory_space<hbm>> -> memref<1024xi32, #tpu.memory_space<hbm>>
      tpu.enqueue_dma source(%dma_start3A_1833 : memref<1024xi32, #tpu.memory_space<hbm>>) target(%arg11 : memref<1024xi32, #tpu.memory_space<vmem>>) target_semaphore(%run_scoped3A : memref<!tpu.dma_semaphore, #tpu.memory_space<semaphore_mem>>)
      %dma_wait3A = arith.constant 0 : i32
      %dma_wait3A_1834 = tpu.memref_slice %arg4[%dma_wait3A] : memref<3072xi32, #tpu.memory_space<hbm>> -> memref<1024xi32, #tpu.memory_space<hbm>>
      %dma_wait3A_1835 = arith.constant 0 : i32
      %dma_wait3A_1836 = tpu.memref_slice %arg4[%dma_wait3A_1835] : memref<3072xi32, #tpu.memory_space<hbm>> -> memref<1024xi32, #tpu.memory_space<hbm>>
      tpu.wait_dma2 semaphore(%run_scoped3A : memref<!tpu.dma_semaphore, #tpu.memory_space<semaphore_mem>>) src(%dma_wait3A_1836 : memref<1024xi32, #tpu.memory_space<hbm>>) dst(%arg11 : memref<1024xi32, #tpu.memory_space<vmem>>)
      tpu.yield
    }) : () -> ()
    "tpu.region"() ({
      %run_scoped3A = tpu.sem_alloc : memref<!tpu.dma_semaphore, #tpu.memory_space<semaphore_mem>>
      %dma_start3A = arith.constant 1024 : i32
      %dma_start3A_1831 = tpu.memref_slice %arg4[%dma_start3A] : memref<3072xi32, #tpu.memory_space<hbm>> -> memref<1024xi32, #tpu.memory_space<hbm>>
      %dma_start3A_1832 = arith.constant 1024 : i32
      %dma_start3A_1833 = tpu.memref_slice %arg4[%dma_start3A_1832] : memref<3072xi32, #tpu.memory_space<hbm>> -> memref<1024xi32, #tpu.memory_space<hbm>>
      tpu.enqueue_dma source(%dma_start3A_1833 : memref<1024xi32, #tpu.memory_space<hbm>>) target(%arg12 : memref<1024xi32, #tpu.memory_space<vmem>>) target_semaphore(%run_scoped3A : memref<!tpu.dma_semaphore, #tpu.memory_space<semaphore_mem>>)
      %dma_wait3A = arith.constant 1024 : i32
      %dma_wait3A_1834 = tpu.memref_slice %arg4[%dma_wait3A] : memref<3072xi32, #tpu.memory_space<hbm>> -> memref<1024xi32, #tpu.memory_space<hbm>>
      %dma_wait3A_1835 = arith.constant 1024 : i32
      %dma_wait3A_1836 = tpu.memref_slice %arg4[%dma_wait3A_1835] : memref<3072xi32, #tpu.memory_space<hbm>> -> memref<1024xi32, #tpu.memory_space<hbm>>
      tpu.wait_dma2 semaphore(%run_scoped3A : memref<!tpu.dma_semaphore, #tpu.memory_space<semaphore_mem>>) src(%dma_wait3A_1836 : memref<1024xi32, #tpu.memory_space<hbm>>) dst(%arg12 : memref<1024xi32, #tpu.memory_space<vmem>>)
      tpu.yield
    }) : () -> ()
    "tpu.region"() ({
      %run_scoped3A = tpu.sem_alloc : memref<!tpu.dma_semaphore, #tpu.memory_space<semaphore_mem>>
      %dma_start3A = arith.constant 2048 : i32
      %dma_start3A_1831 = tpu.memref_slice %arg4[%dma_start3A] : memref<3072xi32, #tpu.memory_space<hbm>> -> memref<1024xi32, #tpu.memory_space<hbm>>
      %dma_start3A_1832 = arith.constant 2048 : i32
      %dma_start3A_1833 = tpu.memref_slice %arg4[%dma_start3A_1832] : memref<3072xi32, #tpu.memory_space<hbm>> -> memref<1024xi32, #tpu.memory_space<hbm>>
      tpu.enqueue_dma source(%dma_start3A_1833 : memref<1024xi32, #tpu.memory_space<hbm>>) target(%arg13 : memref<1024xi32, #tpu.memory_space<vmem>>) target_semaphore(%run_scoped3A : memref<!tpu.dma_semaphore, #tpu.memory_space<semaphore_mem>>)
      %dma_wait3A = arith.constant 2048 : i32
      %dma_wait3A_1834 = tpu.memref_slice %arg4[%dma_wait3A] : memref<3072xi32, #tpu.memory_space<hbm>> -> memref<1024xi32, #tpu.memory_space<hbm>>
      %dma_wait3A_1835 = arith.constant 2048 : i32
      %dma_wait3A_1836 = tpu.memref_slice %arg4[%dma_wait3A_1835] : memref<3072xi32, #tpu.memory_space<hbm>> -> memref<1024xi32, #tpu.memory_space<hbm>>
      tpu.wait_dma2 semaphore(%run_scoped3A : memref<!tpu.dma_semaphore, #tpu.memory_space<semaphore_mem>>) src(%dma_wait3A_1836 : memref<1024xi32, #tpu.memory_space<hbm>>) dst(%arg13 : memref<1024xi32, #tpu.memory_space<vmem>>)
      tpu.yield
    }) : () -> ()
    "tpu.region"() ({
      %run_scoped3A = tpu.sem_alloc : memref<!tpu.dma_semaphore, #tpu.memory_space<semaphore_mem>>
      %dma_start3A = arith.constant 0 : i32
      %dma_start3A_1831 = tpu.memref_slice %arg5[%dma_start3A] : memref<3072xf32, #tpu.memory_space<hbm>> -> memref<1024xf32, #tpu.memory_space<hbm>>
      %dma_start3A_1832 = arith.constant 0 : i32
      %dma_start3A_1833 = tpu.memref_slice %arg5[%dma_start3A_1832] : memref<3072xf32, #tpu.memory_space<hbm>> -> memref<1024xf32, #tpu.memory_space<hbm>>
      tpu.enqueue_dma source(%dma_start3A_1833 : memref<1024xf32, #tpu.memory_space<hbm>>) target(%arg14 : memref<1024xf32, #tpu.memory_space<vmem>>) target_semaphore(%run_scoped3A : memref<!tpu.dma_semaphore, #tpu.memory_space<semaphore_mem>>)
      %dma_wait3A = arith.constant 0 : i32
      %dma_wait3A_1834 = tpu.memref_slice %arg5[%dma_wait3A] : memref<3072xf32, #tpu.memory_space<hbm>> -> memref<1024xf32, #tpu.memory_space<hbm>>
      %dma_wait3A_1835 = arith.constant 0 : i32
      %dma_wait3A_1836 = tpu.memref_slice %arg5[%dma_wait3A_1835] : memref<3072xf32, #tpu.memory_space<hbm>> -> memref<1024xf32, #tpu.memory_space<hbm>>
      tpu.wait_dma2 semaphore(%run_scoped3A : memref<!tpu.dma_semaphore, #tpu.memory_space<semaphore_mem>>) src(%dma_wait3A_1836 : memref<1024xf32, #tpu.memory_space<hbm>>) dst(%arg14 : memref<1024xf32, #tpu.memory_space<vmem>>)
      tpu.yield
    }) : () -> ()
    "tpu.region"() ({
      %run_scoped3A = tpu.sem_alloc : memref<!tpu.dma_semaphore, #tpu.memory_space<semaphore_mem>>
      %dma_start3A = arith.constant 1024 : i32
      %dma_start3A_1831 = tpu.memref_slice %arg5[%dma_start3A] : memref<3072xf32, #tpu.memory_space<hbm>> -> memref<1024xf32, #tpu.memory_space<hbm>>
      %dma_start3A_1832 = arith.constant 1024 : i32
      %dma_start3A_1833 = tpu.memref_slice %arg5[%dma_start3A_1832] : memref<3072xf32, #tpu.memory_space<hbm>> -> memref<1024xf32, #tpu.memory_space<hbm>>
      tpu.enqueue_dma source(%dma_start3A_1833 : memref<1024xf32, #tpu.memory_space<hbm>>) target(%arg15 : memref<1024xf32, #tpu.memory_space<vmem>>) target_semaphore(%run_scoped3A : memref<!tpu.dma_semaphore, #tpu.memory_space<semaphore_mem>>)
      %dma_wait3A = arith.constant 1024 : i32
      %dma_wait3A_1834 = tpu.memref_slice %arg5[%dma_wait3A] : memref<3072xf32, #tpu.memory_space<hbm>> -> memref<1024xf32, #tpu.memory_space<hbm>>
      %dma_wait3A_1835 = arith.constant 1024 : i32
      %dma_wait3A_1836 = tpu.memref_slice %arg5[%dma_wait3A_1835] : memref<3072xf32, #tpu.memory_space<hbm>> -> memref<1024xf32, #tpu.memory_space<hbm>>
      tpu.wait_dma2 semaphore(%run_scoped3A : memref<!tpu.dma_semaphore, #tpu.memory_space<semaphore_mem>>) src(%dma_wait3A_1836 : memref<1024xf32, #tpu.memory_space<hbm>>) dst(%arg15 : memref<1024xf32, #tpu.memory_space<vmem>>)
      tpu.yield
    }) : () -> ()
    "tpu.region"() ({
      %run_scoped3A = tpu.sem_alloc : memref<!tpu.dma_semaphore, #tpu.memory_space<semaphore_mem>>
      %dma_start3A = arith.constant 2048 : i32
      %dma_start3A_1831 = tpu.memref_slice %arg5[%dma_start3A] : memref<3072xf32, #tpu.memory_space<hbm>> -> memref<1024xf32, #tpu.memory_space<hbm>>
      %dma_start3A_1832 = arith.constant 2048 : i32
      %dma_start3A_1833 = tpu.memref_slice %arg5[%dma_start3A_1832] : memref<3072xf32, #tpu.memory_space<hbm>> -> memref<1024xf32, #tpu.memory_space<hbm>>
      tpu.enqueue_dma source(%dma_start3A_1833 : memref<1024xf32, #tpu.memory_space<hbm>>) target(%arg16 : memref<1024xf32, #tpu.memory_space<vmem>>) target_semaphore(%run_scoped3A : memref<!tpu.dma_semaphore, #tpu.memory_space<semaphore_mem>>)
      %dma_wait3A = arith.constant 2048 : i32
      %dma_wait3A_1834 = tpu.memref_slice %arg5[%dma_wait3A] : memref<3072xf32, #tpu.memory_space<hbm>> -> memref<1024xf32, #tpu.memory_space<hbm>>
      %dma_wait3A_1835 = arith.constant 2048 : i32
      %dma_wait3A_1836 = tpu.memref_slice %arg5[%dma_wait3A_1835] : memref<3072xf32, #tpu.memory_space<hbm>> -> memref<1024xf32, #tpu.memory_space<hbm>>
      tpu.wait_dma2 semaphore(%run_scoped3A : memref<!tpu.dma_semaphore, #tpu.memory_space<semaphore_mem>>) src(%dma_wait3A_1836 : memref<1024xf32, #tpu.memory_space<hbm>>) dst(%arg16 : memref<1024xf32, #tpu.memory_space<vmem>>)
      tpu.yield
    }) : () -> ()
    %broadcast_in_dim3A = arith.constant 0 : i32
    %broadcast_in_dim3A_3 = vector.broadcast %broadcast_in_dim3A : i32 to vector<16xi32>
    %swap3A = arith.constant 0 : index
    %swap3A_4 = tpu.vector_load %arg20[%swap3A] {strides = array<i32>} : memref<1024xi32, #tpu.memory_space<vmem>>, vector<16xi32>,
    tpu.vector_store %arg20[%swap3A], %broadcast_in_dim3A_3 {strides = array<i32>} : memref<1024xi32, #tpu.memory_space<vmem>>, vector<16xi32>,
    %swap3A_5 = arith.constant 0 : index
    %swap3A_6 = tpu.vector_load %arg21[%swap3A_5] {strides = array<i32>} : memref<1024xi32, #tpu.memory_space<vmem>>, vector<16xi32>,
    tpu.vector_store %arg21[%swap3A_5], %broadcast_in_dim3A_3 {strides = array<i32>} : memref<1024xi32, #tpu.memory_space<vmem>>, vector<16xi32>,
    %swap3A_7 = arith.constant 0 : index
    %swap3A_8 = tpu.vector_load %arg22[%swap3A_7] {strides = array<i32>} : memref<1024xi32, #tpu.memory_space<vmem>>, vector<16xi32>,
    tpu.vector_store %arg22[%swap3A_7], %broadcast_in_dim3A_3 {strides = array<i32>} : memref<1024xi32, #tpu.memory_space<vmem>>, vector<16xi32>,
    %swap3A_9 = arith.constant 0 : index
    %swap3A_10 = tpu.vector_load %arg23[%swap3A_9] {strides = array<i32>} : memref<1024xi32, #tpu.memory_space<vmem>>, vector<16xi32>,
    tpu.vector_store %arg23[%swap3A_9], %broadcast_in_dim3A_3 {strides = array<i32>} : memref<1024xi32, #tpu.memory_space<vmem>>, vector<16xi32>,
    %swap3A_11 = arith.constant 16 : index
    %swap3A_12 = tpu.vector_load %arg20[%swap3A_11] {strides = array<i32>} : memref<1024xi32, #tpu.memory_space<vmem>>, vector<16xi32>,
    tpu.vector_store %arg20[%swap3A_11], %broadcast_in_dim3A_3 {strides = array<i32>} : memref<1024xi32, #tpu.memory_space<vmem>>, vector<16xi32>,
    %swap3A_13 = arith.constant 16 : index
    %swap3A_14 = tpu.vector_load %arg21[%swap3A_13] {strides = array<i32>} : memref<1024xi32, #tpu.memory_space<vmem>>, vector<16xi32>,
    tpu.vector_store %arg21[%swap3A_13], %broadcast_in_dim3A_3 {strides = array<i32>} : memref<1024xi32, #tpu.memory_space<vmem>>, vector<16xi32>,
    %swap3A_15 = arith.constant 16 : index
    %swap3A_16 = tpu.vector_load %arg22[%swap3A_15] {strides = array<i32>} : memref<1024xi32, #tpu.memory_space<vmem>>, vector<16xi32>,
    tpu.vector_store %arg22[%swap3A_15], %broadcast_in_dim3A_3 {strides = array<i32>} : memref<1024xi32, #tpu.memory_space<vmem>>, vector<16xi32>,
    %swap3A_17 = arith.constant 16 : index
    %swap3A_18 = tpu.vector_load %arg23[%swap3A_17] {strides = array<i32>} : memref<1024xi32, #tpu.memory_space<vmem>>, vector<16xi32>,
    tpu.vector_store %arg23[%swap3A_17], %broadcast_in_dim3A_3 {strides = array<i32>} : memref<1024xi32, #tpu.memory_space<vmem>>, vector<16xi32>,
    %swap3A_19 = arith.constant 32 : index
    %swap3A_20 = tpu.vector_load %arg20[%swap3A_19] {strides = array<i32>} : memref<1024xi32, #tpu.memory_space<vmem>>, vector<16xi32>,
    tpu.vector_store %arg20[%swap3A_19], %broadcast_in_dim3A_3 {strides = array<i32>} : memref<1024xi32, #tpu.memory_space<vmem>>, vector<16xi32>,
    %swap3A_21 = arith.constant 32 : index
    %swap3A_22 = tpu.vector_load %arg21[%swap3A_21] {strides = array<i32>} : memref<1024xi32, #tpu.memory_space<vmem>>, vector<16xi32>,
    tpu.vector_store %arg21[%swap3A_21], %broadcast_in_dim3A_3 {strides = array<i32>} : memref<1024xi32, #tpu.memory_space<vmem>>, vector<16xi32>,
    %swap3A_23 = arith.constant 32 : index
    %swap3A_24 = tpu.vector_load %arg22[%swap3A_23] {strides = array<i32>} : memref<1024xi32, #tpu.memory_space<vmem>>, vector<16xi32>,
    tpu.vector_store %arg22[%swap3A_23], %broadcast_in_dim3A_3 {strides = array<i32>} : memref<1024xi32, #tpu.memory_space<vmem>>, vector<16xi32>,
    %swap3A_25 = arith.constant 32 : index
    %swap3A_26 = tpu.vector_load %arg23[%swap3A_25] {strides = array<i32>} : memref<1024xi32, #tpu.memory_space<vmem>>, vector<16xi32>,
    tpu.vector_store %arg23[%swap3A_25], %broadcast_in_dim3A_3 {strides = array<i32>} : memref<1024xi32, #tpu.memory_space<vmem>>, vector<16xi32>,
    %swap3A_27 = arith.constant 48 : index
    %swap3A_28 = tpu.vector_load %arg20[%swap3A_27] {strides = array<i32>} : memref<1024xi32, #tpu.memory_space<vmem>>, vector<16xi32>,
    tpu.vector_store %arg20[%swap3A_27], %broadcast_in_dim3A_3 {strides = array<i32>} : memref<1024xi32, #tpu.memory_space<vmem>>, vector<16xi32>,
    %swap3A_29 = arith.constant 48 : index
    %swap3A_30 = tpu.vector_load %arg21[%swap3A_29] {strides = array<i32>} : memref<1024xi32, #tpu.memory_space<vmem>>, vector<16xi32>,
    tpu.vector_store %arg21[%swap3A_29], %broadcast_in_dim3A_3 {strides = array<i32>} : memref<1024xi32, #tpu.memory_space<vmem>>, vector<16xi32>,
    %swap3A_31 = arith.constant 48 : index
    %swap3A_32 = tpu.vector_load %arg22[%swap3A_31] {strides = array<i32>} : memref<1024xi32, #tpu.memory_space<vmem>>, vector<16xi32>,
    tpu.vector_store %arg22[%swap3A_31], %broadcast_in_dim3A_3 {strides = array<i32>} : memref<1024xi32, #tpu.memory_space<vmem>>, vector<16xi32>,
    %swap3A_33 = arith.constant 48 : index
    %swap3A_34 = tpu.vector_load %arg23[%swap3A_33] {strides = array<i32>} : memref<1024xi32, #tpu.memory_space<vmem>>, vector<16xi32>,
    tpu.vector_store %arg23[%swap3A_33], %broadcast_in_dim3A_3 {strides = array<i32>} : memref<1024xi32, #tpu.memory_space<vmem>>, vector<16xi32>,
    %swap3A_35 = arith.constant 64 : index
    %swap3A_36 = tpu.vector_load %arg20[%swap3A_35] {strides = array<i32>} : memref<1024xi32, #tpu.memory_space<vmem>>, vector<16xi32>,
    tpu.vector_store %arg20[%swap3A_35], %broadcast_in_dim3A_3 {strides = array<i32>} : memref<1024xi32, #tpu.memory_space<vmem>>, vector<16xi32>,
    %swap3A_37 = arith.constant 64 : index
    %swap3A_38 = tpu.vector_load %arg21[%swap3A_37] {strides = array<i32>} : memref<1024xi32, #tpu.memory_space<vmem>>, vector<16xi32>,
    tpu.vector_store %arg21[%swap3A_37], %broadcast_in_dim3A_3 {strides = array<i32>} : memref<1024xi32, #tpu.memory_space<vmem>>, vector<16xi32>,
    %swap3A_39 = arith.constant 64 : index
    %swap3A_40 = tpu.vector_load %arg22[%swap3A_39] {strides = array<i32>} : memref<1024xi32, #tpu.memory_space<vmem>>, vector<16xi32>,
    tpu.vector_store %arg22[%swap3A_39], %broadcast_in_dim3A_3 {strides = array<i32>} : memref<1024xi32, #tpu.memory_space<vmem>>, vector<16xi32>,
    %swap3A_41 = arith.constant 64 : index
    %swap3A_42 = tpu.vector_load %arg23[%swap3A_41] {strides = array<i32>} : memref<1024xi32, #tpu.memory_space<vmem>>, vector<16xi32>,
    tpu.vector_store %arg23[%swap3A_41], %broadcast_in_dim3A_3 {strides = array<i32>} : memref<1024xi32, #tpu.memory_space<vmem>>, vector<16xi32>,
    %swap3A_43 = arith.constant 80 : index
    %swap3A_44 = tpu.vector_load %arg20[%swap3A_43] {strides = array<i32>} : memref<1024xi32, #tpu.memory_space<vmem>>, vector<16xi32>,
    tpu.vector_store %arg20[%swap3A_43], %broadcast_in_dim3A_3 {strides = array<i32>} : memref<1024xi32, #tpu.memory_space<vmem>>, vector<16xi32>,
    %swap3A_45 = arith.constant 80 : index
    %swap3A_46 = tpu.vector_load %arg21[%swap3A_45] {strides = array<i32>} : memref<1024xi32, #tpu.memory_space<vmem>>, vector<16xi32>,
    tpu.vector_store %arg21[%swap3A_45], %broadcast_in_dim3A_3 {strides = array<i32>} : memref<1024xi32, #tpu.memory_space<vmem>>, vector<16xi32>,
    %swap3A_47 = arith.constant 80 : index
    %swap3A_48 = tpu.vector_load %arg22[%swap3A_47] {strides = array<i32>} : memref<1024xi32, #tpu.memory_space<vmem>>, vector<16xi32>,
    tpu.vector_store %arg22[%swap3A_47], %broadcast_in_dim3A_3 {strides = array<i32>} : memref<1024xi32, #tpu.memory_space<vmem>>, vector<16xi32>,
    %swap3A_49 = arith.constant 80 : index
    %swap3A_50 = tpu.vector_load %arg23[%swap3A_49] {strides = array<i32>} : memref<1024xi32, #tpu.memory_space<vmem>>, vector<16xi32>,
    tpu.vector_store %arg23[%swap3A_49], %broadcast_in_dim3A_3 {strides = array<i32>} : memref<1024xi32, #tpu.memory_space<vmem>>, vector<16xi32>,
    %swap3A_51 = arith.constant 96 : index
    %swap3A_52 = tpu.vector_load %arg20[%swap3A_51] {strides = array<i32>} : memref<1024xi32, #tpu.memory_space<vmem>>, vector<16xi32>,
    tpu.vector_store %arg20[%swap3A_51], %broadcast_in_dim3A_3 {strides = array<i32>} : memref<1024xi32, #tpu.memory_space<vmem>>, vector<16xi32>,
    %swap3A_53 = arith.constant 96 : index
    %swap3A_54 = tpu.vector_load %arg21[%swap3A_53] {strides = array<i32>} : memref<1024xi32, #tpu.memory_space<vmem>>, vector<16xi32>,
    tpu.vector_store %arg21[%swap3A_53], %broadcast_in_dim3A_3 {strides = array<i32>} : memref<1024xi32, #tpu.memory_space<vmem>>, vector<16xi32>,
    %swap3A_55 = arith.constant 96 : index
    %swap3A_56 = tpu.vector_load %arg22[%swap3A_55] {strides = array<i32>} : memref<1024xi32, #tpu.memory_space<vmem>>, vector<16xi32>,
    tpu.vector_store %arg22[%swap3A_55], %broadcast_in_dim3A_3 {strides = array<i32>} : memref<1024xi32, #tpu.memory_space<vmem>>, vector<16xi32>,
    %swap3A_57 = arith.constant 96 : index
    %swap3A_58 = tpu.vector_load %arg23[%swap3A_57] {strides = array<i32>} : memref<1024xi32, #tpu.memory_space<vmem>>, vector<16xi32>,
    tpu.vector_store %arg23[%swap3A_57], %broadcast_in_dim3A_3 {strides = array<i32>} : memref<1024xi32, #tpu.memory_space<vmem>>, vector<16xi32>,
    %swap3A_59 = arith.constant 112 : index
    %swap3A_60 = tpu.vector_load %arg20[%swap3A_59] {strides = array<i32>} : memref<1024xi32, #tpu.memory_space<vmem>>, vector<16xi32>,
    tpu.vector_store %arg20[%swap3A_59], %broadcast_in_dim3A_3 {strides = array<i32>} : memref<1024xi32, #tpu.memory_space<vmem>>, vector<16xi32>,
    %swap3A_61 = arith.constant 112 : index
    %swap3A_62 = tpu.vector_load %arg21[%swap3A_61] {strides = array<i32>} : memref<1024xi32, #tpu.memory_space<vmem>>, vector<16xi32>,
    tpu.vector_store %arg21[%swap3A_61], %broadcast_in_dim3A_3 {strides = array<i32>} : memref<1024xi32, #tpu.memory_space<vmem>>, vector<16xi32>,
    %swap3A_63 = arith.constant 112 : index
    %swap3A_64 = tpu.vector_load %arg22[%swap3A_63] {strides = array<i32>} : memref<1024xi32, #tpu.memory_space<vmem>>, vector<16xi32>,
    tpu.vector_store %arg22[%swap3A_63], %broadcast_in_dim3A_3 {strides = array<i32>} : memref<1024xi32, #tpu.memory_space<vmem>>, vector<16xi32>,
    %swap3A_65 = arith.constant 112 : index
    %swap3A_66 = tpu.vector_load %arg23[%swap3A_65] {strides = array<i32>} : memref<1024xi32, #tpu.memory_space<vmem>>, vector<16xi32>,
    tpu.vector_store %arg23[%swap3A_65], %broadcast_in_dim3A_3 {strides = array<i32>} : memref<1024xi32, #tpu.memory_space<vmem>>, vector<16xi32>,
    %swap3A_67 = arith.constant 128 : index
    %swap3A_68 = tpu.vector_load %arg20[%swap3A_67] {strides = array<i32>} : memref<1024xi32, #tpu.memory_space<vmem>>, vector<16xi32>,
    tpu.vector_store %arg20[%swap3A_67], %broadcast_in_dim3A_3 {strides = array<i32>} : memref<1024xi32, #tpu.memory_space<vmem>>, vector<16xi32>,
    %swap3A_69 = arith.constant 128 : index
    %swap3A_70 = tpu.vector_load %arg21[%swap3A_69] {strides = array<i32>} : memref<1024xi32, #tpu.memory_space<vmem>>, vector<16xi32>,
    tpu.vector_store %arg21[%swap3A_69], %broadcast_in_dim3A_3 {strides = array<i32>} : memref<1024xi32, #tpu.memory_space<vmem>>, vector<16xi32>,
    %swap3A_71 = arith.constant 128 : index
    %swap3A_72 = tpu.vector_load %arg22[%swap3A_71] {strides = array<i32>} : memref<1024xi32, #tpu.memory_space<vmem>>, vector<16xi32>,
    tpu.vector_store %arg22[%swap3A_71], %broadcast_in_dim3A_3 {strides = array<i32>} : memref<1024xi32, #tpu.memory_space<vmem>>, vector<16xi32>,
    %swap3A_73 = arith.constant 128 : index
    %swap3A_74 = tpu.vector_load %arg23[%swap3A_73] {strides = array<i32>} : memref<1024xi32, #tpu.memory_space<vmem>>, vector<16xi32>,
    tpu.vector_store %arg23[%swap3A_73], %broadcast_in_dim3A_3 {strides = array<i32>} : memref<1024xi32, #tpu.memory_space<vmem>>, vector<16xi32>,
    %swap3A_75 = arith.constant 144 : index
    %swap3A_76 = tpu.vector_load %arg20[%swap3A_75] {strides = array<i32>} : memref<1024xi32, #tpu.memory_space<vmem>>, vector<16xi32>,
    tpu.vector_store %arg20[%swap3A_75], %broadcast_in_dim3A_3 {strides = array<i32>} : memref<1024xi32, #tpu.memory_space<vmem>>, vector<16xi32>,
    %swap3A_77 = arith.constant 144 : index
    %swap3A_78 = tpu.vector_load %arg21[%swap3A_77] {strides = array<i32>} : memref<1024xi32, #tpu.memory_space<vmem>>, vector<16xi32>,
    tpu.vector_store %arg21[%swap3A_77], %broadcast_in_dim3A_3 {strides = array<i32>} : memref<1024xi32, #tpu.memory_space<vmem>>, vector<16xi32>,
    %swap3A_79 = arith.constant 144 : index
    %swap3A_80 = tpu.vector_load %arg22[%swap3A_79] {strides = array<i32>} : memref<1024xi32, #tpu.memory_space<vmem>>, vector<16xi32>,
    tpu.vector_store %arg22[%swap3A_79], %broadcast_in_dim3A_3 {strides = array<i32>} : memref<1024xi32, #tpu.memory_space<vmem>>, vector<16xi32>,
    %swap3A_81 = arith.constant 144 : index
    %swap3A_82 = tpu.vector_load %arg23[%swap3A_81] {strides = array<i32>} : memref<1024xi32, #tpu.memory_space<vmem>>, vector<16xi32>,
    tpu.vector_store %arg23[%swap3A_81], %broadcast_in_dim3A_3 {strides = array<i32>} : memref<1024xi32, #tpu.memory_space<vmem>>, vector<16xi32>,
    %swap3A_83 = arith.constant 160 : index
    %swap3A_84 = tpu.vector_load %arg20[%swap3A_83] {strides = array<i32>} : memref<1024xi32, #tpu.memory_space<vmem>>, vector<16xi32>,
    tpu.vector_store %arg20[%swap3A_83], %broadcast_in_dim3A_3 {strides = array<i32>} : memref<1024xi32, #tpu.memory_space<vmem>>, vector<16xi32>,
    %swap3A_85 = arith.constant 160 : index
    %swap3A_86 = tpu.vector_load %arg21[%swap3A_85] {strides = array<i32>} : memref<1024xi32, #tpu.memory_space<vmem>>, vector<16xi32>,
    tpu.vector_store %arg21[%swap3A_85], %broadcast_in_dim3A_3 {strides = array<i32>} : memref<1024xi32, #tpu.memory_space<vmem>>, vector<16xi32>,
    %swap3A_87 = arith.constant 160 : index
    %swap3A_88 = tpu.vector_load %arg22[%swap3A_87] {strides = array<i32>} : memref<1024xi32, #tpu.memory_space<vmem>>, vector<16xi32>,
    tpu.vector_store %arg22[%swap3A_87], %broadcast_in_dim3A_3 {strides = array<i32>} : memref<1024xi32, #tpu.memory_space<vmem>>, vector<16xi32>,
    %swap3A_89 = arith.constant 160 : index
    %swap3A_90 = tpu.vector_load %arg23[%swap3A_89] {strides = array<i32>} : memref<1024xi32, #tpu.memory_space<vmem>>, vector<16xi32>,
    tpu.vector_store %arg23[%swap3A_89], %broadcast_in_dim3A_3 {strides = array<i32>} : memref<1024xi32, #tpu.memory_space<vmem>>, vector<16xi32>,
    %swap3A_91 = arith.constant 176 : index
    %swap3A_92 = tpu.vector_load %arg20[%swap3A_91] {strides = array<i32>} : memref<1024xi32, #tpu.memory_space<vmem>>, vector<16xi32>,
    tpu.vector_store %arg20[%swap3A_91], %broadcast_in_dim3A_3 {strides = array<i32>} : memref<1024xi32, #tpu.memory_space<vmem>>, vector<16xi32>,
    %swap3A_93 = arith.constant 176 : index
    %swap3A_94 = tpu.vector_load %arg21[%swap3A_93] {strides = array<i32>} : memref<1024xi32, #tpu.memory_space<vmem>>, vector<16xi32>,
    tpu.vector_store %arg21[%swap3A_93], %broadcast_in_dim3A_3 {strides = array<i32>} : memref<1024xi32, #tpu.memory_space<vmem>>, vector<16xi32>,
    %swap3A_95 = arith.constant 176 : index
    %swap3A_96 = tpu.vector_load %arg22[%swap3A_95] {strides = array<i32>} : memref<1024xi32, #tpu.memory_space<vmem>>, vector<16xi32>,
    tpu.vector_store %arg22[%swap3A_95], %broadcast_in_dim3A_3 {strides = array<i32>} : memref<1024xi32, #tpu.memory_space<vmem>>, vector<16xi32>,
    %swap3A_97 = arith.constant 176 : index
    %swap3A_98 = tpu.vector_load %arg23[%swap3A_97] {strides = array<i32>} : memref<1024xi32, #tpu.memory_space<vmem>>, vector<16xi32>,
    tpu.vector_store %arg23[%swap3A_97], %broadcast_in_dim3A_3 {strides = array<i32>} : memref<1024xi32, #tpu.memory_space<vmem>>, vector<16xi32>,
    %swap3A_99 = arith.constant 192 : index
    %swap3A_100 = tpu.vector_load %arg20[%swap3A_99] {strides = array<i32>} : memref<1024xi32, #tpu.memory_space<vmem>>, vector<16xi32>,
    tpu.vector_store %arg20[%swap3A_99], %broadcast_in_dim3A_3 {strides = array<i32>} : memref<1024xi32, #tpu.memory_space<vmem>>, vector<16xi32>,
    %swap3A_101 = arith.constant 192 : index
    %swap3A_102 = tpu.vector_load %arg21[%swap3A_101] {strides = array<i32>} : memref<1024xi32, #tpu.memory_space<vmem>>, vector<16xi32>,
    tpu.vector_store %arg21[%swap3A_101], %broadcast_in_dim3A_3 {strides = array<i32>} : memref<1024xi32, #tpu.memory_space<vmem>>, vector<16xi32>,
    %swap3A_103 = arith.constant 192 : index
    %swap3A_104 = tpu.vector_load %arg22[%swap3A_103] {strides = array<i32>} : memref<1024xi32, #tpu.memory_space<vmem>>, vector<16xi32>,
    tpu.vector_store %arg22[%swap3A_103], %broadcast_in_dim3A_3 {strides = array<i32>} : memref<1024xi32, #tpu.memory_space<vmem>>, vector<16xi32>,
    %swap3A_105 = arith.constant 192 : index
    %swap3A_106 = tpu.vector_load %arg23[%swap3A_105] {strides = array<i32>} : memref<1024xi32, #tpu.memory_space<vmem>>, vector<16xi32>,
    tpu.vector_store %arg23[%swap3A_105], %broadcast_in_dim3A_3 {strides = array<i32>} : memref<1024xi32, #tpu.memory_space<vmem>>, vector<16xi32>,
    %swap3A_107 = arith.constant 208 : index
    %swap3A_108 = tpu.vector_load %arg20[%swap3A_107] {strides = array<i32>} : memref<1024xi32, #tpu.memory_space<vmem>>, vector<16xi32>,
    tpu.vector_store %arg20[%swap3A_107], %broadcast_in_dim3A_3 {strides = array<i32>} : memref<1024xi32, #tpu.memory_space<vmem>>, vector<16xi32>,
    %swap3A_109 = arith.constant 208 : index
    %swap3A_110 = tpu.vector_load %arg21[%swap3A_109] {strides = array<i32>} : memref<1024xi32, #tpu.memory_space<vmem>>, vector<16xi32>,
    tpu.vector_store %arg21[%swap3A_109], %broadcast_in_dim3A_3 {strides = array<i32>} : memref<1024xi32, #tpu.memory_space<vmem>>, vector<16xi32>,
    %swap3A_111 = arith.constant 208 : index
    %swap3A_112 = tpu.vector_load %arg22[%swap3A_111] {strides = array<i32>} : memref<1024xi32, #tpu.memory_space<vmem>>, vector<16xi32>,
    tpu.vector_store %arg22[%swap3A_111], %broadcast_in_dim3A_3 {strides = array<i32>} : memref<1024xi32, #tpu.memory_space<vmem>>, vector<16xi32>,
    %swap3A_113 = arith.constant 208 : index
    %swap3A_114 = tpu.vector_load %arg23[%swap3A_113] {strides = array<i32>} : memref<1024xi32, #tpu.memory_space<vmem>>, vector<16xi32>,
    tpu.vector_store %arg23[%swap3A_113], %broadcast_in_dim3A_3 {strides = array<i32>} : memref<1024xi32, #tpu.memory_space<vmem>>, vector<16xi32>,
    %swap3A_115 = arith.constant 224 : index
    %swap3A_116 = tpu.vector_load %arg20[%swap3A_115] {strides = array<i32>} : memref<1024xi32, #tpu.memory_space<vmem>>, vector<16xi32>,
    tpu.vector_store %arg20[%swap3A_115], %broadcast_in_dim3A_3 {strides = array<i32>} : memref<1024xi32, #tpu.memory_space<vmem>>, vector<16xi32>,
    %swap3A_117 = arith.constant 224 : index
    %swap3A_118 = tpu.vector_load %arg21[%swap3A_117] {strides = array<i32>} : memref<1024xi32, #tpu.memory_space<vmem>>, vector<16xi32>,
    tpu.vector_store %arg21[%swap3A_117], %broadcast_in_dim3A_3 {strides = array<i32>} : memref<1024xi32, #tpu.memory_space<vmem>>, vector<16xi32>,
    %swap3A_119 = arith.constant 224 : index
    %swap3A_120 = tpu.vector_load %arg22[%swap3A_119] {strides = array<i32>} : memref<1024xi32, #tpu.memory_space<vmem>>, vector<16xi32>,
    tpu.vector_store %arg22[%swap3A_119], %broadcast_in_dim3A_3 {strides = array<i32>} : memref<1024xi32, #tpu.memory_space<vmem>>, vector<16xi32>,
    %swap3A_121 = arith.constant 224 : index
    %swap3A_122 = tpu.vector_load %arg23[%swap3A_121] {strides = array<i32>} : memref<1024xi32, #tpu.memory_space<vmem>>, vector<16xi32>,
    tpu.vector_store %arg23[%swap3A_121], %broadcast_in_dim3A_3 {strides = array<i32>} : memref<1024xi32, #tpu.memory_space<vmem>>, vector<16xi32>,
    %swap3A_123 = arith.constant 240 : index
    %swap3A_124 = tpu.vector_load %arg20[%swap3A_123] {strides = array<i32>} : memref<1024xi32, #tpu.memory_space<vmem>>, vector<16xi32>,
    tpu.vector_store %arg20[%swap3A_123], %broadcast_in_dim3A_3 {strides = array<i32>} : memref<1024xi32, #tpu.memory_space<vmem>>, vector<16xi32>,
    %swap3A_125 = arith.constant 240 : index
    %swap3A_126 = tpu.vector_load %arg21[%swap3A_125] {strides = array<i32>} : memref<1024xi32, #tpu.memory_space<vmem>>, vector<16xi32>,
    tpu.vector_store %arg21[%swap3A_125], %broadcast_in_dim3A_3 {strides = array<i32>} : memref<1024xi32, #tpu.memory_space<vmem>>, vector<16xi32>,
    %swap3A_127 = arith.constant 240 : index
    %swap3A_128 = tpu.vector_load %arg22[%swap3A_127] {strides = array<i32>} : memref<1024xi32, #tpu.memory_space<vmem>>, vector<16xi32>,
    tpu.vector_store %arg22[%swap3A_127], %broadcast_in_dim3A_3 {strides = array<i32>} : memref<1024xi32, #tpu.memory_space<vmem>>, vector<16xi32>,
    %swap3A_129 = arith.constant 240 : index
    %swap3A_130 = tpu.vector_load %arg23[%swap3A_129] {strides = array<i32>} : memref<1024xi32, #tpu.memory_space<vmem>>, vector<16xi32>,
    tpu.vector_store %arg23[%swap3A_129], %broadcast_in_dim3A_3 {strides = array<i32>} : memref<1024xi32, #tpu.memory_space<vmem>>, vector<16xi32>,
    %swap3A_131 = arith.constant 256 : index
    %swap3A_132 = tpu.vector_load %arg20[%swap3A_131] {strides = array<i32>} : memref<1024xi32, #tpu.memory_space<vmem>>, vector<16xi32>,
    tpu.vector_store %arg20[%swap3A_131], %broadcast_in_dim3A_3 {strides = array<i32>} : memref<1024xi32, #tpu.memory_space<vmem>>, vector<16xi32>,
    %swap3A_133 = arith.constant 256 : index
    %swap3A_134 = tpu.vector_load %arg21[%swap3A_133] {strides = array<i32>} : memref<1024xi32, #tpu.memory_space<vmem>>, vector<16xi32>,
    tpu.vector_store %arg21[%swap3A_133], %broadcast_in_dim3A_3 {strides = array<i32>} : memref<1024xi32, #tpu.memory_space<vmem>>, vector<16xi32>,
    %swap3A_135 = arith.constant 256 : index
    %swap3A_136 = tpu.vector_load %arg22[%swap3A_135] {strides = array<i32>} : memref<1024xi32, #tpu.memory_space<vmem>>, vector<16xi32>,
    tpu.vector_store %arg22[%swap3A_135], %broadcast_in_dim3A_3 {strides = array<i32>} : memref<1024xi32, #tpu.memory_space<vmem>>, vector<16xi32>,
    %swap3A_137 = arith.constant 256 : index
    %swap3A_138 = tpu.vector_load %arg23[%swap3A_137] {strides = array<i32>} : memref<1024xi32, #tpu.memory_space<vmem>>, vector<16xi32>,
    tpu.vector_store %arg23[%swap3A_137], %broadcast_in_dim3A_3 {strides = array<i32>} : memref<1024xi32, #tpu.memory_space<vmem>>, vector<16xi32>,
    %swap3A_139 = arith.constant 272 : index
    %swap3A_140 = tpu.vector_load %arg20[%swap3A_139] {strides = array<i32>} : memref<1024xi32, #tpu.memory_space<vmem>>, vector<16xi32>,
    tpu.vector_store %arg20[%swap3A_139], %broadcast_in_dim3A_3 {strides = array<i32>} : memref<1024xi32, #tpu.memory_space<vmem>>, vector<16xi32>,
    %swap3A_141 = arith.constant 272 : index
    %swap3A_142 = tpu.vector_load %arg21[%swap3A_141] {strides = array<i32>} : memref<1024xi32, #tpu.memory_space<vmem>>, vector<16xi32>,
    tpu.vector_store %arg21[%swap3A_141], %broadcast_in_dim3A_3 {strides = array<i32>} : memref<1024xi32, #tpu.memory_space<vmem>>, vector<16xi32>,
    %swap3A_143 = arith.constant 272 : index
    %swap3A_144 = tpu.vector_load %arg22[%swap3A_143] {strides = array<i32>} : memref<1024xi32, #tpu.memory_space<vmem>>, vector<16xi32>,
    tpu.vector_store %arg22[%swap3A_143], %broadcast_in_dim3A_3 {strides = array<i32>} : memref<1024xi32, #tpu.memory_space<vmem>>, vector<16xi32>,
    %swap3A_145 = arith.constant 272 : index
    %swap3A_146 = tpu.vector_load %arg23[%swap3A_145] {strides = array<i32>} : memref<1024xi32, #tpu.memory_space<vmem>>, vector<16xi32>,
    tpu.vector_store %arg23[%swap3A_145], %broadcast_in_dim3A_3 {strides = array<i32>} : memref<1024xi32, #tpu.memory_space<vmem>>, vector<16xi32>,
    %swap3A_147 = arith.constant 288 : index
    %swap3A_148 = tpu.vector_load %arg20[%swap3A_147] {strides = array<i32>} : memref<1024xi32, #tpu.memory_space<vmem>>, vector<16xi32>,
    tpu.vector_store %arg20[%swap3A_147], %broadcast_in_dim3A_3 {strides = array<i32>} : memref<1024xi32, #tpu.memory_space<vmem>>, vector<16xi32>,
    %swap3A_149 = arith.constant 288 : index
    %swap3A_150 = tpu.vector_load %arg21[%swap3A_149] {strides = array<i32>} : memref<1024xi32, #tpu.memory_space<vmem>>, vector<16xi32>,
    tpu.vector_store %arg21[%swap3A_149], %broadcast_in_dim3A_3 {strides = array<i32>} : memref<1024xi32, #tpu.memory_space<vmem>>, vector<16xi32>,
    %swap3A_151 = arith.constant 288 : index
    %swap3A_152 = tpu.vector_load %arg22[%swap3A_151] {strides = array<i32>} : memref<1024xi32, #tpu.memory_space<vmem>>, vector<16xi32>,
    tpu.vector_store %arg22[%swap3A_151], %broadcast_in_dim3A_3 {strides = array<i32>} : memref<1024xi32, #tpu.memory_space<vmem>>, vector<16xi32>,
    %swap3A_153 = arith.constant 288 : index
    %swap3A_154 = tpu.vector_load %arg23[%swap3A_153] {strides = array<i32>} : memref<1024xi32, #tpu.memory_space<vmem>>, vector<16xi32>,
    tpu.vector_store %arg23[%swap3A_153], %broadcast_in_dim3A_3 {strides = array<i32>} : memref<1024xi32, #tpu.memory_space<vmem>>, vector<16xi32>,
    %swap3A_155 = arith.constant 304 : index
    %swap3A_156 = tpu.vector_load %arg20[%swap3A_155] {strides = array<i32>} : memref<1024xi32, #tpu.memory_space<vmem>>, vector<16xi32>,
    tpu.vector_store %arg20[%swap3A_155], %broadcast_in_dim3A_3 {strides = array<i32>} : memref<1024xi32, #tpu.memory_space<vmem>>, vector<16xi32>,
    %swap3A_157 = arith.constant 304 : index
    %swap3A_158 = tpu.vector_load %arg21[%swap3A_157] {strides = array<i32>} : memref<1024xi32, #tpu.memory_space<vmem>>, vector<16xi32>,
    tpu.vector_store %arg21[%swap3A_157], %broadcast_in_dim3A_3 {strides = array<i32>} : memref<1024xi32, #tpu.memory_space<vmem>>, vector<16xi32>,
    %swap3A_159 = arith.constant 304 : index
    %swap3A_160 = tpu.vector_load %arg22[%swap3A_159] {strides = array<i32>} : memref<1024xi32, #tpu.memory_space<vmem>>, vector<16xi32>,
    tpu.vector_store %arg22[%swap3A_159], %broadcast_in_dim3A_3 {strides = array<i32>} : memref<1024xi32, #tpu.memory_space<vmem>>, vector<16xi32>,
    %swap3A_161 = arith.constant 304 : index
    %swap3A_162 = tpu.vector_load %arg23[%swap3A_161] {strides = array<i32>} : memref<1024xi32, #tpu.memory_space<vmem>>, vector<16xi32>,
    tpu.vector_store %arg23[%swap3A_161], %broadcast_in_dim3A_3 {strides = array<i32>} : memref<1024xi32, #tpu.memory_space<vmem>>, vector<16xi32>,
    %swap3A_163 = arith.constant 320 : index
    %swap3A_164 = tpu.vector_load %arg20[%swap3A_163] {strides = array<i32>} : memref<1024xi32, #tpu.memory_space<vmem>>, vector<16xi32>,
    tpu.vector_store %arg20[%swap3A_163], %broadcast_in_dim3A_3 {strides = array<i32>} : memref<1024xi32, #tpu.memory_space<vmem>>, vector<16xi32>,
    %swap3A_165 = arith.constant 320 : index
    %swap3A_166 = tpu.vector_load %arg21[%swap3A_165] {strides = array<i32>} : memref<1024xi32, #tpu.memory_space<vmem>>, vector<16xi32>,
    tpu.vector_store %arg21[%swap3A_165], %broadcast_in_dim3A_3 {strides = array<i32>} : memref<1024xi32, #tpu.memory_space<vmem>>, vector<16xi32>,
    %swap3A_167 = arith.constant 320 : index
    %swap3A_168 = tpu.vector_load %arg22[%swap3A_167] {strides = array<i32>} : memref<1024xi32, #tpu.memory_space<vmem>>, vector<16xi32>,
    tpu.vector_store %arg22[%swap3A_167], %broadcast_in_dim3A_3 {strides = array<i32>} : memref<1024xi32, #tpu.memory_space<vmem>>, vector<16xi32>,
    %swap3A_169 = arith.constant 320 : index
    %swap3A_170 = tpu.vector_load %arg23[%swap3A_169] {strides = array<i32>} : memref<1024xi32, #tpu.memory_space<vmem>>, vector<16xi32>,
    tpu.vector_store %arg23[%swap3A_169], %broadcast_in_dim3A_3 {strides = array<i32>} : memref<1024xi32, #tpu.memory_space<vmem>>, vector<16xi32>,
    %swap3A_171 = arith.constant 336 : index
    %swap3A_172 = tpu.vector_load %arg20[%swap3A_171] {strides = array<i32>} : memref<1024xi32, #tpu.memory_space<vmem>>, vector<16xi32>,
    tpu.vector_store %arg20[%swap3A_171], %broadcast_in_dim3A_3 {strides = array<i32>} : memref<1024xi32, #tpu.memory_space<vmem>>, vector<16xi32>,
    %swap3A_173 = arith.constant 336 : index
    %swap3A_174 = tpu.vector_load %arg21[%swap3A_173] {strides = array<i32>} : memref<1024xi32, #tpu.memory_space<vmem>>, vector<16xi32>,
    tpu.vector_store %arg21[%swap3A_173], %broadcast_in_dim3A_3 {strides = array<i32>} : memref<1024xi32, #tpu.memory_space<vmem>>, vector<16xi32>,
    %swap3A_175 = arith.constant 336 : index
    %swap3A_176 = tpu.vector_load %arg22[%swap3A_175] {strides = array<i32>} : memref<1024xi32, #tpu.memory_space<vmem>>, vector<16xi32>,
    tpu.vector_store %arg22[%swap3A_175], %broadcast_in_dim3A_3 {strides = array<i32>} : memref<1024xi32, #tpu.memory_space<vmem>>, vector<16xi32>,
    %swap3A_177 = arith.constant 336 : index
    %swap3A_178 = tpu.vector_load %arg23[%swap3A_177] {strides = array<i32>} : memref<1024xi32, #tpu.memory_space<vmem>>, vector<16xi32>,
    tpu.vector_store %arg23[%swap3A_177], %broadcast_in_dim3A_3 {strides = array<i32>} : memref<1024xi32, #tpu.memory_space<vmem>>, vector<16xi32>,
    %swap3A_179 = arith.constant 352 : index
    %swap3A_180 = tpu.vector_load %arg20[%swap3A_179] {strides = array<i32>} : memref<1024xi32, #tpu.memory_space<vmem>>, vector<16xi32>,
    tpu.vector_store %arg20[%swap3A_179], %broadcast_in_dim3A_3 {strides = array<i32>} : memref<1024xi32, #tpu.memory_space<vmem>>, vector<16xi32>,
    %swap3A_181 = arith.constant 352 : index
    %swap3A_182 = tpu.vector_load %arg21[%swap3A_181] {strides = array<i32>} : memref<1024xi32, #tpu.memory_space<vmem>>, vector<16xi32>,
    tpu.vector_store %arg21[%swap3A_181], %broadcast_in_dim3A_3 {strides = array<i32>} : memref<1024xi32, #tpu.memory_space<vmem>>, vector<16xi32>,
    %swap3A_183 = arith.constant 352 : index
    %swap3A_184 = tpu.vector_load %arg22[%swap3A_183] {strides = array<i32>} : memref<1024xi32, #tpu.memory_space<vmem>>, vector<16xi32>,
    tpu.vector_store %arg22[%swap3A_183], %broadcast_in_dim3A_3 {strides = array<i32>} : memref<1024xi32, #tpu.memory_space<vmem>>, vector<16xi32>,
    %swap3A_185 = arith.constant 352 : index
    %swap3A_186 = tpu.vector_load %arg23[%swap3A_185] {strides = array<i32>} : memref<1024xi32, #tpu.memory_space<vmem>>, vector<16xi32>,
    tpu.vector_store %arg23[%swap3A_185], %broadcast_in_dim3A_3 {strides = array<i32>} : memref<1024xi32, #tpu.memory_space<vmem>>, vector<16xi32>,
    %swap3A_187 = arith.constant 368 : index
    %swap3A_188 = tpu.vector_load %arg20[%swap3A_187] {strides = array<i32>} : memref<1024xi32, #tpu.memory_space<vmem>>, vector<16xi32>,
    tpu.vector_store %arg20[%swap3A_187], %broadcast_in_dim3A_3 {strides = array<i32>} : memref<1024xi32, #tpu.memory_space<vmem>>, vector<16xi32>,
    %swap3A_189 = arith.constant 368 : index
    %swap3A_190 = tpu.vector_load %arg21[%swap3A_189] {strides = array<i32>} : memref<1024xi32, #tpu.memory_space<vmem>>, vector<16xi32>,
    tpu.vector_store %arg21[%swap3A_189], %broadcast_in_dim3A_3 {strides = array<i32>} : memref<1024xi32, #tpu.memory_space<vmem>>, vector<16xi32>,
    %swap3A_191 = arith.constant 368 : index
    %swap3A_192 = tpu.vector_load %arg22[%swap3A_191] {strides = array<i32>} : memref<1024xi32, #tpu.memory_space<vmem>>, vector<16xi32>,
    tpu.vector_store %arg22[%swap3A_191], %broadcast_in_dim3A_3 {strides = array<i32>} : memref<1024xi32, #tpu.memory_space<vmem>>, vector<16xi32>,
    %swap3A_193 = arith.constant 368 : index
    %swap3A_194 = tpu.vector_load %arg23[%swap3A_193] {strides = array<i32>} : memref<1024xi32, #tpu.memory_space<vmem>>, vector<16xi32>,
    tpu.vector_store %arg23[%swap3A_193], %broadcast_in_dim3A_3 {strides = array<i32>} : memref<1024xi32, #tpu.memory_space<vmem>>, vector<16xi32>,
    %swap3A_195 = arith.constant 384 : index
    %swap3A_196 = tpu.vector_load %arg20[%swap3A_195] {strides = array<i32>} : memref<1024xi32, #tpu.memory_space<vmem>>, vector<16xi32>,
    tpu.vector_store %arg20[%swap3A_195], %broadcast_in_dim3A_3 {strides = array<i32>} : memref<1024xi32, #tpu.memory_space<vmem>>, vector<16xi32>,
    %swap3A_197 = arith.constant 384 : index
    %swap3A_198 = tpu.vector_load %arg21[%swap3A_197] {strides = array<i32>} : memref<1024xi32, #tpu.memory_space<vmem>>, vector<16xi32>,
    tpu.vector_store %arg21[%swap3A_197], %broadcast_in_dim3A_3 {strides = array<i32>} : memref<1024xi32, #tpu.memory_space<vmem>>, vector<16xi32>,
    %swap3A_199 = arith.constant 384 : index
    %swap3A_200 = tpu.vector_load %arg22[%swap3A_199] {strides = array<i32>} : memref<1024xi32, #tpu.memory_space<vmem>>, vector<16xi32>,
    tpu.vector_store %arg22[%swap3A_199], %broadcast_in_dim3A_3 {strides = array<i32>} : memref<1024xi32, #tpu.memory_space<vmem>>, vector<16xi32>,
    %swap3A_201 = arith.constant 384 : index
    %swap3A_202 = tpu.vector_load %arg23[%swap3A_201] {strides = array<i32>} : memref<1024xi32, #tpu.memory_space<vmem>>, vector<16xi32>,
    tpu.vector_store %arg23[%swap3A_201], %broadcast_in_dim3A_3 {strides = array<i32>} : memref<1024xi32, #tpu.memory_space<vmem>>, vector<16xi32>,
    %swap3A_203 = arith.constant 400 : index
    %swap3A_204 = tpu.vector_load %arg20[%swap3A_203] {strides = array<i32>} : memref<1024xi32, #tpu.memory_space<vmem>>, vector<16xi32>,
    tpu.vector_store %arg20[%swap3A_203], %broadcast_in_dim3A_3 {strides = array<i32>} : memref<1024xi32, #tpu.memory_space<vmem>>, vector<16xi32>,
    %swap3A_205 = arith.constant 400 : index
    %swap3A_206 = tpu.vector_load %arg21[%swap3A_205] {strides = array<i32>} : memref<1024xi32, #tpu.memory_space<vmem>>, vector<16xi32>,
    tpu.vector_store %arg21[%swap3A_205], %broadcast_in_dim3A_3 {strides = array<i32>} : memref<1024xi32, #tpu.memory_space<vmem>>, vector<16xi32>,
    %swap3A_207 = arith.constant 400 : index
    %swap3A_208 = tpu.vector_load %arg22[%swap3A_207] {strides = array<i32>} : memref<1024xi32, #tpu.memory_space<vmem>>, vector<16xi32>,
    tpu.vector_store %arg22[%swap3A_207], %broadcast_in_dim3A_3 {strides = array<i32>} : memref<1024xi32, #tpu.memory_space<vmem>>, vector<16xi32>,
    %swap3A_209 = arith.constant 400 : index
    %swap3A_210 = tpu.vector_load %arg23[%swap3A_209] {strides = array<i32>} : memref<1024xi32, #tpu.memory_space<vmem>>, vector<16xi32>,
    tpu.vector_store %arg23[%swap3A_209], %broadcast_in_dim3A_3 {strides = array<i32>} : memref<1024xi32, #tpu.memory_space<vmem>>, vector<16xi32>,
    %swap3A_211 = arith.constant 416 : index
    %swap3A_212 = tpu.vector_load %arg20[%swap3A_211] {strides = array<i32>} : memref<1024xi32, #tpu.memory_space<vmem>>, vector<16xi32>,
    tpu.vector_store %arg20[%swap3A_211], %broadcast_in_dim3A_3 {strides = array<i32>} : memref<1024xi32, #tpu.memory_space<vmem>>, vector<16xi32>,
    %swap3A_213 = arith.constant 416 : index
    %swap3A_214 = tpu.vector_load %arg21[%swap3A_213] {strides = array<i32>} : memref<1024xi32, #tpu.memory_space<vmem>>, vector<16xi32>,
    tpu.vector_store %arg21[%swap3A_213], %broadcast_in_dim3A_3 {strides = array<i32>} : memref<1024xi32, #tpu.memory_space<vmem>>, vector<16xi32>,
    %swap3A_215 = arith.constant 416 : index
    %swap3A_216 = tpu.vector_load %arg22[%swap3A_215] {strides = array<i32>} : memref<1024xi32, #tpu.memory_space<vmem>>, vector<16xi32>,
    tpu.vector_store %arg22[%swap3A_215], %broadcast_in_dim3A_3 {strides = array<i32>} : memref<1024xi32, #tpu.memory_space<vmem>>, vector<16xi32>,
    %swap3A_217 = arith.constant 416 : index
    %swap3A_218 = tpu.vector_load %arg23[%swap3A_217] {strides = array<i32>} : memref<1024xi32, #tpu.memory_space<vmem>>, vector<16xi32>,
    tpu.vector_store %arg23[%swap3A_217], %broadcast_in_dim3A_3 {strides = array<i32>} : memref<1024xi32, #tpu.memory_space<vmem>>, vector<16xi32>,
    %swap3A_219 = arith.constant 432 : index
    %swap3A_220 = tpu.vector_load %arg20[%swap3A_219] {strides = array<i32>} : memref<1024xi32, #tpu.memory_space<vmem>>, vector<16xi32>,
    tpu.vector_store %arg20[%swap3A_219], %broadcast_in_dim3A_3 {strides = array<i32>} : memref<1024xi32, #tpu.memory_space<vmem>>, vector<16xi32>,
    %swap3A_221 = arith.constant 432 : index
    %swap3A_222 = tpu.vector_load %arg21[%swap3A_221] {strides = array<i32>} : memref<1024xi32, #tpu.memory_space<vmem>>, vector<16xi32>,
    tpu.vector_store %arg21[%swap3A_221], %broadcast_in_dim3A_3 {strides = array<i32>} : memref<1024xi32, #tpu.memory_space<vmem>>, vector<16xi32>,
    %swap3A_223 = arith.constant 432 : index
    %swap3A_224 = tpu.vector_load %arg22[%swap3A_223] {strides = array<i32>} : memref<1024xi32, #tpu.memory_space<vmem>>, vector<16xi32>,
    tpu.vector_store %arg22[%swap3A_223], %broadcast_in_dim3A_3 {strides = array<i32>} : memref<1024xi32, #tpu.memory_space<vmem>>, vector<16xi32>,
    %swap3A_225 = arith.constant 432 : index
    %swap3A_226 = tpu.vector_load %arg23[%swap3A_225] {strides = array<i32>} : memref<1024xi32, #tpu.memory_space<vmem>>, vector<16xi32>,
    tpu.vector_store %arg23[%swap3A_225], %broadcast_in_dim3A_3 {strides = array<i32>} : memref<1024xi32, #tpu.memory_space<vmem>>, vector<16xi32>,
    %swap3A_227 = arith.constant 448 : index
    %swap3A_228 = tpu.vector_load %arg20[%swap3A_227] {strides = array<i32>} : memref<1024xi32, #tpu.memory_space<vmem>>, vector<16xi32>,
    tpu.vector_store %arg20[%swap3A_227], %broadcast_in_dim3A_3 {strides = array<i32>} : memref<1024xi32, #tpu.memory_space<vmem>>, vector<16xi32>,
    %swap3A_229 = arith.constant 448 : index
    %swap3A_230 = tpu.vector_load %arg21[%swap3A_229] {strides = array<i32>} : memref<1024xi32, #tpu.memory_space<vmem>>, vector<16xi32>,
    tpu.vector_store %arg21[%swap3A_229], %broadcast_in_dim3A_3 {strides = array<i32>} : memref<1024xi32, #tpu.memory_space<vmem>>, vector<16xi32>,
    %swap3A_231 = arith.constant 448 : index
    %swap3A_232 = tpu.vector_load %arg22[%swap3A_231] {strides = array<i32>} : memref<1024xi32, #tpu.memory_space<vmem>>, vector<16xi32>,
    tpu.vector_store %arg22[%swap3A_231], %broadcast_in_dim3A_3 {strides = array<i32>} : memref<1024xi32, #tpu.memory_space<vmem>>, vector<16xi32>,
    %swap3A_233 = arith.constant 448 : index
    %swap3A_234 = tpu.vector_load %arg23[%swap3A_233] {strides = array<i32>} : memref<1024xi32, #tpu.memory_space<vmem>>, vector<16xi32>,
    tpu.vector_store %arg23[%swap3A_233], %broadcast_in_dim3A_3 {strides = array<i32>} : memref<1024xi32, #tpu.memory_space<vmem>>, vector<16xi32>,
    %swap3A_235 = arith.constant 464 : index
    %swap3A_236 = tpu.vector_load %arg20[%swap3A_235] {strides = array<i32>} : memref<1024xi32, #tpu.memory_space<vmem>>, vector<16xi32>,
    tpu.vector_store %arg20[%swap3A_235], %broadcast_in_dim3A_3 {strides = array<i32>} : memref<1024xi32, #tpu.memory_space<vmem>>, vector<16xi32>,
    %swap3A_237 = arith.constant 464 : index
    %swap3A_238 = tpu.vector_load %arg21[%swap3A_237] {strides = array<i32>} : memref<1024xi32, #tpu.memory_space<vmem>>, vector<16xi32>,
    tpu.vector_store %arg21[%swap3A_237], %broadcast_in_dim3A_3 {strides = array<i32>} : memref<1024xi32, #tpu.memory_space<vmem>>, vector<16xi32>,
    %swap3A_239 = arith.constant 464 : index
    %swap3A_240 = tpu.vector_load %arg22[%swap3A_239] {strides = array<i32>} : memref<1024xi32, #tpu.memory_space<vmem>>, vector<16xi32>,
    tpu.vector_store %arg22[%swap3A_239], %broadcast_in_dim3A_3 {strides = array<i32>} : memref<1024xi32, #tpu.memory_space<vmem>>, vector<16xi32>,
    %swap3A_241 = arith.constant 464 : index
    %swap3A_242 = tpu.vector_load %arg23[%swap3A_241] {strides = array<i32>} : memref<1024xi32, #tpu.memory_space<vmem>>, vector<16xi32>,
    tpu.vector_store %arg23[%swap3A_241], %broadcast_in_dim3A_3 {strides = array<i32>} : memref<1024xi32, #tpu.memory_space<vmem>>, vector<16xi32>,
    %swap3A_243 = arith.constant 480 : index
    %swap3A_244 = tpu.vector_load %arg20[%swap3A_243] {strides = array<i32>} : memref<1024xi32, #tpu.memory_space<vmem>>, vector<16xi32>,
    tpu.vector_store %arg20[%swap3A_243], %broadcast_in_dim3A_3 {strides = array<i32>} : memref<1024xi32, #tpu.memory_space<vmem>>, vector<16xi32>,
    %swap3A_245 = arith.constant 480 : index
    %swap3A_246 = tpu.vector_load %arg21[%swap3A_245] {strides = array<i32>} : memref<1024xi32, #tpu.memory_space<vmem>>, vector<16xi32>,
    tpu.vector_store %arg21[%swap3A_245], %broadcast_in_dim3A_3 {strides = array<i32>} : memref<1024xi32, #tpu.memory_space<vmem>>, vector<16xi32>,
    %swap3A_247 = arith.constant 480 : index
    %swap3A_248 = tpu.vector_load %arg22[%swap3A_247] {strides = array<i32>} : memref<1024xi32, #tpu.memory_space<vmem>>, vector<16xi32>,
    tpu.vector_store %arg22[%swap3A_247], %broadcast_in_dim3A_3 {strides = array<i32>} : memref<1024xi32, #tpu.memory_space<vmem>>, vector<16xi32>,
    %swap3A_249 = arith.constant 480 : index
    %swap3A_250 = tpu.vector_load %arg23[%swap3A_249] {strides = array<i32>} : memref<1024xi32, #tpu.memory_space<vmem>>, vector<16xi32>,
    tpu.vector_store %arg23[%swap3A_249], %broadcast_in_dim3A_3 {strides = array<i32>} : memref<1024xi32, #tpu.memory_space<vmem>>, vector<16xi32>,
    %swap3A_251 = arith.constant 496 : index
    %swap3A_252 = tpu.vector_load %arg20[%swap3A_251] {strides = array<i32>} : memref<1024xi32, #tpu.memory_space<vmem>>, vector<16xi32>,
    tpu.vector_store %arg20[%swap3A_251], %broadcast_in_dim3A_3 {strides = array<i32>} : memref<1024xi32, #tpu.memory_space<vmem>>, vector<16xi32>,
    %swap3A_253 = arith.constant 496 : index
    %swap3A_254 = tpu.vector_load %arg21[%swap3A_253] {strides = array<i32>} : memref<1024xi32, #tpu.memory_space<vmem>>, vector<16xi32>,
    tpu.vector_store %arg21[%swap3A_253], %broadcast_in_dim3A_3 {strides = array<i32>} : memref<1024xi32, #tpu.memory_space<vmem>>, vector<16xi32>,
    %swap3A_255 = arith.constant 496 : index
    %swap3A_256 = tpu.vector_load %arg22[%swap3A_255] {strides = array<i32>} : memref<1024xi32, #tpu.memory_space<vmem>>, vector<16xi32>,
    tpu.vector_store %arg22[%swap3A_255], %broadcast_in_dim3A_3 {strides = array<i32>} : memref<1024xi32, #tpu.memory_space<vmem>>, vector<16xi32>,
    %swap3A_257 = arith.constant 496 : index
    %swap3A_258 = tpu.vector_load %arg23[%swap3A_257] {strides = array<i32>} : memref<1024xi32, #tpu.memory_space<vmem>>, vector<16xi32>,
    tpu.vector_store %arg23[%swap3A_257], %broadcast_in_dim3A_3 {strides = array<i32>} : memref<1024xi32, #tpu.memory_space<vmem>>, vector<16xi32>,
    %swap3A_259 = arith.constant 512 : index
    %swap3A_260 = tpu.vector_load %arg20[%swap3A_259] {strides = array<i32>} : memref<1024xi32, #tpu.memory_space<vmem>>, vector<16xi32>,
    tpu.vector_store %arg20[%swap3A_259], %broadcast_in_dim3A_3 {strides = array<i32>} : memref<1024xi32, #tpu.memory_space<vmem>>, vector<16xi32>,
    %swap3A_261 = arith.constant 512 : index
    %swap3A_262 = tpu.vector_load %arg21[%swap3A_261] {strides = array<i32>} : memref<1024xi32, #tpu.memory_space<vmem>>, vector<16xi32>,
    tpu.vector_store %arg21[%swap3A_261], %broadcast_in_dim3A_3 {strides = array<i32>} : memref<1024xi32, #tpu.memory_space<vmem>>, vector<16xi32>,
    %swap3A_263 = arith.constant 512 : index
    %swap3A_264 = tpu.vector_load %arg22[%swap3A_263] {strides = array<i32>} : memref<1024xi32, #tpu.memory_space<vmem>>, vector<16xi32>,
    tpu.vector_store %arg22[%swap3A_263], %broadcast_in_dim3A_3 {strides = array<i32>} : memref<1024xi32, #tpu.memory_space<vmem>>, vector<16xi32>,
    %swap3A_265 = arith.constant 512 : index
    %swap3A_266 = tpu.vector_load %arg23[%swap3A_265] {strides = array<i32>} : memref<1024xi32, #tpu.memory_space<vmem>>, vector<16xi32>,
    tpu.vector_store %arg23[%swap3A_265], %broadcast_in_dim3A_3 {strides = array<i32>} : memref<1024xi32, #tpu.memory_space<vmem>>, vector<16xi32>,
    %swap3A_267 = arith.constant 528 : index
    %swap3A_268 = tpu.vector_load %arg20[%swap3A_267] {strides = array<i32>} : memref<1024xi32, #tpu.memory_space<vmem>>, vector<16xi32>,
    tpu.vector_store %arg20[%swap3A_267], %broadcast_in_dim3A_3 {strides = array<i32>} : memref<1024xi32, #tpu.memory_space<vmem>>, vector<16xi32>,
    %swap3A_269 = arith.constant 528 : index
    %swap3A_270 = tpu.vector_load %arg21[%swap3A_269] {strides = array<i32>} : memref<1024xi32, #tpu.memory_space<vmem>>, vector<16xi32>,
    tpu.vector_store %arg21[%swap3A_269], %broadcast_in_dim3A_3 {strides = array<i32>} : memref<1024xi32, #tpu.memory_space<vmem>>, vector<16xi32>,
    %swap3A_271 = arith.constant 528 : index
    %swap3A_272 = tpu.vector_load %arg22[%swap3A_271] {strides = array<i32>} : memref<1024xi32, #tpu.memory_space<vmem>>, vector<16xi32>,
    tpu.vector_store %arg22[%swap3A_271], %broadcast_in_dim3A_3 {strides = array<i32>} : memref<1024xi32, #tpu.memory_space<vmem>>, vector<16xi32>,
    %swap3A_273 = arith.constant 528 : index
    %swap3A_274 = tpu.vector_load %arg23[%swap3A_273] {strides = array<i32>} : memref<1024xi32, #tpu.memory_space<vmem>>, vector<16xi32>,
    tpu.vector_store %arg23[%swap3A_273], %broadcast_in_dim3A_3 {strides = array<i32>} : memref<1024xi32, #tpu.memory_space<vmem>>, vector<16xi32>,
    %swap3A_275 = arith.constant 544 : index
    %swap3A_276 = tpu.vector_load %arg20[%swap3A_275] {strides = array<i32>} : memref<1024xi32, #tpu.memory_space<vmem>>, vector<16xi32>,
    tpu.vector_store %arg20[%swap3A_275], %broadcast_in_dim3A_3 {strides = array<i32>} : memref<1024xi32, #tpu.memory_space<vmem>>, vector<16xi32>,
    %swap3A_277 = arith.constant 544 : index
    %swap3A_278 = tpu.vector_load %arg21[%swap3A_277] {strides = array<i32>} : memref<1024xi32, #tpu.memory_space<vmem>>, vector<16xi32>,
    tpu.vector_store %arg21[%swap3A_277], %broadcast_in_dim3A_3 {strides = array<i32>} : memref<1024xi32, #tpu.memory_space<vmem>>, vector<16xi32>,
    %swap3A_279 = arith.constant 544 : index
    %swap3A_280 = tpu.vector_load %arg22[%swap3A_279] {strides = array<i32>} : memref<1024xi32, #tpu.memory_space<vmem>>, vector<16xi32>,
    tpu.vector_store %arg22[%swap3A_279], %broadcast_in_dim3A_3 {strides = array<i32>} : memref<1024xi32, #tpu.memory_space<vmem>>, vector<16xi32>,
    %swap3A_281 = arith.constant 544 : index
    %swap3A_282 = tpu.vector_load %arg23[%swap3A_281] {strides = array<i32>} : memref<1024xi32, #tpu.memory_space<vmem>>, vector<16xi32>,
    tpu.vector_store %arg23[%swap3A_281], %broadcast_in_dim3A_3 {strides = array<i32>} : memref<1024xi32, #tpu.memory_space<vmem>>, vector<16xi32>,
    %swap3A_283 = arith.constant 560 : index
    %swap3A_284 = tpu.vector_load %arg20[%swap3A_283] {strides = array<i32>} : memref<1024xi32, #tpu.memory_space<vmem>>, vector<16xi32>,
    tpu.vector_store %arg20[%swap3A_283], %broadcast_in_dim3A_3 {strides = array<i32>} : memref<1024xi32, #tpu.memory_space<vmem>>, vector<16xi32>,
    %swap3A_285 = arith.constant 560 : index
    %swap3A_286 = tpu.vector_load %arg21[%swap3A_285] {strides = array<i32>} : memref<1024xi32, #tpu.memory_space<vmem>>, vector<16xi32>,
    tpu.vector_store %arg21[%swap3A_285], %broadcast_in_dim3A_3 {strides = array<i32>} : memref<1024xi32, #tpu.memory_space<vmem>>, vector<16xi32>,
    %swap3A_287 = arith.constant 560 : index
    %swap3A_288 = tpu.vector_load %arg22[%swap3A_287] {strides = array<i32>} : memref<1024xi32, #tpu.memory_space<vmem>>, vector<16xi32>,
    tpu.vector_store %arg22[%swap3A_287], %broadcast_in_dim3A_3 {strides = array<i32>} : memref<1024xi32, #tpu.memory_space<vmem>>, vector<16xi32>,
    %swap3A_289 = arith.constant 560 : index
    %swap3A_290 = tpu.vector_load %arg23[%swap3A_289] {strides = array<i32>} : memref<1024xi32, #tpu.memory_space<vmem>>, vector<16xi32>,
    tpu.vector_store %arg23[%swap3A_289], %broadcast_in_dim3A_3 {strides = array<i32>} : memref<1024xi32, #tpu.memory_space<vmem>>, vector<16xi32>,
    %swap3A_291 = arith.constant 576 : index
    %swap3A_292 = tpu.vector_load %arg20[%swap3A_291] {strides = array<i32>} : memref<1024xi32, #tpu.memory_space<vmem>>, vector<16xi32>,
    tpu.vector_store %arg20[%swap3A_291], %broadcast_in_dim3A_3 {strides = array<i32>} : memref<1024xi32, #tpu.memory_space<vmem>>, vector<16xi32>,
    %swap3A_293 = arith.constant 576 : index
    %swap3A_294 = tpu.vector_load %arg21[%swap3A_293] {strides = array<i32>} : memref<1024xi32, #tpu.memory_space<vmem>>, vector<16xi32>,
    tpu.vector_store %arg21[%swap3A_293], %broadcast_in_dim3A_3 {strides = array<i32>} : memref<1024xi32, #tpu.memory_space<vmem>>, vector<16xi32>,
    %swap3A_295 = arith.constant 576 : index
    %swap3A_296 = tpu.vector_load %arg22[%swap3A_295] {strides = array<i32>} : memref<1024xi32, #tpu.memory_space<vmem>>, vector<16xi32>,
    tpu.vector_store %arg22[%swap3A_295], %broadcast_in_dim3A_3 {strides = array<i32>} : memref<1024xi32, #tpu.memory_space<vmem>>, vector<16xi32>,
    %swap3A_297 = arith.constant 576 : index
    %swap3A_298 = tpu.vector_load %arg23[%swap3A_297] {strides = array<i32>} : memref<1024xi32, #tpu.memory_space<vmem>>, vector<16xi32>,
    tpu.vector_store %arg23[%swap3A_297], %broadcast_in_dim3A_3 {strides = array<i32>} : memref<1024xi32, #tpu.memory_space<vmem>>, vector<16xi32>,
    %swap3A_299 = arith.constant 592 : index
    %swap3A_300 = tpu.vector_load %arg20[%swap3A_299] {strides = array<i32>} : memref<1024xi32, #tpu.memory_space<vmem>>, vector<16xi32>,
    tpu.vector_store %arg20[%swap3A_299], %broadcast_in_dim3A_3 {strides = array<i32>} : memref<1024xi32, #tpu.memory_space<vmem>>, vector<16xi32>,
    %swap3A_301 = arith.constant 592 : index
    %swap3A_302 = tpu.vector_load %arg21[%swap3A_301] {strides = array<i32>} : memref<1024xi32, #tpu.memory_space<vmem>>, vector<16xi32>,
    tpu.vector_store %arg21[%swap3A_301], %broadcast_in_dim3A_3 {strides = array<i32>} : memref<1024xi32, #tpu.memory_space<vmem>>, vector<16xi32>,
    %swap3A_303 = arith.constant 592 : index
    %swap3A_304 = tpu.vector_load %arg22[%swap3A_303] {strides = array<i32>} : memref<1024xi32, #tpu.memory_space<vmem>>, vector<16xi32>,
    tpu.vector_store %arg22[%swap3A_303], %broadcast_in_dim3A_3 {strides = array<i32>} : memref<1024xi32, #tpu.memory_space<vmem>>, vector<16xi32>,
    %swap3A_305 = arith.constant 592 : index
    %swap3A_306 = tpu.vector_load %arg23[%swap3A_305] {strides = array<i32>} : memref<1024xi32, #tpu.memory_space<vmem>>, vector<16xi32>,
    tpu.vector_store %arg23[%swap3A_305], %broadcast_in_dim3A_3 {strides = array<i32>} : memref<1024xi32, #tpu.memory_space<vmem>>, vector<16xi32>,
    %swap3A_307 = arith.constant 608 : index
    %swap3A_308 = tpu.vector_load %arg20[%swap3A_307] {strides = array<i32>} : memref<1024xi32, #tpu.memory_space<vmem>>, vector<16xi32>,
    tpu.vector_store %arg20[%swap3A_307], %broadcast_in_dim3A_3 {strides = array<i32>} : memref<1024xi32, #tpu.memory_space<vmem>>, vector<16xi32>,
    %swap3A_309 = arith.constant 608 : index
    %swap3A_310 = tpu.vector_load %arg21[%swap3A_309] {strides = array<i32>} : memref<1024xi32, #tpu.memory_space<vmem>>, vector<16xi32>,
    tpu.vector_store %arg21[%swap3A_309], %broadcast_in_dim3A_3 {strides = array<i32>} : memref<1024xi32, #tpu.memory_space<vmem>>, vector<16xi32>,
    %swap3A_311 = arith.constant 608 : index
    %swap3A_312 = tpu.vector_load %arg22[%swap3A_311] {strides = array<i32>} : memref<1024xi32, #tpu.memory_space<vmem>>, vector<16xi32>,
    tpu.vector_store %arg22[%swap3A_311], %broadcast_in_dim3A_3 {strides = array<i32>} : memref<1024xi32, #tpu.memory_space<vmem>>, vector<16xi32>,
    %swap3A_313 = arith.constant 608 : index
    %swap3A_314 = tpu.vector_load %arg23[%swap3A_313] {strides = array<i32>} : memref<1024xi32, #tpu.memory_space<vmem>>, vector<16xi32>,
    tpu.vector_store %arg23[%swap3A_313], %broadcast_in_dim3A_3 {strides = array<i32>} : memref<1024xi32, #tpu.memory_space<vmem>>, vector<16xi32>,
    %swap3A_315 = arith.constant 624 : index
    %swap3A_316 = tpu.vector_load %arg20[%swap3A_315] {strides = array<i32>} : memref<1024xi32, #tpu.memory_space<vmem>>, vector<16xi32>,
    tpu.vector_store %arg20[%swap3A_315], %broadcast_in_dim3A_3 {strides = array<i32>} : memref<1024xi32, #tpu.memory_space<vmem>>, vector<16xi32>,
    %swap3A_317 = arith.constant 624 : index
    %swap3A_318 = tpu.vector_load %arg21[%swap3A_317] {strides = array<i32>} : memref<1024xi32, #tpu.memory_space<vmem>>, vector<16xi32>,
    tpu.vector_store %arg21[%swap3A_317], %broadcast_in_dim3A_3 {strides = array<i32>} : memref<1024xi32, #tpu.memory_space<vmem>>, vector<16xi32>,
    %swap3A_319 = arith.constant 624 : index
    %swap3A_320 = tpu.vector_load %arg22[%swap3A_319] {strides = array<i32>} : memref<1024xi32, #tpu.memory_space<vmem>>, vector<16xi32>,
    tpu.vector_store %arg22[%swap3A_319], %broadcast_in_dim3A_3 {strides = array<i32>} : memref<1024xi32, #tpu.memory_space<vmem>>, vector<16xi32>,
    %swap3A_321 = arith.constant 624 : index
    %swap3A_322 = tpu.vector_load %arg23[%swap3A_321] {strides = array<i32>} : memref<1024xi32, #tpu.memory_space<vmem>>, vector<16xi32>,
    tpu.vector_store %arg23[%swap3A_321], %broadcast_in_dim3A_3 {strides = array<i32>} : memref<1024xi32, #tpu.memory_space<vmem>>, vector<16xi32>,
    %swap3A_323 = arith.constant 640 : index
    %swap3A_324 = tpu.vector_load %arg20[%swap3A_323] {strides = array<i32>} : memref<1024xi32, #tpu.memory_space<vmem>>, vector<16xi32>,
    tpu.vector_store %arg20[%swap3A_323], %broadcast_in_dim3A_3 {strides = array<i32>} : memref<1024xi32, #tpu.memory_space<vmem>>, vector<16xi32>,
    %swap3A_325 = arith.constant 640 : index
    %swap3A_326 = tpu.vector_load %arg21[%swap3A_325] {strides = array<i32>} : memref<1024xi32, #tpu.memory_space<vmem>>, vector<16xi32>,
    tpu.vector_store %arg21[%swap3A_325], %broadcast_in_dim3A_3 {strides = array<i32>} : memref<1024xi32, #tpu.memory_space<vmem>>, vector<16xi32>,
    %swap3A_327 = arith.constant 640 : index
    %swap3A_328 = tpu.vector_load %arg22[%swap3A_327] {strides = array<i32>} : memref<1024xi32, #tpu.memory_space<vmem>>, vector<16xi32>,
    tpu.vector_store %arg22[%swap3A_327], %broadcast_in_dim3A_3 {strides = array<i32>} : memref<1024xi32, #tpu.memory_space<vmem>>, vector<16xi32>,
    %swap3A_329 = arith.constant 640 : index
    %swap3A_330 = tpu.vector_load %arg23[%swap3A_329] {strides = array<i32>} : memref<1024xi32, #tpu.memory_space<vmem>>, vector<16xi32>,
    tpu.vector_store %arg23[%swap3A_329], %broadcast_in_dim3A_3 {strides = array<i32>} : memref<1024xi32, #tpu.memory_space<vmem>>, vector<16xi32>,
    %swap3A_331 = arith.constant 656 : index
    %swap3A_332 = tpu.vector_load %arg20[%swap3A_331] {strides = array<i32>} : memref<1024xi32, #tpu.memory_space<vmem>>, vector<16xi32>,
    tpu.vector_store %arg20[%swap3A_331], %broadcast_in_dim3A_3 {strides = array<i32>} : memref<1024xi32, #tpu.memory_space<vmem>>, vector<16xi32>,
    %swap3A_333 = arith.constant 656 : index
    %swap3A_334 = tpu.vector_load %arg21[%swap3A_333] {strides = array<i32>} : memref<1024xi32, #tpu.memory_space<vmem>>, vector<16xi32>,
    tpu.vector_store %arg21[%swap3A_333], %broadcast_in_dim3A_3 {strides = array<i32>} : memref<1024xi32, #tpu.memory_space<vmem>>, vector<16xi32>,
    %swap3A_335 = arith.constant 656 : index
    %swap3A_336 = tpu.vector_load %arg22[%swap3A_335] {strides = array<i32>} : memref<1024xi32, #tpu.memory_space<vmem>>, vector<16xi32>,
    tpu.vector_store %arg22[%swap3A_335], %broadcast_in_dim3A_3 {strides = array<i32>} : memref<1024xi32, #tpu.memory_space<vmem>>, vector<16xi32>,
    %swap3A_337 = arith.constant 656 : index
    %swap3A_338 = tpu.vector_load %arg23[%swap3A_337] {strides = array<i32>} : memref<1024xi32, #tpu.memory_space<vmem>>, vector<16xi32>,
    tpu.vector_store %arg23[%swap3A_337], %broadcast_in_dim3A_3 {strides = array<i32>} : memref<1024xi32, #tpu.memory_space<vmem>>, vector<16xi32>,
    %swap3A_339 = arith.constant 672 : index
    %swap3A_340 = tpu.vector_load %arg20[%swap3A_339] {strides = array<i32>} : memref<1024xi32, #tpu.memory_space<vmem>>, vector<16xi32>,
    tpu.vector_store %arg20[%swap3A_339], %broadcast_in_dim3A_3 {strides = array<i32>} : memref<1024xi32, #tpu.memory_space<vmem>>, vector<16xi32>,
    %swap3A_341 = arith.constant 672 : index
    %swap3A_342 = tpu.vector_load %arg21[%swap3A_341] {strides = array<i32>} : memref<1024xi32, #tpu.memory_space<vmem>>, vector<16xi32>,
    tpu.vector_store %arg21[%swap3A_341], %broadcast_in_dim3A_3 {strides = array<i32>} : memref<1024xi32, #tpu.memory_space<vmem>>, vector<16xi32>,
    %swap3A_343 = arith.constant 672 : index
    %swap3A_344 = tpu.vector_load %arg22[%swap3A_343] {strides = array<i32>} : memref<1024xi32, #tpu.memory_space<vmem>>, vector<16xi32>,
    tpu.vector_store %arg22[%swap3A_343], %broadcast_in_dim3A_3 {strides = array<i32>} : memref<1024xi32, #tpu.memory_space<vmem>>, vector<16xi32>,
    %swap3A_345 = arith.constant 672 : index
    %swap3A_346 = tpu.vector_load %arg23[%swap3A_345] {strides = array<i32>} : memref<1024xi32, #tpu.memory_space<vmem>>, vector<16xi32>,
    tpu.vector_store %arg23[%swap3A_345], %broadcast_in_dim3A_3 {strides = array<i32>} : memref<1024xi32, #tpu.memory_space<vmem>>, vector<16xi32>,
    %swap3A_347 = arith.constant 688 : index
    %swap3A_348 = tpu.vector_load %arg20[%swap3A_347] {strides = array<i32>} : memref<1024xi32, #tpu.memory_space<vmem>>, vector<16xi32>,
    tpu.vector_store %arg20[%swap3A_347], %broadcast_in_dim3A_3 {strides = array<i32>} : memref<1024xi32, #tpu.memory_space<vmem>>, vector<16xi32>,
    %swap3A_349 = arith.constant 688 : index
    %swap3A_350 = tpu.vector_load %arg21[%swap3A_349] {strides = array<i32>} : memref<1024xi32, #tpu.memory_space<vmem>>, vector<16xi32>,
    tpu.vector_store %arg21[%swap3A_349], %broadcast_in_dim3A_3 {strides = array<i32>} : memref<1024xi32, #tpu.memory_space<vmem>>, vector<16xi32>,
    %swap3A_351 = arith.constant 688 : index
    %swap3A_352 = tpu.vector_load %arg22[%swap3A_351] {strides = array<i32>} : memref<1024xi32, #tpu.memory_space<vmem>>, vector<16xi32>,
    tpu.vector_store %arg22[%swap3A_351], %broadcast_in_dim3A_3 {strides = array<i32>} : memref<1024xi32, #tpu.memory_space<vmem>>, vector<16xi32>,
    %swap3A_353 = arith.constant 688 : index
    %swap3A_354 = tpu.vector_load %arg23[%swap3A_353] {strides = array<i32>} : memref<1024xi32, #tpu.memory_space<vmem>>, vector<16xi32>,
    tpu.vector_store %arg23[%swap3A_353], %broadcast_in_dim3A_3 {strides = array<i32>} : memref<1024xi32, #tpu.memory_space<vmem>>, vector<16xi32>,
    %swap3A_355 = arith.constant 704 : index
    %swap3A_356 = tpu.vector_load %arg20[%swap3A_355] {strides = array<i32>} : memref<1024xi32, #tpu.memory_space<vmem>>, vector<16xi32>,
    tpu.vector_store %arg20[%swap3A_355], %broadcast_in_dim3A_3 {strides = array<i32>} : memref<1024xi32, #tpu.memory_space<vmem>>, vector<16xi32>,
    %swap3A_357 = arith.constant 704 : index
    %swap3A_358 = tpu.vector_load %arg21[%swap3A_357] {strides = array<i32>} : memref<1024xi32, #tpu.memory_space<vmem>>, vector<16xi32>,
    tpu.vector_store %arg21[%swap3A_357], %broadcast_in_dim3A_3 {strides = array<i32>} : memref<1024xi32, #tpu.memory_space<vmem>>, vector<16xi32>,
    %swap3A_359 = arith.constant 704 : index
    %swap3A_360 = tpu.vector_load %arg22[%swap3A_359] {strides = array<i32>} : memref<1024xi32, #tpu.memory_space<vmem>>, vector<16xi32>,
    tpu.vector_store %arg22[%swap3A_359], %broadcast_in_dim3A_3 {strides = array<i32>} : memref<1024xi32, #tpu.memory_space<vmem>>, vector<16xi32>,
    %swap3A_361 = arith.constant 704 : index
    %swap3A_362 = tpu.vector_load %arg23[%swap3A_361] {strides = array<i32>} : memref<1024xi32, #tpu.memory_space<vmem>>, vector<16xi32>,
    tpu.vector_store %arg23[%swap3A_361], %broadcast_in_dim3A_3 {strides = array<i32>} : memref<1024xi32, #tpu.memory_space<vmem>>, vector<16xi32>,
    %swap3A_363 = arith.constant 720 : index
    %swap3A_364 = tpu.vector_load %arg20[%swap3A_363] {strides = array<i32>} : memref<1024xi32, #tpu.memory_space<vmem>>, vector<16xi32>,
    tpu.vector_store %arg20[%swap3A_363], %broadcast_in_dim3A_3 {strides = array<i32>} : memref<1024xi32, #tpu.memory_space<vmem>>, vector<16xi32>,
    %swap3A_365 = arith.constant 720 : index
    %swap3A_366 = tpu.vector_load %arg21[%swap3A_365] {strides = array<i32>} : memref<1024xi32, #tpu.memory_space<vmem>>, vector<16xi32>,
    tpu.vector_store %arg21[%swap3A_365], %broadcast_in_dim3A_3 {strides = array<i32>} : memref<1024xi32, #tpu.memory_space<vmem>>, vector<16xi32>,
    %swap3A_367 = arith.constant 720 : index
    %swap3A_368 = tpu.vector_load %arg22[%swap3A_367] {strides = array<i32>} : memref<1024xi32, #tpu.memory_space<vmem>>, vector<16xi32>,
    tpu.vector_store %arg22[%swap3A_367], %broadcast_in_dim3A_3 {strides = array<i32>} : memref<1024xi32, #tpu.memory_space<vmem>>, vector<16xi32>,
    %swap3A_369 = arith.constant 720 : index
    %swap3A_370 = tpu.vector_load %arg23[%swap3A_369] {strides = array<i32>} : memref<1024xi32, #tpu.memory_space<vmem>>, vector<16xi32>,
    tpu.vector_store %arg23[%swap3A_369], %broadcast_in_dim3A_3 {strides = array<i32>} : memref<1024xi32, #tpu.memory_space<vmem>>, vector<16xi32>,
    %swap3A_371 = arith.constant 736 : index
    %swap3A_372 = tpu.vector_load %arg20[%swap3A_371] {strides = array<i32>} : memref<1024xi32, #tpu.memory_space<vmem>>, vector<16xi32>,
    tpu.vector_store %arg20[%swap3A_371], %broadcast_in_dim3A_3 {strides = array<i32>} : memref<1024xi32, #tpu.memory_space<vmem>>, vector<16xi32>,
    %swap3A_373 = arith.constant 736 : index
    %swap3A_374 = tpu.vector_load %arg21[%swap3A_373] {strides = array<i32>} : memref<1024xi32, #tpu.memory_space<vmem>>, vector<16xi32>,
    tpu.vector_store %arg21[%swap3A_373], %broadcast_in_dim3A_3 {strides = array<i32>} : memref<1024xi32, #tpu.memory_space<vmem>>, vector<16xi32>,
    %swap3A_375 = arith.constant 736 : index
    %swap3A_376 = tpu.vector_load %arg22[%swap3A_375] {strides = array<i32>} : memref<1024xi32, #tpu.memory_space<vmem>>, vector<16xi32>,
    tpu.vector_store %arg22[%swap3A_375], %broadcast_in_dim3A_3 {strides = array<i32>} : memref<1024xi32, #tpu.memory_space<vmem>>, vector<16xi32>,
    %swap3A_377 = arith.constant 736 : index
    %swap3A_378 = tpu.vector_load %arg23[%swap3A_377] {strides = array<i32>} : memref<1024xi32, #tpu.memory_space<vmem>>, vector<16xi32>,
    tpu.vector_store %arg23[%swap3A_377], %broadcast_in_dim3A_3 {strides = array<i32>} : memref<1024xi32, #tpu.memory_space<vmem>>, vector<16xi32>,
    %swap3A_379 = arith.constant 752 : index
    %swap3A_380 = tpu.vector_load %arg20[%swap3A_379] {strides = array<i32>} : memref<1024xi32, #tpu.memory_space<vmem>>, vector<16xi32>,
    tpu.vector_store %arg20[%swap3A_379], %broadcast_in_dim3A_3 {strides = array<i32>} : memref<1024xi32, #tpu.memory_space<vmem>>, vector<16xi32>,
    %swap3A_381 = arith.constant 752 : index
    %swap3A_382 = tpu.vector_load %arg21[%swap3A_381] {strides = array<i32>} : memref<1024xi32, #tpu.memory_space<vmem>>, vector<16xi32>,
    tpu.vector_store %arg21[%swap3A_381], %broadcast_in_dim3A_3 {strides = array<i32>} : memref<1024xi32, #tpu.memory_space<vmem>>, vector<16xi32>,
    %swap3A_383 = arith.constant 752 : index
    %swap3A_384 = tpu.vector_load %arg22[%swap3A_383] {strides = array<i32>} : memref<1024xi32, #tpu.memory_space<vmem>>, vector<16xi32>,
    tpu.vector_store %arg22[%swap3A_383], %broadcast_in_dim3A_3 {strides = array<i32>} : memref<1024xi32, #tpu.memory_space<vmem>>, vector<16xi32>,
    %swap3A_385 = arith.constant 752 : index
    %swap3A_386 = tpu.vector_load %arg23[%swap3A_385] {strides = array<i32>} : memref<1024xi32, #tpu.memory_space<vmem>>, vector<16xi32>,
    tpu.vector_store %arg23[%swap3A_385], %broadcast_in_dim3A_3 {strides = array<i32>} : memref<1024xi32, #tpu.memory_space<vmem>>, vector<16xi32>,
    %swap3A_387 = arith.constant 768 : index
    %swap3A_388 = tpu.vector_load %arg20[%swap3A_387] {strides = array<i32>} : memref<1024xi32, #tpu.memory_space<vmem>>, vector<16xi32>,
    tpu.vector_store %arg20[%swap3A_387], %broadcast_in_dim3A_3 {strides = array<i32>} : memref<1024xi32, #tpu.memory_space<vmem>>, vector<16xi32>,
    %swap3A_389 = arith.constant 768 : index
    %swap3A_390 = tpu.vector_load %arg21[%swap3A_389] {strides = array<i32>} : memref<1024xi32, #tpu.memory_space<vmem>>, vector<16xi32>,
    tpu.vector_store %arg21[%swap3A_389], %broadcast_in_dim3A_3 {strides = array<i32>} : memref<1024xi32, #tpu.memory_space<vmem>>, vector<16xi32>,
    %swap3A_391 = arith.constant 768 : index
    %swap3A_392 = tpu.vector_load %arg22[%swap3A_391] {strides = array<i32>} : memref<1024xi32, #tpu.memory_space<vmem>>, vector<16xi32>,
    tpu.vector_store %arg22[%swap3A_391], %broadcast_in_dim3A_3 {strides = array<i32>} : memref<1024xi32, #tpu.memory_space<vmem>>, vector<16xi32>,
    %swap3A_393 = arith.constant 768 : index
    %swap3A_394 = tpu.vector_load %arg23[%swap3A_393] {strides = array<i32>} : memref<1024xi32, #tpu.memory_space<vmem>>, vector<16xi32>,
    tpu.vector_store %arg23[%swap3A_393], %broadcast_in_dim3A_3 {strides = array<i32>} : memref<1024xi32, #tpu.memory_space<vmem>>, vector<16xi32>,
    %swap3A_395 = arith.constant 784 : index
    %swap3A_396 = tpu.vector_load %arg20[%swap3A_395] {strides = array<i32>} : memref<1024xi32, #tpu.memory_space<vmem>>, vector<16xi32>,
    tpu.vector_store %arg20[%swap3A_395], %broadcast_in_dim3A_3 {strides = array<i32>} : memref<1024xi32, #tpu.memory_space<vmem>>, vector<16xi32>,
    %swap3A_397 = arith.constant 784 : index
    %swap3A_398 = tpu.vector_load %arg21[%swap3A_397] {strides = array<i32>} : memref<1024xi32, #tpu.memory_space<vmem>>, vector<16xi32>,
    tpu.vector_store %arg21[%swap3A_397], %broadcast_in_dim3A_3 {strides = array<i32>} : memref<1024xi32, #tpu.memory_space<vmem>>, vector<16xi32>,
    %swap3A_399 = arith.constant 784 : index
    %swap3A_400 = tpu.vector_load %arg22[%swap3A_399] {strides = array<i32>} : memref<1024xi32, #tpu.memory_space<vmem>>, vector<16xi32>,
    tpu.vector_store %arg22[%swap3A_399], %broadcast_in_dim3A_3 {strides = array<i32>} : memref<1024xi32, #tpu.memory_space<vmem>>, vector<16xi32>,
    %swap3A_401 = arith.constant 784 : index
    %swap3A_402 = tpu.vector_load %arg23[%swap3A_401] {strides = array<i32>} : memref<1024xi32, #tpu.memory_space<vmem>>, vector<16xi32>,
    tpu.vector_store %arg23[%swap3A_401], %broadcast_in_dim3A_3 {strides = array<i32>} : memref<1024xi32, #tpu.memory_space<vmem>>, vector<16xi32>,
    %swap3A_403 = arith.constant 800 : index
    %swap3A_404 = tpu.vector_load %arg20[%swap3A_403] {strides = array<i32>} : memref<1024xi32, #tpu.memory_space<vmem>>, vector<16xi32>,
    tpu.vector_store %arg20[%swap3A_403], %broadcast_in_dim3A_3 {strides = array<i32>} : memref<1024xi32, #tpu.memory_space<vmem>>, vector<16xi32>,
    %swap3A_405 = arith.constant 800 : index
    %swap3A_406 = tpu.vector_load %arg21[%swap3A_405] {strides = array<i32>} : memref<1024xi32, #tpu.memory_space<vmem>>, vector<16xi32>,
    tpu.vector_store %arg21[%swap3A_405], %broadcast_in_dim3A_3 {strides = array<i32>} : memref<1024xi32, #tpu.memory_space<vmem>>, vector<16xi32>,
    %swap3A_407 = arith.constant 800 : index
    %swap3A_408 = tpu.vector_load %arg22[%swap3A_407] {strides = array<i32>} : memref<1024xi32, #tpu.memory_space<vmem>>, vector<16xi32>,
    tpu.vector_store %arg22[%swap3A_407], %broadcast_in_dim3A_3 {strides = array<i32>} : memref<1024xi32, #tpu.memory_space<vmem>>, vector<16xi32>,
    %swap3A_409 = arith.constant 800 : index
    %swap3A_410 = tpu.vector_load %arg23[%swap3A_409] {strides = array<i32>} : memref<1024xi32, #tpu.memory_space<vmem>>, vector<16xi32>,
    tpu.vector_store %arg23[%swap3A_409], %broadcast_in_dim3A_3 {strides = array<i32>} : memref<1024xi32, #tpu.memory_space<vmem>>, vector<16xi32>,
    %swap3A_411 = arith.constant 816 : index
    %swap3A_412 = tpu.vector_load %arg20[%swap3A_411] {strides = array<i32>} : memref<1024xi32, #tpu.memory_space<vmem>>, vector<16xi32>,
    tpu.vector_store %arg20[%swap3A_411], %broadcast_in_dim3A_3 {strides = array<i32>} : memref<1024xi32, #tpu.memory_space<vmem>>, vector<16xi32>,
    %swap3A_413 = arith.constant 816 : index
    %swap3A_414 = tpu.vector_load %arg21[%swap3A_413] {strides = array<i32>} : memref<1024xi32, #tpu.memory_space<vmem>>, vector<16xi32>,
    tpu.vector_store %arg21[%swap3A_413], %broadcast_in_dim3A_3 {strides = array<i32>} : memref<1024xi32, #tpu.memory_space<vmem>>, vector<16xi32>,
    %swap3A_415 = arith.constant 816 : index
    %swap3A_416 = tpu.vector_load %arg22[%swap3A_415] {strides = array<i32>} : memref<1024xi32, #tpu.memory_space<vmem>>, vector<16xi32>,
    tpu.vector_store %arg22[%swap3A_415], %broadcast_in_dim3A_3 {strides = array<i32>} : memref<1024xi32, #tpu.memory_space<vmem>>, vector<16xi32>,
    %swap3A_417 = arith.constant 816 : index
    %swap3A_418 = tpu.vector_load %arg23[%swap3A_417] {strides = array<i32>} : memref<1024xi32, #tpu.memory_space<vmem>>, vector<16xi32>,
    tpu.vector_store %arg23[%swap3A_417], %broadcast_in_dim3A_3 {strides = array<i32>} : memref<1024xi32, #tpu.memory_space<vmem>>, vector<16xi32>,
    %swap3A_419 = arith.constant 832 : index
    %swap3A_420 = tpu.vector_load %arg20[%swap3A_419] {strides = array<i32>} : memref<1024xi32, #tpu.memory_space<vmem>>, vector<16xi32>,
    tpu.vector_store %arg20[%swap3A_419], %broadcast_in_dim3A_3 {strides = array<i32>} : memref<1024xi32, #tpu.memory_space<vmem>>, vector<16xi32>,
    %swap3A_421 = arith.constant 832 : index
    %swap3A_422 = tpu.vector_load %arg21[%swap3A_421] {strides = array<i32>} : memref<1024xi32, #tpu.memory_space<vmem>>, vector<16xi32>,
    tpu.vector_store %arg21[%swap3A_421], %broadcast_in_dim3A_3 {strides = array<i32>} : memref<1024xi32, #tpu.memory_space<vmem>>, vector<16xi32>,
    %swap3A_423 = arith.constant 832 : index
    %swap3A_424 = tpu.vector_load %arg22[%swap3A_423] {strides = array<i32>} : memref<1024xi32, #tpu.memory_space<vmem>>, vector<16xi32>,
    tpu.vector_store %arg22[%swap3A_423], %broadcast_in_dim3A_3 {strides = array<i32>} : memref<1024xi32, #tpu.memory_space<vmem>>, vector<16xi32>,
    %swap3A_425 = arith.constant 832 : index
    %swap3A_426 = tpu.vector_load %arg23[%swap3A_425] {strides = array<i32>} : memref<1024xi32, #tpu.memory_space<vmem>>, vector<16xi32>,
    tpu.vector_store %arg23[%swap3A_425], %broadcast_in_dim3A_3 {strides = array<i32>} : memref<1024xi32, #tpu.memory_space<vmem>>, vector<16xi32>,
    %swap3A_427 = arith.constant 848 : index
    %swap3A_428 = tpu.vector_load %arg20[%swap3A_427] {strides = array<i32>} : memref<1024xi32, #tpu.memory_space<vmem>>, vector<16xi32>,
    tpu.vector_store %arg20[%swap3A_427], %broadcast_in_dim3A_3 {strides = array<i32>} : memref<1024xi32, #tpu.memory_space<vmem>>, vector<16xi32>,
    %swap3A_429 = arith.constant 848 : index
    %swap3A_430 = tpu.vector_load %arg21[%swap3A_429] {strides = array<i32>} : memref<1024xi32, #tpu.memory_space<vmem>>, vector<16xi32>,
    tpu.vector_store %arg21[%swap3A_429], %broadcast_in_dim3A_3 {strides = array<i32>} : memref<1024xi32, #tpu.memory_space<vmem>>, vector<16xi32>,
    %swap3A_431 = arith.constant 848 : index
    %swap3A_432 = tpu.vector_load %arg22[%swap3A_431] {strides = array<i32>} : memref<1024xi32, #tpu.memory_space<vmem>>, vector<16xi32>,
    tpu.vector_store %arg22[%swap3A_431], %broadcast_in_dim3A_3 {strides = array<i32>} : memref<1024xi32, #tpu.memory_space<vmem>>, vector<16xi32>,
    %swap3A_433 = arith.constant 848 : index
    %swap3A_434 = tpu.vector_load %arg23[%swap3A_433] {strides = array<i32>} : memref<1024xi32, #tpu.memory_space<vmem>>, vector<16xi32>,
    tpu.vector_store %arg23[%swap3A_433], %broadcast_in_dim3A_3 {strides = array<i32>} : memref<1024xi32, #tpu.memory_space<vmem>>, vector<16xi32>,
    %swap3A_435 = arith.constant 864 : index
    %swap3A_436 = tpu.vector_load %arg20[%swap3A_435] {strides = array<i32>} : memref<1024xi32, #tpu.memory_space<vmem>>, vector<16xi32>,
    tpu.vector_store %arg20[%swap3A_435], %broadcast_in_dim3A_3 {strides = array<i32>} : memref<1024xi32, #tpu.memory_space<vmem>>, vector<16xi32>,
    %swap3A_437 = arith.constant 864 : index
    %swap3A_438 = tpu.vector_load %arg21[%swap3A_437] {strides = array<i32>} : memref<1024xi32, #tpu.memory_space<vmem>>, vector<16xi32>,
    tpu.vector_store %arg21[%swap3A_437], %broadcast_in_dim3A_3 {strides = array<i32>} : memref<1024xi32, #tpu.memory_space<vmem>>, vector<16xi32>,
    %swap3A_439 = arith.constant 864 : index
    %swap3A_440 = tpu.vector_load %arg22[%swap3A_439] {strides = array<i32>} : memref<1024xi32, #tpu.memory_space<vmem>>, vector<16xi32>,
    tpu.vector_store %arg22[%swap3A_439], %broadcast_in_dim3A_3 {strides = array<i32>} : memref<1024xi32, #tpu.memory_space<vmem>>, vector<16xi32>,
    %swap3A_441 = arith.constant 864 : index
    %swap3A_442 = tpu.vector_load %arg23[%swap3A_441] {strides = array<i32>} : memref<1024xi32, #tpu.memory_space<vmem>>, vector<16xi32>,
    tpu.vector_store %arg23[%swap3A_441], %broadcast_in_dim3A_3 {strides = array<i32>} : memref<1024xi32, #tpu.memory_space<vmem>>, vector<16xi32>,
    %swap3A_443 = arith.constant 880 : index
    %swap3A_444 = tpu.vector_load %arg20[%swap3A_443] {strides = array<i32>} : memref<1024xi32, #tpu.memory_space<vmem>>, vector<16xi32>,
    tpu.vector_store %arg20[%swap3A_443], %broadcast_in_dim3A_3 {strides = array<i32>} : memref<1024xi32, #tpu.memory_space<vmem>>, vector<16xi32>,
    %swap3A_445 = arith.constant 880 : index
    %swap3A_446 = tpu.vector_load %arg21[%swap3A_445] {strides = array<i32>} : memref<1024xi32, #tpu.memory_space<vmem>>, vector<16xi32>,
    tpu.vector_store %arg21[%swap3A_445], %broadcast_in_dim3A_3 {strides = array<i32>} : memref<1024xi32, #tpu.memory_space<vmem>>, vector<16xi32>,
    %swap3A_447 = arith.constant 880 : index
    %swap3A_448 = tpu.vector_load %arg22[%swap3A_447] {strides = array<i32>} : memref<1024xi32, #tpu.memory_space<vmem>>, vector<16xi32>,
    tpu.vector_store %arg22[%swap3A_447], %broadcast_in_dim3A_3 {strides = array<i32>} : memref<1024xi32, #tpu.memory_space<vmem>>, vector<16xi32>,
    %swap3A_449 = arith.constant 880 : index
    %swap3A_450 = tpu.vector_load %arg23[%swap3A_449] {strides = array<i32>} : memref<1024xi32, #tpu.memory_space<vmem>>, vector<16xi32>,
    tpu.vector_store %arg23[%swap3A_449], %broadcast_in_dim3A_3 {strides = array<i32>} : memref<1024xi32, #tpu.memory_space<vmem>>, vector<16xi32>,
    %swap3A_451 = arith.constant 896 : index
    %swap3A_452 = tpu.vector_load %arg20[%swap3A_451] {strides = array<i32>} : memref<1024xi32, #tpu.memory_space<vmem>>, vector<16xi32>,
    tpu.vector_store %arg20[%swap3A_451], %broadcast_in_dim3A_3 {strides = array<i32>} : memref<1024xi32, #tpu.memory_space<vmem>>, vector<16xi32>,
    %swap3A_453 = arith.constant 896 : index
    %swap3A_454 = tpu.vector_load %arg21[%swap3A_453] {strides = array<i32>} : memref<1024xi32, #tpu.memory_space<vmem>>, vector<16xi32>,
    tpu.vector_store %arg21[%swap3A_453], %broadcast_in_dim3A_3 {strides = array<i32>} : memref<1024xi32, #tpu.memory_space<vmem>>, vector<16xi32>,
    %swap3A_455 = arith.constant 896 : index
    %swap3A_456 = tpu.vector_load %arg22[%swap3A_455] {strides = array<i32>} : memref<1024xi32, #tpu.memory_space<vmem>>, vector<16xi32>,
    tpu.vector_store %arg22[%swap3A_455], %broadcast_in_dim3A_3 {strides = array<i32>} : memref<1024xi32, #tpu.memory_space<vmem>>, vector<16xi32>,
    %swap3A_457 = arith.constant 896 : index
    %swap3A_458 = tpu.vector_load %arg23[%swap3A_457] {strides = array<i32>} : memref<1024xi32, #tpu.memory_space<vmem>>, vector<16xi32>,
    tpu.vector_store %arg23[%swap3A_457], %broadcast_in_dim3A_3 {strides = array<i32>} : memref<1024xi32, #tpu.memory_space<vmem>>, vector<16xi32>,
    %swap3A_459 = arith.constant 912 : index
    %swap3A_460 = tpu.vector_load %arg20[%swap3A_459] {strides = array<i32>} : memref<1024xi32, #tpu.memory_space<vmem>>, vector<16xi32>,
    tpu.vector_store %arg20[%swap3A_459], %broadcast_in_dim3A_3 {strides = array<i32>} : memref<1024xi32, #tpu.memory_space<vmem>>, vector<16xi32>,
    %swap3A_461 = arith.constant 912 : index
    %swap3A_462 = tpu.vector_load %arg21[%swap3A_461] {strides = array<i32>} : memref<1024xi32, #tpu.memory_space<vmem>>, vector<16xi32>,
    tpu.vector_store %arg21[%swap3A_461], %broadcast_in_dim3A_3 {strides = array<i32>} : memref<1024xi32, #tpu.memory_space<vmem>>, vector<16xi32>,
    %swap3A_463 = arith.constant 912 : index
    %swap3A_464 = tpu.vector_load %arg22[%swap3A_463] {strides = array<i32>} : memref<1024xi32, #tpu.memory_space<vmem>>, vector<16xi32>,
    tpu.vector_store %arg22[%swap3A_463], %broadcast_in_dim3A_3 {strides = array<i32>} : memref<1024xi32, #tpu.memory_space<vmem>>, vector<16xi32>,
    %swap3A_465 = arith.constant 912 : index
    %swap3A_466 = tpu.vector_load %arg23[%swap3A_465] {strides = array<i32>} : memref<1024xi32, #tpu.memory_space<vmem>>, vector<16xi32>,
    tpu.vector_store %arg23[%swap3A_465], %broadcast_in_dim3A_3 {strides = array<i32>} : memref<1024xi32, #tpu.memory_space<vmem>>, vector<16xi32>,
    %swap3A_467 = arith.constant 928 : index
    %swap3A_468 = tpu.vector_load %arg20[%swap3A_467] {strides = array<i32>} : memref<1024xi32, #tpu.memory_space<vmem>>, vector<16xi32>,
    tpu.vector_store %arg20[%swap3A_467], %broadcast_in_dim3A_3 {strides = array<i32>} : memref<1024xi32, #tpu.memory_space<vmem>>, vector<16xi32>,
    %swap3A_469 = arith.constant 928 : index
    %swap3A_470 = tpu.vector_load %arg21[%swap3A_469] {strides = array<i32>} : memref<1024xi32, #tpu.memory_space<vmem>>, vector<16xi32>,
    tpu.vector_store %arg21[%swap3A_469], %broadcast_in_dim3A_3 {strides = array<i32>} : memref<1024xi32, #tpu.memory_space<vmem>>, vector<16xi32>,
    %swap3A_471 = arith.constant 928 : index
    %swap3A_472 = tpu.vector_load %arg22[%swap3A_471] {strides = array<i32>} : memref<1024xi32, #tpu.memory_space<vmem>>, vector<16xi32>,
    tpu.vector_store %arg22[%swap3A_471], %broadcast_in_dim3A_3 {strides = array<i32>} : memref<1024xi32, #tpu.memory_space<vmem>>, vector<16xi32>,
    %swap3A_473 = arith.constant 928 : index
    %swap3A_474 = tpu.vector_load %arg23[%swap3A_473] {strides = array<i32>} : memref<1024xi32, #tpu.memory_space<vmem>>, vector<16xi32>,
    tpu.vector_store %arg23[%swap3A_473], %broadcast_in_dim3A_3 {strides = array<i32>} : memref<1024xi32, #tpu.memory_space<vmem>>, vector<16xi32>,
    %swap3A_475 = arith.constant 944 : index
    %swap3A_476 = tpu.vector_load %arg20[%swap3A_475] {strides = array<i32>} : memref<1024xi32, #tpu.memory_space<vmem>>, vector<16xi32>,
    tpu.vector_store %arg20[%swap3A_475], %broadcast_in_dim3A_3 {strides = array<i32>} : memref<1024xi32, #tpu.memory_space<vmem>>, vector<16xi32>,
    %swap3A_477 = arith.constant 944 : index
    %swap3A_478 = tpu.vector_load %arg21[%swap3A_477] {strides = array<i32>} : memref<1024xi32, #tpu.memory_space<vmem>>, vector<16xi32>,
    tpu.vector_store %arg21[%swap3A_477], %broadcast_in_dim3A_3 {strides = array<i32>} : memref<1024xi32, #tpu.memory_space<vmem>>, vector<16xi32>,
    %swap3A_479 = arith.constant 944 : index
    %swap3A_480 = tpu.vector_load %arg22[%swap3A_479] {strides = array<i32>} : memref<1024xi32, #tpu.memory_space<vmem>>, vector<16xi32>,
    tpu.vector_store %arg22[%swap3A_479], %broadcast_in_dim3A_3 {strides = array<i32>} : memref<1024xi32, #tpu.memory_space<vmem>>, vector<16xi32>,
    %swap3A_481 = arith.constant 944 : index
    %swap3A_482 = tpu.vector_load %arg23[%swap3A_481] {strides = array<i32>} : memref<1024xi32, #tpu.memory_space<vmem>>, vector<16xi32>,
    tpu.vector_store %arg23[%swap3A_481], %broadcast_in_dim3A_3 {strides = array<i32>} : memref<1024xi32, #tpu.memory_space<vmem>>, vector<16xi32>,
    %swap3A_483 = arith.constant 960 : index
    %swap3A_484 = tpu.vector_load %arg20[%swap3A_483] {strides = array<i32>} : memref<1024xi32, #tpu.memory_space<vmem>>, vector<16xi32>,
    tpu.vector_store %arg20[%swap3A_483], %broadcast_in_dim3A_3 {strides = array<i32>} : memref<1024xi32, #tpu.memory_space<vmem>>, vector<16xi32>,
    %swap3A_485 = arith.constant 960 : index
    %swap3A_486 = tpu.vector_load %arg21[%swap3A_485] {strides = array<i32>} : memref<1024xi32, #tpu.memory_space<vmem>>, vector<16xi32>,
    tpu.vector_store %arg21[%swap3A_485], %broadcast_in_dim3A_3 {strides = array<i32>} : memref<1024xi32, #tpu.memory_space<vmem>>, vector<16xi32>,
    %swap3A_487 = arith.constant 960 : index
    %swap3A_488 = tpu.vector_load %arg22[%swap3A_487] {strides = array<i32>} : memref<1024xi32, #tpu.memory_space<vmem>>, vector<16xi32>,
    tpu.vector_store %arg22[%swap3A_487], %broadcast_in_dim3A_3 {strides = array<i32>} : memref<1024xi32, #tpu.memory_space<vmem>>, vector<16xi32>,
    %swap3A_489 = arith.constant 960 : index
    %swap3A_490 = tpu.vector_load %arg23[%swap3A_489] {strides = array<i32>} : memref<1024xi32, #tpu.memory_space<vmem>>, vector<16xi32>,
    tpu.vector_store %arg23[%swap3A_489], %broadcast_in_dim3A_3 {strides = array<i32>} : memref<1024xi32, #tpu.memory_space<vmem>>, vector<16xi32>,
    %swap3A_491 = arith.constant 976 : index
    %swap3A_492 = tpu.vector_load %arg20[%swap3A_491] {strides = array<i32>} : memref<1024xi32, #tpu.memory_space<vmem>>, vector<16xi32>,
    tpu.vector_store %arg20[%swap3A_491], %broadcast_in_dim3A_3 {strides = array<i32>} : memref<1024xi32, #tpu.memory_space<vmem>>, vector<16xi32>,
    %swap3A_493 = arith.constant 976 : index
    %swap3A_494 = tpu.vector_load %arg21[%swap3A_493] {strides = array<i32>} : memref<1024xi32, #tpu.memory_space<vmem>>, vector<16xi32>,
    tpu.vector_store %arg21[%swap3A_493], %broadcast_in_dim3A_3 {strides = array<i32>} : memref<1024xi32, #tpu.memory_space<vmem>>, vector<16xi32>,
    %swap3A_495 = arith.constant 976 : index
    %swap3A_496 = tpu.vector_load %arg22[%swap3A_495] {strides = array<i32>} : memref<1024xi32, #tpu.memory_space<vmem>>, vector<16xi32>,
    tpu.vector_store %arg22[%swap3A_495], %broadcast_in_dim3A_3 {strides = array<i32>} : memref<1024xi32, #tpu.memory_space<vmem>>, vector<16xi32>,
    %swap3A_497 = arith.constant 976 : index
    %swap3A_498 = tpu.vector_load %arg23[%swap3A_497] {strides = array<i32>} : memref<1024xi32, #tpu.memory_space<vmem>>, vector<16xi32>,
    tpu.vector_store %arg23[%swap3A_497], %broadcast_in_dim3A_3 {strides = array<i32>} : memref<1024xi32, #tpu.memory_space<vmem>>, vector<16xi32>,
    %swap3A_499 = arith.constant 992 : index
    %swap3A_500 = tpu.vector_load %arg20[%swap3A_499] {strides = array<i32>} : memref<1024xi32, #tpu.memory_space<vmem>>, vector<16xi32>,
    tpu.vector_store %arg20[%swap3A_499], %broadcast_in_dim3A_3 {strides = array<i32>} : memref<1024xi32, #tpu.memory_space<vmem>>, vector<16xi32>,
    %swap3A_501 = arith.constant 992 : index
    %swap3A_502 = tpu.vector_load %arg21[%swap3A_501] {strides = array<i32>} : memref<1024xi32, #tpu.memory_space<vmem>>, vector<16xi32>,
    tpu.vector_store %arg21[%swap3A_501], %broadcast_in_dim3A_3 {strides = array<i32>} : memref<1024xi32, #tpu.memory_space<vmem>>, vector<16xi32>,
    %swap3A_503 = arith.constant 992 : index
    %swap3A_504 = tpu.vector_load %arg22[%swap3A_503] {strides = array<i32>} : memref<1024xi32, #tpu.memory_space<vmem>>, vector<16xi32>,
    tpu.vector_store %arg22[%swap3A_503], %broadcast_in_dim3A_3 {strides = array<i32>} : memref<1024xi32, #tpu.memory_space<vmem>>, vector<16xi32>,
    %swap3A_505 = arith.constant 992 : index
    %swap3A_506 = tpu.vector_load %arg23[%swap3A_505] {strides = array<i32>} : memref<1024xi32, #tpu.memory_space<vmem>>, vector<16xi32>,
    tpu.vector_store %arg23[%swap3A_505], %broadcast_in_dim3A_3 {strides = array<i32>} : memref<1024xi32, #tpu.memory_space<vmem>>, vector<16xi32>,
    %swap3A_507 = arith.constant 1008 : index
    %swap3A_508 = tpu.vector_load %arg20[%swap3A_507] {strides = array<i32>} : memref<1024xi32, #tpu.memory_space<vmem>>, vector<16xi32>,
    tpu.vector_store %arg20[%swap3A_507], %broadcast_in_dim3A_3 {strides = array<i32>} : memref<1024xi32, #tpu.memory_space<vmem>>, vector<16xi32>,
    %swap3A_509 = arith.constant 1008 : index
    %swap3A_510 = tpu.vector_load %arg21[%swap3A_509] {strides = array<i32>} : memref<1024xi32, #tpu.memory_space<vmem>>, vector<16xi32>,
    tpu.vector_store %arg21[%swap3A_509], %broadcast_in_dim3A_3 {strides = array<i32>} : memref<1024xi32, #tpu.memory_space<vmem>>, vector<16xi32>,
    %swap3A_511 = arith.constant 1008 : index
    %swap3A_512 = tpu.vector_load %arg22[%swap3A_511] {strides = array<i32>} : memref<1024xi32, #tpu.memory_space<vmem>>, vector<16xi32>,
    tpu.vector_store %arg22[%swap3A_511], %broadcast_in_dim3A_3 {strides = array<i32>} : memref<1024xi32, #tpu.memory_space<vmem>>, vector<16xi32>,
    %swap3A_513 = arith.constant 1008 : index
    %swap3A_514 = tpu.vector_load %arg23[%swap3A_513] {strides = array<i32>} : memref<1024xi32, #tpu.memory_space<vmem>>, vector<16xi32>,
    tpu.vector_store %arg23[%swap3A_513], %broadcast_in_dim3A_3 {strides = array<i32>} : memref<1024xi32, #tpu.memory_space<vmem>>, vector<16xi32>,
    %broadcast_in_dim3A_515 = arith.constant 1 : i32
    %broadcast_in_dim3A_516 = vector.broadcast %broadcast_in_dim3A_515 : i32 to vector<16xi32>
    %broadcast_in_dim3A_517 = arith.constant 0.000000e+00 : f32
    %broadcast_in_dim3A_518 = vector.broadcast %broadcast_in_dim3A_517 : f32 to vector<16xf32>
    %broadcast_in_dim3A_519 = arith.constant 0.000000e+00 : f32
    %broadcast_in_dim3A_520 = vector.broadcast %broadcast_in_dim3A_519 : f32 to vector<16xf32>
    %broadcast_in_dim3A_521 = arith.constant 0.000000e+00 : f32
    %broadcast_in_dim3A_522 = vector.broadcast %broadcast_in_dim3A_521 : f32 to vector<16xf32>
    %broadcast_in_dim3A_523 = arith.constant 0.000000e+00 : f32
    %broadcast_in_dim3A_524 = vector.broadcast %broadcast_in_dim3A_523 : f32 to vector<16xf32>
    %get3A = arith.constant 0 : index
    %get3A_525 = tpu.vector_load %arg9[%get3A] {strides = array<i32>} : memref<1024xi32, #tpu.memory_space<vmem>>, vector<16xi32>,
    %get3A_526 = arith.constant 0 : index
    %get3A_527 = tpu.vector_load %arg10[%get3A_526] {strides = array<i32>} : memref<1024xf32, #tpu.memory_space<vmem>>, vector<16xf32>,
    %add3A_528 = arith.addf %broadcast_in_dim3A_518, %get3A_527 : vector<16xf32>
    %gather3A = tpu.vector_load_idx %arg11[%get3A_525] : memref<1024xi32, #tpu.memory_space<vmem>>[vector<16xi32>], vector<16xi32>,
    %gather3A_529 = tpu.vector_load_idx %arg12[%gather3A] : memref<1024xi32, #tpu.memory_space<vmem>>[vector<16xi32>], vector<16xi32>,
    %gather3A_530 = tpu.vector_load_idx %arg13[%gather3A_529] : memref<1024xi32, #tpu.memory_space<vmem>>[vector<16xi32>], vector<16xi32>,
    %gather3A_531 = tpu.vector_load_idx %arg14[%get3A_525] : memref<1024xf32, #tpu.memory_space<vmem>>[vector<16xi32>], vector<16xf32>,
    %add3A_532 = arith.addf %broadcast_in_dim3A_520, %gather3A_531 : vector<16xf32>
    %gather3A_533 = tpu.vector_load_idx %arg15[%gather3A] : memref<1024xf32, #tpu.memory_space<vmem>>[vector<16xi32>], vector<16xf32>,
    %add3A_534 = arith.addf %broadcast_in_dim3A_522, %gather3A_533 : vector<16xf32>
    %gather3A_535 = tpu.vector_load_idx %arg16[%gather3A_529] : memref<1024xf32, #tpu.memory_space<vmem>>[vector<16xi32>], vector<16xf32>,
    %add3A_536 = arith.addf %broadcast_in_dim3A_524, %gather3A_535 : vector<16xf32>
    %swap3A_537 = arith.constant 0 : index
    %swap3A_538 = tpu.vector_load %arg17[%swap3A_537] {strides = array<i32>} : memref<1024xi32, #tpu.memory_space<vmem>>, vector<16xi32>,
    tpu.vector_store %arg17[%swap3A_537], %gather3A {strides = array<i32>} : memref<1024xi32, #tpu.memory_space<vmem>>, vector<16xi32>,
    %swap3A_539 = arith.constant 0 : index
    %swap3A_540 = tpu.vector_load %arg18[%swap3A_539] {strides = array<i32>} : memref<1024xi32, #tpu.memory_space<vmem>>, vector<16xi32>,
    tpu.vector_store %arg18[%swap3A_539], %gather3A_529 {strides = array<i32>} : memref<1024xi32, #tpu.memory_space<vmem>>, vector<16xi32>,
    %swap3A_541 = arith.constant 0 : index
    %swap3A_542 = tpu.vector_load %arg19[%swap3A_541] {strides = array<i32>} : memref<1024xi32, #tpu.memory_space<vmem>>, vector<16xi32>,
    tpu.vector_store %arg19[%swap3A_541], %gather3A_530 {strides = array<i32>} : memref<1024xi32, #tpu.memory_space<vmem>>, vector<16xi32>,
    tpu.vector_store_idx %arg20[%get3A_525], %broadcast_in_dim3A_516 : memref<1024xi32, #tpu.memory_space<vmem>>[vector<16xi32>], vector<16xi32>,
    tpu.vector_store_idx %arg21[%gather3A], %broadcast_in_dim3A_516 : memref<1024xi32, #tpu.memory_space<vmem>>[vector<16xi32>], vector<16xi32>,
    tpu.vector_store_idx %arg22[%gather3A_529], %broadcast_in_dim3A_516 : memref<1024xi32, #tpu.memory_space<vmem>>[vector<16xi32>], vector<16xi32>,
    tpu.vector_store_idx %arg23[%gather3A_530], %broadcast_in_dim3A_516 : memref<1024xi32, #tpu.memory_space<vmem>>[vector<16xi32>], vector<16xi32>,
    %get3A_543 = arith.constant 16 : index
    %get3A_544 = tpu.vector_load %arg9[%get3A_543] {strides = array<i32>} : memref<1024xi32, #tpu.memory_space<vmem>>, vector<16xi32>,
    %get3A_545 = arith.constant 16 : index
    %get3A_546 = tpu.vector_load %arg10[%get3A_545] {strides = array<i32>} : memref<1024xf32, #tpu.memory_space<vmem>>, vector<16xf32>,
    %add3A_547 = arith.addf %add3A_528, %get3A_546 : vector<16xf32>
    %gather3A_548 = tpu.vector_load_idx %arg11[%get3A_544] : memref<1024xi32, #tpu.memory_space<vmem>>[vector<16xi32>], vector<16xi32>,
    %gather3A_549 = tpu.vector_load_idx %arg12[%gather3A_548] : memref<1024xi32, #tpu.memory_space<vmem>>[vector<16xi32>], vector<16xi32>,
    %gather3A_550 = tpu.vector_load_idx %arg13[%gather3A_549] : memref<1024xi32, #tpu.memory_space<vmem>>[vector<16xi32>], vector<16xi32>,
    %gather3A_551 = tpu.vector_load_idx %arg14[%get3A_544] : memref<1024xf32, #tpu.memory_space<vmem>>[vector<16xi32>], vector<16xf32>,
    %add3A_552 = arith.addf %add3A_532, %gather3A_551 : vector<16xf32>
    %gather3A_553 = tpu.vector_load_idx %arg15[%gather3A_548] : memref<1024xf32, #tpu.memory_space<vmem>>[vector<16xi32>], vector<16xf32>,
    %add3A_554 = arith.addf %add3A_534, %gather3A_553 : vector<16xf32>
    %gather3A_555 = tpu.vector_load_idx %arg16[%gather3A_549] : memref<1024xf32, #tpu.memory_space<vmem>>[vector<16xi32>], vector<16xf32>,
    %add3A_556 = arith.addf %add3A_536, %gather3A_555 : vector<16xf32>
    %swap3A_557 = arith.constant 16 : index
    %swap3A_558 = tpu.vector_load %arg17[%swap3A_557] {strides = array<i32>} : memref<1024xi32, #tpu.memory_space<vmem>>, vector<16xi32>,
    tpu.vector_store %arg17[%swap3A_557], %gather3A_548 {strides = array<i32>} : memref<1024xi32, #tpu.memory_space<vmem>>, vector<16xi32>,
    %swap3A_559 = arith.constant 16 : index
    %swap3A_560 = tpu.vector_load %arg18[%swap3A_559] {strides = array<i32>} : memref<1024xi32, #tpu.memory_space<vmem>>, vector<16xi32>,
    tpu.vector_store %arg18[%swap3A_559], %gather3A_549 {strides = array<i32>} : memref<1024xi32, #tpu.memory_space<vmem>>, vector<16xi32>,
    %swap3A_561 = arith.constant 16 : index
    %swap3A_562 = tpu.vector_load %arg19[%swap3A_561] {strides = array<i32>} : memref<1024xi32, #tpu.memory_space<vmem>>, vector<16xi32>,
    tpu.vector_store %arg19[%swap3A_561], %gather3A_550 {strides = array<i32>} : memref<1024xi32, #tpu.memory_space<vmem>>, vector<16xi32>,
    tpu.vector_store_idx %arg20[%get3A_544], %broadcast_in_dim3A_516 : memref<1024xi32, #tpu.memory_space<vmem>>[vector<16xi32>], vector<16xi32>,
    tpu.vector_store_idx %arg21[%gather3A_548], %broadcast_in_dim3A_516 : memref<1024xi32, #tpu.memory_space<vmem>>[vector<16xi32>], vector<16xi32>,
    tpu.vector_store_idx %arg22[%gather3A_549], %broadcast_in_dim3A_516 : memref<1024xi32, #tpu.memory_space<vmem>>[vector<16xi32>], vector<16xi32>,
    tpu.vector_store_idx %arg23[%gather3A_550], %broadcast_in_dim3A_516 : memref<1024xi32, #tpu.memory_space<vmem>>[vector<16xi32>], vector<16xi32>,
    %get3A_563 = arith.constant 32 : index
    %get3A_564 = tpu.vector_load %arg9[%get3A_563] {strides = array<i32>} : memref<1024xi32, #tpu.memory_space<vmem>>, vector<16xi32>,
    %get3A_565 = arith.constant 32 : index
    %get3A_566 = tpu.vector_load %arg10[%get3A_565] {strides = array<i32>} : memref<1024xf32, #tpu.memory_space<vmem>>, vector<16xf32>,
    %add3A_567 = arith.addf %add3A_547, %get3A_566 : vector<16xf32>
    %gather3A_568 = tpu.vector_load_idx %arg11[%get3A_564] : memref<1024xi32, #tpu.memory_space<vmem>>[vector<16xi32>], vector<16xi32>,
    %gather3A_569 = tpu.vector_load_idx %arg12[%gather3A_568] : memref<1024xi32, #tpu.memory_space<vmem>>[vector<16xi32>], vector<16xi32>,
    %gather3A_570 = tpu.vector_load_idx %arg13[%gather3A_569] : memref<1024xi32, #tpu.memory_space<vmem>>[vector<16xi32>], vector<16xi32>,
    %gather3A_571 = tpu.vector_load_idx %arg14[%get3A_564] : memref<1024xf32, #tpu.memory_space<vmem>>[vector<16xi32>], vector<16xf32>,
    %add3A_572 = arith.addf %add3A_552, %gather3A_571 : vector<16xf32>
    %gather3A_573 = tpu.vector_load_idx %arg15[%gather3A_568] : memref<1024xf32, #tpu.memory_space<vmem>>[vector<16xi32>], vector<16xf32>,
    %add3A_574 = arith.addf %add3A_554, %gather3A_573 : vector<16xf32>
    %gather3A_575 = tpu.vector_load_idx %arg16[%gather3A_569] : memref<1024xf32, #tpu.memory_space<vmem>>[vector<16xi32>], vector<16xf32>,
    %add3A_576 = arith.addf %add3A_556, %gather3A_575 : vector<16xf32>
    %swap3A_577 = arith.constant 32 : index
    %swap3A_578 = tpu.vector_load %arg17[%swap3A_577] {strides = array<i32>} : memref<1024xi32, #tpu.memory_space<vmem>>, vector<16xi32>,
    tpu.vector_store %arg17[%swap3A_577], %gather3A_568 {strides = array<i32>} : memref<1024xi32, #tpu.memory_space<vmem>>, vector<16xi32>,
    %swap3A_579 = arith.constant 32 : index
    %swap3A_580 = tpu.vector_load %arg18[%swap3A_579] {strides = array<i32>} : memref<1024xi32, #tpu.memory_space<vmem>>, vector<16xi32>,
    tpu.vector_store %arg18[%swap3A_579], %gather3A_569 {strides = array<i32>} : memref<1024xi32, #tpu.memory_space<vmem>>, vector<16xi32>,
    %swap3A_581 = arith.constant 32 : index
    %swap3A_582 = tpu.vector_load %arg19[%swap3A_581] {strides = array<i32>} : memref<1024xi32, #tpu.memory_space<vmem>>, vector<16xi32>,
    tpu.vector_store %arg19[%swap3A_581], %gather3A_570 {strides = array<i32>} : memref<1024xi32, #tpu.memory_space<vmem>>, vector<16xi32>,
    tpu.vector_store_idx %arg20[%get3A_564], %broadcast_in_dim3A_516 : memref<1024xi32, #tpu.memory_space<vmem>>[vector<16xi32>], vector<16xi32>,
    tpu.vector_store_idx %arg21[%gather3A_568], %broadcast_in_dim3A_516 : memref<1024xi32, #tpu.memory_space<vmem>>[vector<16xi32>], vector<16xi32>,
    tpu.vector_store_idx %arg22[%gather3A_569], %broadcast_in_dim3A_516 : memref<1024xi32, #tpu.memory_space<vmem>>[vector<16xi32>], vector<16xi32>,
    tpu.vector_store_idx %arg23[%gather3A_570], %broadcast_in_dim3A_516 : memref<1024xi32, #tpu.memory_space<vmem>>[vector<16xi32>], vector<16xi32>,
    %get3A_583 = arith.constant 48 : index
    %get3A_584 = tpu.vector_load %arg9[%get3A_583] {strides = array<i32>} : memref<1024xi32, #tpu.memory_space<vmem>>, vector<16xi32>,
    %get3A_585 = arith.constant 48 : index
    %get3A_586 = tpu.vector_load %arg10[%get3A_585] {strides = array<i32>} : memref<1024xf32, #tpu.memory_space<vmem>>, vector<16xf32>,
    %add3A_587 = arith.addf %add3A_567, %get3A_586 : vector<16xf32>
    %gather3A_588 = tpu.vector_load_idx %arg11[%get3A_584] : memref<1024xi32, #tpu.memory_space<vmem>>[vector<16xi32>], vector<16xi32>,
    %gather3A_589 = tpu.vector_load_idx %arg12[%gather3A_588] : memref<1024xi32, #tpu.memory_space<vmem>>[vector<16xi32>], vector<16xi32>,
    %gather3A_590 = tpu.vector_load_idx %arg13[%gather3A_589] : memref<1024xi32, #tpu.memory_space<vmem>>[vector<16xi32>], vector<16xi32>,
    %gather3A_591 = tpu.vector_load_idx %arg14[%get3A_584] : memref<1024xf32, #tpu.memory_space<vmem>>[vector<16xi32>], vector<16xf32>,
    %add3A_592 = arith.addf %add3A_572, %gather3A_591 : vector<16xf32>
    %gather3A_593 = tpu.vector_load_idx %arg15[%gather3A_588] : memref<1024xf32, #tpu.memory_space<vmem>>[vector<16xi32>], vector<16xf32>,
    %add3A_594 = arith.addf %add3A_574, %gather3A_593 : vector<16xf32>
    %gather3A_595 = tpu.vector_load_idx %arg16[%gather3A_589] : memref<1024xf32, #tpu.memory_space<vmem>>[vector<16xi32>], vector<16xf32>,
    %add3A_596 = arith.addf %add3A_576, %gather3A_595 : vector<16xf32>
    %swap3A_597 = arith.constant 48 : index
    %swap3A_598 = tpu.vector_load %arg17[%swap3A_597] {strides = array<i32>} : memref<1024xi32, #tpu.memory_space<vmem>>, vector<16xi32>,
    tpu.vector_store %arg17[%swap3A_597], %gather3A_588 {strides = array<i32>} : memref<1024xi32, #tpu.memory_space<vmem>>, vector<16xi32>,
    %swap3A_599 = arith.constant 48 : index
    %swap3A_600 = tpu.vector_load %arg18[%swap3A_599] {strides = array<i32>} : memref<1024xi32, #tpu.memory_space<vmem>>, vector<16xi32>,
    tpu.vector_store %arg18[%swap3A_599], %gather3A_589 {strides = array<i32>} : memref<1024xi32, #tpu.memory_space<vmem>>, vector<16xi32>,
    %swap3A_601 = arith.constant 48 : index
    %swap3A_602 = tpu.vector_load %arg19[%swap3A_601] {strides = array<i32>} : memref<1024xi32, #tpu.memory_space<vmem>>, vector<16xi32>,
    tpu.vector_store %arg19[%swap3A_601], %gather3A_590 {strides = array<i32>} : memref<1024xi32, #tpu.memory_space<vmem>>, vector<16xi32>,
    tpu.vector_store_idx %arg20[%get3A_584], %broadcast_in_dim3A_516 : memref<1024xi32, #tpu.memory_space<vmem>>[vector<16xi32>], vector<16xi32>,
    tpu.vector_store_idx %arg21[%gather3A_588], %broadcast_in_dim3A_516 : memref<1024xi32, #tpu.memory_space<vmem>>[vector<16xi32>], vector<16xi32>,
    tpu.vector_store_idx %arg22[%gather3A_589], %broadcast_in_dim3A_516 : memref<1024xi32, #tpu.memory_space<vmem>>[vector<16xi32>], vector<16xi32>,
    tpu.vector_store_idx %arg23[%gather3A_590], %broadcast_in_dim3A_516 : memref<1024xi32, #tpu.memory_space<vmem>>[vector<16xi32>], vector<16xi32>,
    %get3A_603 = arith.constant 64 : index
    %get3A_604 = tpu.vector_load %arg9[%get3A_603] {strides = array<i32>} : memref<1024xi32, #tpu.memory_space<vmem>>, vector<16xi32>,
    %get3A_605 = arith.constant 64 : index
    %get3A_606 = tpu.vector_load %arg10[%get3A_605] {strides = array<i32>} : memref<1024xf32, #tpu.memory_space<vmem>>, vector<16xf32>,
    %add3A_607 = arith.addf %add3A_587, %get3A_606 : vector<16xf32>
    %gather3A_608 = tpu.vector_load_idx %arg11[%get3A_604] : memref<1024xi32, #tpu.memory_space<vmem>>[vector<16xi32>], vector<16xi32>,
    %gather3A_609 = tpu.vector_load_idx %arg12[%gather3A_608] : memref<1024xi32, #tpu.memory_space<vmem>>[vector<16xi32>], vector<16xi32>,
    %gather3A_610 = tpu.vector_load_idx %arg13[%gather3A_609] : memref<1024xi32, #tpu.memory_space<vmem>>[vector<16xi32>], vector<16xi32>,
    %gather3A_611 = tpu.vector_load_idx %arg14[%get3A_604] : memref<1024xf32, #tpu.memory_space<vmem>>[vector<16xi32>], vector<16xf32>,
    %add3A_612 = arith.addf %add3A_592, %gather3A_611 : vector<16xf32>
    %gather3A_613 = tpu.vector_load_idx %arg15[%gather3A_608] : memref<1024xf32, #tpu.memory_space<vmem>>[vector<16xi32>], vector<16xf32>,
    %add3A_614 = arith.addf %add3A_594, %gather3A_613 : vector<16xf32>
    %gather3A_615 = tpu.vector_load_idx %arg16[%gather3A_609] : memref<1024xf32, #tpu.memory_space<vmem>>[vector<16xi32>], vector<16xf32>,
    %add3A_616 = arith.addf %add3A_596, %gather3A_615 : vector<16xf32>
    %swap3A_617 = arith.constant 64 : index
    %swap3A_618 = tpu.vector_load %arg17[%swap3A_617] {strides = array<i32>} : memref<1024xi32, #tpu.memory_space<vmem>>, vector<16xi32>,
    tpu.vector_store %arg17[%swap3A_617], %gather3A_608 {strides = array<i32>} : memref<1024xi32, #tpu.memory_space<vmem>>, vector<16xi32>,
    %swap3A_619 = arith.constant 64 : index
    %swap3A_620 = tpu.vector_load %arg18[%swap3A_619] {strides = array<i32>} : memref<1024xi32, #tpu.memory_space<vmem>>, vector<16xi32>,
    tpu.vector_store %arg18[%swap3A_619], %gather3A_609 {strides = array<i32>} : memref<1024xi32, #tpu.memory_space<vmem>>, vector<16xi32>,
    %swap3A_621 = arith.constant 64 : index
    %swap3A_622 = tpu.vector_load %arg19[%swap3A_621] {strides = array<i32>} : memref<1024xi32, #tpu.memory_space<vmem>>, vector<16xi32>,
    tpu.vector_store %arg19[%swap3A_621], %gather3A_610 {strides = array<i32>} : memref<1024xi32, #tpu.memory_space<vmem>>, vector<16xi32>,
    tpu.vector_store_idx %arg20[%get3A_604], %broadcast_in_dim3A_516 : memref<1024xi32, #tpu.memory_space<vmem>>[vector<16xi32>], vector<16xi32>,
    tpu.vector_store_idx %arg21[%gather3A_608], %broadcast_in_dim3A_516 : memref<1024xi32, #tpu.memory_space<vmem>>[vector<16xi32>], vector<16xi32>,
    tpu.vector_store_idx %arg22[%gather3A_609], %broadcast_in_dim3A_516 : memref<1024xi32, #tpu.memory_space<vmem>>[vector<16xi32>], vector<16xi32>,
    tpu.vector_store_idx %arg23[%gather3A_610], %broadcast_in_dim3A_516 : memref<1024xi32, #tpu.memory_space<vmem>>[vector<16xi32>], vector<16xi32>,
    %get3A_623 = arith.constant 80 : index
    %get3A_624 = tpu.vector_load %arg9[%get3A_623] {strides = array<i32>} : memref<1024xi32, #tpu.memory_space<vmem>>, vector<16xi32>,
    %get3A_625 = arith.constant 80 : index
    %get3A_626 = tpu.vector_load %arg10[%get3A_625] {strides = array<i32>} : memref<1024xf32, #tpu.memory_space<vmem>>, vector<16xf32>,
    %add3A_627 = arith.addf %add3A_607, %get3A_626 : vector<16xf32>
    %gather3A_628 = tpu.vector_load_idx %arg11[%get3A_624] : memref<1024xi32, #tpu.memory_space<vmem>>[vector<16xi32>], vector<16xi32>,
    %gather3A_629 = tpu.vector_load_idx %arg12[%gather3A_628] : memref<1024xi32, #tpu.memory_space<vmem>>[vector<16xi32>], vector<16xi32>,
    %gather3A_630 = tpu.vector_load_idx %arg13[%gather3A_629] : memref<1024xi32, #tpu.memory_space<vmem>>[vector<16xi32>], vector<16xi32>,
    %gather3A_631 = tpu.vector_load_idx %arg14[%get3A_624] : memref<1024xf32, #tpu.memory_space<vmem>>[vector<16xi32>], vector<16xf32>,
    %add3A_632 = arith.addf %add3A_612, %gather3A_631 : vector<16xf32>
    %gather3A_633 = tpu.vector_load_idx %arg15[%gather3A_628] : memref<1024xf32, #tpu.memory_space<vmem>>[vector<16xi32>], vector<16xf32>,
    %add3A_634 = arith.addf %add3A_614, %gather3A_633 : vector<16xf32>
    %gather3A_635 = tpu.vector_load_idx %arg16[%gather3A_629] : memref<1024xf32, #tpu.memory_space<vmem>>[vector<16xi32>], vector<16xf32>,
    %add3A_636 = arith.addf %add3A_616, %gather3A_635 : vector<16xf32>
    %swap3A_637 = arith.constant 80 : index
    %swap3A_638 = tpu.vector_load %arg17[%swap3A_637] {strides = array<i32>} : memref<1024xi32, #tpu.memory_space<vmem>>, vector<16xi32>,
    tpu.vector_store %arg17[%swap3A_637], %gather3A_628 {strides = array<i32>} : memref<1024xi32, #tpu.memory_space<vmem>>, vector<16xi32>,
    %swap3A_639 = arith.constant 80 : index
    %swap3A_640 = tpu.vector_load %arg18[%swap3A_639] {strides = array<i32>} : memref<1024xi32, #tpu.memory_space<vmem>>, vector<16xi32>,
    tpu.vector_store %arg18[%swap3A_639], %gather3A_629 {strides = array<i32>} : memref<1024xi32, #tpu.memory_space<vmem>>, vector<16xi32>,
    %swap3A_641 = arith.constant 80 : index
    %swap3A_642 = tpu.vector_load %arg19[%swap3A_641] {strides = array<i32>} : memref<1024xi32, #tpu.memory_space<vmem>>, vector<16xi32>,
    tpu.vector_store %arg19[%swap3A_641], %gather3A_630 {strides = array<i32>} : memref<1024xi32, #tpu.memory_space<vmem>>, vector<16xi32>,
    tpu.vector_store_idx %arg20[%get3A_624], %broadcast_in_dim3A_516 : memref<1024xi32, #tpu.memory_space<vmem>>[vector<16xi32>], vector<16xi32>,
    tpu.vector_store_idx %arg21[%gather3A_628], %broadcast_in_dim3A_516 : memref<1024xi32, #tpu.memory_space<vmem>>[vector<16xi32>], vector<16xi32>,
    tpu.vector_store_idx %arg22[%gather3A_629], %broadcast_in_dim3A_516 : memref<1024xi32, #tpu.memory_space<vmem>>[vector<16xi32>], vector<16xi32>,
    tpu.vector_store_idx %arg23[%gather3A_630], %broadcast_in_dim3A_516 : memref<1024xi32, #tpu.memory_space<vmem>>[vector<16xi32>], vector<16xi32>,
    %get3A_643 = arith.constant 96 : index
    %get3A_644 = tpu.vector_load %arg9[%get3A_643] {strides = array<i32>} : memref<1024xi32, #tpu.memory_space<vmem>>, vector<16xi32>,
    %get3A_645 = arith.constant 96 : index
    %get3A_646 = tpu.vector_load %arg10[%get3A_645] {strides = array<i32>} : memref<1024xf32, #tpu.memory_space<vmem>>, vector<16xf32>,
    %add3A_647 = arith.addf %add3A_627, %get3A_646 : vector<16xf32>
    %gather3A_648 = tpu.vector_load_idx %arg11[%get3A_644] : memref<1024xi32, #tpu.memory_space<vmem>>[vector<16xi32>], vector<16xi32>,
    %gather3A_649 = tpu.vector_load_idx %arg12[%gather3A_648] : memref<1024xi32, #tpu.memory_space<vmem>>[vector<16xi32>], vector<16xi32>,
    %gather3A_650 = tpu.vector_load_idx %arg13[%gather3A_649] : memref<1024xi32, #tpu.memory_space<vmem>>[vector<16xi32>], vector<16xi32>,
    %gather3A_651 = tpu.vector_load_idx %arg14[%get3A_644] : memref<1024xf32, #tpu.memory_space<vmem>>[vector<16xi32>], vector<16xf32>,
    %add3A_652 = arith.addf %add3A_632, %gather3A_651 : vector<16xf32>
    %gather3A_653 = tpu.vector_load_idx %arg15[%gather3A_648] : memref<1024xf32, #tpu.memory_space<vmem>>[vector<16xi32>], vector<16xf32>,
    %add3A_654 = arith.addf %add3A_634, %gather3A_653 : vector<16xf32>
    %gather3A_655 = tpu.vector_load_idx %arg16[%gather3A_649] : memref<1024xf32, #tpu.memory_space<vmem>>[vector<16xi32>], vector<16xf32>,
    %add3A_656 = arith.addf %add3A_636, %gather3A_655 : vector<16xf32>
    %swap3A_657 = arith.constant 96 : index
    %swap3A_658 = tpu.vector_load %arg17[%swap3A_657] {strides = array<i32>} : memref<1024xi32, #tpu.memory_space<vmem>>, vector<16xi32>,
    tpu.vector_store %arg17[%swap3A_657], %gather3A_648 {strides = array<i32>} : memref<1024xi32, #tpu.memory_space<vmem>>, vector<16xi32>,
    %swap3A_659 = arith.constant 96 : index
    %swap3A_660 = tpu.vector_load %arg18[%swap3A_659] {strides = array<i32>} : memref<1024xi32, #tpu.memory_space<vmem>>, vector<16xi32>,
    tpu.vector_store %arg18[%swap3A_659], %gather3A_649 {strides = array<i32>} : memref<1024xi32, #tpu.memory_space<vmem>>, vector<16xi32>,
    %swap3A_661 = arith.constant 96 : index
    %swap3A_662 = tpu.vector_load %arg19[%swap3A_661] {strides = array<i32>} : memref<1024xi32, #tpu.memory_space<vmem>>, vector<16xi32>,
    tpu.vector_store %arg19[%swap3A_661], %gather3A_650 {strides = array<i32>} : memref<1024xi32, #tpu.memory_space<vmem>>, vector<16xi32>,
    tpu.vector_store_idx %arg20[%get3A_644], %broadcast_in_dim3A_516 : memref<1024xi32, #tpu.memory_space<vmem>>[vector<16xi32>], vector<16xi32>,
    tpu.vector_store_idx %arg21[%gather3A_648], %broadcast_in_dim3A_516 : memref<1024xi32, #tpu.memory_space<vmem>>[vector<16xi32>], vector<16xi32>,
    tpu.vector_store_idx %arg22[%gather3A_649], %broadcast_in_dim3A_516 : memref<1024xi32, #tpu.memory_space<vmem>>[vector<16xi32>], vector<16xi32>,
    tpu.vector_store_idx %arg23[%gather3A_650], %broadcast_in_dim3A_516 : memref<1024xi32, #tpu.memory_space<vmem>>[vector<16xi32>], vector<16xi32>,
    %get3A_663 = arith.constant 112 : index
    %get3A_664 = tpu.vector_load %arg9[%get3A_663] {strides = array<i32>} : memref<1024xi32, #tpu.memory_space<vmem>>, vector<16xi32>,
    %get3A_665 = arith.constant 112 : index
    %get3A_666 = tpu.vector_load %arg10[%get3A_665] {strides = array<i32>} : memref<1024xf32, #tpu.memory_space<vmem>>, vector<16xf32>,
    %add3A_667 = arith.addf %add3A_647, %get3A_666 : vector<16xf32>
    %gather3A_668 = tpu.vector_load_idx %arg11[%get3A_664] : memref<1024xi32, #tpu.memory_space<vmem>>[vector<16xi32>], vector<16xi32>,
    %gather3A_669 = tpu.vector_load_idx %arg12[%gather3A_668] : memref<1024xi32, #tpu.memory_space<vmem>>[vector<16xi32>], vector<16xi32>,
    %gather3A_670 = tpu.vector_load_idx %arg13[%gather3A_669] : memref<1024xi32, #tpu.memory_space<vmem>>[vector<16xi32>], vector<16xi32>,
    %gather3A_671 = tpu.vector_load_idx %arg14[%get3A_664] : memref<1024xf32, #tpu.memory_space<vmem>>[vector<16xi32>], vector<16xf32>,
    %add3A_672 = arith.addf %add3A_652, %gather3A_671 : vector<16xf32>
    %gather3A_673 = tpu.vector_load_idx %arg15[%gather3A_668] : memref<1024xf32, #tpu.memory_space<vmem>>[vector<16xi32>], vector<16xf32>,
    %add3A_674 = arith.addf %add3A_654, %gather3A_673 : vector<16xf32>
    %gather3A_675 = tpu.vector_load_idx %arg16[%gather3A_669] : memref<1024xf32, #tpu.memory_space<vmem>>[vector<16xi32>], vector<16xf32>,
    %add3A_676 = arith.addf %add3A_656, %gather3A_675 : vector<16xf32>
    %swap3A_677 = arith.constant 112 : index
    %swap3A_678 = tpu.vector_load %arg17[%swap3A_677] {strides = array<i32>} : memref<1024xi32, #tpu.memory_space<vmem>>, vector<16xi32>,
    tpu.vector_store %arg17[%swap3A_677], %gather3A_668 {strides = array<i32>} : memref<1024xi32, #tpu.memory_space<vmem>>, vector<16xi32>,
    %swap3A_679 = arith.constant 112 : index
    %swap3A_680 = tpu.vector_load %arg18[%swap3A_679] {strides = array<i32>} : memref<1024xi32, #tpu.memory_space<vmem>>, vector<16xi32>,
    tpu.vector_store %arg18[%swap3A_679], %gather3A_669 {strides = array<i32>} : memref<1024xi32, #tpu.memory_space<vmem>>, vector<16xi32>,
    %swap3A_681 = arith.constant 112 : index
    %swap3A_682 = tpu.vector_load %arg19[%swap3A_681] {strides = array<i32>} : memref<1024xi32, #tpu.memory_space<vmem>>, vector<16xi32>,
    tpu.vector_store %arg19[%swap3A_681], %gather3A_670 {strides = array<i32>} : memref<1024xi32, #tpu.memory_space<vmem>>, vector<16xi32>,
    tpu.vector_store_idx %arg20[%get3A_664], %broadcast_in_dim3A_516 : memref<1024xi32, #tpu.memory_space<vmem>>[vector<16xi32>], vector<16xi32>,
    tpu.vector_store_idx %arg21[%gather3A_668], %broadcast_in_dim3A_516 : memref<1024xi32, #tpu.memory_space<vmem>>[vector<16xi32>], vector<16xi32>,
    tpu.vector_store_idx %arg22[%gather3A_669], %broadcast_in_dim3A_516 : memref<1024xi32, #tpu.memory_space<vmem>>[vector<16xi32>], vector<16xi32>,
    tpu.vector_store_idx %arg23[%gather3A_670], %broadcast_in_dim3A_516 : memref<1024xi32, #tpu.memory_space<vmem>>[vector<16xi32>], vector<16xi32>,
    %get3A_683 = arith.constant 128 : index
    %get3A_684 = tpu.vector_load %arg9[%get3A_683] {strides = array<i32>} : memref<1024xi32, #tpu.memory_space<vmem>>, vector<16xi32>,
    %get3A_685 = arith.constant 128 : index
    %get3A_686 = tpu.vector_load %arg10[%get3A_685] {strides = array<i32>} : memref<1024xf32, #tpu.memory_space<vmem>>, vector<16xf32>,
    %add3A_687 = arith.addf %add3A_667, %get3A_686 : vector<16xf32>
    %gather3A_688 = tpu.vector_load_idx %arg11[%get3A_684] : memref<1024xi32, #tpu.memory_space<vmem>>[vector<16xi32>], vector<16xi32>,
    %gather3A_689 = tpu.vector_load_idx %arg12[%gather3A_688] : memref<1024xi32, #tpu.memory_space<vmem>>[vector<16xi32>], vector<16xi32>,
    %gather3A_690 = tpu.vector_load_idx %arg13[%gather3A_689] : memref<1024xi32, #tpu.memory_space<vmem>>[vector<16xi32>], vector<16xi32>,
    %gather3A_691 = tpu.vector_load_idx %arg14[%get3A_684] : memref<1024xf32, #tpu.memory_space<vmem>>[vector<16xi32>], vector<16xf32>,
    %add3A_692 = arith.addf %add3A_672, %gather3A_691 : vector<16xf32>
    %gather3A_693 = tpu.vector_load_idx %arg15[%gather3A_688] : memref<1024xf32, #tpu.memory_space<vmem>>[vector<16xi32>], vector<16xf32>,
    %add3A_694 = arith.addf %add3A_674, %gather3A_693 : vector<16xf32>
    %gather3A_695 = tpu.vector_load_idx %arg16[%gather3A_689] : memref<1024xf32, #tpu.memory_space<vmem>>[vector<16xi32>], vector<16xf32>,
    %add3A_696 = arith.addf %add3A_676, %gather3A_695 : vector<16xf32>
    %swap3A_697 = arith.constant 128 : index
    %swap3A_698 = tpu.vector_load %arg17[%swap3A_697] {strides = array<i32>} : memref<1024xi32, #tpu.memory_space<vmem>>, vector<16xi32>,
    tpu.vector_store %arg17[%swap3A_697], %gather3A_688 {strides = array<i32>} : memref<1024xi32, #tpu.memory_space<vmem>>, vector<16xi32>,
    %swap3A_699 = arith.constant 128 : index
    %swap3A_700 = tpu.vector_load %arg18[%swap3A_699] {strides = array<i32>} : memref<1024xi32, #tpu.memory_space<vmem>>, vector<16xi32>,
    tpu.vector_store %arg18[%swap3A_699], %gather3A_689 {strides = array<i32>} : memref<1024xi32, #tpu.memory_space<vmem>>, vector<16xi32>,
    %swap3A_701 = arith.constant 128 : index
    %swap3A_702 = tpu.vector_load %arg19[%swap3A_701] {strides = array<i32>} : memref<1024xi32, #tpu.memory_space<vmem>>, vector<16xi32>,
    tpu.vector_store %arg19[%swap3A_701], %gather3A_690 {strides = array<i32>} : memref<1024xi32, #tpu.memory_space<vmem>>, vector<16xi32>,
    tpu.vector_store_idx %arg20[%get3A_684], %broadcast_in_dim3A_516 : memref<1024xi32, #tpu.memory_space<vmem>>[vector<16xi32>], vector<16xi32>,
    tpu.vector_store_idx %arg21[%gather3A_688], %broadcast_in_dim3A_516 : memref<1024xi32, #tpu.memory_space<vmem>>[vector<16xi32>], vector<16xi32>,
    tpu.vector_store_idx %arg22[%gather3A_689], %broadcast_in_dim3A_516 : memref<1024xi32, #tpu.memory_space<vmem>>[vector<16xi32>], vector<16xi32>,
    tpu.vector_store_idx %arg23[%gather3A_690], %broadcast_in_dim3A_516 : memref<1024xi32, #tpu.memory_space<vmem>>[vector<16xi32>], vector<16xi32>,
    %get3A_703 = arith.constant 144 : index
    %get3A_704 = tpu.vector_load %arg9[%get3A_703] {strides = array<i32>} : memref<1024xi32, #tpu.memory_space<vmem>>, vector<16xi32>,
    %get3A_705 = arith.constant 144 : index
    %get3A_706 = tpu.vector_load %arg10[%get3A_705] {strides = array<i32>} : memref<1024xf32, #tpu.memory_space<vmem>>, vector<16xf32>,
    %add3A_707 = arith.addf %add3A_687, %get3A_706 : vector<16xf32>
    %gather3A_708 = tpu.vector_load_idx %arg11[%get3A_704] : memref<1024xi32, #tpu.memory_space<vmem>>[vector<16xi32>], vector<16xi32>,
    %gather3A_709 = tpu.vector_load_idx %arg12[%gather3A_708] : memref<1024xi32, #tpu.memory_space<vmem>>[vector<16xi32>], vector<16xi32>,
    %gather3A_710 = tpu.vector_load_idx %arg13[%gather3A_709] : memref<1024xi32, #tpu.memory_space<vmem>>[vector<16xi32>], vector<16xi32>,
    %gather3A_711 = tpu.vector_load_idx %arg14[%get3A_704] : memref<1024xf32, #tpu.memory_space<vmem>>[vector<16xi32>], vector<16xf32>,
    %add3A_712 = arith.addf %add3A_692, %gather3A_711 : vector<16xf32>
    %gather3A_713 = tpu.vector_load_idx %arg15[%gather3A_708] : memref<1024xf32, #tpu.memory_space<vmem>>[vector<16xi32>], vector<16xf32>,
    %add3A_714 = arith.addf %add3A_694, %gather3A_713 : vector<16xf32>
    %gather3A_715 = tpu.vector_load_idx %arg16[%gather3A_709] : memref<1024xf32, #tpu.memory_space<vmem>>[vector<16xi32>], vector<16xf32>,
    %add3A_716 = arith.addf %add3A_696, %gather3A_715 : vector<16xf32>
    %swap3A_717 = arith.constant 144 : index
    %swap3A_718 = tpu.vector_load %arg17[%swap3A_717] {strides = array<i32>} : memref<1024xi32, #tpu.memory_space<vmem>>, vector<16xi32>,
    tpu.vector_store %arg17[%swap3A_717], %gather3A_708 {strides = array<i32>} : memref<1024xi32, #tpu.memory_space<vmem>>, vector<16xi32>,
    %swap3A_719 = arith.constant 144 : index
    %swap3A_720 = tpu.vector_load %arg18[%swap3A_719] {strides = array<i32>} : memref<1024xi32, #tpu.memory_space<vmem>>, vector<16xi32>,
    tpu.vector_store %arg18[%swap3A_719], %gather3A_709 {strides = array<i32>} : memref<1024xi32, #tpu.memory_space<vmem>>, vector<16xi32>,
    %swap3A_721 = arith.constant 144 : index
    %swap3A_722 = tpu.vector_load %arg19[%swap3A_721] {strides = array<i32>} : memref<1024xi32, #tpu.memory_space<vmem>>, vector<16xi32>,
    tpu.vector_store %arg19[%swap3A_721], %gather3A_710 {strides = array<i32>} : memref<1024xi32, #tpu.memory_space<vmem>>, vector<16xi32>,
    tpu.vector_store_idx %arg20[%get3A_704], %broadcast_in_dim3A_516 : memref<1024xi32, #tpu.memory_space<vmem>>[vector<16xi32>], vector<16xi32>,
    tpu.vector_store_idx %arg21[%gather3A_708], %broadcast_in_dim3A_516 : memref<1024xi32, #tpu.memory_space<vmem>>[vector<16xi32>], vector<16xi32>,
    tpu.vector_store_idx %arg22[%gather3A_709], %broadcast_in_dim3A_516 : memref<1024xi32, #tpu.memory_space<vmem>>[vector<16xi32>], vector<16xi32>,
    tpu.vector_store_idx %arg23[%gather3A_710], %broadcast_in_dim3A_516 : memref<1024xi32, #tpu.memory_space<vmem>>[vector<16xi32>], vector<16xi32>,
    %get3A_723 = arith.constant 160 : index
    %get3A_724 = tpu.vector_load %arg9[%get3A_723] {strides = array<i32>} : memref<1024xi32, #tpu.memory_space<vmem>>, vector<16xi32>,
    %get3A_725 = arith.constant 160 : index
    %get3A_726 = tpu.vector_load %arg10[%get3A_725] {strides = array<i32>} : memref<1024xf32, #tpu.memory_space<vmem>>, vector<16xf32>,
    %add3A_727 = arith.addf %add3A_707, %get3A_726 : vector<16xf32>
    %gather3A_728 = tpu.vector_load_idx %arg11[%get3A_724] : memref<1024xi32, #tpu.memory_space<vmem>>[vector<16xi32>], vector<16xi32>,
    %gather3A_729 = tpu.vector_load_idx %arg12[%gather3A_728] : memref<1024xi32, #tpu.memory_space<vmem>>[vector<16xi32>], vector<16xi32>,
    %gather3A_730 = tpu.vector_load_idx %arg13[%gather3A_729] : memref<1024xi32, #tpu.memory_space<vmem>>[vector<16xi32>], vector<16xi32>,
    %gather3A_731 = tpu.vector_load_idx %arg14[%get3A_724] : memref<1024xf32, #tpu.memory_space<vmem>>[vector<16xi32>], vector<16xf32>,
    %add3A_732 = arith.addf %add3A_712, %gather3A_731 : vector<16xf32>
    %gather3A_733 = tpu.vector_load_idx %arg15[%gather3A_728] : memref<1024xf32, #tpu.memory_space<vmem>>[vector<16xi32>], vector<16xf32>,
    %add3A_734 = arith.addf %add3A_714, %gather3A_733 : vector<16xf32>
    %gather3A_735 = tpu.vector_load_idx %arg16[%gather3A_729] : memref<1024xf32, #tpu.memory_space<vmem>>[vector<16xi32>], vector<16xf32>,
    %add3A_736 = arith.addf %add3A_716, %gather3A_735 : vector<16xf32>
    %swap3A_737 = arith.constant 160 : index
    %swap3A_738 = tpu.vector_load %arg17[%swap3A_737] {strides = array<i32>} : memref<1024xi32, #tpu.memory_space<vmem>>, vector<16xi32>,
    tpu.vector_store %arg17[%swap3A_737], %gather3A_728 {strides = array<i32>} : memref<1024xi32, #tpu.memory_space<vmem>>, vector<16xi32>,
    %swap3A_739 = arith.constant 160 : index
    %swap3A_740 = tpu.vector_load %arg18[%swap3A_739] {strides = array<i32>} : memref<1024xi32, #tpu.memory_space<vmem>>, vector<16xi32>,
    tpu.vector_store %arg18[%swap3A_739], %gather3A_729 {strides = array<i32>} : memref<1024xi32, #tpu.memory_space<vmem>>, vector<16xi32>,
    %swap3A_741 = arith.constant 160 : index
    %swap3A_742 = tpu.vector_load %arg19[%swap3A_741] {strides = array<i32>} : memref<1024xi32, #tpu.memory_space<vmem>>, vector<16xi32>,
    tpu.vector_store %arg19[%swap3A_741], %gather3A_730 {strides = array<i32>} : memref<1024xi32, #tpu.memory_space<vmem>>, vector<16xi32>,
    tpu.vector_store_idx %arg20[%get3A_724], %broadcast_in_dim3A_516 : memref<1024xi32, #tpu.memory_space<vmem>>[vector<16xi32>], vector<16xi32>,
    tpu.vector_store_idx %arg21[%gather3A_728], %broadcast_in_dim3A_516 : memref<1024xi32, #tpu.memory_space<vmem>>[vector<16xi32>], vector<16xi32>,
    tpu.vector_store_idx %arg22[%gather3A_729], %broadcast_in_dim3A_516 : memref<1024xi32, #tpu.memory_space<vmem>>[vector<16xi32>], vector<16xi32>,
    tpu.vector_store_idx %arg23[%gather3A_730], %broadcast_in_dim3A_516 : memref<1024xi32, #tpu.memory_space<vmem>>[vector<16xi32>], vector<16xi32>,
    %get3A_743 = arith.constant 176 : index
    %get3A_744 = tpu.vector_load %arg9[%get3A_743] {strides = array<i32>} : memref<1024xi32, #tpu.memory_space<vmem>>, vector<16xi32>,
    %get3A_745 = arith.constant 176 : index
    %get3A_746 = tpu.vector_load %arg10[%get3A_745] {strides = array<i32>} : memref<1024xf32, #tpu.memory_space<vmem>>, vector<16xf32>,
    %add3A_747 = arith.addf %add3A_727, %get3A_746 : vector<16xf32>
    %gather3A_748 = tpu.vector_load_idx %arg11[%get3A_744] : memref<1024xi32, #tpu.memory_space<vmem>>[vector<16xi32>], vector<16xi32>,
    %gather3A_749 = tpu.vector_load_idx %arg12[%gather3A_748] : memref<1024xi32, #tpu.memory_space<vmem>>[vector<16xi32>], vector<16xi32>,
    %gather3A_750 = tpu.vector_load_idx %arg13[%gather3A_749] : memref<1024xi32, #tpu.memory_space<vmem>>[vector<16xi32>], vector<16xi32>,
    %gather3A_751 = tpu.vector_load_idx %arg14[%get3A_744] : memref<1024xf32, #tpu.memory_space<vmem>>[vector<16xi32>], vector<16xf32>,
    %add3A_752 = arith.addf %add3A_732, %gather3A_751 : vector<16xf32>
    %gather3A_753 = tpu.vector_load_idx %arg15[%gather3A_748] : memref<1024xf32, #tpu.memory_space<vmem>>[vector<16xi32>], vector<16xf32>,
    %add3A_754 = arith.addf %add3A_734, %gather3A_753 : vector<16xf32>
    %gather3A_755 = tpu.vector_load_idx %arg16[%gather3A_749] : memref<1024xf32, #tpu.memory_space<vmem>>[vector<16xi32>], vector<16xf32>,
    %add3A_756 = arith.addf %add3A_736, %gather3A_755 : vector<16xf32>
    %swap3A_757 = arith.constant 176 : index
    %swap3A_758 = tpu.vector_load %arg17[%swap3A_757] {strides = array<i32>} : memref<1024xi32, #tpu.memory_space<vmem>>, vector<16xi32>,
    tpu.vector_store %arg17[%swap3A_757], %gather3A_748 {strides = array<i32>} : memref<1024xi32, #tpu.memory_space<vmem>>, vector<16xi32>,
    %swap3A_759 = arith.constant 176 : index
    %swap3A_760 = tpu.vector_load %arg18[%swap3A_759] {strides = array<i32>} : memref<1024xi32, #tpu.memory_space<vmem>>, vector<16xi32>,
    tpu.vector_store %arg18[%swap3A_759], %gather3A_749 {strides = array<i32>} : memref<1024xi32, #tpu.memory_space<vmem>>, vector<16xi32>,
    %swap3A_761 = arith.constant 176 : index
    %swap3A_762 = tpu.vector_load %arg19[%swap3A_761] {strides = array<i32>} : memref<1024xi32, #tpu.memory_space<vmem>>, vector<16xi32>,
    tpu.vector_store %arg19[%swap3A_761], %gather3A_750 {strides = array<i32>} : memref<1024xi32, #tpu.memory_space<vmem>>, vector<16xi32>,
    tpu.vector_store_idx %arg20[%get3A_744], %broadcast_in_dim3A_516 : memref<1024xi32, #tpu.memory_space<vmem>>[vector<16xi32>], vector<16xi32>,
    tpu.vector_store_idx %arg21[%gather3A_748], %broadcast_in_dim3A_516 : memref<1024xi32, #tpu.memory_space<vmem>>[vector<16xi32>], vector<16xi32>,
    tpu.vector_store_idx %arg22[%gather3A_749], %broadcast_in_dim3A_516 : memref<1024xi32, #tpu.memory_space<vmem>>[vector<16xi32>], vector<16xi32>,
    tpu.vector_store_idx %arg23[%gather3A_750], %broadcast_in_dim3A_516 : memref<1024xi32, #tpu.memory_space<vmem>>[vector<16xi32>], vector<16xi32>,
    %get3A_763 = arith.constant 192 : index
    %get3A_764 = tpu.vector_load %arg9[%get3A_763] {strides = array<i32>} : memref<1024xi32, #tpu.memory_space<vmem>>, vector<16xi32>,
    %get3A_765 = arith.constant 192 : index
    %get3A_766 = tpu.vector_load %arg10[%get3A_765] {strides = array<i32>} : memref<1024xf32, #tpu.memory_space<vmem>>, vector<16xf32>,
    %add3A_767 = arith.addf %add3A_747, %get3A_766 : vector<16xf32>
    %gather3A_768 = tpu.vector_load_idx %arg11[%get3A_764] : memref<1024xi32, #tpu.memory_space<vmem>>[vector<16xi32>], vector<16xi32>,
    %gather3A_769 = tpu.vector_load_idx %arg12[%gather3A_768] : memref<1024xi32, #tpu.memory_space<vmem>>[vector<16xi32>], vector<16xi32>,
    %gather3A_770 = tpu.vector_load_idx %arg13[%gather3A_769] : memref<1024xi32, #tpu.memory_space<vmem>>[vector<16xi32>], vector<16xi32>,
    %gather3A_771 = tpu.vector_load_idx %arg14[%get3A_764] : memref<1024xf32, #tpu.memory_space<vmem>>[vector<16xi32>], vector<16xf32>,
    %add3A_772 = arith.addf %add3A_752, %gather3A_771 : vector<16xf32>
    %gather3A_773 = tpu.vector_load_idx %arg15[%gather3A_768] : memref<1024xf32, #tpu.memory_space<vmem>>[vector<16xi32>], vector<16xf32>,
    %add3A_774 = arith.addf %add3A_754, %gather3A_773 : vector<16xf32>
    %gather3A_775 = tpu.vector_load_idx %arg16[%gather3A_769] : memref<1024xf32, #tpu.memory_space<vmem>>[vector<16xi32>], vector<16xf32>,
    %add3A_776 = arith.addf %add3A_756, %gather3A_775 : vector<16xf32>
    %swap3A_777 = arith.constant 192 : index
    %swap3A_778 = tpu.vector_load %arg17[%swap3A_777] {strides = array<i32>} : memref<1024xi32, #tpu.memory_space<vmem>>, vector<16xi32>,
    tpu.vector_store %arg17[%swap3A_777], %gather3A_768 {strides = array<i32>} : memref<1024xi32, #tpu.memory_space<vmem>>, vector<16xi32>,
    %swap3A_779 = arith.constant 192 : index
    %swap3A_780 = tpu.vector_load %arg18[%swap3A_779] {strides = array<i32>} : memref<1024xi32, #tpu.memory_space<vmem>>, vector<16xi32>,
    tpu.vector_store %arg18[%swap3A_779], %gather3A_769 {strides = array<i32>} : memref<1024xi32, #tpu.memory_space<vmem>>, vector<16xi32>,
    %swap3A_781 = arith.constant 192 : index
    %swap3A_782 = tpu.vector_load %arg19[%swap3A_781] {strides = array<i32>} : memref<1024xi32, #tpu.memory_space<vmem>>, vector<16xi32>,
    tpu.vector_store %arg19[%swap3A_781], %gather3A_770 {strides = array<i32>} : memref<1024xi32, #tpu.memory_space<vmem>>, vector<16xi32>,
    tpu.vector_store_idx %arg20[%get3A_764], %broadcast_in_dim3A_516 : memref<1024xi32, #tpu.memory_space<vmem>>[vector<16xi32>], vector<16xi32>,
    tpu.vector_store_idx %arg21[%gather3A_768], %broadcast_in_dim3A_516 : memref<1024xi32, #tpu.memory_space<vmem>>[vector<16xi32>], vector<16xi32>,
    tpu.vector_store_idx %arg22[%gather3A_769], %broadcast_in_dim3A_516 : memref<1024xi32, #tpu.memory_space<vmem>>[vector<16xi32>], vector<16xi32>,
    tpu.vector_store_idx %arg23[%gather3A_770], %broadcast_in_dim3A_516 : memref<1024xi32, #tpu.memory_space<vmem>>[vector<16xi32>], vector<16xi32>,
    %get3A_783 = arith.constant 208 : index
    %get3A_784 = tpu.vector_load %arg9[%get3A_783] {strides = array<i32>} : memref<1024xi32, #tpu.memory_space<vmem>>, vector<16xi32>,
    %get3A_785 = arith.constant 208 : index
    %get3A_786 = tpu.vector_load %arg10[%get3A_785] {strides = array<i32>} : memref<1024xf32, #tpu.memory_space<vmem>>, vector<16xf32>,
    %add3A_787 = arith.addf %add3A_767, %get3A_786 : vector<16xf32>
    %gather3A_788 = tpu.vector_load_idx %arg11[%get3A_784] : memref<1024xi32, #tpu.memory_space<vmem>>[vector<16xi32>], vector<16xi32>,
    %gather3A_789 = tpu.vector_load_idx %arg12[%gather3A_788] : memref<1024xi32, #tpu.memory_space<vmem>>[vector<16xi32>], vector<16xi32>,
    %gather3A_790 = tpu.vector_load_idx %arg13[%gather3A_789] : memref<1024xi32, #tpu.memory_space<vmem>>[vector<16xi32>], vector<16xi32>,
    %gather3A_791 = tpu.vector_load_idx %arg14[%get3A_784] : memref<1024xf32, #tpu.memory_space<vmem>>[vector<16xi32>], vector<16xf32>,
    %add3A_792 = arith.addf %add3A_772, %gather3A_791 : vector<16xf32>
    %gather3A_793 = tpu.vector_load_idx %arg15[%gather3A_788] : memref<1024xf32, #tpu.memory_space<vmem>>[vector<16xi32>], vector<16xf32>,
    %add3A_794 = arith.addf %add3A_774, %gather3A_793 : vector<16xf32>
    %gather3A_795 = tpu.vector_load_idx %arg16[%gather3A_789] : memref<1024xf32, #tpu.memory_space<vmem>>[vector<16xi32>], vector<16xf32>,
    %add3A_796 = arith.addf %add3A_776, %gather3A_795 : vector<16xf32>
    %swap3A_797 = arith.constant 208 : index
    %swap3A_798 = tpu.vector_load %arg17[%swap3A_797] {strides = array<i32>} : memref<1024xi32, #tpu.memory_space<vmem>>, vector<16xi32>,
    tpu.vector_store %arg17[%swap3A_797], %gather3A_788 {strides = array<i32>} : memref<1024xi32, #tpu.memory_space<vmem>>, vector<16xi32>,
    %swap3A_799 = arith.constant 208 : index
    %swap3A_800 = tpu.vector_load %arg18[%swap3A_799] {strides = array<i32>} : memref<1024xi32, #tpu.memory_space<vmem>>, vector<16xi32>,
    tpu.vector_store %arg18[%swap3A_799], %gather3A_789 {strides = array<i32>} : memref<1024xi32, #tpu.memory_space<vmem>>, vector<16xi32>,
    %swap3A_801 = arith.constant 208 : index
    %swap3A_802 = tpu.vector_load %arg19[%swap3A_801] {strides = array<i32>} : memref<1024xi32, #tpu.memory_space<vmem>>, vector<16xi32>,
    tpu.vector_store %arg19[%swap3A_801], %gather3A_790 {strides = array<i32>} : memref<1024xi32, #tpu.memory_space<vmem>>, vector<16xi32>,
    tpu.vector_store_idx %arg20[%get3A_784], %broadcast_in_dim3A_516 : memref<1024xi32, #tpu.memory_space<vmem>>[vector<16xi32>], vector<16xi32>,
    tpu.vector_store_idx %arg21[%gather3A_788], %broadcast_in_dim3A_516 : memref<1024xi32, #tpu.memory_space<vmem>>[vector<16xi32>], vector<16xi32>,
    tpu.vector_store_idx %arg22[%gather3A_789], %broadcast_in_dim3A_516 : memref<1024xi32, #tpu.memory_space<vmem>>[vector<16xi32>], vector<16xi32>,
    tpu.vector_store_idx %arg23[%gather3A_790], %broadcast_in_dim3A_516 : memref<1024xi32, #tpu.memory_space<vmem>>[vector<16xi32>], vector<16xi32>,
    %get3A_803 = arith.constant 224 : index
    %get3A_804 = tpu.vector_load %arg9[%get3A_803] {strides = array<i32>} : memref<1024xi32, #tpu.memory_space<vmem>>, vector<16xi32>,
    %get3A_805 = arith.constant 224 : index
    %get3A_806 = tpu.vector_load %arg10[%get3A_805] {strides = array<i32>} : memref<1024xf32, #tpu.memory_space<vmem>>, vector<16xf32>,
    %add3A_807 = arith.addf %add3A_787, %get3A_806 : vector<16xf32>
    %gather3A_808 = tpu.vector_load_idx %arg11[%get3A_804] : memref<1024xi32, #tpu.memory_space<vmem>>[vector<16xi32>], vector<16xi32>,
    %gather3A_809 = tpu.vector_load_idx %arg12[%gather3A_808] : memref<1024xi32, #tpu.memory_space<vmem>>[vector<16xi32>], vector<16xi32>,
    %gather3A_810 = tpu.vector_load_idx %arg13[%gather3A_809] : memref<1024xi32, #tpu.memory_space<vmem>>[vector<16xi32>], vector<16xi32>,
    %gather3A_811 = tpu.vector_load_idx %arg14[%get3A_804] : memref<1024xf32, #tpu.memory_space<vmem>>[vector<16xi32>], vector<16xf32>,
    %add3A_812 = arith.addf %add3A_792, %gather3A_811 : vector<16xf32>
    %gather3A_813 = tpu.vector_load_idx %arg15[%gather3A_808] : memref<1024xf32, #tpu.memory_space<vmem>>[vector<16xi32>], vector<16xf32>,
    %add3A_814 = arith.addf %add3A_794, %gather3A_813 : vector<16xf32>
    %gather3A_815 = tpu.vector_load_idx %arg16[%gather3A_809] : memref<1024xf32, #tpu.memory_space<vmem>>[vector<16xi32>], vector<16xf32>,
    %add3A_816 = arith.addf %add3A_796, %gather3A_815 : vector<16xf32>
    %swap3A_817 = arith.constant 224 : index
    %swap3A_818 = tpu.vector_load %arg17[%swap3A_817] {strides = array<i32>} : memref<1024xi32, #tpu.memory_space<vmem>>, vector<16xi32>,
    tpu.vector_store %arg17[%swap3A_817], %gather3A_808 {strides = array<i32>} : memref<1024xi32, #tpu.memory_space<vmem>>, vector<16xi32>,
    %swap3A_819 = arith.constant 224 : index
    %swap3A_820 = tpu.vector_load %arg18[%swap3A_819] {strides = array<i32>} : memref<1024xi32, #tpu.memory_space<vmem>>, vector<16xi32>,
    tpu.vector_store %arg18[%swap3A_819], %gather3A_809 {strides = array<i32>} : memref<1024xi32, #tpu.memory_space<vmem>>, vector<16xi32>,
    %swap3A_821 = arith.constant 224 : index
    %swap3A_822 = tpu.vector_load %arg19[%swap3A_821] {strides = array<i32>} : memref<1024xi32, #tpu.memory_space<vmem>>, vector<16xi32>,
    tpu.vector_store %arg19[%swap3A_821], %gather3A_810 {strides = array<i32>} : memref<1024xi32, #tpu.memory_space<vmem>>, vector<16xi32>,
    tpu.vector_store_idx %arg20[%get3A_804], %broadcast_in_dim3A_516 : memref<1024xi32, #tpu.memory_space<vmem>>[vector<16xi32>], vector<16xi32>,
    tpu.vector_store_idx %arg21[%gather3A_808], %broadcast_in_dim3A_516 : memref<1024xi32, #tpu.memory_space<vmem>>[vector<16xi32>], vector<16xi32>,
    tpu.vector_store_idx %arg22[%gather3A_809], %broadcast_in_dim3A_516 : memref<1024xi32, #tpu.memory_space<vmem>>[vector<16xi32>], vector<16xi32>,
    tpu.vector_store_idx %arg23[%gather3A_810], %broadcast_in_dim3A_516 : memref<1024xi32, #tpu.memory_space<vmem>>[vector<16xi32>], vector<16xi32>,
    %get3A_823 = arith.constant 240 : index
    %get3A_824 = tpu.vector_load %arg9[%get3A_823] {strides = array<i32>} : memref<1024xi32, #tpu.memory_space<vmem>>, vector<16xi32>,
    %get3A_825 = arith.constant 240 : index
    %get3A_826 = tpu.vector_load %arg10[%get3A_825] {strides = array<i32>} : memref<1024xf32, #tpu.memory_space<vmem>>, vector<16xf32>,
    %add3A_827 = arith.addf %add3A_807, %get3A_826 : vector<16xf32>
    %gather3A_828 = tpu.vector_load_idx %arg11[%get3A_824] : memref<1024xi32, #tpu.memory_space<vmem>>[vector<16xi32>], vector<16xi32>,
    %gather3A_829 = tpu.vector_load_idx %arg12[%gather3A_828] : memref<1024xi32, #tpu.memory_space<vmem>>[vector<16xi32>], vector<16xi32>,
    %gather3A_830 = tpu.vector_load_idx %arg13[%gather3A_829] : memref<1024xi32, #tpu.memory_space<vmem>>[vector<16xi32>], vector<16xi32>,
    %gather3A_831 = tpu.vector_load_idx %arg14[%get3A_824] : memref<1024xf32, #tpu.memory_space<vmem>>[vector<16xi32>], vector<16xf32>,
    %add3A_832 = arith.addf %add3A_812, %gather3A_831 : vector<16xf32>
    %gather3A_833 = tpu.vector_load_idx %arg15[%gather3A_828] : memref<1024xf32, #tpu.memory_space<vmem>>[vector<16xi32>], vector<16xf32>,
    %add3A_834 = arith.addf %add3A_814, %gather3A_833 : vector<16xf32>
    %gather3A_835 = tpu.vector_load_idx %arg16[%gather3A_829] : memref<1024xf32, #tpu.memory_space<vmem>>[vector<16xi32>], vector<16xf32>,
    %add3A_836 = arith.addf %add3A_816, %gather3A_835 : vector<16xf32>
    %swap3A_837 = arith.constant 240 : index
    %swap3A_838 = tpu.vector_load %arg17[%swap3A_837] {strides = array<i32>} : memref<1024xi32, #tpu.memory_space<vmem>>, vector<16xi32>,
    tpu.vector_store %arg17[%swap3A_837], %gather3A_828 {strides = array<i32>} : memref<1024xi32, #tpu.memory_space<vmem>>, vector<16xi32>,
    %swap3A_839 = arith.constant 240 : index
    %swap3A_840 = tpu.vector_load %arg18[%swap3A_839] {strides = array<i32>} : memref<1024xi32, #tpu.memory_space<vmem>>, vector<16xi32>,
    tpu.vector_store %arg18[%swap3A_839], %gather3A_829 {strides = array<i32>} : memref<1024xi32, #tpu.memory_space<vmem>>, vector<16xi32>,
    %swap3A_841 = arith.constant 240 : index
    %swap3A_842 = tpu.vector_load %arg19[%swap3A_841] {strides = array<i32>} : memref<1024xi32, #tpu.memory_space<vmem>>, vector<16xi32>,
    tpu.vector_store %arg19[%swap3A_841], %gather3A_830 {strides = array<i32>} : memref<1024xi32, #tpu.memory_space<vmem>>, vector<16xi32>,
    tpu.vector_store_idx %arg20[%get3A_824], %broadcast_in_dim3A_516 : memref<1024xi32, #tpu.memory_space<vmem>>[vector<16xi32>], vector<16xi32>,
    tpu.vector_store_idx %arg21[%gather3A_828], %broadcast_in_dim3A_516 : memref<1024xi32, #tpu.memory_space<vmem>>[vector<16xi32>], vector<16xi32>,
    tpu.vector_store_idx %arg22[%gather3A_829], %broadcast_in_dim3A_516 : memref<1024xi32, #tpu.memory_space<vmem>>[vector<16xi32>], vector<16xi32>,
    tpu.vector_store_idx %arg23[%gather3A_830], %broadcast_in_dim3A_516 : memref<1024xi32, #tpu.memory_space<vmem>>[vector<16xi32>], vector<16xi32>,
    %get3A_843 = arith.constant 256 : index
    %get3A_844 = tpu.vector_load %arg9[%get3A_843] {strides = array<i32>} : memref<1024xi32, #tpu.memory_space<vmem>>, vector<16xi32>,
    %get3A_845 = arith.constant 256 : index
    %get3A_846 = tpu.vector_load %arg10[%get3A_845] {strides = array<i32>} : memref<1024xf32, #tpu.memory_space<vmem>>, vector<16xf32>,
    %add3A_847 = arith.addf %add3A_827, %get3A_846 : vector<16xf32>
    %gather3A_848 = tpu.vector_load_idx %arg11[%get3A_844] : memref<1024xi32, #tpu.memory_space<vmem>>[vector<16xi32>], vector<16xi32>,
    %gather3A_849 = tpu.vector_load_idx %arg12[%gather3A_848] : memref<1024xi32, #tpu.memory_space<vmem>>[vector<16xi32>], vector<16xi32>,
    %gather3A_850 = tpu.vector_load_idx %arg13[%gather3A_849] : memref<1024xi32, #tpu.memory_space<vmem>>[vector<16xi32>], vector<16xi32>,
    %gather3A_851 = tpu.vector_load_idx %arg14[%get3A_844] : memref<1024xf32, #tpu.memory_space<vmem>>[vector<16xi32>], vector<16xf32>,
    %add3A_852 = arith.addf %add3A_832, %gather3A_851 : vector<16xf32>
    %gather3A_853 = tpu.vector_load_idx %arg15[%gather3A_848] : memref<1024xf32, #tpu.memory_space<vmem>>[vector<16xi32>], vector<16xf32>,
    %add3A_854 = arith.addf %add3A_834, %gather3A_853 : vector<16xf32>
    %gather3A_855 = tpu.vector_load_idx %arg16[%gather3A_849] : memref<1024xf32, #tpu.memory_space<vmem>>[vector<16xi32>], vector<16xf32>,
    %add3A_856 = arith.addf %add3A_836, %gather3A_855 : vector<16xf32>
    %swap3A_857 = arith.constant 256 : index
    %swap3A_858 = tpu.vector_load %arg17[%swap3A_857] {strides = array<i32>} : memref<1024xi32, #tpu.memory_space<vmem>>, vector<16xi32>,
    tpu.vector_store %arg17[%swap3A_857], %gather3A_848 {strides = array<i32>} : memref<1024xi32, #tpu.memory_space<vmem>>, vector<16xi32>,
    %swap3A_859 = arith.constant 256 : index
    %swap3A_860 = tpu.vector_load %arg18[%swap3A_859] {strides = array<i32>} : memref<1024xi32, #tpu.memory_space<vmem>>, vector<16xi32>,
    tpu.vector_store %arg18[%swap3A_859], %gather3A_849 {strides = array<i32>} : memref<1024xi32, #tpu.memory_space<vmem>>, vector<16xi32>,
    %swap3A_861 = arith.constant 256 : index
    %swap3A_862 = tpu.vector_load %arg19[%swap3A_861] {strides = array<i32>} : memref<1024xi32, #tpu.memory_space<vmem>>, vector<16xi32>,
    tpu.vector_store %arg19[%swap3A_861], %gather3A_850 {strides = array<i32>} : memref<1024xi32, #tpu.memory_space<vmem>>, vector<16xi32>,
    tpu.vector_store_idx %arg20[%get3A_844], %broadcast_in_dim3A_516 : memref<1024xi32, #tpu.memory_space<vmem>>[vector<16xi32>], vector<16xi32>,
    tpu.vector_store_idx %arg21[%gather3A_848], %broadcast_in_dim3A_516 : memref<1024xi32, #tpu.memory_space<vmem>>[vector<16xi32>], vector<16xi32>,
    tpu.vector_store_idx %arg22[%gather3A_849], %broadcast_in_dim3A_516 : memref<1024xi32, #tpu.memory_space<vmem>>[vector<16xi32>], vector<16xi32>,
    tpu.vector_store_idx %arg23[%gather3A_850], %broadcast_in_dim3A_516 : memref<1024xi32, #tpu.memory_space<vmem>>[vector<16xi32>], vector<16xi32>,
    %get3A_863 = arith.constant 272 : index
    %get3A_864 = tpu.vector_load %arg9[%get3A_863] {strides = array<i32>} : memref<1024xi32, #tpu.memory_space<vmem>>, vector<16xi32>,
    %get3A_865 = arith.constant 272 : index
    %get3A_866 = tpu.vector_load %arg10[%get3A_865] {strides = array<i32>} : memref<1024xf32, #tpu.memory_space<vmem>>, vector<16xf32>,
    %add3A_867 = arith.addf %add3A_847, %get3A_866 : vector<16xf32>
    %gather3A_868 = tpu.vector_load_idx %arg11[%get3A_864] : memref<1024xi32, #tpu.memory_space<vmem>>[vector<16xi32>], vector<16xi32>,
    %gather3A_869 = tpu.vector_load_idx %arg12[%gather3A_868] : memref<1024xi32, #tpu.memory_space<vmem>>[vector<16xi32>], vector<16xi32>,
    %gather3A_870 = tpu.vector_load_idx %arg13[%gather3A_869] : memref<1024xi32, #tpu.memory_space<vmem>>[vector<16xi32>], vector<16xi32>,
    %gather3A_871 = tpu.vector_load_idx %arg14[%get3A_864] : memref<1024xf32, #tpu.memory_space<vmem>>[vector<16xi32>], vector<16xf32>,
    %add3A_872 = arith.addf %add3A_852, %gather3A_871 : vector<16xf32>
    %gather3A_873 = tpu.vector_load_idx %arg15[%gather3A_868] : memref<1024xf32, #tpu.memory_space<vmem>>[vector<16xi32>], vector<16xf32>,
    %add3A_874 = arith.addf %add3A_854, %gather3A_873 : vector<16xf32>
    %gather3A_875 = tpu.vector_load_idx %arg16[%gather3A_869] : memref<1024xf32, #tpu.memory_space<vmem>>[vector<16xi32>], vector<16xf32>,
    %add3A_876 = arith.addf %add3A_856, %gather3A_875 : vector<16xf32>
    %swap3A_877 = arith.constant 272 : index
    %swap3A_878 = tpu.vector_load %arg17[%swap3A_877] {strides = array<i32>} : memref<1024xi32, #tpu.memory_space<vmem>>, vector<16xi32>,
    tpu.vector_store %arg17[%swap3A_877], %gather3A_868 {strides = array<i32>} : memref<1024xi32, #tpu.memory_space<vmem>>, vector<16xi32>,
    %swap3A_879 = arith.constant 272 : index
    %swap3A_880 = tpu.vector_load %arg18[%swap3A_879] {strides = array<i32>} : memref<1024xi32, #tpu.memory_space<vmem>>, vector<16xi32>,
    tpu.vector_store %arg18[%swap3A_879], %gather3A_869 {strides = array<i32>} : memref<1024xi32, #tpu.memory_space<vmem>>, vector<16xi32>,
    %swap3A_881 = arith.constant 272 : index
    %swap3A_882 = tpu.vector_load %arg19[%swap3A_881] {strides = array<i32>} : memref<1024xi32, #tpu.memory_space<vmem>>, vector<16xi32>,
    tpu.vector_store %arg19[%swap3A_881], %gather3A_870 {strides = array<i32>} : memref<1024xi32, #tpu.memory_space<vmem>>, vector<16xi32>,
    tpu.vector_store_idx %arg20[%get3A_864], %broadcast_in_dim3A_516 : memref<1024xi32, #tpu.memory_space<vmem>>[vector<16xi32>], vector<16xi32>,
    tpu.vector_store_idx %arg21[%gather3A_868], %broadcast_in_dim3A_516 : memref<1024xi32, #tpu.memory_space<vmem>>[vector<16xi32>], vector<16xi32>,
    tpu.vector_store_idx %arg22[%gather3A_869], %broadcast_in_dim3A_516 : memref<1024xi32, #tpu.memory_space<vmem>>[vector<16xi32>], vector<16xi32>,
    tpu.vector_store_idx %arg23[%gather3A_870], %broadcast_in_dim3A_516 : memref<1024xi32, #tpu.memory_space<vmem>>[vector<16xi32>], vector<16xi32>,
    %get3A_883 = arith.constant 288 : index
    %get3A_884 = tpu.vector_load %arg9[%get3A_883] {strides = array<i32>} : memref<1024xi32, #tpu.memory_space<vmem>>, vector<16xi32>,
    %get3A_885 = arith.constant 288 : index
    %get3A_886 = tpu.vector_load %arg10[%get3A_885] {strides = array<i32>} : memref<1024xf32, #tpu.memory_space<vmem>>, vector<16xf32>,
    %add3A_887 = arith.addf %add3A_867, %get3A_886 : vector<16xf32>
    %gather3A_888 = tpu.vector_load_idx %arg11[%get3A_884] : memref<1024xi32, #tpu.memory_space<vmem>>[vector<16xi32>], vector<16xi32>,
    %gather3A_889 = tpu.vector_load_idx %arg12[%gather3A_888] : memref<1024xi32, #tpu.memory_space<vmem>>[vector<16xi32>], vector<16xi32>,
    %gather3A_890 = tpu.vector_load_idx %arg13[%gather3A_889] : memref<1024xi32, #tpu.memory_space<vmem>>[vector<16xi32>], vector<16xi32>,
    %gather3A_891 = tpu.vector_load_idx %arg14[%get3A_884] : memref<1024xf32, #tpu.memory_space<vmem>>[vector<16xi32>], vector<16xf32>,
    %add3A_892 = arith.addf %add3A_872, %gather3A_891 : vector<16xf32>
    %gather3A_893 = tpu.vector_load_idx %arg15[%gather3A_888] : memref<1024xf32, #tpu.memory_space<vmem>>[vector<16xi32>], vector<16xf32>,
    %add3A_894 = arith.addf %add3A_874, %gather3A_893 : vector<16xf32>
    %gather3A_895 = tpu.vector_load_idx %arg16[%gather3A_889] : memref<1024xf32, #tpu.memory_space<vmem>>[vector<16xi32>], vector<16xf32>,
    %add3A_896 = arith.addf %add3A_876, %gather3A_895 : vector<16xf32>
    %swap3A_897 = arith.constant 288 : index
    %swap3A_898 = tpu.vector_load %arg17[%swap3A_897] {strides = array<i32>} : memref<1024xi32, #tpu.memory_space<vmem>>, vector<16xi32>,
    tpu.vector_store %arg17[%swap3A_897], %gather3A_888 {strides = array<i32>} : memref<1024xi32, #tpu.memory_space<vmem>>, vector<16xi32>,
    %swap3A_899 = arith.constant 288 : index
    %swap3A_900 = tpu.vector_load %arg18[%swap3A_899] {strides = array<i32>} : memref<1024xi32, #tpu.memory_space<vmem>>, vector<16xi32>,
    tpu.vector_store %arg18[%swap3A_899], %gather3A_889 {strides = array<i32>} : memref<1024xi32, #tpu.memory_space<vmem>>, vector<16xi32>,
    %swap3A_901 = arith.constant 288 : index
    %swap3A_902 = tpu.vector_load %arg19[%swap3A_901] {strides = array<i32>} : memref<1024xi32, #tpu.memory_space<vmem>>, vector<16xi32>,
    tpu.vector_store %arg19[%swap3A_901], %gather3A_890 {strides = array<i32>} : memref<1024xi32, #tpu.memory_space<vmem>>, vector<16xi32>,
    tpu.vector_store_idx %arg20[%get3A_884], %broadcast_in_dim3A_516 : memref<1024xi32, #tpu.memory_space<vmem>>[vector<16xi32>], vector<16xi32>,
    tpu.vector_store_idx %arg21[%gather3A_888], %broadcast_in_dim3A_516 : memref<1024xi32, #tpu.memory_space<vmem>>[vector<16xi32>], vector<16xi32>,
    tpu.vector_store_idx %arg22[%gather3A_889], %broadcast_in_dim3A_516 : memref<1024xi32, #tpu.memory_space<vmem>>[vector<16xi32>], vector<16xi32>,
    tpu.vector_store_idx %arg23[%gather3A_890], %broadcast_in_dim3A_516 : memref<1024xi32, #tpu.memory_space<vmem>>[vector<16xi32>], vector<16xi32>,
    %get3A_903 = arith.constant 304 : index
    %get3A_904 = tpu.vector_load %arg9[%get3A_903] {strides = array<i32>} : memref<1024xi32, #tpu.memory_space<vmem>>, vector<16xi32>,
    %get3A_905 = arith.constant 304 : index
    %get3A_906 = tpu.vector_load %arg10[%get3A_905] {strides = array<i32>} : memref<1024xf32, #tpu.memory_space<vmem>>, vector<16xf32>,
    %add3A_907 = arith.addf %add3A_887, %get3A_906 : vector<16xf32>
    %gather3A_908 = tpu.vector_load_idx %arg11[%get3A_904] : memref<1024xi32, #tpu.memory_space<vmem>>[vector<16xi32>], vector<16xi32>,
    %gather3A_909 = tpu.vector_load_idx %arg12[%gather3A_908] : memref<1024xi32, #tpu.memory_space<vmem>>[vector<16xi32>], vector<16xi32>,
    %gather3A_910 = tpu.vector_load_idx %arg13[%gather3A_909] : memref<1024xi32, #tpu.memory_space<vmem>>[vector<16xi32>], vector<16xi32>,
    %gather3A_911 = tpu.vector_load_idx %arg14[%get3A_904] : memref<1024xf32, #tpu.memory_space<vmem>>[vector<16xi32>], vector<16xf32>,
    %add3A_912 = arith.addf %add3A_892, %gather3A_911 : vector<16xf32>
    %gather3A_913 = tpu.vector_load_idx %arg15[%gather3A_908] : memref<1024xf32, #tpu.memory_space<vmem>>[vector<16xi32>], vector<16xf32>,
    %add3A_914 = arith.addf %add3A_894, %gather3A_913 : vector<16xf32>
    %gather3A_915 = tpu.vector_load_idx %arg16[%gather3A_909] : memref<1024xf32, #tpu.memory_space<vmem>>[vector<16xi32>], vector<16xf32>,
    %add3A_916 = arith.addf %add3A_896, %gather3A_915 : vector<16xf32>
    %swap3A_917 = arith.constant 304 : index
    %swap3A_918 = tpu.vector_load %arg17[%swap3A_917] {strides = array<i32>} : memref<1024xi32, #tpu.memory_space<vmem>>, vector<16xi32>,
    tpu.vector_store %arg17[%swap3A_917], %gather3A_908 {strides = array<i32>} : memref<1024xi32, #tpu.memory_space<vmem>>, vector<16xi32>,
    %swap3A_919 = arith.constant 304 : index
    %swap3A_920 = tpu.vector_load %arg18[%swap3A_919] {strides = array<i32>} : memref<1024xi32, #tpu.memory_space<vmem>>, vector<16xi32>,
    tpu.vector_store %arg18[%swap3A_919], %gather3A_909 {strides = array<i32>} : memref<1024xi32, #tpu.memory_space<vmem>>, vector<16xi32>,
    %swap3A_921 = arith.constant 304 : index
    %swap3A_922 = tpu.vector_load %arg19[%swap3A_921] {strides = array<i32>} : memref<1024xi32, #tpu.memory_space<vmem>>, vector<16xi32>,
    tpu.vector_store %arg19[%swap3A_921], %gather3A_910 {strides = array<i32>} : memref<1024xi32, #tpu.memory_space<vmem>>, vector<16xi32>,
    tpu.vector_store_idx %arg20[%get3A_904], %broadcast_in_dim3A_516 : memref<1024xi32, #tpu.memory_space<vmem>>[vector<16xi32>], vector<16xi32>,
    tpu.vector_store_idx %arg21[%gather3A_908], %broadcast_in_dim3A_516 : memref<1024xi32, #tpu.memory_space<vmem>>[vector<16xi32>], vector<16xi32>,
    tpu.vector_store_idx %arg22[%gather3A_909], %broadcast_in_dim3A_516 : memref<1024xi32, #tpu.memory_space<vmem>>[vector<16xi32>], vector<16xi32>,
    tpu.vector_store_idx %arg23[%gather3A_910], %broadcast_in_dim3A_516 : memref<1024xi32, #tpu.memory_space<vmem>>[vector<16xi32>], vector<16xi32>,
    %get3A_923 = arith.constant 320 : index
    %get3A_924 = tpu.vector_load %arg9[%get3A_923] {strides = array<i32>} : memref<1024xi32, #tpu.memory_space<vmem>>, vector<16xi32>,
    %get3A_925 = arith.constant 320 : index
    %get3A_926 = tpu.vector_load %arg10[%get3A_925] {strides = array<i32>} : memref<1024xf32, #tpu.memory_space<vmem>>, vector<16xf32>,
    %add3A_927 = arith.addf %add3A_907, %get3A_926 : vector<16xf32>
    %gather3A_928 = tpu.vector_load_idx %arg11[%get3A_924] : memref<1024xi32, #tpu.memory_space<vmem>>[vector<16xi32>], vector<16xi32>,
    %gather3A_929 = tpu.vector_load_idx %arg12[%gather3A_928] : memref<1024xi32, #tpu.memory_space<vmem>>[vector<16xi32>], vector<16xi32>,
    %gather3A_930 = tpu.vector_load_idx %arg13[%gather3A_929] : memref<1024xi32, #tpu.memory_space<vmem>>[vector<16xi32>], vector<16xi32>,
    %gather3A_931 = tpu.vector_load_idx %arg14[%get3A_924] : memref<1024xf32, #tpu.memory_space<vmem>>[vector<16xi32>], vector<16xf32>,
    %add3A_932 = arith.addf %add3A_912, %gather3A_931 : vector<16xf32>
    %gather3A_933 = tpu.vector_load_idx %arg15[%gather3A_928] : memref<1024xf32, #tpu.memory_space<vmem>>[vector<16xi32>], vector<16xf32>,
    %add3A_934 = arith.addf %add3A_914, %gather3A_933 : vector<16xf32>
    %gather3A_935 = tpu.vector_load_idx %arg16[%gather3A_929] : memref<1024xf32, #tpu.memory_space<vmem>>[vector<16xi32>], vector<16xf32>,
    %add3A_936 = arith.addf %add3A_916, %gather3A_935 : vector<16xf32>
    %swap3A_937 = arith.constant 320 : index
    %swap3A_938 = tpu.vector_load %arg17[%swap3A_937] {strides = array<i32>} : memref<1024xi32, #tpu.memory_space<vmem>>, vector<16xi32>,
    tpu.vector_store %arg17[%swap3A_937], %gather3A_928 {strides = array<i32>} : memref<1024xi32, #tpu.memory_space<vmem>>, vector<16xi32>,
    %swap3A_939 = arith.constant 320 : index
    %swap3A_940 = tpu.vector_load %arg18[%swap3A_939] {strides = array<i32>} : memref<1024xi32, #tpu.memory_space<vmem>>, vector<16xi32>,
    tpu.vector_store %arg18[%swap3A_939], %gather3A_929 {strides = array<i32>} : memref<1024xi32, #tpu.memory_space<vmem>>, vector<16xi32>,
    %swap3A_941 = arith.constant 320 : index
    %swap3A_942 = tpu.vector_load %arg19[%swap3A_941] {strides = array<i32>} : memref<1024xi32, #tpu.memory_space<vmem>>, vector<16xi32>,
    tpu.vector_store %arg19[%swap3A_941], %gather3A_930 {strides = array<i32>} : memref<1024xi32, #tpu.memory_space<vmem>>, vector<16xi32>,
    tpu.vector_store_idx %arg20[%get3A_924], %broadcast_in_dim3A_516 : memref<1024xi32, #tpu.memory_space<vmem>>[vector<16xi32>], vector<16xi32>,
    tpu.vector_store_idx %arg21[%gather3A_928], %broadcast_in_dim3A_516 : memref<1024xi32, #tpu.memory_space<vmem>>[vector<16xi32>], vector<16xi32>,
    tpu.vector_store_idx %arg22[%gather3A_929], %broadcast_in_dim3A_516 : memref<1024xi32, #tpu.memory_space<vmem>>[vector<16xi32>], vector<16xi32>,
    tpu.vector_store_idx %arg23[%gather3A_930], %broadcast_in_dim3A_516 : memref<1024xi32, #tpu.memory_space<vmem>>[vector<16xi32>], vector<16xi32>,
    %get3A_943 = arith.constant 336 : index
    %get3A_944 = tpu.vector_load %arg9[%get3A_943] {strides = array<i32>} : memref<1024xi32, #tpu.memory_space<vmem>>, vector<16xi32>,
    %get3A_945 = arith.constant 336 : index
    %get3A_946 = tpu.vector_load %arg10[%get3A_945] {strides = array<i32>} : memref<1024xf32, #tpu.memory_space<vmem>>, vector<16xf32>,
    %add3A_947 = arith.addf %add3A_927, %get3A_946 : vector<16xf32>
    %gather3A_948 = tpu.vector_load_idx %arg11[%get3A_944] : memref<1024xi32, #tpu.memory_space<vmem>>[vector<16xi32>], vector<16xi32>,
    %gather3A_949 = tpu.vector_load_idx %arg12[%gather3A_948] : memref<1024xi32, #tpu.memory_space<vmem>>[vector<16xi32>], vector<16xi32>,
    %gather3A_950 = tpu.vector_load_idx %arg13[%gather3A_949] : memref<1024xi32, #tpu.memory_space<vmem>>[vector<16xi32>], vector<16xi32>,
    %gather3A_951 = tpu.vector_load_idx %arg14[%get3A_944] : memref<1024xf32, #tpu.memory_space<vmem>>[vector<16xi32>], vector<16xf32>,
    %add3A_952 = arith.addf %add3A_932, %gather3A_951 : vector<16xf32>
    %gather3A_953 = tpu.vector_load_idx %arg15[%gather3A_948] : memref<1024xf32, #tpu.memory_space<vmem>>[vector<16xi32>], vector<16xf32>,
    %add3A_954 = arith.addf %add3A_934, %gather3A_953 : vector<16xf32>
    %gather3A_955 = tpu.vector_load_idx %arg16[%gather3A_949] : memref<1024xf32, #tpu.memory_space<vmem>>[vector<16xi32>], vector<16xf32>,
    %add3A_956 = arith.addf %add3A_936, %gather3A_955 : vector<16xf32>
    %swap3A_957 = arith.constant 336 : index
    %swap3A_958 = tpu.vector_load %arg17[%swap3A_957] {strides = array<i32>} : memref<1024xi32, #tpu.memory_space<vmem>>, vector<16xi32>,
    tpu.vector_store %arg17[%swap3A_957], %gather3A_948 {strides = array<i32>} : memref<1024xi32, #tpu.memory_space<vmem>>, vector<16xi32>,
    %swap3A_959 = arith.constant 336 : index
    %swap3A_960 = tpu.vector_load %arg18[%swap3A_959] {strides = array<i32>} : memref<1024xi32, #tpu.memory_space<vmem>>, vector<16xi32>,
    tpu.vector_store %arg18[%swap3A_959], %gather3A_949 {strides = array<i32>} : memref<1024xi32, #tpu.memory_space<vmem>>, vector<16xi32>,
    %swap3A_961 = arith.constant 336 : index
    %swap3A_962 = tpu.vector_load %arg19[%swap3A_961] {strides = array<i32>} : memref<1024xi32, #tpu.memory_space<vmem>>, vector<16xi32>,
    tpu.vector_store %arg19[%swap3A_961], %gather3A_950 {strides = array<i32>} : memref<1024xi32, #tpu.memory_space<vmem>>, vector<16xi32>,
    tpu.vector_store_idx %arg20[%get3A_944], %broadcast_in_dim3A_516 : memref<1024xi32, #tpu.memory_space<vmem>>[vector<16xi32>], vector<16xi32>,
    tpu.vector_store_idx %arg21[%gather3A_948], %broadcast_in_dim3A_516 : memref<1024xi32, #tpu.memory_space<vmem>>[vector<16xi32>], vector<16xi32>,
    tpu.vector_store_idx %arg22[%gather3A_949], %broadcast_in_dim3A_516 : memref<1024xi32, #tpu.memory_space<vmem>>[vector<16xi32>], vector<16xi32>,
    tpu.vector_store_idx %arg23[%gather3A_950], %broadcast_in_dim3A_516 : memref<1024xi32, #tpu.memory_space<vmem>>[vector<16xi32>], vector<16xi32>,
    %get3A_963 = arith.constant 352 : index
    %get3A_964 = tpu.vector_load %arg9[%get3A_963] {strides = array<i32>} : memref<1024xi32, #tpu.memory_space<vmem>>, vector<16xi32>,
    %get3A_965 = arith.constant 352 : index
    %get3A_966 = tpu.vector_load %arg10[%get3A_965] {strides = array<i32>} : memref<1024xf32, #tpu.memory_space<vmem>>, vector<16xf32>,
    %add3A_967 = arith.addf %add3A_947, %get3A_966 : vector<16xf32>
    %gather3A_968 = tpu.vector_load_idx %arg11[%get3A_964] : memref<1024xi32, #tpu.memory_space<vmem>>[vector<16xi32>], vector<16xi32>,
    %gather3A_969 = tpu.vector_load_idx %arg12[%gather3A_968] : memref<1024xi32, #tpu.memory_space<vmem>>[vector<16xi32>], vector<16xi32>,
    %gather3A_970 = tpu.vector_load_idx %arg13[%gather3A_969] : memref<1024xi32, #tpu.memory_space<vmem>>[vector<16xi32>], vector<16xi32>,
    %gather3A_971 = tpu.vector_load_idx %arg14[%get3A_964] : memref<1024xf32, #tpu.memory_space<vmem>>[vector<16xi32>], vector<16xf32>,
    %add3A_972 = arith.addf %add3A_952, %gather3A_971 : vector<16xf32>
    %gather3A_973 = tpu.vector_load_idx %arg15[%gather3A_968] : memref<1024xf32, #tpu.memory_space<vmem>>[vector<16xi32>], vector<16xf32>,
    %add3A_974 = arith.addf %add3A_954, %gather3A_973 : vector<16xf32>
    %gather3A_975 = tpu.vector_load_idx %arg16[%gather3A_969] : memref<1024xf32, #tpu.memory_space<vmem>>[vector<16xi32>], vector<16xf32>,
    %add3A_976 = arith.addf %add3A_956, %gather3A_975 : vector<16xf32>
    %swap3A_977 = arith.constant 352 : index
    %swap3A_978 = tpu.vector_load %arg17[%swap3A_977] {strides = array<i32>} : memref<1024xi32, #tpu.memory_space<vmem>>, vector<16xi32>,
    tpu.vector_store %arg17[%swap3A_977], %gather3A_968 {strides = array<i32>} : memref<1024xi32, #tpu.memory_space<vmem>>, vector<16xi32>,
    %swap3A_979 = arith.constant 352 : index
    %swap3A_980 = tpu.vector_load %arg18[%swap3A_979] {strides = array<i32>} : memref<1024xi32, #tpu.memory_space<vmem>>, vector<16xi32>,
    tpu.vector_store %arg18[%swap3A_979], %gather3A_969 {strides = array<i32>} : memref<1024xi32, #tpu.memory_space<vmem>>, vector<16xi32>,
    %swap3A_981 = arith.constant 352 : index
    %swap3A_982 = tpu.vector_load %arg19[%swap3A_981] {strides = array<i32>} : memref<1024xi32, #tpu.memory_space<vmem>>, vector<16xi32>,
    tpu.vector_store %arg19[%swap3A_981], %gather3A_970 {strides = array<i32>} : memref<1024xi32, #tpu.memory_space<vmem>>, vector<16xi32>,
    tpu.vector_store_idx %arg20[%get3A_964], %broadcast_in_dim3A_516 : memref<1024xi32, #tpu.memory_space<vmem>>[vector<16xi32>], vector<16xi32>,
    tpu.vector_store_idx %arg21[%gather3A_968], %broadcast_in_dim3A_516 : memref<1024xi32, #tpu.memory_space<vmem>>[vector<16xi32>], vector<16xi32>,
    tpu.vector_store_idx %arg22[%gather3A_969], %broadcast_in_dim3A_516 : memref<1024xi32, #tpu.memory_space<vmem>>[vector<16xi32>], vector<16xi32>,
    tpu.vector_store_idx %arg23[%gather3A_970], %broadcast_in_dim3A_516 : memref<1024xi32, #tpu.memory_space<vmem>>[vector<16xi32>], vector<16xi32>,
    %get3A_983 = arith.constant 368 : index
    %get3A_984 = tpu.vector_load %arg9[%get3A_983] {strides = array<i32>} : memref<1024xi32, #tpu.memory_space<vmem>>, vector<16xi32>,
    %get3A_985 = arith.constant 368 : index
    %get3A_986 = tpu.vector_load %arg10[%get3A_985] {strides = array<i32>} : memref<1024xf32, #tpu.memory_space<vmem>>, vector<16xf32>,
    %add3A_987 = arith.addf %add3A_967, %get3A_986 : vector<16xf32>
    %gather3A_988 = tpu.vector_load_idx %arg11[%get3A_984] : memref<1024xi32, #tpu.memory_space<vmem>>[vector<16xi32>], vector<16xi32>,
    %gather3A_989 = tpu.vector_load_idx %arg12[%gather3A_988] : memref<1024xi32, #tpu.memory_space<vmem>>[vector<16xi32>], vector<16xi32>,
    %gather3A_990 = tpu.vector_load_idx %arg13[%gather3A_989] : memref<1024xi32, #tpu.memory_space<vmem>>[vector<16xi32>], vector<16xi32>,
    %gather3A_991 = tpu.vector_load_idx %arg14[%get3A_984] : memref<1024xf32, #tpu.memory_space<vmem>>[vector<16xi32>], vector<16xf32>,
    %add3A_992 = arith.addf %add3A_972, %gather3A_991 : vector<16xf32>
    %gather3A_993 = tpu.vector_load_idx %arg15[%gather3A_988] : memref<1024xf32, #tpu.memory_space<vmem>>[vector<16xi32>], vector<16xf32>,
    %add3A_994 = arith.addf %add3A_974, %gather3A_993 : vector<16xf32>
    %gather3A_995 = tpu.vector_load_idx %arg16[%gather3A_989] : memref<1024xf32, #tpu.memory_space<vmem>>[vector<16xi32>], vector<16xf32>,
    %add3A_996 = arith.addf %add3A_976, %gather3A_995 : vector<16xf32>
    %swap3A_997 = arith.constant 368 : index
    %swap3A_998 = tpu.vector_load %arg17[%swap3A_997] {strides = array<i32>} : memref<1024xi32, #tpu.memory_space<vmem>>, vector<16xi32>,
    tpu.vector_store %arg17[%swap3A_997], %gather3A_988 {strides = array<i32>} : memref<1024xi32, #tpu.memory_space<vmem>>, vector<16xi32>,
    %swap3A_999 = arith.constant 368 : index
    %swap3A_1000 = tpu.vector_load %arg18[%swap3A_999] {strides = array<i32>} : memref<1024xi32, #tpu.memory_space<vmem>>, vector<16xi32>,
    tpu.vector_store %arg18[%swap3A_999], %gather3A_989 {strides = array<i32>} : memref<1024xi32, #tpu.memory_space<vmem>>, vector<16xi32>,
    %swap3A_1001 = arith.constant 368 : index
    %swap3A_1002 = tpu.vector_load %arg19[%swap3A_1001] {strides = array<i32>} : memref<1024xi32, #tpu.memory_space<vmem>>, vector<16xi32>,
    tpu.vector_store %arg19[%swap3A_1001], %gather3A_990 {strides = array<i32>} : memref<1024xi32, #tpu.memory_space<vmem>>, vector<16xi32>,
    tpu.vector_store_idx %arg20[%get3A_984], %broadcast_in_dim3A_516 : memref<1024xi32, #tpu.memory_space<vmem>>[vector<16xi32>], vector<16xi32>,
    tpu.vector_store_idx %arg21[%gather3A_988], %broadcast_in_dim3A_516 : memref<1024xi32, #tpu.memory_space<vmem>>[vector<16xi32>], vector<16xi32>,
    tpu.vector_store_idx %arg22[%gather3A_989], %broadcast_in_dim3A_516 : memref<1024xi32, #tpu.memory_space<vmem>>[vector<16xi32>], vector<16xi32>,
    tpu.vector_store_idx %arg23[%gather3A_990], %broadcast_in_dim3A_516 : memref<1024xi32, #tpu.memory_space<vmem>>[vector<16xi32>], vector<16xi32>,
    %get3A_1003 = arith.constant 384 : index
    %get3A_1004 = tpu.vector_load %arg9[%get3A_1003] {strides = array<i32>} : memref<1024xi32, #tpu.memory_space<vmem>>, vector<16xi32>,
    %get3A_1005 = arith.constant 384 : index
    %get3A_1006 = tpu.vector_load %arg10[%get3A_1005] {strides = array<i32>} : memref<1024xf32, #tpu.memory_space<vmem>>, vector<16xf32>,
    %add3A_1007 = arith.addf %add3A_987, %get3A_1006 : vector<16xf32>
    %gather3A_1008 = tpu.vector_load_idx %arg11[%get3A_1004] : memref<1024xi32, #tpu.memory_space<vmem>>[vector<16xi32>], vector<16xi32>,
    %gather3A_1009 = tpu.vector_load_idx %arg12[%gather3A_1008] : memref<1024xi32, #tpu.memory_space<vmem>>[vector<16xi32>], vector<16xi32>,
    %gather3A_1010 = tpu.vector_load_idx %arg13[%gather3A_1009] : memref<1024xi32, #tpu.memory_space<vmem>>[vector<16xi32>], vector<16xi32>,
    %gather3A_1011 = tpu.vector_load_idx %arg14[%get3A_1004] : memref<1024xf32, #tpu.memory_space<vmem>>[vector<16xi32>], vector<16xf32>,
    %add3A_1012 = arith.addf %add3A_992, %gather3A_1011 : vector<16xf32>
    %gather3A_1013 = tpu.vector_load_idx %arg15[%gather3A_1008] : memref<1024xf32, #tpu.memory_space<vmem>>[vector<16xi32>], vector<16xf32>,
    %add3A_1014 = arith.addf %add3A_994, %gather3A_1013 : vector<16xf32>
    %gather3A_1015 = tpu.vector_load_idx %arg16[%gather3A_1009] : memref<1024xf32, #tpu.memory_space<vmem>>[vector<16xi32>], vector<16xf32>,
    %add3A_1016 = arith.addf %add3A_996, %gather3A_1015 : vector<16xf32>
    %swap3A_1017 = arith.constant 384 : index
    %swap3A_1018 = tpu.vector_load %arg17[%swap3A_1017] {strides = array<i32>} : memref<1024xi32, #tpu.memory_space<vmem>>, vector<16xi32>,
    tpu.vector_store %arg17[%swap3A_1017], %gather3A_1008 {strides = array<i32>} : memref<1024xi32, #tpu.memory_space<vmem>>, vector<16xi32>,
    %swap3A_1019 = arith.constant 384 : index
    %swap3A_1020 = tpu.vector_load %arg18[%swap3A_1019] {strides = array<i32>} : memref<1024xi32, #tpu.memory_space<vmem>>, vector<16xi32>,
    tpu.vector_store %arg18[%swap3A_1019], %gather3A_1009 {strides = array<i32>} : memref<1024xi32, #tpu.memory_space<vmem>>, vector<16xi32>,
    %swap3A_1021 = arith.constant 384 : index
    %swap3A_1022 = tpu.vector_load %arg19[%swap3A_1021] {strides = array<i32>} : memref<1024xi32, #tpu.memory_space<vmem>>, vector<16xi32>,
    tpu.vector_store %arg19[%swap3A_1021], %gather3A_1010 {strides = array<i32>} : memref<1024xi32, #tpu.memory_space<vmem>>, vector<16xi32>,
    tpu.vector_store_idx %arg20[%get3A_1004], %broadcast_in_dim3A_516 : memref<1024xi32, #tpu.memory_space<vmem>>[vector<16xi32>], vector<16xi32>,
    tpu.vector_store_idx %arg21[%gather3A_1008], %broadcast_in_dim3A_516 : memref<1024xi32, #tpu.memory_space<vmem>>[vector<16xi32>], vector<16xi32>,
    tpu.vector_store_idx %arg22[%gather3A_1009], %broadcast_in_dim3A_516 : memref<1024xi32, #tpu.memory_space<vmem>>[vector<16xi32>], vector<16xi32>,
    tpu.vector_store_idx %arg23[%gather3A_1010], %broadcast_in_dim3A_516 : memref<1024xi32, #tpu.memory_space<vmem>>[vector<16xi32>], vector<16xi32>,
    %get3A_1023 = arith.constant 400 : index
    %get3A_1024 = tpu.vector_load %arg9[%get3A_1023] {strides = array<i32>} : memref<1024xi32, #tpu.memory_space<vmem>>, vector<16xi32>,
    %get3A_1025 = arith.constant 400 : index
    %get3A_1026 = tpu.vector_load %arg10[%get3A_1025] {strides = array<i32>} : memref<1024xf32, #tpu.memory_space<vmem>>, vector<16xf32>,
    %add3A_1027 = arith.addf %add3A_1007, %get3A_1026 : vector<16xf32>
    %gather3A_1028 = tpu.vector_load_idx %arg11[%get3A_1024] : memref<1024xi32, #tpu.memory_space<vmem>>[vector<16xi32>], vector<16xi32>,
    %gather3A_1029 = tpu.vector_load_idx %arg12[%gather3A_1028] : memref<1024xi32, #tpu.memory_space<vmem>>[vector<16xi32>], vector<16xi32>,
    %gather3A_1030 = tpu.vector_load_idx %arg13[%gather3A_1029] : memref<1024xi32, #tpu.memory_space<vmem>>[vector<16xi32>], vector<16xi32>,
    %gather3A_1031 = tpu.vector_load_idx %arg14[%get3A_1024] : memref<1024xf32, #tpu.memory_space<vmem>>[vector<16xi32>], vector<16xf32>,
    %add3A_1032 = arith.addf %add3A_1012, %gather3A_1031 : vector<16xf32>
    %gather3A_1033 = tpu.vector_load_idx %arg15[%gather3A_1028] : memref<1024xf32, #tpu.memory_space<vmem>>[vector<16xi32>], vector<16xf32>,
    %add3A_1034 = arith.addf %add3A_1014, %gather3A_1033 : vector<16xf32>
    %gather3A_1035 = tpu.vector_load_idx %arg16[%gather3A_1029] : memref<1024xf32, #tpu.memory_space<vmem>>[vector<16xi32>], vector<16xf32>,
    %add3A_1036 = arith.addf %add3A_1016, %gather3A_1035 : vector<16xf32>
    %swap3A_1037 = arith.constant 400 : index
    %swap3A_1038 = tpu.vector_load %arg17[%swap3A_1037] {strides = array<i32>} : memref<1024xi32, #tpu.memory_space<vmem>>, vector<16xi32>,
    tpu.vector_store %arg17[%swap3A_1037], %gather3A_1028 {strides = array<i32>} : memref<1024xi32, #tpu.memory_space<vmem>>, vector<16xi32>,
    %swap3A_1039 = arith.constant 400 : index
    %swap3A_1040 = tpu.vector_load %arg18[%swap3A_1039] {strides = array<i32>} : memref<1024xi32, #tpu.memory_space<vmem>>, vector<16xi32>,
    tpu.vector_store %arg18[%swap3A_1039], %gather3A_1029 {strides = array<i32>} : memref<1024xi32, #tpu.memory_space<vmem>>, vector<16xi32>,
    %swap3A_1041 = arith.constant 400 : index
    %swap3A_1042 = tpu.vector_load %arg19[%swap3A_1041] {strides = array<i32>} : memref<1024xi32, #tpu.memory_space<vmem>>, vector<16xi32>,
    tpu.vector_store %arg19[%swap3A_1041], %gather3A_1030 {strides = array<i32>} : memref<1024xi32, #tpu.memory_space<vmem>>, vector<16xi32>,
    tpu.vector_store_idx %arg20[%get3A_1024], %broadcast_in_dim3A_516 : memref<1024xi32, #tpu.memory_space<vmem>>[vector<16xi32>], vector<16xi32>,
    tpu.vector_store_idx %arg21[%gather3A_1028], %broadcast_in_dim3A_516 : memref<1024xi32, #tpu.memory_space<vmem>>[vector<16xi32>], vector<16xi32>,
    tpu.vector_store_idx %arg22[%gather3A_1029], %broadcast_in_dim3A_516 : memref<1024xi32, #tpu.memory_space<vmem>>[vector<16xi32>], vector<16xi32>,
    tpu.vector_store_idx %arg23[%gather3A_1030], %broadcast_in_dim3A_516 : memref<1024xi32, #tpu.memory_space<vmem>>[vector<16xi32>], vector<16xi32>,
    %get3A_1043 = arith.constant 416 : index
    %get3A_1044 = tpu.vector_load %arg9[%get3A_1043] {strides = array<i32>} : memref<1024xi32, #tpu.memory_space<vmem>>, vector<16xi32>,
    %get3A_1045 = arith.constant 416 : index
    %get3A_1046 = tpu.vector_load %arg10[%get3A_1045] {strides = array<i32>} : memref<1024xf32, #tpu.memory_space<vmem>>, vector<16xf32>,
    %add3A_1047 = arith.addf %add3A_1027, %get3A_1046 : vector<16xf32>
    %gather3A_1048 = tpu.vector_load_idx %arg11[%get3A_1044] : memref<1024xi32, #tpu.memory_space<vmem>>[vector<16xi32>], vector<16xi32>,
    %gather3A_1049 = tpu.vector_load_idx %arg12[%gather3A_1048] : memref<1024xi32, #tpu.memory_space<vmem>>[vector<16xi32>], vector<16xi32>,
    %gather3A_1050 = tpu.vector_load_idx %arg13[%gather3A_1049] : memref<1024xi32, #tpu.memory_space<vmem>>[vector<16xi32>], vector<16xi32>,
    %gather3A_1051 = tpu.vector_load_idx %arg14[%get3A_1044] : memref<1024xf32, #tpu.memory_space<vmem>>[vector<16xi32>], vector<16xf32>,
    %add3A_1052 = arith.addf %add3A_1032, %gather3A_1051 : vector<16xf32>
    %gather3A_1053 = tpu.vector_load_idx %arg15[%gather3A_1048] : memref<1024xf32, #tpu.memory_space<vmem>>[vector<16xi32>], vector<16xf32>,
    %add3A_1054 = arith.addf %add3A_1034, %gather3A_1053 : vector<16xf32>
    %gather3A_1055 = tpu.vector_load_idx %arg16[%gather3A_1049] : memref<1024xf32, #tpu.memory_space<vmem>>[vector<16xi32>], vector<16xf32>,
    %add3A_1056 = arith.addf %add3A_1036, %gather3A_1055 : vector<16xf32>
    %swap3A_1057 = arith.constant 416 : index
    %swap3A_1058 = tpu.vector_load %arg17[%swap3A_1057] {strides = array<i32>} : memref<1024xi32, #tpu.memory_space<vmem>>, vector<16xi32>,
    tpu.vector_store %arg17[%swap3A_1057], %gather3A_1048 {strides = array<i32>} : memref<1024xi32, #tpu.memory_space<vmem>>, vector<16xi32>,
    %swap3A_1059 = arith.constant 416 : index
    %swap3A_1060 = tpu.vector_load %arg18[%swap3A_1059] {strides = array<i32>} : memref<1024xi32, #tpu.memory_space<vmem>>, vector<16xi32>,
    tpu.vector_store %arg18[%swap3A_1059], %gather3A_1049 {strides = array<i32>} : memref<1024xi32, #tpu.memory_space<vmem>>, vector<16xi32>,
    %swap3A_1061 = arith.constant 416 : index
    %swap3A_1062 = tpu.vector_load %arg19[%swap3A_1061] {strides = array<i32>} : memref<1024xi32, #tpu.memory_space<vmem>>, vector<16xi32>,
    tpu.vector_store %arg19[%swap3A_1061], %gather3A_1050 {strides = array<i32>} : memref<1024xi32, #tpu.memory_space<vmem>>, vector<16xi32>,
    tpu.vector_store_idx %arg20[%get3A_1044], %broadcast_in_dim3A_516 : memref<1024xi32, #tpu.memory_space<vmem>>[vector<16xi32>], vector<16xi32>,
    tpu.vector_store_idx %arg21[%gather3A_1048], %broadcast_in_dim3A_516 : memref<1024xi32, #tpu.memory_space<vmem>>[vector<16xi32>], vector<16xi32>,
    tpu.vector_store_idx %arg22[%gather3A_1049], %broadcast_in_dim3A_516 : memref<1024xi32, #tpu.memory_space<vmem>>[vector<16xi32>], vector<16xi32>,
    tpu.vector_store_idx %arg23[%gather3A_1050], %broadcast_in_dim3A_516 : memref<1024xi32, #tpu.memory_space<vmem>>[vector<16xi32>], vector<16xi32>,
    %get3A_1063 = arith.constant 432 : index
    %get3A_1064 = tpu.vector_load %arg9[%get3A_1063] {strides = array<i32>} : memref<1024xi32, #tpu.memory_space<vmem>>, vector<16xi32>,
    %get3A_1065 = arith.constant 432 : index
    %get3A_1066 = tpu.vector_load %arg10[%get3A_1065] {strides = array<i32>} : memref<1024xf32, #tpu.memory_space<vmem>>, vector<16xf32>,
    %add3A_1067 = arith.addf %add3A_1047, %get3A_1066 : vector<16xf32>
    %gather3A_1068 = tpu.vector_load_idx %arg11[%get3A_1064] : memref<1024xi32, #tpu.memory_space<vmem>>[vector<16xi32>], vector<16xi32>,
    %gather3A_1069 = tpu.vector_load_idx %arg12[%gather3A_1068] : memref<1024xi32, #tpu.memory_space<vmem>>[vector<16xi32>], vector<16xi32>,
    %gather3A_1070 = tpu.vector_load_idx %arg13[%gather3A_1069] : memref<1024xi32, #tpu.memory_space<vmem>>[vector<16xi32>], vector<16xi32>,
    %gather3A_1071 = tpu.vector_load_idx %arg14[%get3A_1064] : memref<1024xf32, #tpu.memory_space<vmem>>[vector<16xi32>], vector<16xf32>,
    %add3A_1072 = arith.addf %add3A_1052, %gather3A_1071 : vector<16xf32>
    %gather3A_1073 = tpu.vector_load_idx %arg15[%gather3A_1068] : memref<1024xf32, #tpu.memory_space<vmem>>[vector<16xi32>], vector<16xf32>,
    %add3A_1074 = arith.addf %add3A_1054, %gather3A_1073 : vector<16xf32>
    %gather3A_1075 = tpu.vector_load_idx %arg16[%gather3A_1069] : memref<1024xf32, #tpu.memory_space<vmem>>[vector<16xi32>], vector<16xf32>,
    %add3A_1076 = arith.addf %add3A_1056, %gather3A_1075 : vector<16xf32>
    %swap3A_1077 = arith.constant 432 : index
    %swap3A_1078 = tpu.vector_load %arg17[%swap3A_1077] {strides = array<i32>} : memref<1024xi32, #tpu.memory_space<vmem>>, vector<16xi32>,
    tpu.vector_store %arg17[%swap3A_1077], %gather3A_1068 {strides = array<i32>} : memref<1024xi32, #tpu.memory_space<vmem>>, vector<16xi32>,
    %swap3A_1079 = arith.constant 432 : index
    %swap3A_1080 = tpu.vector_load %arg18[%swap3A_1079] {strides = array<i32>} : memref<1024xi32, #tpu.memory_space<vmem>>, vector<16xi32>,
    tpu.vector_store %arg18[%swap3A_1079], %gather3A_1069 {strides = array<i32>} : memref<1024xi32, #tpu.memory_space<vmem>>, vector<16xi32>,
    %swap3A_1081 = arith.constant 432 : index
    %swap3A_1082 = tpu.vector_load %arg19[%swap3A_1081] {strides = array<i32>} : memref<1024xi32, #tpu.memory_space<vmem>>, vector<16xi32>,
    tpu.vector_store %arg19[%swap3A_1081], %gather3A_1070 {strides = array<i32>} : memref<1024xi32, #tpu.memory_space<vmem>>, vector<16xi32>,
    tpu.vector_store_idx %arg20[%get3A_1064], %broadcast_in_dim3A_516 : memref<1024xi32, #tpu.memory_space<vmem>>[vector<16xi32>], vector<16xi32>,
    tpu.vector_store_idx %arg21[%gather3A_1068], %broadcast_in_dim3A_516 : memref<1024xi32, #tpu.memory_space<vmem>>[vector<16xi32>], vector<16xi32>,
    tpu.vector_store_idx %arg22[%gather3A_1069], %broadcast_in_dim3A_516 : memref<1024xi32, #tpu.memory_space<vmem>>[vector<16xi32>], vector<16xi32>,
    tpu.vector_store_idx %arg23[%gather3A_1070], %broadcast_in_dim3A_516 : memref<1024xi32, #tpu.memory_space<vmem>>[vector<16xi32>], vector<16xi32>,
    %get3A_1083 = arith.constant 448 : index
    %get3A_1084 = tpu.vector_load %arg9[%get3A_1083] {strides = array<i32>} : memref<1024xi32, #tpu.memory_space<vmem>>, vector<16xi32>,
    %get3A_1085 = arith.constant 448 : index
    %get3A_1086 = tpu.vector_load %arg10[%get3A_1085] {strides = array<i32>} : memref<1024xf32, #tpu.memory_space<vmem>>, vector<16xf32>,
    %add3A_1087 = arith.addf %add3A_1067, %get3A_1086 : vector<16xf32>
    %gather3A_1088 = tpu.vector_load_idx %arg11[%get3A_1084] : memref<1024xi32, #tpu.memory_space<vmem>>[vector<16xi32>], vector<16xi32>,
    %gather3A_1089 = tpu.vector_load_idx %arg12[%gather3A_1088] : memref<1024xi32, #tpu.memory_space<vmem>>[vector<16xi32>], vector<16xi32>,
    %gather3A_1090 = tpu.vector_load_idx %arg13[%gather3A_1089] : memref<1024xi32, #tpu.memory_space<vmem>>[vector<16xi32>], vector<16xi32>,
    %gather3A_1091 = tpu.vector_load_idx %arg14[%get3A_1084] : memref<1024xf32, #tpu.memory_space<vmem>>[vector<16xi32>], vector<16xf32>,
    %add3A_1092 = arith.addf %add3A_1072, %gather3A_1091 : vector<16xf32>
    %gather3A_1093 = tpu.vector_load_idx %arg15[%gather3A_1088] : memref<1024xf32, #tpu.memory_space<vmem>>[vector<16xi32>], vector<16xf32>,
    %add3A_1094 = arith.addf %add3A_1074, %gather3A_1093 : vector<16xf32>
    %gather3A_1095 = tpu.vector_load_idx %arg16[%gather3A_1089] : memref<1024xf32, #tpu.memory_space<vmem>>[vector<16xi32>], vector<16xf32>,
    %add3A_1096 = arith.addf %add3A_1076, %gather3A_1095 : vector<16xf32>
    %swap3A_1097 = arith.constant 448 : index
    %swap3A_1098 = tpu.vector_load %arg17[%swap3A_1097] {strides = array<i32>} : memref<1024xi32, #tpu.memory_space<vmem>>, vector<16xi32>,
    tpu.vector_store %arg17[%swap3A_1097], %gather3A_1088 {strides = array<i32>} : memref<1024xi32, #tpu.memory_space<vmem>>, vector<16xi32>,
    %swap3A_1099 = arith.constant 448 : index
    %swap3A_1100 = tpu.vector_load %arg18[%swap3A_1099] {strides = array<i32>} : memref<1024xi32, #tpu.memory_space<vmem>>, vector<16xi32>,
    tpu.vector_store %arg18[%swap3A_1099], %gather3A_1089 {strides = array<i32>} : memref<1024xi32, #tpu.memory_space<vmem>>, vector<16xi32>,
    %swap3A_1101 = arith.constant 448 : index
    %swap3A_1102 = tpu.vector_load %arg19[%swap3A_1101] {strides = array<i32>} : memref<1024xi32, #tpu.memory_space<vmem>>, vector<16xi32>,
    tpu.vector_store %arg19[%swap3A_1101], %gather3A_1090 {strides = array<i32>} : memref<1024xi32, #tpu.memory_space<vmem>>, vector<16xi32>,
    tpu.vector_store_idx %arg20[%get3A_1084], %broadcast_in_dim3A_516 : memref<1024xi32, #tpu.memory_space<vmem>>[vector<16xi32>], vector<16xi32>,
    tpu.vector_store_idx %arg21[%gather3A_1088], %broadcast_in_dim3A_516 : memref<1024xi32, #tpu.memory_space<vmem>>[vector<16xi32>], vector<16xi32>,
    tpu.vector_store_idx %arg22[%gather3A_1089], %broadcast_in_dim3A_516 : memref<1024xi32, #tpu.memory_space<vmem>>[vector<16xi32>], vector<16xi32>,
    tpu.vector_store_idx %arg23[%gather3A_1090], %broadcast_in_dim3A_516 : memref<1024xi32, #tpu.memory_space<vmem>>[vector<16xi32>], vector<16xi32>,
    %get3A_1103 = arith.constant 464 : index
    %get3A_1104 = tpu.vector_load %arg9[%get3A_1103] {strides = array<i32>} : memref<1024xi32, #tpu.memory_space<vmem>>, vector<16xi32>,
    %get3A_1105 = arith.constant 464 : index
    %get3A_1106 = tpu.vector_load %arg10[%get3A_1105] {strides = array<i32>} : memref<1024xf32, #tpu.memory_space<vmem>>, vector<16xf32>,
    %add3A_1107 = arith.addf %add3A_1087, %get3A_1106 : vector<16xf32>
    %gather3A_1108 = tpu.vector_load_idx %arg11[%get3A_1104] : memref<1024xi32, #tpu.memory_space<vmem>>[vector<16xi32>], vector<16xi32>,
    %gather3A_1109 = tpu.vector_load_idx %arg12[%gather3A_1108] : memref<1024xi32, #tpu.memory_space<vmem>>[vector<16xi32>], vector<16xi32>,
    %gather3A_1110 = tpu.vector_load_idx %arg13[%gather3A_1109] : memref<1024xi32, #tpu.memory_space<vmem>>[vector<16xi32>], vector<16xi32>,
    %gather3A_1111 = tpu.vector_load_idx %arg14[%get3A_1104] : memref<1024xf32, #tpu.memory_space<vmem>>[vector<16xi32>], vector<16xf32>,
    %add3A_1112 = arith.addf %add3A_1092, %gather3A_1111 : vector<16xf32>
    %gather3A_1113 = tpu.vector_load_idx %arg15[%gather3A_1108] : memref<1024xf32, #tpu.memory_space<vmem>>[vector<16xi32>], vector<16xf32>,
    %add3A_1114 = arith.addf %add3A_1094, %gather3A_1113 : vector<16xf32>
    %gather3A_1115 = tpu.vector_load_idx %arg16[%gather3A_1109] : memref<1024xf32, #tpu.memory_space<vmem>>[vector<16xi32>], vector<16xf32>,
    %add3A_1116 = arith.addf %add3A_1096, %gather3A_1115 : vector<16xf32>
    %swap3A_1117 = arith.constant 464 : index
    %swap3A_1118 = tpu.vector_load %arg17[%swap3A_1117] {strides = array<i32>} : memref<1024xi32, #tpu.memory_space<vmem>>, vector<16xi32>,
    tpu.vector_store %arg17[%swap3A_1117], %gather3A_1108 {strides = array<i32>} : memref<1024xi32, #tpu.memory_space<vmem>>, vector<16xi32>,
    %swap3A_1119 = arith.constant 464 : index
    %swap3A_1120 = tpu.vector_load %arg18[%swap3A_1119] {strides = array<i32>} : memref<1024xi32, #tpu.memory_space<vmem>>, vector<16xi32>,
    tpu.vector_store %arg18[%swap3A_1119], %gather3A_1109 {strides = array<i32>} : memref<1024xi32, #tpu.memory_space<vmem>>, vector<16xi32>,
    %swap3A_1121 = arith.constant 464 : index
    %swap3A_1122 = tpu.vector_load %arg19[%swap3A_1121] {strides = array<i32>} : memref<1024xi32, #tpu.memory_space<vmem>>, vector<16xi32>,
    tpu.vector_store %arg19[%swap3A_1121], %gather3A_1110 {strides = array<i32>} : memref<1024xi32, #tpu.memory_space<vmem>>, vector<16xi32>,
    tpu.vector_store_idx %arg20[%get3A_1104], %broadcast_in_dim3A_516 : memref<1024xi32, #tpu.memory_space<vmem>>[vector<16xi32>], vector<16xi32>,
    tpu.vector_store_idx %arg21[%gather3A_1108], %broadcast_in_dim3A_516 : memref<1024xi32, #tpu.memory_space<vmem>>[vector<16xi32>], vector<16xi32>,
    tpu.vector_store_idx %arg22[%gather3A_1109], %broadcast_in_dim3A_516 : memref<1024xi32, #tpu.memory_space<vmem>>[vector<16xi32>], vector<16xi32>,
    tpu.vector_store_idx %arg23[%gather3A_1110], %broadcast_in_dim3A_516 : memref<1024xi32, #tpu.memory_space<vmem>>[vector<16xi32>], vector<16xi32>,
    %get3A_1123 = arith.constant 480 : index
    %get3A_1124 = tpu.vector_load %arg9[%get3A_1123] {strides = array<i32>} : memref<1024xi32, #tpu.memory_space<vmem>>, vector<16xi32>,
    %get3A_1125 = arith.constant 480 : index
    %get3A_1126 = tpu.vector_load %arg10[%get3A_1125] {strides = array<i32>} : memref<1024xf32, #tpu.memory_space<vmem>>, vector<16xf32>,
    %add3A_1127 = arith.addf %add3A_1107, %get3A_1126 : vector<16xf32>
    %gather3A_1128 = tpu.vector_load_idx %arg11[%get3A_1124] : memref<1024xi32, #tpu.memory_space<vmem>>[vector<16xi32>], vector<16xi32>,
    %gather3A_1129 = tpu.vector_load_idx %arg12[%gather3A_1128] : memref<1024xi32, #tpu.memory_space<vmem>>[vector<16xi32>], vector<16xi32>,
    %gather3A_1130 = tpu.vector_load_idx %arg13[%gather3A_1129] : memref<1024xi32, #tpu.memory_space<vmem>>[vector<16xi32>], vector<16xi32>,
    %gather3A_1131 = tpu.vector_load_idx %arg14[%get3A_1124] : memref<1024xf32, #tpu.memory_space<vmem>>[vector<16xi32>], vector<16xf32>,
    %add3A_1132 = arith.addf %add3A_1112, %gather3A_1131 : vector<16xf32>
    %gather3A_1133 = tpu.vector_load_idx %arg15[%gather3A_1128] : memref<1024xf32, #tpu.memory_space<vmem>>[vector<16xi32>], vector<16xf32>,
    %add3A_1134 = arith.addf %add3A_1114, %gather3A_1133 : vector<16xf32>
    %gather3A_1135 = tpu.vector_load_idx %arg16[%gather3A_1129] : memref<1024xf32, #tpu.memory_space<vmem>>[vector<16xi32>], vector<16xf32>,
    %add3A_1136 = arith.addf %add3A_1116, %gather3A_1135 : vector<16xf32>
    %swap3A_1137 = arith.constant 480 : index
    %swap3A_1138 = tpu.vector_load %arg17[%swap3A_1137] {strides = array<i32>} : memref<1024xi32, #tpu.memory_space<vmem>>, vector<16xi32>,
    tpu.vector_store %arg17[%swap3A_1137], %gather3A_1128 {strides = array<i32>} : memref<1024xi32, #tpu.memory_space<vmem>>, vector<16xi32>,
    %swap3A_1139 = arith.constant 480 : index
    %swap3A_1140 = tpu.vector_load %arg18[%swap3A_1139] {strides = array<i32>} : memref<1024xi32, #tpu.memory_space<vmem>>, vector<16xi32>,
    tpu.vector_store %arg18[%swap3A_1139], %gather3A_1129 {strides = array<i32>} : memref<1024xi32, #tpu.memory_space<vmem>>, vector<16xi32>,
    %swap3A_1141 = arith.constant 480 : index
    %swap3A_1142 = tpu.vector_load %arg19[%swap3A_1141] {strides = array<i32>} : memref<1024xi32, #tpu.memory_space<vmem>>, vector<16xi32>,
    tpu.vector_store %arg19[%swap3A_1141], %gather3A_1130 {strides = array<i32>} : memref<1024xi32, #tpu.memory_space<vmem>>, vector<16xi32>,
    tpu.vector_store_idx %arg20[%get3A_1124], %broadcast_in_dim3A_516 : memref<1024xi32, #tpu.memory_space<vmem>>[vector<16xi32>], vector<16xi32>,
    tpu.vector_store_idx %arg21[%gather3A_1128], %broadcast_in_dim3A_516 : memref<1024xi32, #tpu.memory_space<vmem>>[vector<16xi32>], vector<16xi32>,
    tpu.vector_store_idx %arg22[%gather3A_1129], %broadcast_in_dim3A_516 : memref<1024xi32, #tpu.memory_space<vmem>>[vector<16xi32>], vector<16xi32>,
    tpu.vector_store_idx %arg23[%gather3A_1130], %broadcast_in_dim3A_516 : memref<1024xi32, #tpu.memory_space<vmem>>[vector<16xi32>], vector<16xi32>,
    %get3A_1143 = arith.constant 496 : index
    %get3A_1144 = tpu.vector_load %arg9[%get3A_1143] {strides = array<i32>} : memref<1024xi32, #tpu.memory_space<vmem>>, vector<16xi32>,
    %get3A_1145 = arith.constant 496 : index
    %get3A_1146 = tpu.vector_load %arg10[%get3A_1145] {strides = array<i32>} : memref<1024xf32, #tpu.memory_space<vmem>>, vector<16xf32>,
    %add3A_1147 = arith.addf %add3A_1127, %get3A_1146 : vector<16xf32>
    %gather3A_1148 = tpu.vector_load_idx %arg11[%get3A_1144] : memref<1024xi32, #tpu.memory_space<vmem>>[vector<16xi32>], vector<16xi32>,
    %gather3A_1149 = tpu.vector_load_idx %arg12[%gather3A_1148] : memref<1024xi32, #tpu.memory_space<vmem>>[vector<16xi32>], vector<16xi32>,
    %gather3A_1150 = tpu.vector_load_idx %arg13[%gather3A_1149] : memref<1024xi32, #tpu.memory_space<vmem>>[vector<16xi32>], vector<16xi32>,
    %gather3A_1151 = tpu.vector_load_idx %arg14[%get3A_1144] : memref<1024xf32, #tpu.memory_space<vmem>>[vector<16xi32>], vector<16xf32>,
    %add3A_1152 = arith.addf %add3A_1132, %gather3A_1151 : vector<16xf32>
    %gather3A_1153 = tpu.vector_load_idx %arg15[%gather3A_1148] : memref<1024xf32, #tpu.memory_space<vmem>>[vector<16xi32>], vector<16xf32>,
    %add3A_1154 = arith.addf %add3A_1134, %gather3A_1153 : vector<16xf32>
    %gather3A_1155 = tpu.vector_load_idx %arg16[%gather3A_1149] : memref<1024xf32, #tpu.memory_space<vmem>>[vector<16xi32>], vector<16xf32>,
    %add3A_1156 = arith.addf %add3A_1136, %gather3A_1155 : vector<16xf32>
    %swap3A_1157 = arith.constant 496 : index
    %swap3A_1158 = tpu.vector_load %arg17[%swap3A_1157] {strides = array<i32>} : memref<1024xi32, #tpu.memory_space<vmem>>, vector<16xi32>,
    tpu.vector_store %arg17[%swap3A_1157], %gather3A_1148 {strides = array<i32>} : memref<1024xi32, #tpu.memory_space<vmem>>, vector<16xi32>,
    %swap3A_1159 = arith.constant 496 : index
    %swap3A_1160 = tpu.vector_load %arg18[%swap3A_1159] {strides = array<i32>} : memref<1024xi32, #tpu.memory_space<vmem>>, vector<16xi32>,
    tpu.vector_store %arg18[%swap3A_1159], %gather3A_1149 {strides = array<i32>} : memref<1024xi32, #tpu.memory_space<vmem>>, vector<16xi32>,
    %swap3A_1161 = arith.constant 496 : index
    %swap3A_1162 = tpu.vector_load %arg19[%swap3A_1161] {strides = array<i32>} : memref<1024xi32, #tpu.memory_space<vmem>>, vector<16xi32>,
    tpu.vector_store %arg19[%swap3A_1161], %gather3A_1150 {strides = array<i32>} : memref<1024xi32, #tpu.memory_space<vmem>>, vector<16xi32>,
    tpu.vector_store_idx %arg20[%get3A_1144], %broadcast_in_dim3A_516 : memref<1024xi32, #tpu.memory_space<vmem>>[vector<16xi32>], vector<16xi32>,
    tpu.vector_store_idx %arg21[%gather3A_1148], %broadcast_in_dim3A_516 : memref<1024xi32, #tpu.memory_space<vmem>>[vector<16xi32>], vector<16xi32>,
    tpu.vector_store_idx %arg22[%gather3A_1149], %broadcast_in_dim3A_516 : memref<1024xi32, #tpu.memory_space<vmem>>[vector<16xi32>], vector<16xi32>,
    tpu.vector_store_idx %arg23[%gather3A_1150], %broadcast_in_dim3A_516 : memref<1024xi32, #tpu.memory_space<vmem>>[vector<16xi32>], vector<16xi32>,
    %get3A_1163 = arith.constant 512 : index
    %get3A_1164 = tpu.vector_load %arg9[%get3A_1163] {strides = array<i32>} : memref<1024xi32, #tpu.memory_space<vmem>>, vector<16xi32>,
    %get3A_1165 = arith.constant 512 : index
    %get3A_1166 = tpu.vector_load %arg10[%get3A_1165] {strides = array<i32>} : memref<1024xf32, #tpu.memory_space<vmem>>, vector<16xf32>,
    %add3A_1167 = arith.addf %add3A_1147, %get3A_1166 : vector<16xf32>
    %gather3A_1168 = tpu.vector_load_idx %arg11[%get3A_1164] : memref<1024xi32, #tpu.memory_space<vmem>>[vector<16xi32>], vector<16xi32>,
    %gather3A_1169 = tpu.vector_load_idx %arg12[%gather3A_1168] : memref<1024xi32, #tpu.memory_space<vmem>>[vector<16xi32>], vector<16xi32>,
    %gather3A_1170 = tpu.vector_load_idx %arg13[%gather3A_1169] : memref<1024xi32, #tpu.memory_space<vmem>>[vector<16xi32>], vector<16xi32>,
    %gather3A_1171 = tpu.vector_load_idx %arg14[%get3A_1164] : memref<1024xf32, #tpu.memory_space<vmem>>[vector<16xi32>], vector<16xf32>,
    %add3A_1172 = arith.addf %add3A_1152, %gather3A_1171 : vector<16xf32>
    %gather3A_1173 = tpu.vector_load_idx %arg15[%gather3A_1168] : memref<1024xf32, #tpu.memory_space<vmem>>[vector<16xi32>], vector<16xf32>,
    %add3A_1174 = arith.addf %add3A_1154, %gather3A_1173 : vector<16xf32>
    %gather3A_1175 = tpu.vector_load_idx %arg16[%gather3A_1169] : memref<1024xf32, #tpu.memory_space<vmem>>[vector<16xi32>], vector<16xf32>,
    %add3A_1176 = arith.addf %add3A_1156, %gather3A_1175 : vector<16xf32>
    %swap3A_1177 = arith.constant 512 : index
    %swap3A_1178 = tpu.vector_load %arg17[%swap3A_1177] {strides = array<i32>} : memref<1024xi32, #tpu.memory_space<vmem>>, vector<16xi32>,
    tpu.vector_store %arg17[%swap3A_1177], %gather3A_1168 {strides = array<i32>} : memref<1024xi32, #tpu.memory_space<vmem>>, vector<16xi32>,
    %swap3A_1179 = arith.constant 512 : index
    %swap3A_1180 = tpu.vector_load %arg18[%swap3A_1179] {strides = array<i32>} : memref<1024xi32, #tpu.memory_space<vmem>>, vector<16xi32>,
    tpu.vector_store %arg18[%swap3A_1179], %gather3A_1169 {strides = array<i32>} : memref<1024xi32, #tpu.memory_space<vmem>>, vector<16xi32>,
    %swap3A_1181 = arith.constant 512 : index
    %swap3A_1182 = tpu.vector_load %arg19[%swap3A_1181] {strides = array<i32>} : memref<1024xi32, #tpu.memory_space<vmem>>, vector<16xi32>,
    tpu.vector_store %arg19[%swap3A_1181], %gather3A_1170 {strides = array<i32>} : memref<1024xi32, #tpu.memory_space<vmem>>, vector<16xi32>,
    tpu.vector_store_idx %arg20[%get3A_1164], %broadcast_in_dim3A_516 : memref<1024xi32, #tpu.memory_space<vmem>>[vector<16xi32>], vector<16xi32>,
    tpu.vector_store_idx %arg21[%gather3A_1168], %broadcast_in_dim3A_516 : memref<1024xi32, #tpu.memory_space<vmem>>[vector<16xi32>], vector<16xi32>,
    tpu.vector_store_idx %arg22[%gather3A_1169], %broadcast_in_dim3A_516 : memref<1024xi32, #tpu.memory_space<vmem>>[vector<16xi32>], vector<16xi32>,
    tpu.vector_store_idx %arg23[%gather3A_1170], %broadcast_in_dim3A_516 : memref<1024xi32, #tpu.memory_space<vmem>>[vector<16xi32>], vector<16xi32>,
    %get3A_1183 = arith.constant 528 : index
    %get3A_1184 = tpu.vector_load %arg9[%get3A_1183] {strides = array<i32>} : memref<1024xi32, #tpu.memory_space<vmem>>, vector<16xi32>,
    %get3A_1185 = arith.constant 528 : index
    %get3A_1186 = tpu.vector_load %arg10[%get3A_1185] {strides = array<i32>} : memref<1024xf32, #tpu.memory_space<vmem>>, vector<16xf32>,
    %add3A_1187 = arith.addf %add3A_1167, %get3A_1186 : vector<16xf32>
    %gather3A_1188 = tpu.vector_load_idx %arg11[%get3A_1184] : memref<1024xi32, #tpu.memory_space<vmem>>[vector<16xi32>], vector<16xi32>,
    %gather3A_1189 = tpu.vector_load_idx %arg12[%gather3A_1188] : memref<1024xi32, #tpu.memory_space<vmem>>[vector<16xi32>], vector<16xi32>,
    %gather3A_1190 = tpu.vector_load_idx %arg13[%gather3A_1189] : memref<1024xi32, #tpu.memory_space<vmem>>[vector<16xi32>], vector<16xi32>,
    %gather3A_1191 = tpu.vector_load_idx %arg14[%get3A_1184] : memref<1024xf32, #tpu.memory_space<vmem>>[vector<16xi32>], vector<16xf32>,
    %add3A_1192 = arith.addf %add3A_1172, %gather3A_1191 : vector<16xf32>
    %gather3A_1193 = tpu.vector_load_idx %arg15[%gather3A_1188] : memref<1024xf32, #tpu.memory_space<vmem>>[vector<16xi32>], vector<16xf32>,
    %add3A_1194 = arith.addf %add3A_1174, %gather3A_1193 : vector<16xf32>
    %gather3A_1195 = tpu.vector_load_idx %arg16[%gather3A_1189] : memref<1024xf32, #tpu.memory_space<vmem>>[vector<16xi32>], vector<16xf32>,
    %add3A_1196 = arith.addf %add3A_1176, %gather3A_1195 : vector<16xf32>
    %swap3A_1197 = arith.constant 528 : index
    %swap3A_1198 = tpu.vector_load %arg17[%swap3A_1197] {strides = array<i32>} : memref<1024xi32, #tpu.memory_space<vmem>>, vector<16xi32>,
    tpu.vector_store %arg17[%swap3A_1197], %gather3A_1188 {strides = array<i32>} : memref<1024xi32, #tpu.memory_space<vmem>>, vector<16xi32>,
    %swap3A_1199 = arith.constant 528 : index
    %swap3A_1200 = tpu.vector_load %arg18[%swap3A_1199] {strides = array<i32>} : memref<1024xi32, #tpu.memory_space<vmem>>, vector<16xi32>,
    tpu.vector_store %arg18[%swap3A_1199], %gather3A_1189 {strides = array<i32>} : memref<1024xi32, #tpu.memory_space<vmem>>, vector<16xi32>,
    %swap3A_1201 = arith.constant 528 : index
    %swap3A_1202 = tpu.vector_load %arg19[%swap3A_1201] {strides = array<i32>} : memref<1024xi32, #tpu.memory_space<vmem>>, vector<16xi32>,
    tpu.vector_store %arg19[%swap3A_1201], %gather3A_1190 {strides = array<i32>} : memref<1024xi32, #tpu.memory_space<vmem>>, vector<16xi32>,
    tpu.vector_store_idx %arg20[%get3A_1184], %broadcast_in_dim3A_516 : memref<1024xi32, #tpu.memory_space<vmem>>[vector<16xi32>], vector<16xi32>,
    tpu.vector_store_idx %arg21[%gather3A_1188], %broadcast_in_dim3A_516 : memref<1024xi32, #tpu.memory_space<vmem>>[vector<16xi32>], vector<16xi32>,
    tpu.vector_store_idx %arg22[%gather3A_1189], %broadcast_in_dim3A_516 : memref<1024xi32, #tpu.memory_space<vmem>>[vector<16xi32>], vector<16xi32>,
    tpu.vector_store_idx %arg23[%gather3A_1190], %broadcast_in_dim3A_516 : memref<1024xi32, #tpu.memory_space<vmem>>[vector<16xi32>], vector<16xi32>,
    %get3A_1203 = arith.constant 544 : index
    %get3A_1204 = tpu.vector_load %arg9[%get3A_1203] {strides = array<i32>} : memref<1024xi32, #tpu.memory_space<vmem>>, vector<16xi32>,
    %get3A_1205 = arith.constant 544 : index
    %get3A_1206 = tpu.vector_load %arg10[%get3A_1205] {strides = array<i32>} : memref<1024xf32, #tpu.memory_space<vmem>>, vector<16xf32>,
    %add3A_1207 = arith.addf %add3A_1187, %get3A_1206 : vector<16xf32>
    %gather3A_1208 = tpu.vector_load_idx %arg11[%get3A_1204] : memref<1024xi32, #tpu.memory_space<vmem>>[vector<16xi32>], vector<16xi32>,
    %gather3A_1209 = tpu.vector_load_idx %arg12[%gather3A_1208] : memref<1024xi32, #tpu.memory_space<vmem>>[vector<16xi32>], vector<16xi32>,
    %gather3A_1210 = tpu.vector_load_idx %arg13[%gather3A_1209] : memref<1024xi32, #tpu.memory_space<vmem>>[vector<16xi32>], vector<16xi32>,
    %gather3A_1211 = tpu.vector_load_idx %arg14[%get3A_1204] : memref<1024xf32, #tpu.memory_space<vmem>>[vector<16xi32>], vector<16xf32>,
    %add3A_1212 = arith.addf %add3A_1192, %gather3A_1211 : vector<16xf32>
    %gather3A_1213 = tpu.vector_load_idx %arg15[%gather3A_1208] : memref<1024xf32, #tpu.memory_space<vmem>>[vector<16xi32>], vector<16xf32>,
    %add3A_1214 = arith.addf %add3A_1194, %gather3A_1213 : vector<16xf32>
    %gather3A_1215 = tpu.vector_load_idx %arg16[%gather3A_1209] : memref<1024xf32, #tpu.memory_space<vmem>>[vector<16xi32>], vector<16xf32>,
    %add3A_1216 = arith.addf %add3A_1196, %gather3A_1215 : vector<16xf32>
    %swap3A_1217 = arith.constant 544 : index
    %swap3A_1218 = tpu.vector_load %arg17[%swap3A_1217] {strides = array<i32>} : memref<1024xi32, #tpu.memory_space<vmem>>, vector<16xi32>,
    tpu.vector_store %arg17[%swap3A_1217], %gather3A_1208 {strides = array<i32>} : memref<1024xi32, #tpu.memory_space<vmem>>, vector<16xi32>,
    %swap3A_1219 = arith.constant 544 : index
    %swap3A_1220 = tpu.vector_load %arg18[%swap3A_1219] {strides = array<i32>} : memref<1024xi32, #tpu.memory_space<vmem>>, vector<16xi32>,
    tpu.vector_store %arg18[%swap3A_1219], %gather3A_1209 {strides = array<i32>} : memref<1024xi32, #tpu.memory_space<vmem>>, vector<16xi32>,
    %swap3A_1221 = arith.constant 544 : index
    %swap3A_1222 = tpu.vector_load %arg19[%swap3A_1221] {strides = array<i32>} : memref<1024xi32, #tpu.memory_space<vmem>>, vector<16xi32>,
    tpu.vector_store %arg19[%swap3A_1221], %gather3A_1210 {strides = array<i32>} : memref<1024xi32, #tpu.memory_space<vmem>>, vector<16xi32>,
    tpu.vector_store_idx %arg20[%get3A_1204], %broadcast_in_dim3A_516 : memref<1024xi32, #tpu.memory_space<vmem>>[vector<16xi32>], vector<16xi32>,
    tpu.vector_store_idx %arg21[%gather3A_1208], %broadcast_in_dim3A_516 : memref<1024xi32, #tpu.memory_space<vmem>>[vector<16xi32>], vector<16xi32>,
    tpu.vector_store_idx %arg22[%gather3A_1209], %broadcast_in_dim3A_516 : memref<1024xi32, #tpu.memory_space<vmem>>[vector<16xi32>], vector<16xi32>,
    tpu.vector_store_idx %arg23[%gather3A_1210], %broadcast_in_dim3A_516 : memref<1024xi32, #tpu.memory_space<vmem>>[vector<16xi32>], vector<16xi32>,
    %get3A_1223 = arith.constant 560 : index
    %get3A_1224 = tpu.vector_load %arg9[%get3A_1223] {strides = array<i32>} : memref<1024xi32, #tpu.memory_space<vmem>>, vector<16xi32>,
    %get3A_1225 = arith.constant 560 : index
    %get3A_1226 = tpu.vector_load %arg10[%get3A_1225] {strides = array<i32>} : memref<1024xf32, #tpu.memory_space<vmem>>, vector<16xf32>,
    %add3A_1227 = arith.addf %add3A_1207, %get3A_1226 : vector<16xf32>
    %gather3A_1228 = tpu.vector_load_idx %arg11[%get3A_1224] : memref<1024xi32, #tpu.memory_space<vmem>>[vector<16xi32>], vector<16xi32>,
    %gather3A_1229 = tpu.vector_load_idx %arg12[%gather3A_1228] : memref<1024xi32, #tpu.memory_space<vmem>>[vector<16xi32>], vector<16xi32>,
    %gather3A_1230 = tpu.vector_load_idx %arg13[%gather3A_1229] : memref<1024xi32, #tpu.memory_space<vmem>>[vector<16xi32>], vector<16xi32>,
    %gather3A_1231 = tpu.vector_load_idx %arg14[%get3A_1224] : memref<1024xf32, #tpu.memory_space<vmem>>[vector<16xi32>], vector<16xf32>,
    %add3A_1232 = arith.addf %add3A_1212, %gather3A_1231 : vector<16xf32>
    %gather3A_1233 = tpu.vector_load_idx %arg15[%gather3A_1228] : memref<1024xf32, #tpu.memory_space<vmem>>[vector<16xi32>], vector<16xf32>,
    %add3A_1234 = arith.addf %add3A_1214, %gather3A_1233 : vector<16xf32>
    %gather3A_1235 = tpu.vector_load_idx %arg16[%gather3A_1229] : memref<1024xf32, #tpu.memory_space<vmem>>[vector<16xi32>], vector<16xf32>,
    %add3A_1236 = arith.addf %add3A_1216, %gather3A_1235 : vector<16xf32>
    %swap3A_1237 = arith.constant 560 : index
    %swap3A_1238 = tpu.vector_load %arg17[%swap3A_1237] {strides = array<i32>} : memref<1024xi32, #tpu.memory_space<vmem>>, vector<16xi32>,
    tpu.vector_store %arg17[%swap3A_1237], %gather3A_1228 {strides = array<i32>} : memref<1024xi32, #tpu.memory_space<vmem>>, vector<16xi32>,
    %swap3A_1239 = arith.constant 560 : index
    %swap3A_1240 = tpu.vector_load %arg18[%swap3A_1239] {strides = array<i32>} : memref<1024xi32, #tpu.memory_space<vmem>>, vector<16xi32>,
    tpu.vector_store %arg18[%swap3A_1239], %gather3A_1229 {strides = array<i32>} : memref<1024xi32, #tpu.memory_space<vmem>>, vector<16xi32>,
    %swap3A_1241 = arith.constant 560 : index
    %swap3A_1242 = tpu.vector_load %arg19[%swap3A_1241] {strides = array<i32>} : memref<1024xi32, #tpu.memory_space<vmem>>, vector<16xi32>,
    tpu.vector_store %arg19[%swap3A_1241], %gather3A_1230 {strides = array<i32>} : memref<1024xi32, #tpu.memory_space<vmem>>, vector<16xi32>,
    tpu.vector_store_idx %arg20[%get3A_1224], %broadcast_in_dim3A_516 : memref<1024xi32, #tpu.memory_space<vmem>>[vector<16xi32>], vector<16xi32>,
    tpu.vector_store_idx %arg21[%gather3A_1228], %broadcast_in_dim3A_516 : memref<1024xi32, #tpu.memory_space<vmem>>[vector<16xi32>], vector<16xi32>,
    tpu.vector_store_idx %arg22[%gather3A_1229], %broadcast_in_dim3A_516 : memref<1024xi32, #tpu.memory_space<vmem>>[vector<16xi32>], vector<16xi32>,
    tpu.vector_store_idx %arg23[%gather3A_1230], %broadcast_in_dim3A_516 : memref<1024xi32, #tpu.memory_space<vmem>>[vector<16xi32>], vector<16xi32>,
    %get3A_1243 = arith.constant 576 : index
    %get3A_1244 = tpu.vector_load %arg9[%get3A_1243] {strides = array<i32>} : memref<1024xi32, #tpu.memory_space<vmem>>, vector<16xi32>,
    %get3A_1245 = arith.constant 576 : index
    %get3A_1246 = tpu.vector_load %arg10[%get3A_1245] {strides = array<i32>} : memref<1024xf32, #tpu.memory_space<vmem>>, vector<16xf32>,
    %add3A_1247 = arith.addf %add3A_1227, %get3A_1246 : vector<16xf32>
    %gather3A_1248 = tpu.vector_load_idx %arg11[%get3A_1244] : memref<1024xi32, #tpu.memory_space<vmem>>[vector<16xi32>], vector<16xi32>,
    %gather3A_1249 = tpu.vector_load_idx %arg12[%gather3A_1248] : memref<1024xi32, #tpu.memory_space<vmem>>[vector<16xi32>], vector<16xi32>,
    %gather3A_1250 = tpu.vector_load_idx %arg13[%gather3A_1249] : memref<1024xi32, #tpu.memory_space<vmem>>[vector<16xi32>], vector<16xi32>,
    %gather3A_1251 = tpu.vector_load_idx %arg14[%get3A_1244] : memref<1024xf32, #tpu.memory_space<vmem>>[vector<16xi32>], vector<16xf32>,
    %add3A_1252 = arith.addf %add3A_1232, %gather3A_1251 : vector<16xf32>
    %gather3A_1253 = tpu.vector_load_idx %arg15[%gather3A_1248] : memref<1024xf32, #tpu.memory_space<vmem>>[vector<16xi32>], vector<16xf32>,
    %add3A_1254 = arith.addf %add3A_1234, %gather3A_1253 : vector<16xf32>
    %gather3A_1255 = tpu.vector_load_idx %arg16[%gather3A_1249] : memref<1024xf32, #tpu.memory_space<vmem>>[vector<16xi32>], vector<16xf32>,
    %add3A_1256 = arith.addf %add3A_1236, %gather3A_1255 : vector<16xf32>
    %swap3A_1257 = arith.constant 576 : index
    %swap3A_1258 = tpu.vector_load %arg17[%swap3A_1257] {strides = array<i32>} : memref<1024xi32, #tpu.memory_space<vmem>>, vector<16xi32>,
    tpu.vector_store %arg17[%swap3A_1257], %gather3A_1248 {strides = array<i32>} : memref<1024xi32, #tpu.memory_space<vmem>>, vector<16xi32>,
    %swap3A_1259 = arith.constant 576 : index
    %swap3A_1260 = tpu.vector_load %arg18[%swap3A_1259] {strides = array<i32>} : memref<1024xi32, #tpu.memory_space<vmem>>, vector<16xi32>,
    tpu.vector_store %arg18[%swap3A_1259], %gather3A_1249 {strides = array<i32>} : memref<1024xi32, #tpu.memory_space<vmem>>, vector<16xi32>,
    %swap3A_1261 = arith.constant 576 : index
    %swap3A_1262 = tpu.vector_load %arg19[%swap3A_1261] {strides = array<i32>} : memref<1024xi32, #tpu.memory_space<vmem>>, vector<16xi32>,
    tpu.vector_store %arg19[%swap3A_1261], %gather3A_1250 {strides = array<i32>} : memref<1024xi32, #tpu.memory_space<vmem>>, vector<16xi32>,
    tpu.vector_store_idx %arg20[%get3A_1244], %broadcast_in_dim3A_516 : memref<1024xi32, #tpu.memory_space<vmem>>[vector<16xi32>], vector<16xi32>,
    tpu.vector_store_idx %arg21[%gather3A_1248], %broadcast_in_dim3A_516 : memref<1024xi32, #tpu.memory_space<vmem>>[vector<16xi32>], vector<16xi32>,
    tpu.vector_store_idx %arg22[%gather3A_1249], %broadcast_in_dim3A_516 : memref<1024xi32, #tpu.memory_space<vmem>>[vector<16xi32>], vector<16xi32>,
    tpu.vector_store_idx %arg23[%gather3A_1250], %broadcast_in_dim3A_516 : memref<1024xi32, #tpu.memory_space<vmem>>[vector<16xi32>], vector<16xi32>,
    %get3A_1263 = arith.constant 592 : index
    %get3A_1264 = tpu.vector_load %arg9[%get3A_1263] {strides = array<i32>} : memref<1024xi32, #tpu.memory_space<vmem>>, vector<16xi32>,
    %get3A_1265 = arith.constant 592 : index
    %get3A_1266 = tpu.vector_load %arg10[%get3A_1265] {strides = array<i32>} : memref<1024xf32, #tpu.memory_space<vmem>>, vector<16xf32>,
    %add3A_1267 = arith.addf %add3A_1247, %get3A_1266 : vector<16xf32>
    %gather3A_1268 = tpu.vector_load_idx %arg11[%get3A_1264] : memref<1024xi32, #tpu.memory_space<vmem>>[vector<16xi32>], vector<16xi32>,
    %gather3A_1269 = tpu.vector_load_idx %arg12[%gather3A_1268] : memref<1024xi32, #tpu.memory_space<vmem>>[vector<16xi32>], vector<16xi32>,
    %gather3A_1270 = tpu.vector_load_idx %arg13[%gather3A_1269] : memref<1024xi32, #tpu.memory_space<vmem>>[vector<16xi32>], vector<16xi32>,
    %gather3A_1271 = tpu.vector_load_idx %arg14[%get3A_1264] : memref<1024xf32, #tpu.memory_space<vmem>>[vector<16xi32>], vector<16xf32>,
    %add3A_1272 = arith.addf %add3A_1252, %gather3A_1271 : vector<16xf32>
    %gather3A_1273 = tpu.vector_load_idx %arg15[%gather3A_1268] : memref<1024xf32, #tpu.memory_space<vmem>>[vector<16xi32>], vector<16xf32>,
    %add3A_1274 = arith.addf %add3A_1254, %gather3A_1273 : vector<16xf32>
    %gather3A_1275 = tpu.vector_load_idx %arg16[%gather3A_1269] : memref<1024xf32, #tpu.memory_space<vmem>>[vector<16xi32>], vector<16xf32>,
    %add3A_1276 = arith.addf %add3A_1256, %gather3A_1275 : vector<16xf32>
    %swap3A_1277 = arith.constant 592 : index
    %swap3A_1278 = tpu.vector_load %arg17[%swap3A_1277] {strides = array<i32>} : memref<1024xi32, #tpu.memory_space<vmem>>, vector<16xi32>,
    tpu.vector_store %arg17[%swap3A_1277], %gather3A_1268 {strides = array<i32>} : memref<1024xi32, #tpu.memory_space<vmem>>, vector<16xi32>,
    %swap3A_1279 = arith.constant 592 : index
    %swap3A_1280 = tpu.vector_load %arg18[%swap3A_1279] {strides = array<i32>} : memref<1024xi32, #tpu.memory_space<vmem>>, vector<16xi32>,
    tpu.vector_store %arg18[%swap3A_1279], %gather3A_1269 {strides = array<i32>} : memref<1024xi32, #tpu.memory_space<vmem>>, vector<16xi32>,
    %swap3A_1281 = arith.constant 592 : index
    %swap3A_1282 = tpu.vector_load %arg19[%swap3A_1281] {strides = array<i32>} : memref<1024xi32, #tpu.memory_space<vmem>>, vector<16xi32>,
    tpu.vector_store %arg19[%swap3A_1281], %gather3A_1270 {strides = array<i32>} : memref<1024xi32, #tpu.memory_space<vmem>>, vector<16xi32>,
    tpu.vector_store_idx %arg20[%get3A_1264], %broadcast_in_dim3A_516 : memref<1024xi32, #tpu.memory_space<vmem>>[vector<16xi32>], vector<16xi32>,
    tpu.vector_store_idx %arg21[%gather3A_1268], %broadcast_in_dim3A_516 : memref<1024xi32, #tpu.memory_space<vmem>>[vector<16xi32>], vector<16xi32>,
    tpu.vector_store_idx %arg22[%gather3A_1269], %broadcast_in_dim3A_516 : memref<1024xi32, #tpu.memory_space<vmem>>[vector<16xi32>], vector<16xi32>,
    tpu.vector_store_idx %arg23[%gather3A_1270], %broadcast_in_dim3A_516 : memref<1024xi32, #tpu.memory_space<vmem>>[vector<16xi32>], vector<16xi32>,
    %get3A_1283 = arith.constant 608 : index
    %get3A_1284 = tpu.vector_load %arg9[%get3A_1283] {strides = array<i32>} : memref<1024xi32, #tpu.memory_space<vmem>>, vector<16xi32>,
    %get3A_1285 = arith.constant 608 : index
    %get3A_1286 = tpu.vector_load %arg10[%get3A_1285] {strides = array<i32>} : memref<1024xf32, #tpu.memory_space<vmem>>, vector<16xf32>,
    %add3A_1287 = arith.addf %add3A_1267, %get3A_1286 : vector<16xf32>
    %gather3A_1288 = tpu.vector_load_idx %arg11[%get3A_1284] : memref<1024xi32, #tpu.memory_space<vmem>>[vector<16xi32>], vector<16xi32>,
    %gather3A_1289 = tpu.vector_load_idx %arg12[%gather3A_1288] : memref<1024xi32, #tpu.memory_space<vmem>>[vector<16xi32>], vector<16xi32>,
    %gather3A_1290 = tpu.vector_load_idx %arg13[%gather3A_1289] : memref<1024xi32, #tpu.memory_space<vmem>>[vector<16xi32>], vector<16xi32>,
    %gather3A_1291 = tpu.vector_load_idx %arg14[%get3A_1284] : memref<1024xf32, #tpu.memory_space<vmem>>[vector<16xi32>], vector<16xf32>,
    %add3A_1292 = arith.addf %add3A_1272, %gather3A_1291 : vector<16xf32>
    %gather3A_1293 = tpu.vector_load_idx %arg15[%gather3A_1288] : memref<1024xf32, #tpu.memory_space<vmem>>[vector<16xi32>], vector<16xf32>,
    %add3A_1294 = arith.addf %add3A_1274, %gather3A_1293 : vector<16xf32>
    %gather3A_1295 = tpu.vector_load_idx %arg16[%gather3A_1289] : memref<1024xf32, #tpu.memory_space<vmem>>[vector<16xi32>], vector<16xf32>,
    %add3A_1296 = arith.addf %add3A_1276, %gather3A_1295 : vector<16xf32>
    %swap3A_1297 = arith.constant 608 : index
    %swap3A_1298 = tpu.vector_load %arg17[%swap3A_1297] {strides = array<i32>} : memref<1024xi32, #tpu.memory_space<vmem>>, vector<16xi32>,
    tpu.vector_store %arg17[%swap3A_1297], %gather3A_1288 {strides = array<i32>} : memref<1024xi32, #tpu.memory_space<vmem>>, vector<16xi32>,
    %swap3A_1299 = arith.constant 608 : index
    %swap3A_1300 = tpu.vector_load %arg18[%swap3A_1299] {strides = array<i32>} : memref<1024xi32, #tpu.memory_space<vmem>>, vector<16xi32>,
    tpu.vector_store %arg18[%swap3A_1299], %gather3A_1289 {strides = array<i32>} : memref<1024xi32, #tpu.memory_space<vmem>>, vector<16xi32>,
    %swap3A_1301 = arith.constant 608 : index
    %swap3A_1302 = tpu.vector_load %arg19[%swap3A_1301] {strides = array<i32>} : memref<1024xi32, #tpu.memory_space<vmem>>, vector<16xi32>,
    tpu.vector_store %arg19[%swap3A_1301], %gather3A_1290 {strides = array<i32>} : memref<1024xi32, #tpu.memory_space<vmem>>, vector<16xi32>,
    tpu.vector_store_idx %arg20[%get3A_1284], %broadcast_in_dim3A_516 : memref<1024xi32, #tpu.memory_space<vmem>>[vector<16xi32>], vector<16xi32>,
    tpu.vector_store_idx %arg21[%gather3A_1288], %broadcast_in_dim3A_516 : memref<1024xi32, #tpu.memory_space<vmem>>[vector<16xi32>], vector<16xi32>,
    tpu.vector_store_idx %arg22[%gather3A_1289], %broadcast_in_dim3A_516 : memref<1024xi32, #tpu.memory_space<vmem>>[vector<16xi32>], vector<16xi32>,
    tpu.vector_store_idx %arg23[%gather3A_1290], %broadcast_in_dim3A_516 : memref<1024xi32, #tpu.memory_space<vmem>>[vector<16xi32>], vector<16xi32>,
    %get3A_1303 = arith.constant 624 : index
    %get3A_1304 = tpu.vector_load %arg9[%get3A_1303] {strides = array<i32>} : memref<1024xi32, #tpu.memory_space<vmem>>, vector<16xi32>,
    %get3A_1305 = arith.constant 624 : index
    %get3A_1306 = tpu.vector_load %arg10[%get3A_1305] {strides = array<i32>} : memref<1024xf32, #tpu.memory_space<vmem>>, vector<16xf32>,
    %add3A_1307 = arith.addf %add3A_1287, %get3A_1306 : vector<16xf32>
    %gather3A_1308 = tpu.vector_load_idx %arg11[%get3A_1304] : memref<1024xi32, #tpu.memory_space<vmem>>[vector<16xi32>], vector<16xi32>,
    %gather3A_1309 = tpu.vector_load_idx %arg12[%gather3A_1308] : memref<1024xi32, #tpu.memory_space<vmem>>[vector<16xi32>], vector<16xi32>,
    %gather3A_1310 = tpu.vector_load_idx %arg13[%gather3A_1309] : memref<1024xi32, #tpu.memory_space<vmem>>[vector<16xi32>], vector<16xi32>,
    %gather3A_1311 = tpu.vector_load_idx %arg14[%get3A_1304] : memref<1024xf32, #tpu.memory_space<vmem>>[vector<16xi32>], vector<16xf32>,
    %add3A_1312 = arith.addf %add3A_1292, %gather3A_1311 : vector<16xf32>
    %gather3A_1313 = tpu.vector_load_idx %arg15[%gather3A_1308] : memref<1024xf32, #tpu.memory_space<vmem>>[vector<16xi32>], vector<16xf32>,
    %add3A_1314 = arith.addf %add3A_1294, %gather3A_1313 : vector<16xf32>
    %gather3A_1315 = tpu.vector_load_idx %arg16[%gather3A_1309] : memref<1024xf32, #tpu.memory_space<vmem>>[vector<16xi32>], vector<16xf32>,
    %add3A_1316 = arith.addf %add3A_1296, %gather3A_1315 : vector<16xf32>
    %swap3A_1317 = arith.constant 624 : index
    %swap3A_1318 = tpu.vector_load %arg17[%swap3A_1317] {strides = array<i32>} : memref<1024xi32, #tpu.memory_space<vmem>>, vector<16xi32>,
    tpu.vector_store %arg17[%swap3A_1317], %gather3A_1308 {strides = array<i32>} : memref<1024xi32, #tpu.memory_space<vmem>>, vector<16xi32>,
    %swap3A_1319 = arith.constant 624 : index
    %swap3A_1320 = tpu.vector_load %arg18[%swap3A_1319] {strides = array<i32>} : memref<1024xi32, #tpu.memory_space<vmem>>, vector<16xi32>,
    tpu.vector_store %arg18[%swap3A_1319], %gather3A_1309 {strides = array<i32>} : memref<1024xi32, #tpu.memory_space<vmem>>, vector<16xi32>,
    %swap3A_1321 = arith.constant 624 : index
    %swap3A_1322 = tpu.vector_load %arg19[%swap3A_1321] {strides = array<i32>} : memref<1024xi32, #tpu.memory_space<vmem>>, vector<16xi32>,
    tpu.vector_store %arg19[%swap3A_1321], %gather3A_1310 {strides = array<i32>} : memref<1024xi32, #tpu.memory_space<vmem>>, vector<16xi32>,
    tpu.vector_store_idx %arg20[%get3A_1304], %broadcast_in_dim3A_516 : memref<1024xi32, #tpu.memory_space<vmem>>[vector<16xi32>], vector<16xi32>,
    tpu.vector_store_idx %arg21[%gather3A_1308], %broadcast_in_dim3A_516 : memref<1024xi32, #tpu.memory_space<vmem>>[vector<16xi32>], vector<16xi32>,
    tpu.vector_store_idx %arg22[%gather3A_1309], %broadcast_in_dim3A_516 : memref<1024xi32, #tpu.memory_space<vmem>>[vector<16xi32>], vector<16xi32>,
    tpu.vector_store_idx %arg23[%gather3A_1310], %broadcast_in_dim3A_516 : memref<1024xi32, #tpu.memory_space<vmem>>[vector<16xi32>], vector<16xi32>,
    %get3A_1323 = arith.constant 640 : index
    %get3A_1324 = tpu.vector_load %arg9[%get3A_1323] {strides = array<i32>} : memref<1024xi32, #tpu.memory_space<vmem>>, vector<16xi32>,
    %get3A_1325 = arith.constant 640 : index
    %get3A_1326 = tpu.vector_load %arg10[%get3A_1325] {strides = array<i32>} : memref<1024xf32, #tpu.memory_space<vmem>>, vector<16xf32>,
    %add3A_1327 = arith.addf %add3A_1307, %get3A_1326 : vector<16xf32>
    %gather3A_1328 = tpu.vector_load_idx %arg11[%get3A_1324] : memref<1024xi32, #tpu.memory_space<vmem>>[vector<16xi32>], vector<16xi32>,
    %gather3A_1329 = tpu.vector_load_idx %arg12[%gather3A_1328] : memref<1024xi32, #tpu.memory_space<vmem>>[vector<16xi32>], vector<16xi32>,
    %gather3A_1330 = tpu.vector_load_idx %arg13[%gather3A_1329] : memref<1024xi32, #tpu.memory_space<vmem>>[vector<16xi32>], vector<16xi32>,
    %gather3A_1331 = tpu.vector_load_idx %arg14[%get3A_1324] : memref<1024xf32, #tpu.memory_space<vmem>>[vector<16xi32>], vector<16xf32>,
    %add3A_1332 = arith.addf %add3A_1312, %gather3A_1331 : vector<16xf32>
    %gather3A_1333 = tpu.vector_load_idx %arg15[%gather3A_1328] : memref<1024xf32, #tpu.memory_space<vmem>>[vector<16xi32>], vector<16xf32>,
    %add3A_1334 = arith.addf %add3A_1314, %gather3A_1333 : vector<16xf32>
    %gather3A_1335 = tpu.vector_load_idx %arg16[%gather3A_1329] : memref<1024xf32, #tpu.memory_space<vmem>>[vector<16xi32>], vector<16xf32>,
    %add3A_1336 = arith.addf %add3A_1316, %gather3A_1335 : vector<16xf32>
    %swap3A_1337 = arith.constant 640 : index
    %swap3A_1338 = tpu.vector_load %arg17[%swap3A_1337] {strides = array<i32>} : memref<1024xi32, #tpu.memory_space<vmem>>, vector<16xi32>,
    tpu.vector_store %arg17[%swap3A_1337], %gather3A_1328 {strides = array<i32>} : memref<1024xi32, #tpu.memory_space<vmem>>, vector<16xi32>,
    %swap3A_1339 = arith.constant 640 : index
    %swap3A_1340 = tpu.vector_load %arg18[%swap3A_1339] {strides = array<i32>} : memref<1024xi32, #tpu.memory_space<vmem>>, vector<16xi32>,
    tpu.vector_store %arg18[%swap3A_1339], %gather3A_1329 {strides = array<i32>} : memref<1024xi32, #tpu.memory_space<vmem>>, vector<16xi32>,
    %swap3A_1341 = arith.constant 640 : index
    %swap3A_1342 = tpu.vector_load %arg19[%swap3A_1341] {strides = array<i32>} : memref<1024xi32, #tpu.memory_space<vmem>>, vector<16xi32>,
    tpu.vector_store %arg19[%swap3A_1341], %gather3A_1330 {strides = array<i32>} : memref<1024xi32, #tpu.memory_space<vmem>>, vector<16xi32>,
    tpu.vector_store_idx %arg20[%get3A_1324], %broadcast_in_dim3A_516 : memref<1024xi32, #tpu.memory_space<vmem>>[vector<16xi32>], vector<16xi32>,
    tpu.vector_store_idx %arg21[%gather3A_1328], %broadcast_in_dim3A_516 : memref<1024xi32, #tpu.memory_space<vmem>>[vector<16xi32>], vector<16xi32>,
    tpu.vector_store_idx %arg22[%gather3A_1329], %broadcast_in_dim3A_516 : memref<1024xi32, #tpu.memory_space<vmem>>[vector<16xi32>], vector<16xi32>,
    tpu.vector_store_idx %arg23[%gather3A_1330], %broadcast_in_dim3A_516 : memref<1024xi32, #tpu.memory_space<vmem>>[vector<16xi32>], vector<16xi32>,
    %get3A_1343 = arith.constant 656 : index
    %get3A_1344 = tpu.vector_load %arg9[%get3A_1343] {strides = array<i32>} : memref<1024xi32, #tpu.memory_space<vmem>>, vector<16xi32>,
    %get3A_1345 = arith.constant 656 : index
    %get3A_1346 = tpu.vector_load %arg10[%get3A_1345] {strides = array<i32>} : memref<1024xf32, #tpu.memory_space<vmem>>, vector<16xf32>,
    %add3A_1347 = arith.addf %add3A_1327, %get3A_1346 : vector<16xf32>
    %gather3A_1348 = tpu.vector_load_idx %arg11[%get3A_1344] : memref<1024xi32, #tpu.memory_space<vmem>>[vector<16xi32>], vector<16xi32>,
    %gather3A_1349 = tpu.vector_load_idx %arg12[%gather3A_1348] : memref<1024xi32, #tpu.memory_space<vmem>>[vector<16xi32>], vector<16xi32>,
    %gather3A_1350 = tpu.vector_load_idx %arg13[%gather3A_1349] : memref<1024xi32, #tpu.memory_space<vmem>>[vector<16xi32>], vector<16xi32>,
    %gather3A_1351 = tpu.vector_load_idx %arg14[%get3A_1344] : memref<1024xf32, #tpu.memory_space<vmem>>[vector<16xi32>], vector<16xf32>,
    %add3A_1352 = arith.addf %add3A_1332, %gather3A_1351 : vector<16xf32>
    %gather3A_1353 = tpu.vector_load_idx %arg15[%gather3A_1348] : memref<1024xf32, #tpu.memory_space<vmem>>[vector<16xi32>], vector<16xf32>,
    %add3A_1354 = arith.addf %add3A_1334, %gather3A_1353 : vector<16xf32>
    %gather3A_1355 = tpu.vector_load_idx %arg16[%gather3A_1349] : memref<1024xf32, #tpu.memory_space<vmem>>[vector<16xi32>], vector<16xf32>,
    %add3A_1356 = arith.addf %add3A_1336, %gather3A_1355 : vector<16xf32>
    %swap3A_1357 = arith.constant 656 : index
    %swap3A_1358 = tpu.vector_load %arg17[%swap3A_1357] {strides = array<i32>} : memref<1024xi32, #tpu.memory_space<vmem>>, vector<16xi32>,
    tpu.vector_store %arg17[%swap3A_1357], %gather3A_1348 {strides = array<i32>} : memref<1024xi32, #tpu.memory_space<vmem>>, vector<16xi32>,
    %swap3A_1359 = arith.constant 656 : index
    %swap3A_1360 = tpu.vector_load %arg18[%swap3A_1359] {strides = array<i32>} : memref<1024xi32, #tpu.memory_space<vmem>>, vector<16xi32>,
    tpu.vector_store %arg18[%swap3A_1359], %gather3A_1349 {strides = array<i32>} : memref<1024xi32, #tpu.memory_space<vmem>>, vector<16xi32>,
    %swap3A_1361 = arith.constant 656 : index
    %swap3A_1362 = tpu.vector_load %arg19[%swap3A_1361] {strides = array<i32>} : memref<1024xi32, #tpu.memory_space<vmem>>, vector<16xi32>,
    tpu.vector_store %arg19[%swap3A_1361], %gather3A_1350 {strides = array<i32>} : memref<1024xi32, #tpu.memory_space<vmem>>, vector<16xi32>,
    tpu.vector_store_idx %arg20[%get3A_1344], %broadcast_in_dim3A_516 : memref<1024xi32, #tpu.memory_space<vmem>>[vector<16xi32>], vector<16xi32>,
    tpu.vector_store_idx %arg21[%gather3A_1348], %broadcast_in_dim3A_516 : memref<1024xi32, #tpu.memory_space<vmem>>[vector<16xi32>], vector<16xi32>,
    tpu.vector_store_idx %arg22[%gather3A_1349], %broadcast_in_dim3A_516 : memref<1024xi32, #tpu.memory_space<vmem>>[vector<16xi32>], vector<16xi32>,
    tpu.vector_store_idx %arg23[%gather3A_1350], %broadcast_in_dim3A_516 : memref<1024xi32, #tpu.memory_space<vmem>>[vector<16xi32>], vector<16xi32>,
    %get3A_1363 = arith.constant 672 : index
    %get3A_1364 = tpu.vector_load %arg9[%get3A_1363] {strides = array<i32>} : memref<1024xi32, #tpu.memory_space<vmem>>, vector<16xi32>,
    %get3A_1365 = arith.constant 672 : index
    %get3A_1366 = tpu.vector_load %arg10[%get3A_1365] {strides = array<i32>} : memref<1024xf32, #tpu.memory_space<vmem>>, vector<16xf32>,
    %add3A_1367 = arith.addf %add3A_1347, %get3A_1366 : vector<16xf32>
    %gather3A_1368 = tpu.vector_load_idx %arg11[%get3A_1364] : memref<1024xi32, #tpu.memory_space<vmem>>[vector<16xi32>], vector<16xi32>,
    %gather3A_1369 = tpu.vector_load_idx %arg12[%gather3A_1368] : memref<1024xi32, #tpu.memory_space<vmem>>[vector<16xi32>], vector<16xi32>,
    %gather3A_1370 = tpu.vector_load_idx %arg13[%gather3A_1369] : memref<1024xi32, #tpu.memory_space<vmem>>[vector<16xi32>], vector<16xi32>,
    %gather3A_1371 = tpu.vector_load_idx %arg14[%get3A_1364] : memref<1024xf32, #tpu.memory_space<vmem>>[vector<16xi32>], vector<16xf32>,
    %add3A_1372 = arith.addf %add3A_1352, %gather3A_1371 : vector<16xf32>
    %gather3A_1373 = tpu.vector_load_idx %arg15[%gather3A_1368] : memref<1024xf32, #tpu.memory_space<vmem>>[vector<16xi32>], vector<16xf32>,
    %add3A_1374 = arith.addf %add3A_1354, %gather3A_1373 : vector<16xf32>
    %gather3A_1375 = tpu.vector_load_idx %arg16[%gather3A_1369] : memref<1024xf32, #tpu.memory_space<vmem>>[vector<16xi32>], vector<16xf32>,
    %add3A_1376 = arith.addf %add3A_1356, %gather3A_1375 : vector<16xf32>
    %swap3A_1377 = arith.constant 672 : index
    %swap3A_1378 = tpu.vector_load %arg17[%swap3A_1377] {strides = array<i32>} : memref<1024xi32, #tpu.memory_space<vmem>>, vector<16xi32>,
    tpu.vector_store %arg17[%swap3A_1377], %gather3A_1368 {strides = array<i32>} : memref<1024xi32, #tpu.memory_space<vmem>>, vector<16xi32>,
    %swap3A_1379 = arith.constant 672 : index
    %swap3A_1380 = tpu.vector_load %arg18[%swap3A_1379] {strides = array<i32>} : memref<1024xi32, #tpu.memory_space<vmem>>, vector<16xi32>,
    tpu.vector_store %arg18[%swap3A_1379], %gather3A_1369 {strides = array<i32>} : memref<1024xi32, #tpu.memory_space<vmem>>, vector<16xi32>,
    %swap3A_1381 = arith.constant 672 : index
    %swap3A_1382 = tpu.vector_load %arg19[%swap3A_1381] {strides = array<i32>} : memref<1024xi32, #tpu.memory_space<vmem>>, vector<16xi32>,
    tpu.vector_store %arg19[%swap3A_1381], %gather3A_1370 {strides = array<i32>} : memref<1024xi32, #tpu.memory_space<vmem>>, vector<16xi32>,
    tpu.vector_store_idx %arg20[%get3A_1364], %broadcast_in_dim3A_516 : memref<1024xi32, #tpu.memory_space<vmem>>[vector<16xi32>], vector<16xi32>,
    tpu.vector_store_idx %arg21[%gather3A_1368], %broadcast_in_dim3A_516 : memref<1024xi32, #tpu.memory_space<vmem>>[vector<16xi32>], vector<16xi32>,
    tpu.vector_store_idx %arg22[%gather3A_1369], %broadcast_in_dim3A_516 : memref<1024xi32, #tpu.memory_space<vmem>>[vector<16xi32>], vector<16xi32>,
    tpu.vector_store_idx %arg23[%gather3A_1370], %broadcast_in_dim3A_516 : memref<1024xi32, #tpu.memory_space<vmem>>[vector<16xi32>], vector<16xi32>,
    %get3A_1383 = arith.constant 688 : index
    %get3A_1384 = tpu.vector_load %arg9[%get3A_1383] {strides = array<i32>} : memref<1024xi32, #tpu.memory_space<vmem>>, vector<16xi32>,
    %get3A_1385 = arith.constant 688 : index
    %get3A_1386 = tpu.vector_load %arg10[%get3A_1385] {strides = array<i32>} : memref<1024xf32, #tpu.memory_space<vmem>>, vector<16xf32>,
    %add3A_1387 = arith.addf %add3A_1367, %get3A_1386 : vector<16xf32>
    %gather3A_1388 = tpu.vector_load_idx %arg11[%get3A_1384] : memref<1024xi32, #tpu.memory_space<vmem>>[vector<16xi32>], vector<16xi32>,
    %gather3A_1389 = tpu.vector_load_idx %arg12[%gather3A_1388] : memref<1024xi32, #tpu.memory_space<vmem>>[vector<16xi32>], vector<16xi32>,
    %gather3A_1390 = tpu.vector_load_idx %arg13[%gather3A_1389] : memref<1024xi32, #tpu.memory_space<vmem>>[vector<16xi32>], vector<16xi32>,
    %gather3A_1391 = tpu.vector_load_idx %arg14[%get3A_1384] : memref<1024xf32, #tpu.memory_space<vmem>>[vector<16xi32>], vector<16xf32>,
    %add3A_1392 = arith.addf %add3A_1372, %gather3A_1391 : vector<16xf32>
    %gather3A_1393 = tpu.vector_load_idx %arg15[%gather3A_1388] : memref<1024xf32, #tpu.memory_space<vmem>>[vector<16xi32>], vector<16xf32>,
    %add3A_1394 = arith.addf %add3A_1374, %gather3A_1393 : vector<16xf32>
    %gather3A_1395 = tpu.vector_load_idx %arg16[%gather3A_1389] : memref<1024xf32, #tpu.memory_space<vmem>>[vector<16xi32>], vector<16xf32>,
    %add3A_1396 = arith.addf %add3A_1376, %gather3A_1395 : vector<16xf32>
    %swap3A_1397 = arith.constant 688 : index
    %swap3A_1398 = tpu.vector_load %arg17[%swap3A_1397] {strides = array<i32>} : memref<1024xi32, #tpu.memory_space<vmem>>, vector<16xi32>,
    tpu.vector_store %arg17[%swap3A_1397], %gather3A_1388 {strides = array<i32>} : memref<1024xi32, #tpu.memory_space<vmem>>, vector<16xi32>,
    %swap3A_1399 = arith.constant 688 : index
    %swap3A_1400 = tpu.vector_load %arg18[%swap3A_1399] {strides = array<i32>} : memref<1024xi32, #tpu.memory_space<vmem>>, vector<16xi32>,
    tpu.vector_store %arg18[%swap3A_1399], %gather3A_1389 {strides = array<i32>} : memref<1024xi32, #tpu.memory_space<vmem>>, vector<16xi32>,
    %swap3A_1401 = arith.constant 688 : index
    %swap3A_1402 = tpu.vector_load %arg19[%swap3A_1401] {strides = array<i32>} : memref<1024xi32, #tpu.memory_space<vmem>>, vector<16xi32>,
    tpu.vector_store %arg19[%swap3A_1401], %gather3A_1390 {strides = array<i32>} : memref<1024xi32, #tpu.memory_space<vmem>>, vector<16xi32>,
    tpu.vector_store_idx %arg20[%get3A_1384], %broadcast_in_dim3A_516 : memref<1024xi32, #tpu.memory_space<vmem>>[vector<16xi32>], vector<16xi32>,
    tpu.vector_store_idx %arg21[%gather3A_1388], %broadcast_in_dim3A_516 : memref<1024xi32, #tpu.memory_space<vmem>>[vector<16xi32>], vector<16xi32>,
    tpu.vector_store_idx %arg22[%gather3A_1389], %broadcast_in_dim3A_516 : memref<1024xi32, #tpu.memory_space<vmem>>[vector<16xi32>], vector<16xi32>,
    tpu.vector_store_idx %arg23[%gather3A_1390], %broadcast_in_dim3A_516 : memref<1024xi32, #tpu.memory_space<vmem>>[vector<16xi32>], vector<16xi32>,
    %get3A_1403 = arith.constant 704 : index
    %get3A_1404 = tpu.vector_load %arg9[%get3A_1403] {strides = array<i32>} : memref<1024xi32, #tpu.memory_space<vmem>>, vector<16xi32>,
    %get3A_1405 = arith.constant 704 : index
    %get3A_1406 = tpu.vector_load %arg10[%get3A_1405] {strides = array<i32>} : memref<1024xf32, #tpu.memory_space<vmem>>, vector<16xf32>,
    %add3A_1407 = arith.addf %add3A_1387, %get3A_1406 : vector<16xf32>
    %gather3A_1408 = tpu.vector_load_idx %arg11[%get3A_1404] : memref<1024xi32, #tpu.memory_space<vmem>>[vector<16xi32>], vector<16xi32>,
    %gather3A_1409 = tpu.vector_load_idx %arg12[%gather3A_1408] : memref<1024xi32, #tpu.memory_space<vmem>>[vector<16xi32>], vector<16xi32>,
    %gather3A_1410 = tpu.vector_load_idx %arg13[%gather3A_1409] : memref<1024xi32, #tpu.memory_space<vmem>>[vector<16xi32>], vector<16xi32>,
    %gather3A_1411 = tpu.vector_load_idx %arg14[%get3A_1404] : memref<1024xf32, #tpu.memory_space<vmem>>[vector<16xi32>], vector<16xf32>,
    %add3A_1412 = arith.addf %add3A_1392, %gather3A_1411 : vector<16xf32>
    %gather3A_1413 = tpu.vector_load_idx %arg15[%gather3A_1408] : memref<1024xf32, #tpu.memory_space<vmem>>[vector<16xi32>], vector<16xf32>,
    %add3A_1414 = arith.addf %add3A_1394, %gather3A_1413 : vector<16xf32>
    %gather3A_1415 = tpu.vector_load_idx %arg16[%gather3A_1409] : memref<1024xf32, #tpu.memory_space<vmem>>[vector<16xi32>], vector<16xf32>,
    %add3A_1416 = arith.addf %add3A_1396, %gather3A_1415 : vector<16xf32>
    %swap3A_1417 = arith.constant 704 : index
    %swap3A_1418 = tpu.vector_load %arg17[%swap3A_1417] {strides = array<i32>} : memref<1024xi32, #tpu.memory_space<vmem>>, vector<16xi32>,
    tpu.vector_store %arg17[%swap3A_1417], %gather3A_1408 {strides = array<i32>} : memref<1024xi32, #tpu.memory_space<vmem>>, vector<16xi32>,
    %swap3A_1419 = arith.constant 704 : index
    %swap3A_1420 = tpu.vector_load %arg18[%swap3A_1419] {strides = array<i32>} : memref<1024xi32, #tpu.memory_space<vmem>>, vector<16xi32>,
    tpu.vector_store %arg18[%swap3A_1419], %gather3A_1409 {strides = array<i32>} : memref<1024xi32, #tpu.memory_space<vmem>>, vector<16xi32>,
    %swap3A_1421 = arith.constant 704 : index
    %swap3A_1422 = tpu.vector_load %arg19[%swap3A_1421] {strides = array<i32>} : memref<1024xi32, #tpu.memory_space<vmem>>, vector<16xi32>,
    tpu.vector_store %arg19[%swap3A_1421], %gather3A_1410 {strides = array<i32>} : memref<1024xi32, #tpu.memory_space<vmem>>, vector<16xi32>,
    tpu.vector_store_idx %arg20[%get3A_1404], %broadcast_in_dim3A_516 : memref<1024xi32, #tpu.memory_space<vmem>>[vector<16xi32>], vector<16xi32>,
    tpu.vector_store_idx %arg21[%gather3A_1408], %broadcast_in_dim3A_516 : memref<1024xi32, #tpu.memory_space<vmem>>[vector<16xi32>], vector<16xi32>,
    tpu.vector_store_idx %arg22[%gather3A_1409], %broadcast_in_dim3A_516 : memref<1024xi32, #tpu.memory_space<vmem>>[vector<16xi32>], vector<16xi32>,
    tpu.vector_store_idx %arg23[%gather3A_1410], %broadcast_in_dim3A_516 : memref<1024xi32, #tpu.memory_space<vmem>>[vector<16xi32>], vector<16xi32>,
    %get3A_1423 = arith.constant 720 : index
    %get3A_1424 = tpu.vector_load %arg9[%get3A_1423] {strides = array<i32>} : memref<1024xi32, #tpu.memory_space<vmem>>, vector<16xi32>,
    %get3A_1425 = arith.constant 720 : index
    %get3A_1426 = tpu.vector_load %arg10[%get3A_1425] {strides = array<i32>} : memref<1024xf32, #tpu.memory_space<vmem>>, vector<16xf32>,
    %add3A_1427 = arith.addf %add3A_1407, %get3A_1426 : vector<16xf32>
    %gather3A_1428 = tpu.vector_load_idx %arg11[%get3A_1424] : memref<1024xi32, #tpu.memory_space<vmem>>[vector<16xi32>], vector<16xi32>,
    %gather3A_1429 = tpu.vector_load_idx %arg12[%gather3A_1428] : memref<1024xi32, #tpu.memory_space<vmem>>[vector<16xi32>], vector<16xi32>,
    %gather3A_1430 = tpu.vector_load_idx %arg13[%gather3A_1429] : memref<1024xi32, #tpu.memory_space<vmem>>[vector<16xi32>], vector<16xi32>,
    %gather3A_1431 = tpu.vector_load_idx %arg14[%get3A_1424] : memref<1024xf32, #tpu.memory_space<vmem>>[vector<16xi32>], vector<16xf32>,
    %add3A_1432 = arith.addf %add3A_1412, %gather3A_1431 : vector<16xf32>
    %gather3A_1433 = tpu.vector_load_idx %arg15[%gather3A_1428] : memref<1024xf32, #tpu.memory_space<vmem>>[vector<16xi32>], vector<16xf32>,
    %add3A_1434 = arith.addf %add3A_1414, %gather3A_1433 : vector<16xf32>
    %gather3A_1435 = tpu.vector_load_idx %arg16[%gather3A_1429] : memref<1024xf32, #tpu.memory_space<vmem>>[vector<16xi32>], vector<16xf32>,
    %add3A_1436 = arith.addf %add3A_1416, %gather3A_1435 : vector<16xf32>
    %swap3A_1437 = arith.constant 720 : index
    %swap3A_1438 = tpu.vector_load %arg17[%swap3A_1437] {strides = array<i32>} : memref<1024xi32, #tpu.memory_space<vmem>>, vector<16xi32>,
    tpu.vector_store %arg17[%swap3A_1437], %gather3A_1428 {strides = array<i32>} : memref<1024xi32, #tpu.memory_space<vmem>>, vector<16xi32>,
    %swap3A_1439 = arith.constant 720 : index
    %swap3A_1440 = tpu.vector_load %arg18[%swap3A_1439] {strides = array<i32>} : memref<1024xi32, #tpu.memory_space<vmem>>, vector<16xi32>,
    tpu.vector_store %arg18[%swap3A_1439], %gather3A_1429 {strides = array<i32>} : memref<1024xi32, #tpu.memory_space<vmem>>, vector<16xi32>,
    %swap3A_1441 = arith.constant 720 : index
    %swap3A_1442 = tpu.vector_load %arg19[%swap3A_1441] {strides = array<i32>} : memref<1024xi32, #tpu.memory_space<vmem>>, vector<16xi32>,
    tpu.vector_store %arg19[%swap3A_1441], %gather3A_1430 {strides = array<i32>} : memref<1024xi32, #tpu.memory_space<vmem>>, vector<16xi32>,
    tpu.vector_store_idx %arg20[%get3A_1424], %broadcast_in_dim3A_516 : memref<1024xi32, #tpu.memory_space<vmem>>[vector<16xi32>], vector<16xi32>,
    tpu.vector_store_idx %arg21[%gather3A_1428], %broadcast_in_dim3A_516 : memref<1024xi32, #tpu.memory_space<vmem>>[vector<16xi32>], vector<16xi32>,
    tpu.vector_store_idx %arg22[%gather3A_1429], %broadcast_in_dim3A_516 : memref<1024xi32, #tpu.memory_space<vmem>>[vector<16xi32>], vector<16xi32>,
    tpu.vector_store_idx %arg23[%gather3A_1430], %broadcast_in_dim3A_516 : memref<1024xi32, #tpu.memory_space<vmem>>[vector<16xi32>], vector<16xi32>,
    %get3A_1443 = arith.constant 736 : index
    %get3A_1444 = tpu.vector_load %arg9[%get3A_1443] {strides = array<i32>} : memref<1024xi32, #tpu.memory_space<vmem>>, vector<16xi32>,
    %get3A_1445 = arith.constant 736 : index
    %get3A_1446 = tpu.vector_load %arg10[%get3A_1445] {strides = array<i32>} : memref<1024xf32, #tpu.memory_space<vmem>>, vector<16xf32>,
    %add3A_1447 = arith.addf %add3A_1427, %get3A_1446 : vector<16xf32>
    %gather3A_1448 = tpu.vector_load_idx %arg11[%get3A_1444] : memref<1024xi32, #tpu.memory_space<vmem>>[vector<16xi32>], vector<16xi32>,
    %gather3A_1449 = tpu.vector_load_idx %arg12[%gather3A_1448] : memref<1024xi32, #tpu.memory_space<vmem>>[vector<16xi32>], vector<16xi32>,
    %gather3A_1450 = tpu.vector_load_idx %arg13[%gather3A_1449] : memref<1024xi32, #tpu.memory_space<vmem>>[vector<16xi32>], vector<16xi32>,
    %gather3A_1451 = tpu.vector_load_idx %arg14[%get3A_1444] : memref<1024xf32, #tpu.memory_space<vmem>>[vector<16xi32>], vector<16xf32>,
    %add3A_1452 = arith.addf %add3A_1432, %gather3A_1451 : vector<16xf32>
    %gather3A_1453 = tpu.vector_load_idx %arg15[%gather3A_1448] : memref<1024xf32, #tpu.memory_space<vmem>>[vector<16xi32>], vector<16xf32>,
    %add3A_1454 = arith.addf %add3A_1434, %gather3A_1453 : vector<16xf32>
    %gather3A_1455 = tpu.vector_load_idx %arg16[%gather3A_1449] : memref<1024xf32, #tpu.memory_space<vmem>>[vector<16xi32>], vector<16xf32>,
    %add3A_1456 = arith.addf %add3A_1436, %gather3A_1455 : vector<16xf32>
    %swap3A_1457 = arith.constant 736 : index
    %swap3A_1458 = tpu.vector_load %arg17[%swap3A_1457] {strides = array<i32>} : memref<1024xi32, #tpu.memory_space<vmem>>, vector<16xi32>,
    tpu.vector_store %arg17[%swap3A_1457], %gather3A_1448 {strides = array<i32>} : memref<1024xi32, #tpu.memory_space<vmem>>, vector<16xi32>,
    %swap3A_1459 = arith.constant 736 : index
    %swap3A_1460 = tpu.vector_load %arg18[%swap3A_1459] {strides = array<i32>} : memref<1024xi32, #tpu.memory_space<vmem>>, vector<16xi32>,
    tpu.vector_store %arg18[%swap3A_1459], %gather3A_1449 {strides = array<i32>} : memref<1024xi32, #tpu.memory_space<vmem>>, vector<16xi32>,
    %swap3A_1461 = arith.constant 736 : index
    %swap3A_1462 = tpu.vector_load %arg19[%swap3A_1461] {strides = array<i32>} : memref<1024xi32, #tpu.memory_space<vmem>>, vector<16xi32>,
    tpu.vector_store %arg19[%swap3A_1461], %gather3A_1450 {strides = array<i32>} : memref<1024xi32, #tpu.memory_space<vmem>>, vector<16xi32>,
    tpu.vector_store_idx %arg20[%get3A_1444], %broadcast_in_dim3A_516 : memref<1024xi32, #tpu.memory_space<vmem>>[vector<16xi32>], vector<16xi32>,
    tpu.vector_store_idx %arg21[%gather3A_1448], %broadcast_in_dim3A_516 : memref<1024xi32, #tpu.memory_space<vmem>>[vector<16xi32>], vector<16xi32>,
    tpu.vector_store_idx %arg22[%gather3A_1449], %broadcast_in_dim3A_516 : memref<1024xi32, #tpu.memory_space<vmem>>[vector<16xi32>], vector<16xi32>,
    tpu.vector_store_idx %arg23[%gather3A_1450], %broadcast_in_dim3A_516 : memref<1024xi32, #tpu.memory_space<vmem>>[vector<16xi32>], vector<16xi32>,
    %get3A_1463 = arith.constant 752 : index
    %get3A_1464 = tpu.vector_load %arg9[%get3A_1463] {strides = array<i32>} : memref<1024xi32, #tpu.memory_space<vmem>>, vector<16xi32>,
    %get3A_1465 = arith.constant 752 : index
    %get3A_1466 = tpu.vector_load %arg10[%get3A_1465] {strides = array<i32>} : memref<1024xf32, #tpu.memory_space<vmem>>, vector<16xf32>,
    %add3A_1467 = arith.addf %add3A_1447, %get3A_1466 : vector<16xf32>
    %gather3A_1468 = tpu.vector_load_idx %arg11[%get3A_1464] : memref<1024xi32, #tpu.memory_space<vmem>>[vector<16xi32>], vector<16xi32>,
    %gather3A_1469 = tpu.vector_load_idx %arg12[%gather3A_1468] : memref<1024xi32, #tpu.memory_space<vmem>>[vector<16xi32>], vector<16xi32>,
    %gather3A_1470 = tpu.vector_load_idx %arg13[%gather3A_1469] : memref<1024xi32, #tpu.memory_space<vmem>>[vector<16xi32>], vector<16xi32>,
    %gather3A_1471 = tpu.vector_load_idx %arg14[%get3A_1464] : memref<1024xf32, #tpu.memory_space<vmem>>[vector<16xi32>], vector<16xf32>,
    %add3A_1472 = arith.addf %add3A_1452, %gather3A_1471 : vector<16xf32>
    %gather3A_1473 = tpu.vector_load_idx %arg15[%gather3A_1468] : memref<1024xf32, #tpu.memory_space<vmem>>[vector<16xi32>], vector<16xf32>,
    %add3A_1474 = arith.addf %add3A_1454, %gather3A_1473 : vector<16xf32>
    %gather3A_1475 = tpu.vector_load_idx %arg16[%gather3A_1469] : memref<1024xf32, #tpu.memory_space<vmem>>[vector<16xi32>], vector<16xf32>,
    %add3A_1476 = arith.addf %add3A_1456, %gather3A_1475 : vector<16xf32>
    %swap3A_1477 = arith.constant 752 : index
    %swap3A_1478 = tpu.vector_load %arg17[%swap3A_1477] {strides = array<i32>} : memref<1024xi32, #tpu.memory_space<vmem>>, vector<16xi32>,
    tpu.vector_store %arg17[%swap3A_1477], %gather3A_1468 {strides = array<i32>} : memref<1024xi32, #tpu.memory_space<vmem>>, vector<16xi32>,
    %swap3A_1479 = arith.constant 752 : index
    %swap3A_1480 = tpu.vector_load %arg18[%swap3A_1479] {strides = array<i32>} : memref<1024xi32, #tpu.memory_space<vmem>>, vector<16xi32>,
    tpu.vector_store %arg18[%swap3A_1479], %gather3A_1469 {strides = array<i32>} : memref<1024xi32, #tpu.memory_space<vmem>>, vector<16xi32>,
    %swap3A_1481 = arith.constant 752 : index
    %swap3A_1482 = tpu.vector_load %arg19[%swap3A_1481] {strides = array<i32>} : memref<1024xi32, #tpu.memory_space<vmem>>, vector<16xi32>,
    tpu.vector_store %arg19[%swap3A_1481], %gather3A_1470 {strides = array<i32>} : memref<1024xi32, #tpu.memory_space<vmem>>, vector<16xi32>,
    tpu.vector_store_idx %arg20[%get3A_1464], %broadcast_in_dim3A_516 : memref<1024xi32, #tpu.memory_space<vmem>>[vector<16xi32>], vector<16xi32>,
    tpu.vector_store_idx %arg21[%gather3A_1468], %broadcast_in_dim3A_516 : memref<1024xi32, #tpu.memory_space<vmem>>[vector<16xi32>], vector<16xi32>,
    tpu.vector_store_idx %arg22[%gather3A_1469], %broadcast_in_dim3A_516 : memref<1024xi32, #tpu.memory_space<vmem>>[vector<16xi32>], vector<16xi32>,
    tpu.vector_store_idx %arg23[%gather3A_1470], %broadcast_in_dim3A_516 : memref<1024xi32, #tpu.memory_space<vmem>>[vector<16xi32>], vector<16xi32>,
    %get3A_1483 = arith.constant 768 : index
    %get3A_1484 = tpu.vector_load %arg9[%get3A_1483] {strides = array<i32>} : memref<1024xi32, #tpu.memory_space<vmem>>, vector<16xi32>,
    %get3A_1485 = arith.constant 768 : index
    %get3A_1486 = tpu.vector_load %arg10[%get3A_1485] {strides = array<i32>} : memref<1024xf32, #tpu.memory_space<vmem>>, vector<16xf32>,
    %add3A_1487 = arith.addf %add3A_1467, %get3A_1486 : vector<16xf32>
    %gather3A_1488 = tpu.vector_load_idx %arg11[%get3A_1484] : memref<1024xi32, #tpu.memory_space<vmem>>[vector<16xi32>], vector<16xi32>,
    %gather3A_1489 = tpu.vector_load_idx %arg12[%gather3A_1488] : memref<1024xi32, #tpu.memory_space<vmem>>[vector<16xi32>], vector<16xi32>,
    %gather3A_1490 = tpu.vector_load_idx %arg13[%gather3A_1489] : memref<1024xi32, #tpu.memory_space<vmem>>[vector<16xi32>], vector<16xi32>,
    %gather3A_1491 = tpu.vector_load_idx %arg14[%get3A_1484] : memref<1024xf32, #tpu.memory_space<vmem>>[vector<16xi32>], vector<16xf32>,
    %add3A_1492 = arith.addf %add3A_1472, %gather3A_1491 : vector<16xf32>
    %gather3A_1493 = tpu.vector_load_idx %arg15[%gather3A_1488] : memref<1024xf32, #tpu.memory_space<vmem>>[vector<16xi32>], vector<16xf32>,
    %add3A_1494 = arith.addf %add3A_1474, %gather3A_1493 : vector<16xf32>
    %gather3A_1495 = tpu.vector_load_idx %arg16[%gather3A_1489] : memref<1024xf32, #tpu.memory_space<vmem>>[vector<16xi32>], vector<16xf32>,
    %add3A_1496 = arith.addf %add3A_1476, %gather3A_1495 : vector<16xf32>
    %swap3A_1497 = arith.constant 768 : index
    %swap3A_1498 = tpu.vector_load %arg17[%swap3A_1497] {strides = array<i32>} : memref<1024xi32, #tpu.memory_space<vmem>>, vector<16xi32>,
    tpu.vector_store %arg17[%swap3A_1497], %gather3A_1488 {strides = array<i32>} : memref<1024xi32, #tpu.memory_space<vmem>>, vector<16xi32>,
    %swap3A_1499 = arith.constant 768 : index
    %swap3A_1500 = tpu.vector_load %arg18[%swap3A_1499] {strides = array<i32>} : memref<1024xi32, #tpu.memory_space<vmem>>, vector<16xi32>,
    tpu.vector_store %arg18[%swap3A_1499], %gather3A_1489 {strides = array<i32>} : memref<1024xi32, #tpu.memory_space<vmem>>, vector<16xi32>,
    %swap3A_1501 = arith.constant 768 : index
    %swap3A_1502 = tpu.vector_load %arg19[%swap3A_1501] {strides = array<i32>} : memref<1024xi32, #tpu.memory_space<vmem>>, vector<16xi32>,
    tpu.vector_store %arg19[%swap3A_1501], %gather3A_1490 {strides = array<i32>} : memref<1024xi32, #tpu.memory_space<vmem>>, vector<16xi32>,
    tpu.vector_store_idx %arg20[%get3A_1484], %broadcast_in_dim3A_516 : memref<1024xi32, #tpu.memory_space<vmem>>[vector<16xi32>], vector<16xi32>,
    tpu.vector_store_idx %arg21[%gather3A_1488], %broadcast_in_dim3A_516 : memref<1024xi32, #tpu.memory_space<vmem>>[vector<16xi32>], vector<16xi32>,
    tpu.vector_store_idx %arg22[%gather3A_1489], %broadcast_in_dim3A_516 : memref<1024xi32, #tpu.memory_space<vmem>>[vector<16xi32>], vector<16xi32>,
    tpu.vector_store_idx %arg23[%gather3A_1490], %broadcast_in_dim3A_516 : memref<1024xi32, #tpu.memory_space<vmem>>[vector<16xi32>], vector<16xi32>,
    %get3A_1503 = arith.constant 784 : index
    %get3A_1504 = tpu.vector_load %arg9[%get3A_1503] {strides = array<i32>} : memref<1024xi32, #tpu.memory_space<vmem>>, vector<16xi32>,
    %get3A_1505 = arith.constant 784 : index
    %get3A_1506 = tpu.vector_load %arg10[%get3A_1505] {strides = array<i32>} : memref<1024xf32, #tpu.memory_space<vmem>>, vector<16xf32>,
    %add3A_1507 = arith.addf %add3A_1487, %get3A_1506 : vector<16xf32>
    %gather3A_1508 = tpu.vector_load_idx %arg11[%get3A_1504] : memref<1024xi32, #tpu.memory_space<vmem>>[vector<16xi32>], vector<16xi32>,
    %gather3A_1509 = tpu.vector_load_idx %arg12[%gather3A_1508] : memref<1024xi32, #tpu.memory_space<vmem>>[vector<16xi32>], vector<16xi32>,
    %gather3A_1510 = tpu.vector_load_idx %arg13[%gather3A_1509] : memref<1024xi32, #tpu.memory_space<vmem>>[vector<16xi32>], vector<16xi32>,
    %gather3A_1511 = tpu.vector_load_idx %arg14[%get3A_1504] : memref<1024xf32, #tpu.memory_space<vmem>>[vector<16xi32>], vector<16xf32>,
    %add3A_1512 = arith.addf %add3A_1492, %gather3A_1511 : vector<16xf32>
    %gather3A_1513 = tpu.vector_load_idx %arg15[%gather3A_1508] : memref<1024xf32, #tpu.memory_space<vmem>>[vector<16xi32>], vector<16xf32>,
    %add3A_1514 = arith.addf %add3A_1494, %gather3A_1513 : vector<16xf32>
    %gather3A_1515 = tpu.vector_load_idx %arg16[%gather3A_1509] : memref<1024xf32, #tpu.memory_space<vmem>>[vector<16xi32>], vector<16xf32>,
    %add3A_1516 = arith.addf %add3A_1496, %gather3A_1515 : vector<16xf32>
    %swap3A_1517 = arith.constant 784 : index
    %swap3A_1518 = tpu.vector_load %arg17[%swap3A_1517] {strides = array<i32>} : memref<1024xi32, #tpu.memory_space<vmem>>, vector<16xi32>,
    tpu.vector_store %arg17[%swap3A_1517], %gather3A_1508 {strides = array<i32>} : memref<1024xi32, #tpu.memory_space<vmem>>, vector<16xi32>,
    %swap3A_1519 = arith.constant 784 : index
    %swap3A_1520 = tpu.vector_load %arg18[%swap3A_1519] {strides = array<i32>} : memref<1024xi32, #tpu.memory_space<vmem>>, vector<16xi32>,
    tpu.vector_store %arg18[%swap3A_1519], %gather3A_1509 {strides = array<i32>} : memref<1024xi32, #tpu.memory_space<vmem>>, vector<16xi32>,
    %swap3A_1521 = arith.constant 784 : index
    %swap3A_1522 = tpu.vector_load %arg19[%swap3A_1521] {strides = array<i32>} : memref<1024xi32, #tpu.memory_space<vmem>>, vector<16xi32>,
    tpu.vector_store %arg19[%swap3A_1521], %gather3A_1510 {strides = array<i32>} : memref<1024xi32, #tpu.memory_space<vmem>>, vector<16xi32>,
    tpu.vector_store_idx %arg20[%get3A_1504], %broadcast_in_dim3A_516 : memref<1024xi32, #tpu.memory_space<vmem>>[vector<16xi32>], vector<16xi32>,
    tpu.vector_store_idx %arg21[%gather3A_1508], %broadcast_in_dim3A_516 : memref<1024xi32, #tpu.memory_space<vmem>>[vector<16xi32>], vector<16xi32>,
    tpu.vector_store_idx %arg22[%gather3A_1509], %broadcast_in_dim3A_516 : memref<1024xi32, #tpu.memory_space<vmem>>[vector<16xi32>], vector<16xi32>,
    tpu.vector_store_idx %arg23[%gather3A_1510], %broadcast_in_dim3A_516 : memref<1024xi32, #tpu.memory_space<vmem>>[vector<16xi32>], vector<16xi32>,
    %get3A_1523 = arith.constant 800 : index
    %get3A_1524 = tpu.vector_load %arg9[%get3A_1523] {strides = array<i32>} : memref<1024xi32, #tpu.memory_space<vmem>>, vector<16xi32>,
    %get3A_1525 = arith.constant 800 : index
    %get3A_1526 = tpu.vector_load %arg10[%get3A_1525] {strides = array<i32>} : memref<1024xf32, #tpu.memory_space<vmem>>, vector<16xf32>,
    %add3A_1527 = arith.addf %add3A_1507, %get3A_1526 : vector<16xf32>
    %gather3A_1528 = tpu.vector_load_idx %arg11[%get3A_1524] : memref<1024xi32, #tpu.memory_space<vmem>>[vector<16xi32>], vector<16xi32>,
    %gather3A_1529 = tpu.vector_load_idx %arg12[%gather3A_1528] : memref<1024xi32, #tpu.memory_space<vmem>>[vector<16xi32>], vector<16xi32>,
    %gather3A_1530 = tpu.vector_load_idx %arg13[%gather3A_1529] : memref<1024xi32, #tpu.memory_space<vmem>>[vector<16xi32>], vector<16xi32>,
    %gather3A_1531 = tpu.vector_load_idx %arg14[%get3A_1524] : memref<1024xf32, #tpu.memory_space<vmem>>[vector<16xi32>], vector<16xf32>,
    %add3A_1532 = arith.addf %add3A_1512, %gather3A_1531 : vector<16xf32>
    %gather3A_1533 = tpu.vector_load_idx %arg15[%gather3A_1528] : memref<1024xf32, #tpu.memory_space<vmem>>[vector<16xi32>], vector<16xf32>,
    %add3A_1534 = arith.addf %add3A_1514, %gather3A_1533 : vector<16xf32>
    %gather3A_1535 = tpu.vector_load_idx %arg16[%gather3A_1529] : memref<1024xf32, #tpu.memory_space<vmem>>[vector<16xi32>], vector<16xf32>,
    %add3A_1536 = arith.addf %add3A_1516, %gather3A_1535 : vector<16xf32>
    %swap3A_1537 = arith.constant 800 : index
    %swap3A_1538 = tpu.vector_load %arg17[%swap3A_1537] {strides = array<i32>} : memref<1024xi32, #tpu.memory_space<vmem>>, vector<16xi32>,
    tpu.vector_store %arg17[%swap3A_1537], %gather3A_1528 {strides = array<i32>} : memref<1024xi32, #tpu.memory_space<vmem>>, vector<16xi32>,
    %swap3A_1539 = arith.constant 800 : index
    %swap3A_1540 = tpu.vector_load %arg18[%swap3A_1539] {strides = array<i32>} : memref<1024xi32, #tpu.memory_space<vmem>>, vector<16xi32>,
    tpu.vector_store %arg18[%swap3A_1539], %gather3A_1529 {strides = array<i32>} : memref<1024xi32, #tpu.memory_space<vmem>>, vector<16xi32>,
    %swap3A_1541 = arith.constant 800 : index
    %swap3A_1542 = tpu.vector_load %arg19[%swap3A_1541] {strides = array<i32>} : memref<1024xi32, #tpu.memory_space<vmem>>, vector<16xi32>,
    tpu.vector_store %arg19[%swap3A_1541], %gather3A_1530 {strides = array<i32>} : memref<1024xi32, #tpu.memory_space<vmem>>, vector<16xi32>,
    tpu.vector_store_idx %arg20[%get3A_1524], %broadcast_in_dim3A_516 : memref<1024xi32, #tpu.memory_space<vmem>>[vector<16xi32>], vector<16xi32>,
    tpu.vector_store_idx %arg21[%gather3A_1528], %broadcast_in_dim3A_516 : memref<1024xi32, #tpu.memory_space<vmem>>[vector<16xi32>], vector<16xi32>,
    tpu.vector_store_idx %arg22[%gather3A_1529], %broadcast_in_dim3A_516 : memref<1024xi32, #tpu.memory_space<vmem>>[vector<16xi32>], vector<16xi32>,
    tpu.vector_store_idx %arg23[%gather3A_1530], %broadcast_in_dim3A_516 : memref<1024xi32, #tpu.memory_space<vmem>>[vector<16xi32>], vector<16xi32>,
    %get3A_1543 = arith.constant 816 : index
    %get3A_1544 = tpu.vector_load %arg9[%get3A_1543] {strides = array<i32>} : memref<1024xi32, #tpu.memory_space<vmem>>, vector<16xi32>,
    %get3A_1545 = arith.constant 816 : index
    %get3A_1546 = tpu.vector_load %arg10[%get3A_1545] {strides = array<i32>} : memref<1024xf32, #tpu.memory_space<vmem>>, vector<16xf32>,
    %add3A_1547 = arith.addf %add3A_1527, %get3A_1546 : vector<16xf32>
    %gather3A_1548 = tpu.vector_load_idx %arg11[%get3A_1544] : memref<1024xi32, #tpu.memory_space<vmem>>[vector<16xi32>], vector<16xi32>,
    %gather3A_1549 = tpu.vector_load_idx %arg12[%gather3A_1548] : memref<1024xi32, #tpu.memory_space<vmem>>[vector<16xi32>], vector<16xi32>,
    %gather3A_1550 = tpu.vector_load_idx %arg13[%gather3A_1549] : memref<1024xi32, #tpu.memory_space<vmem>>[vector<16xi32>], vector<16xi32>,
    %gather3A_1551 = tpu.vector_load_idx %arg14[%get3A_1544] : memref<1024xf32, #tpu.memory_space<vmem>>[vector<16xi32>], vector<16xf32>,
    %add3A_1552 = arith.addf %add3A_1532, %gather3A_1551 : vector<16xf32>
    %gather3A_1553 = tpu.vector_load_idx %arg15[%gather3A_1548] : memref<1024xf32, #tpu.memory_space<vmem>>[vector<16xi32>], vector<16xf32>,
    %add3A_1554 = arith.addf %add3A_1534, %gather3A_1553 : vector<16xf32>
    %gather3A_1555 = tpu.vector_load_idx %arg16[%gather3A_1549] : memref<1024xf32, #tpu.memory_space<vmem>>[vector<16xi32>], vector<16xf32>,
    %add3A_1556 = arith.addf %add3A_1536, %gather3A_1555 : vector<16xf32>
    %swap3A_1557 = arith.constant 816 : index
    %swap3A_1558 = tpu.vector_load %arg17[%swap3A_1557] {strides = array<i32>} : memref<1024xi32, #tpu.memory_space<vmem>>, vector<16xi32>,
    tpu.vector_store %arg17[%swap3A_1557], %gather3A_1548 {strides = array<i32>} : memref<1024xi32, #tpu.memory_space<vmem>>, vector<16xi32>,
    %swap3A_1559 = arith.constant 816 : index
    %swap3A_1560 = tpu.vector_load %arg18[%swap3A_1559] {strides = array<i32>} : memref<1024xi32, #tpu.memory_space<vmem>>, vector<16xi32>,
    tpu.vector_store %arg18[%swap3A_1559], %gather3A_1549 {strides = array<i32>} : memref<1024xi32, #tpu.memory_space<vmem>>, vector<16xi32>,
    %swap3A_1561 = arith.constant 816 : index
    %swap3A_1562 = tpu.vector_load %arg19[%swap3A_1561] {strides = array<i32>} : memref<1024xi32, #tpu.memory_space<vmem>>, vector<16xi32>,
    tpu.vector_store %arg19[%swap3A_1561], %gather3A_1550 {strides = array<i32>} : memref<1024xi32, #tpu.memory_space<vmem>>, vector<16xi32>,
    tpu.vector_store_idx %arg20[%get3A_1544], %broadcast_in_dim3A_516 : memref<1024xi32, #tpu.memory_space<vmem>>[vector<16xi32>], vector<16xi32>,
    tpu.vector_store_idx %arg21[%gather3A_1548], %broadcast_in_dim3A_516 : memref<1024xi32, #tpu.memory_space<vmem>>[vector<16xi32>], vector<16xi32>,
    tpu.vector_store_idx %arg22[%gather3A_1549], %broadcast_in_dim3A_516 : memref<1024xi32, #tpu.memory_space<vmem>>[vector<16xi32>], vector<16xi32>,
    tpu.vector_store_idx %arg23[%gather3A_1550], %broadcast_in_dim3A_516 : memref<1024xi32, #tpu.memory_space<vmem>>[vector<16xi32>], vector<16xi32>,
    %get3A_1563 = arith.constant 832 : index
    %get3A_1564 = tpu.vector_load %arg9[%get3A_1563] {strides = array<i32>} : memref<1024xi32, #tpu.memory_space<vmem>>, vector<16xi32>,
    %get3A_1565 = arith.constant 832 : index
    %get3A_1566 = tpu.vector_load %arg10[%get3A_1565] {strides = array<i32>} : memref<1024xf32, #tpu.memory_space<vmem>>, vector<16xf32>,
    %add3A_1567 = arith.addf %add3A_1547, %get3A_1566 : vector<16xf32>
    %gather3A_1568 = tpu.vector_load_idx %arg11[%get3A_1564] : memref<1024xi32, #tpu.memory_space<vmem>>[vector<16xi32>], vector<16xi32>,
    %gather3A_1569 = tpu.vector_load_idx %arg12[%gather3A_1568] : memref<1024xi32, #tpu.memory_space<vmem>>[vector<16xi32>], vector<16xi32>,
    %gather3A_1570 = tpu.vector_load_idx %arg13[%gather3A_1569] : memref<1024xi32, #tpu.memory_space<vmem>>[vector<16xi32>], vector<16xi32>,
    %gather3A_1571 = tpu.vector_load_idx %arg14[%get3A_1564] : memref<1024xf32, #tpu.memory_space<vmem>>[vector<16xi32>], vector<16xf32>,
    %add3A_1572 = arith.addf %add3A_1552, %gather3A_1571 : vector<16xf32>
    %gather3A_1573 = tpu.vector_load_idx %arg15[%gather3A_1568] : memref<1024xf32, #tpu.memory_space<vmem>>[vector<16xi32>], vector<16xf32>,
    %add3A_1574 = arith.addf %add3A_1554, %gather3A_1573 : vector<16xf32>
    %gather3A_1575 = tpu.vector_load_idx %arg16[%gather3A_1569] : memref<1024xf32, #tpu.memory_space<vmem>>[vector<16xi32>], vector<16xf32>,
    %add3A_1576 = arith.addf %add3A_1556, %gather3A_1575 : vector<16xf32>
    %swap3A_1577 = arith.constant 832 : index
    %swap3A_1578 = tpu.vector_load %arg17[%swap3A_1577] {strides = array<i32>} : memref<1024xi32, #tpu.memory_space<vmem>>, vector<16xi32>,
    tpu.vector_store %arg17[%swap3A_1577], %gather3A_1568 {strides = array<i32>} : memref<1024xi32, #tpu.memory_space<vmem>>, vector<16xi32>,
    %swap3A_1579 = arith.constant 832 : index
    %swap3A_1580 = tpu.vector_load %arg18[%swap3A_1579] {strides = array<i32>} : memref<1024xi32, #tpu.memory_space<vmem>>, vector<16xi32>,
    tpu.vector_store %arg18[%swap3A_1579], %gather3A_1569 {strides = array<i32>} : memref<1024xi32, #tpu.memory_space<vmem>>, vector<16xi32>,
    %swap3A_1581 = arith.constant 832 : index
    %swap3A_1582 = tpu.vector_load %arg19[%swap3A_1581] {strides = array<i32>} : memref<1024xi32, #tpu.memory_space<vmem>>, vector<16xi32>,
    tpu.vector_store %arg19[%swap3A_1581], %gather3A_1570 {strides = array<i32>} : memref<1024xi32, #tpu.memory_space<vmem>>, vector<16xi32>,
    tpu.vector_store_idx %arg20[%get3A_1564], %broadcast_in_dim3A_516 : memref<1024xi32, #tpu.memory_space<vmem>>[vector<16xi32>], vector<16xi32>,
    tpu.vector_store_idx %arg21[%gather3A_1568], %broadcast_in_dim3A_516 : memref<1024xi32, #tpu.memory_space<vmem>>[vector<16xi32>], vector<16xi32>,
    tpu.vector_store_idx %arg22[%gather3A_1569], %broadcast_in_dim3A_516 : memref<1024xi32, #tpu.memory_space<vmem>>[vector<16xi32>], vector<16xi32>,
    tpu.vector_store_idx %arg23[%gather3A_1570], %broadcast_in_dim3A_516 : memref<1024xi32, #tpu.memory_space<vmem>>[vector<16xi32>], vector<16xi32>,
    %get3A_1583 = arith.constant 848 : index
    %get3A_1584 = tpu.vector_load %arg9[%get3A_1583] {strides = array<i32>} : memref<1024xi32, #tpu.memory_space<vmem>>, vector<16xi32>,
    %get3A_1585 = arith.constant 848 : index
    %get3A_1586 = tpu.vector_load %arg10[%get3A_1585] {strides = array<i32>} : memref<1024xf32, #tpu.memory_space<vmem>>, vector<16xf32>,
    %add3A_1587 = arith.addf %add3A_1567, %get3A_1586 : vector<16xf32>
    %gather3A_1588 = tpu.vector_load_idx %arg11[%get3A_1584] : memref<1024xi32, #tpu.memory_space<vmem>>[vector<16xi32>], vector<16xi32>,
    %gather3A_1589 = tpu.vector_load_idx %arg12[%gather3A_1588] : memref<1024xi32, #tpu.memory_space<vmem>>[vector<16xi32>], vector<16xi32>,
    %gather3A_1590 = tpu.vector_load_idx %arg13[%gather3A_1589] : memref<1024xi32, #tpu.memory_space<vmem>>[vector<16xi32>], vector<16xi32>,
    %gather3A_1591 = tpu.vector_load_idx %arg14[%get3A_1584] : memref<1024xf32, #tpu.memory_space<vmem>>[vector<16xi32>], vector<16xf32>,
    %add3A_1592 = arith.addf %add3A_1572, %gather3A_1591 : vector<16xf32>
    %gather3A_1593 = tpu.vector_load_idx %arg15[%gather3A_1588] : memref<1024xf32, #tpu.memory_space<vmem>>[vector<16xi32>], vector<16xf32>,
    %add3A_1594 = arith.addf %add3A_1574, %gather3A_1593 : vector<16xf32>
    %gather3A_1595 = tpu.vector_load_idx %arg16[%gather3A_1589] : memref<1024xf32, #tpu.memory_space<vmem>>[vector<16xi32>], vector<16xf32>,
    %add3A_1596 = arith.addf %add3A_1576, %gather3A_1595 : vector<16xf32>
    %swap3A_1597 = arith.constant 848 : index
    %swap3A_1598 = tpu.vector_load %arg17[%swap3A_1597] {strides = array<i32>} : memref<1024xi32, #tpu.memory_space<vmem>>, vector<16xi32>,
    tpu.vector_store %arg17[%swap3A_1597], %gather3A_1588 {strides = array<i32>} : memref<1024xi32, #tpu.memory_space<vmem>>, vector<16xi32>,
    %swap3A_1599 = arith.constant 848 : index
    %swap3A_1600 = tpu.vector_load %arg18[%swap3A_1599] {strides = array<i32>} : memref<1024xi32, #tpu.memory_space<vmem>>, vector<16xi32>,
    tpu.vector_store %arg18[%swap3A_1599], %gather3A_1589 {strides = array<i32>} : memref<1024xi32, #tpu.memory_space<vmem>>, vector<16xi32>,
    %swap3A_1601 = arith.constant 848 : index
    %swap3A_1602 = tpu.vector_load %arg19[%swap3A_1601] {strides = array<i32>} : memref<1024xi32, #tpu.memory_space<vmem>>, vector<16xi32>,
    tpu.vector_store %arg19[%swap3A_1601], %gather3A_1590 {strides = array<i32>} : memref<1024xi32, #tpu.memory_space<vmem>>, vector<16xi32>,
    tpu.vector_store_idx %arg20[%get3A_1584], %broadcast_in_dim3A_516 : memref<1024xi32, #tpu.memory_space<vmem>>[vector<16xi32>], vector<16xi32>,
    tpu.vector_store_idx %arg21[%gather3A_1588], %broadcast_in_dim3A_516 : memref<1024xi32, #tpu.memory_space<vmem>>[vector<16xi32>], vector<16xi32>,
    tpu.vector_store_idx %arg22[%gather3A_1589], %broadcast_in_dim3A_516 : memref<1024xi32, #tpu.memory_space<vmem>>[vector<16xi32>], vector<16xi32>,
    tpu.vector_store_idx %arg23[%gather3A_1590], %broadcast_in_dim3A_516 : memref<1024xi32, #tpu.memory_space<vmem>>[vector<16xi32>], vector<16xi32>,
    %get3A_1603 = arith.constant 864 : index
    %get3A_1604 = tpu.vector_load %arg9[%get3A_1603] {strides = array<i32>} : memref<1024xi32, #tpu.memory_space<vmem>>, vector<16xi32>,
    %get3A_1605 = arith.constant 864 : index
    %get3A_1606 = tpu.vector_load %arg10[%get3A_1605] {strides = array<i32>} : memref<1024xf32, #tpu.memory_space<vmem>>, vector<16xf32>,
    %add3A_1607 = arith.addf %add3A_1587, %get3A_1606 : vector<16xf32>
    %gather3A_1608 = tpu.vector_load_idx %arg11[%get3A_1604] : memref<1024xi32, #tpu.memory_space<vmem>>[vector<16xi32>], vector<16xi32>,
    %gather3A_1609 = tpu.vector_load_idx %arg12[%gather3A_1608] : memref<1024xi32, #tpu.memory_space<vmem>>[vector<16xi32>], vector<16xi32>,
    %gather3A_1610 = tpu.vector_load_idx %arg13[%gather3A_1609] : memref<1024xi32, #tpu.memory_space<vmem>>[vector<16xi32>], vector<16xi32>,
    %gather3A_1611 = tpu.vector_load_idx %arg14[%get3A_1604] : memref<1024xf32, #tpu.memory_space<vmem>>[vector<16xi32>], vector<16xf32>,
    %add3A_1612 = arith.addf %add3A_1592, %gather3A_1611 : vector<16xf32>
    %gather3A_1613 = tpu.vector_load_idx %arg15[%gather3A_1608] : memref<1024xf32, #tpu.memory_space<vmem>>[vector<16xi32>], vector<16xf32>,
    %add3A_1614 = arith.addf %add3A_1594, %gather3A_1613 : vector<16xf32>
    %gather3A_1615 = tpu.vector_load_idx %arg16[%gather3A_1609] : memref<1024xf32, #tpu.memory_space<vmem>>[vector<16xi32>], vector<16xf32>,
    %add3A_1616 = arith.addf %add3A_1596, %gather3A_1615 : vector<16xf32>
    %swap3A_1617 = arith.constant 864 : index
    %swap3A_1618 = tpu.vector_load %arg17[%swap3A_1617] {strides = array<i32>} : memref<1024xi32, #tpu.memory_space<vmem>>, vector<16xi32>,
    tpu.vector_store %arg17[%swap3A_1617], %gather3A_1608 {strides = array<i32>} : memref<1024xi32, #tpu.memory_space<vmem>>, vector<16xi32>,
    %swap3A_1619 = arith.constant 864 : index
    %swap3A_1620 = tpu.vector_load %arg18[%swap3A_1619] {strides = array<i32>} : memref<1024xi32, #tpu.memory_space<vmem>>, vector<16xi32>,
    tpu.vector_store %arg18[%swap3A_1619], %gather3A_1609 {strides = array<i32>} : memref<1024xi32, #tpu.memory_space<vmem>>, vector<16xi32>,
    %swap3A_1621 = arith.constant 864 : index
    %swap3A_1622 = tpu.vector_load %arg19[%swap3A_1621] {strides = array<i32>} : memref<1024xi32, #tpu.memory_space<vmem>>, vector<16xi32>,
    tpu.vector_store %arg19[%swap3A_1621], %gather3A_1610 {strides = array<i32>} : memref<1024xi32, #tpu.memory_space<vmem>>, vector<16xi32>,
    tpu.vector_store_idx %arg20[%get3A_1604], %broadcast_in_dim3A_516 : memref<1024xi32, #tpu.memory_space<vmem>>[vector<16xi32>], vector<16xi32>,
    tpu.vector_store_idx %arg21[%gather3A_1608], %broadcast_in_dim3A_516 : memref<1024xi32, #tpu.memory_space<vmem>>[vector<16xi32>], vector<16xi32>,
    tpu.vector_store_idx %arg22[%gather3A_1609], %broadcast_in_dim3A_516 : memref<1024xi32, #tpu.memory_space<vmem>>[vector<16xi32>], vector<16xi32>,
    tpu.vector_store_idx %arg23[%gather3A_1610], %broadcast_in_dim3A_516 : memref<1024xi32, #tpu.memory_space<vmem>>[vector<16xi32>], vector<16xi32>,
    %get3A_1623 = arith.constant 880 : index
    %get3A_1624 = tpu.vector_load %arg9[%get3A_1623] {strides = array<i32>} : memref<1024xi32, #tpu.memory_space<vmem>>, vector<16xi32>,
    %get3A_1625 = arith.constant 880 : index
    %get3A_1626 = tpu.vector_load %arg10[%get3A_1625] {strides = array<i32>} : memref<1024xf32, #tpu.memory_space<vmem>>, vector<16xf32>,
    %add3A_1627 = arith.addf %add3A_1607, %get3A_1626 : vector<16xf32>
    %gather3A_1628 = tpu.vector_load_idx %arg11[%get3A_1624] : memref<1024xi32, #tpu.memory_space<vmem>>[vector<16xi32>], vector<16xi32>,
    %gather3A_1629 = tpu.vector_load_idx %arg12[%gather3A_1628] : memref<1024xi32, #tpu.memory_space<vmem>>[vector<16xi32>], vector<16xi32>,
    %gather3A_1630 = tpu.vector_load_idx %arg13[%gather3A_1629] : memref<1024xi32, #tpu.memory_space<vmem>>[vector<16xi32>], vector<16xi32>,
    %gather3A_1631 = tpu.vector_load_idx %arg14[%get3A_1624] : memref<1024xf32, #tpu.memory_space<vmem>>[vector<16xi32>], vector<16xf32>,
    %add3A_1632 = arith.addf %add3A_1612, %gather3A_1631 : vector<16xf32>
    %gather3A_1633 = tpu.vector_load_idx %arg15[%gather3A_1628] : memref<1024xf32, #tpu.memory_space<vmem>>[vector<16xi32>], vector<16xf32>,
    %add3A_1634 = arith.addf %add3A_1614, %gather3A_1633 : vector<16xf32>
    %gather3A_1635 = tpu.vector_load_idx %arg16[%gather3A_1629] : memref<1024xf32, #tpu.memory_space<vmem>>[vector<16xi32>], vector<16xf32>,
    %add3A_1636 = arith.addf %add3A_1616, %gather3A_1635 : vector<16xf32>
    %swap3A_1637 = arith.constant 880 : index
    %swap3A_1638 = tpu.vector_load %arg17[%swap3A_1637] {strides = array<i32>} : memref<1024xi32, #tpu.memory_space<vmem>>, vector<16xi32>,
    tpu.vector_store %arg17[%swap3A_1637], %gather3A_1628 {strides = array<i32>} : memref<1024xi32, #tpu.memory_space<vmem>>, vector<16xi32>,
    %swap3A_1639 = arith.constant 880 : index
    %swap3A_1640 = tpu.vector_load %arg18[%swap3A_1639] {strides = array<i32>} : memref<1024xi32, #tpu.memory_space<vmem>>, vector<16xi32>,
    tpu.vector_store %arg18[%swap3A_1639], %gather3A_1629 {strides = array<i32>} : memref<1024xi32, #tpu.memory_space<vmem>>, vector<16xi32>,
    %swap3A_1641 = arith.constant 880 : index
    %swap3A_1642 = tpu.vector_load %arg19[%swap3A_1641] {strides = array<i32>} : memref<1024xi32, #tpu.memory_space<vmem>>, vector<16xi32>,
    tpu.vector_store %arg19[%swap3A_1641], %gather3A_1630 {strides = array<i32>} : memref<1024xi32, #tpu.memory_space<vmem>>, vector<16xi32>,
    tpu.vector_store_idx %arg20[%get3A_1624], %broadcast_in_dim3A_516 : memref<1024xi32, #tpu.memory_space<vmem>>[vector<16xi32>], vector<16xi32>,
    tpu.vector_store_idx %arg21[%gather3A_1628], %broadcast_in_dim3A_516 : memref<1024xi32, #tpu.memory_space<vmem>>[vector<16xi32>], vector<16xi32>,
    tpu.vector_store_idx %arg22[%gather3A_1629], %broadcast_in_dim3A_516 : memref<1024xi32, #tpu.memory_space<vmem>>[vector<16xi32>], vector<16xi32>,
    tpu.vector_store_idx %arg23[%gather3A_1630], %broadcast_in_dim3A_516 : memref<1024xi32, #tpu.memory_space<vmem>>[vector<16xi32>], vector<16xi32>,
    %get3A_1643 = arith.constant 896 : index
    %get3A_1644 = tpu.vector_load %arg9[%get3A_1643] {strides = array<i32>} : memref<1024xi32, #tpu.memory_space<vmem>>, vector<16xi32>,
    %get3A_1645 = arith.constant 896 : index
    %get3A_1646 = tpu.vector_load %arg10[%get3A_1645] {strides = array<i32>} : memref<1024xf32, #tpu.memory_space<vmem>>, vector<16xf32>,
    %add3A_1647 = arith.addf %add3A_1627, %get3A_1646 : vector<16xf32>
    %gather3A_1648 = tpu.vector_load_idx %arg11[%get3A_1644] : memref<1024xi32, #tpu.memory_space<vmem>>[vector<16xi32>], vector<16xi32>,
    %gather3A_1649 = tpu.vector_load_idx %arg12[%gather3A_1648] : memref<1024xi32, #tpu.memory_space<vmem>>[vector<16xi32>], vector<16xi32>,
    %gather3A_1650 = tpu.vector_load_idx %arg13[%gather3A_1649] : memref<1024xi32, #tpu.memory_space<vmem>>[vector<16xi32>], vector<16xi32>,
    %gather3A_1651 = tpu.vector_load_idx %arg14[%get3A_1644] : memref<1024xf32, #tpu.memory_space<vmem>>[vector<16xi32>], vector<16xf32>,
    %add3A_1652 = arith.addf %add3A_1632, %gather3A_1651 : vector<16xf32>
    %gather3A_1653 = tpu.vector_load_idx %arg15[%gather3A_1648] : memref<1024xf32, #tpu.memory_space<vmem>>[vector<16xi32>], vector<16xf32>,
    %add3A_1654 = arith.addf %add3A_1634, %gather3A_1653 : vector<16xf32>
    %gather3A_1655 = tpu.vector_load_idx %arg16[%gather3A_1649] : memref<1024xf32, #tpu.memory_space<vmem>>[vector<16xi32>], vector<16xf32>,
    %add3A_1656 = arith.addf %add3A_1636, %gather3A_1655 : vector<16xf32>
    %swap3A_1657 = arith.constant 896 : index
    %swap3A_1658 = tpu.vector_load %arg17[%swap3A_1657] {strides = array<i32>} : memref<1024xi32, #tpu.memory_space<vmem>>, vector<16xi32>,
    tpu.vector_store %arg17[%swap3A_1657], %gather3A_1648 {strides = array<i32>} : memref<1024xi32, #tpu.memory_space<vmem>>, vector<16xi32>,
    %swap3A_1659 = arith.constant 896 : index
    %swap3A_1660 = tpu.vector_load %arg18[%swap3A_1659] {strides = array<i32>} : memref<1024xi32, #tpu.memory_space<vmem>>, vector<16xi32>,
    tpu.vector_store %arg18[%swap3A_1659], %gather3A_1649 {strides = array<i32>} : memref<1024xi32, #tpu.memory_space<vmem>>, vector<16xi32>,
    %swap3A_1661 = arith.constant 896 : index
    %swap3A_1662 = tpu.vector_load %arg19[%swap3A_1661] {strides = array<i32>} : memref<1024xi32, #tpu.memory_space<vmem>>, vector<16xi32>,
    tpu.vector_store %arg19[%swap3A_1661], %gather3A_1650 {strides = array<i32>} : memref<1024xi32, #tpu.memory_space<vmem>>, vector<16xi32>,
    tpu.vector_store_idx %arg20[%get3A_1644], %broadcast_in_dim3A_516 : memref<1024xi32, #tpu.memory_space<vmem>>[vector<16xi32>], vector<16xi32>,
    tpu.vector_store_idx %arg21[%gather3A_1648], %broadcast_in_dim3A_516 : memref<1024xi32, #tpu.memory_space<vmem>>[vector<16xi32>], vector<16xi32>,
    tpu.vector_store_idx %arg22[%gather3A_1649], %broadcast_in_dim3A_516 : memref<1024xi32, #tpu.memory_space<vmem>>[vector<16xi32>], vector<16xi32>,
    tpu.vector_store_idx %arg23[%gather3A_1650], %broadcast_in_dim3A_516 : memref<1024xi32, #tpu.memory_space<vmem>>[vector<16xi32>], vector<16xi32>,
    %get3A_1663 = arith.constant 912 : index
    %get3A_1664 = tpu.vector_load %arg9[%get3A_1663] {strides = array<i32>} : memref<1024xi32, #tpu.memory_space<vmem>>, vector<16xi32>,
    %get3A_1665 = arith.constant 912 : index
    %get3A_1666 = tpu.vector_load %arg10[%get3A_1665] {strides = array<i32>} : memref<1024xf32, #tpu.memory_space<vmem>>, vector<16xf32>,
    %add3A_1667 = arith.addf %add3A_1647, %get3A_1666 : vector<16xf32>
    %gather3A_1668 = tpu.vector_load_idx %arg11[%get3A_1664] : memref<1024xi32, #tpu.memory_space<vmem>>[vector<16xi32>], vector<16xi32>,
    %gather3A_1669 = tpu.vector_load_idx %arg12[%gather3A_1668] : memref<1024xi32, #tpu.memory_space<vmem>>[vector<16xi32>], vector<16xi32>,
    %gather3A_1670 = tpu.vector_load_idx %arg13[%gather3A_1669] : memref<1024xi32, #tpu.memory_space<vmem>>[vector<16xi32>], vector<16xi32>,
    %gather3A_1671 = tpu.vector_load_idx %arg14[%get3A_1664] : memref<1024xf32, #tpu.memory_space<vmem>>[vector<16xi32>], vector<16xf32>,
    %add3A_1672 = arith.addf %add3A_1652, %gather3A_1671 : vector<16xf32>
    %gather3A_1673 = tpu.vector_load_idx %arg15[%gather3A_1668] : memref<1024xf32, #tpu.memory_space<vmem>>[vector<16xi32>], vector<16xf32>,
    %add3A_1674 = arith.addf %add3A_1654, %gather3A_1673 : vector<16xf32>
    %gather3A_1675 = tpu.vector_load_idx %arg16[%gather3A_1669] : memref<1024xf32, #tpu.memory_space<vmem>>[vector<16xi32>], vector<16xf32>,
    %add3A_1676 = arith.addf %add3A_1656, %gather3A_1675 : vector<16xf32>
    %swap3A_1677 = arith.constant 912 : index
    %swap3A_1678 = tpu.vector_load %arg17[%swap3A_1677] {strides = array<i32>} : memref<1024xi32, #tpu.memory_space<vmem>>, vector<16xi32>,
    tpu.vector_store %arg17[%swap3A_1677], %gather3A_1668 {strides = array<i32>} : memref<1024xi32, #tpu.memory_space<vmem>>, vector<16xi32>,
    %swap3A_1679 = arith.constant 912 : index
    %swap3A_1680 = tpu.vector_load %arg18[%swap3A_1679] {strides = array<i32>} : memref<1024xi32, #tpu.memory_space<vmem>>, vector<16xi32>,
    tpu.vector_store %arg18[%swap3A_1679], %gather3A_1669 {strides = array<i32>} : memref<1024xi32, #tpu.memory_space<vmem>>, vector<16xi32>,
    %swap3A_1681 = arith.constant 912 : index
    %swap3A_1682 = tpu.vector_load %arg19[%swap3A_1681] {strides = array<i32>} : memref<1024xi32, #tpu.memory_space<vmem>>, vector<16xi32>,
    tpu.vector_store %arg19[%swap3A_1681], %gather3A_1670 {strides = array<i32>} : memref<1024xi32, #tpu.memory_space<vmem>>, vector<16xi32>,
    tpu.vector_store_idx %arg20[%get3A_1664], %broadcast_in_dim3A_516 : memref<1024xi32, #tpu.memory_space<vmem>>[vector<16xi32>], vector<16xi32>,
    tpu.vector_store_idx %arg21[%gather3A_1668], %broadcast_in_dim3A_516 : memref<1024xi32, #tpu.memory_space<vmem>>[vector<16xi32>], vector<16xi32>,
    tpu.vector_store_idx %arg22[%gather3A_1669], %broadcast_in_dim3A_516 : memref<1024xi32, #tpu.memory_space<vmem>>[vector<16xi32>], vector<16xi32>,
    tpu.vector_store_idx %arg23[%gather3A_1670], %broadcast_in_dim3A_516 : memref<1024xi32, #tpu.memory_space<vmem>>[vector<16xi32>], vector<16xi32>,
    %get3A_1683 = arith.constant 928 : index
    %get3A_1684 = tpu.vector_load %arg9[%get3A_1683] {strides = array<i32>} : memref<1024xi32, #tpu.memory_space<vmem>>, vector<16xi32>,
    %get3A_1685 = arith.constant 928 : index
    %get3A_1686 = tpu.vector_load %arg10[%get3A_1685] {strides = array<i32>} : memref<1024xf32, #tpu.memory_space<vmem>>, vector<16xf32>,
    %add3A_1687 = arith.addf %add3A_1667, %get3A_1686 : vector<16xf32>
    %gather3A_1688 = tpu.vector_load_idx %arg11[%get3A_1684] : memref<1024xi32, #tpu.memory_space<vmem>>[vector<16xi32>], vector<16xi32>,
    %gather3A_1689 = tpu.vector_load_idx %arg12[%gather3A_1688] : memref<1024xi32, #tpu.memory_space<vmem>>[vector<16xi32>], vector<16xi32>,
    %gather3A_1690 = tpu.vector_load_idx %arg13[%gather3A_1689] : memref<1024xi32, #tpu.memory_space<vmem>>[vector<16xi32>], vector<16xi32>,
    %gather3A_1691 = tpu.vector_load_idx %arg14[%get3A_1684] : memref<1024xf32, #tpu.memory_space<vmem>>[vector<16xi32>], vector<16xf32>,
    %add3A_1692 = arith.addf %add3A_1672, %gather3A_1691 : vector<16xf32>
    %gather3A_1693 = tpu.vector_load_idx %arg15[%gather3A_1688] : memref<1024xf32, #tpu.memory_space<vmem>>[vector<16xi32>], vector<16xf32>,
    %add3A_1694 = arith.addf %add3A_1674, %gather3A_1693 : vector<16xf32>
    %gather3A_1695 = tpu.vector_load_idx %arg16[%gather3A_1689] : memref<1024xf32, #tpu.memory_space<vmem>>[vector<16xi32>], vector<16xf32>,
    %add3A_1696 = arith.addf %add3A_1676, %gather3A_1695 : vector<16xf32>
    %swap3A_1697 = arith.constant 928 : index
    %swap3A_1698 = tpu.vector_load %arg17[%swap3A_1697] {strides = array<i32>} : memref<1024xi32, #tpu.memory_space<vmem>>, vector<16xi32>,
    tpu.vector_store %arg17[%swap3A_1697], %gather3A_1688 {strides = array<i32>} : memref<1024xi32, #tpu.memory_space<vmem>>, vector<16xi32>,
    %swap3A_1699 = arith.constant 928 : index
    %swap3A_1700 = tpu.vector_load %arg18[%swap3A_1699] {strides = array<i32>} : memref<1024xi32, #tpu.memory_space<vmem>>, vector<16xi32>,
    tpu.vector_store %arg18[%swap3A_1699], %gather3A_1689 {strides = array<i32>} : memref<1024xi32, #tpu.memory_space<vmem>>, vector<16xi32>,
    %swap3A_1701 = arith.constant 928 : index
    %swap3A_1702 = tpu.vector_load %arg19[%swap3A_1701] {strides = array<i32>} : memref<1024xi32, #tpu.memory_space<vmem>>, vector<16xi32>,
    tpu.vector_store %arg19[%swap3A_1701], %gather3A_1690 {strides = array<i32>} : memref<1024xi32, #tpu.memory_space<vmem>>, vector<16xi32>,
    tpu.vector_store_idx %arg20[%get3A_1684], %broadcast_in_dim3A_516 : memref<1024xi32, #tpu.memory_space<vmem>>[vector<16xi32>], vector<16xi32>,
    tpu.vector_store_idx %arg21[%gather3A_1688], %broadcast_in_dim3A_516 : memref<1024xi32, #tpu.memory_space<vmem>>[vector<16xi32>], vector<16xi32>,
    tpu.vector_store_idx %arg22[%gather3A_1689], %broadcast_in_dim3A_516 : memref<1024xi32, #tpu.memory_space<vmem>>[vector<16xi32>], vector<16xi32>,
    tpu.vector_store_idx %arg23[%gather3A_1690], %broadcast_in_dim3A_516 : memref<1024xi32, #tpu.memory_space<vmem>>[vector<16xi32>], vector<16xi32>,
    %get3A_1703 = arith.constant 944 : index
    %get3A_1704 = tpu.vector_load %arg9[%get3A_1703] {strides = array<i32>} : memref<1024xi32, #tpu.memory_space<vmem>>, vector<16xi32>,
    %get3A_1705 = arith.constant 944 : index
    %get3A_1706 = tpu.vector_load %arg10[%get3A_1705] {strides = array<i32>} : memref<1024xf32, #tpu.memory_space<vmem>>, vector<16xf32>,
    %add3A_1707 = arith.addf %add3A_1687, %get3A_1706 : vector<16xf32>
    %gather3A_1708 = tpu.vector_load_idx %arg11[%get3A_1704] : memref<1024xi32, #tpu.memory_space<vmem>>[vector<16xi32>], vector<16xi32>,
    %gather3A_1709 = tpu.vector_load_idx %arg12[%gather3A_1708] : memref<1024xi32, #tpu.memory_space<vmem>>[vector<16xi32>], vector<16xi32>,
    %gather3A_1710 = tpu.vector_load_idx %arg13[%gather3A_1709] : memref<1024xi32, #tpu.memory_space<vmem>>[vector<16xi32>], vector<16xi32>,
    %gather3A_1711 = tpu.vector_load_idx %arg14[%get3A_1704] : memref<1024xf32, #tpu.memory_space<vmem>>[vector<16xi32>], vector<16xf32>,
    %add3A_1712 = arith.addf %add3A_1692, %gather3A_1711 : vector<16xf32>
    %gather3A_1713 = tpu.vector_load_idx %arg15[%gather3A_1708] : memref<1024xf32, #tpu.memory_space<vmem>>[vector<16xi32>], vector<16xf32>,
    %add3A_1714 = arith.addf %add3A_1694, %gather3A_1713 : vector<16xf32>
    %gather3A_1715 = tpu.vector_load_idx %arg16[%gather3A_1709] : memref<1024xf32, #tpu.memory_space<vmem>>[vector<16xi32>], vector<16xf32>,
    %add3A_1716 = arith.addf %add3A_1696, %gather3A_1715 : vector<16xf32>
    %swap3A_1717 = arith.constant 944 : index
    %swap3A_1718 = tpu.vector_load %arg17[%swap3A_1717] {strides = array<i32>} : memref<1024xi32, #tpu.memory_space<vmem>>, vector<16xi32>,
    tpu.vector_store %arg17[%swap3A_1717], %gather3A_1708 {strides = array<i32>} : memref<1024xi32, #tpu.memory_space<vmem>>, vector<16xi32>,
    %swap3A_1719 = arith.constant 944 : index
    %swap3A_1720 = tpu.vector_load %arg18[%swap3A_1719] {strides = array<i32>} : memref<1024xi32, #tpu.memory_space<vmem>>, vector<16xi32>,
    tpu.vector_store %arg18[%swap3A_1719], %gather3A_1709 {strides = array<i32>} : memref<1024xi32, #tpu.memory_space<vmem>>, vector<16xi32>,
    %swap3A_1721 = arith.constant 944 : index
    %swap3A_1722 = tpu.vector_load %arg19[%swap3A_1721] {strides = array<i32>} : memref<1024xi32, #tpu.memory_space<vmem>>, vector<16xi32>,
    tpu.vector_store %arg19[%swap3A_1721], %gather3A_1710 {strides = array<i32>} : memref<1024xi32, #tpu.memory_space<vmem>>, vector<16xi32>,
    tpu.vector_store_idx %arg20[%get3A_1704], %broadcast_in_dim3A_516 : memref<1024xi32, #tpu.memory_space<vmem>>[vector<16xi32>], vector<16xi32>,
    tpu.vector_store_idx %arg21[%gather3A_1708], %broadcast_in_dim3A_516 : memref<1024xi32, #tpu.memory_space<vmem>>[vector<16xi32>], vector<16xi32>,
    tpu.vector_store_idx %arg22[%gather3A_1709], %broadcast_in_dim3A_516 : memref<1024xi32, #tpu.memory_space<vmem>>[vector<16xi32>], vector<16xi32>,
    tpu.vector_store_idx %arg23[%gather3A_1710], %broadcast_in_dim3A_516 : memref<1024xi32, #tpu.memory_space<vmem>>[vector<16xi32>], vector<16xi32>,
    %get3A_1723 = arith.constant 960 : index
    %get3A_1724 = tpu.vector_load %arg9[%get3A_1723] {strides = array<i32>} : memref<1024xi32, #tpu.memory_space<vmem>>, vector<16xi32>,
    %get3A_1725 = arith.constant 960 : index
    %get3A_1726 = tpu.vector_load %arg10[%get3A_1725] {strides = array<i32>} : memref<1024xf32, #tpu.memory_space<vmem>>, vector<16xf32>,
    %add3A_1727 = arith.addf %add3A_1707, %get3A_1726 : vector<16xf32>
    %gather3A_1728 = tpu.vector_load_idx %arg11[%get3A_1724] : memref<1024xi32, #tpu.memory_space<vmem>>[vector<16xi32>], vector<16xi32>,
    %gather3A_1729 = tpu.vector_load_idx %arg12[%gather3A_1728] : memref<1024xi32, #tpu.memory_space<vmem>>[vector<16xi32>], vector<16xi32>,
    %gather3A_1730 = tpu.vector_load_idx %arg13[%gather3A_1729] : memref<1024xi32, #tpu.memory_space<vmem>>[vector<16xi32>], vector<16xi32>,
    %gather3A_1731 = tpu.vector_load_idx %arg14[%get3A_1724] : memref<1024xf32, #tpu.memory_space<vmem>>[vector<16xi32>], vector<16xf32>,
    %add3A_1732 = arith.addf %add3A_1712, %gather3A_1731 : vector<16xf32>
    %gather3A_1733 = tpu.vector_load_idx %arg15[%gather3A_1728] : memref<1024xf32, #tpu.memory_space<vmem>>[vector<16xi32>], vector<16xf32>,
    %add3A_1734 = arith.addf %add3A_1714, %gather3A_1733 : vector<16xf32>
    %gather3A_1735 = tpu.vector_load_idx %arg16[%gather3A_1729] : memref<1024xf32, #tpu.memory_space<vmem>>[vector<16xi32>], vector<16xf32>,
    %add3A_1736 = arith.addf %add3A_1716, %gather3A_1735 : vector<16xf32>
    %swap3A_1737 = arith.constant 960 : index
    %swap3A_1738 = tpu.vector_load %arg17[%swap3A_1737] {strides = array<i32>} : memref<1024xi32, #tpu.memory_space<vmem>>, vector<16xi32>,
    tpu.vector_store %arg17[%swap3A_1737], %gather3A_1728 {strides = array<i32>} : memref<1024xi32, #tpu.memory_space<vmem>>, vector<16xi32>,
    %swap3A_1739 = arith.constant 960 : index
    %swap3A_1740 = tpu.vector_load %arg18[%swap3A_1739] {strides = array<i32>} : memref<1024xi32, #tpu.memory_space<vmem>>, vector<16xi32>,
    tpu.vector_store %arg18[%swap3A_1739], %gather3A_1729 {strides = array<i32>} : memref<1024xi32, #tpu.memory_space<vmem>>, vector<16xi32>,
    %swap3A_1741 = arith.constant 960 : index
    %swap3A_1742 = tpu.vector_load %arg19[%swap3A_1741] {strides = array<i32>} : memref<1024xi32, #tpu.memory_space<vmem>>, vector<16xi32>,
    tpu.vector_store %arg19[%swap3A_1741], %gather3A_1730 {strides = array<i32>} : memref<1024xi32, #tpu.memory_space<vmem>>, vector<16xi32>,
    tpu.vector_store_idx %arg20[%get3A_1724], %broadcast_in_dim3A_516 : memref<1024xi32, #tpu.memory_space<vmem>>[vector<16xi32>], vector<16xi32>,
    tpu.vector_store_idx %arg21[%gather3A_1728], %broadcast_in_dim3A_516 : memref<1024xi32, #tpu.memory_space<vmem>>[vector<16xi32>], vector<16xi32>,
    tpu.vector_store_idx %arg22[%gather3A_1729], %broadcast_in_dim3A_516 : memref<1024xi32, #tpu.memory_space<vmem>>[vector<16xi32>], vector<16xi32>,
    tpu.vector_store_idx %arg23[%gather3A_1730], %broadcast_in_dim3A_516 : memref<1024xi32, #tpu.memory_space<vmem>>[vector<16xi32>], vector<16xi32>,
    %get3A_1743 = arith.constant 976 : index
    %get3A_1744 = tpu.vector_load %arg9[%get3A_1743] {strides = array<i32>} : memref<1024xi32, #tpu.memory_space<vmem>>, vector<16xi32>,
    %get3A_1745 = arith.constant 976 : index
    %get3A_1746 = tpu.vector_load %arg10[%get3A_1745] {strides = array<i32>} : memref<1024xf32, #tpu.memory_space<vmem>>, vector<16xf32>,
    %add3A_1747 = arith.addf %add3A_1727, %get3A_1746 : vector<16xf32>
    %gather3A_1748 = tpu.vector_load_idx %arg11[%get3A_1744] : memref<1024xi32, #tpu.memory_space<vmem>>[vector<16xi32>], vector<16xi32>,
    %gather3A_1749 = tpu.vector_load_idx %arg12[%gather3A_1748] : memref<1024xi32, #tpu.memory_space<vmem>>[vector<16xi32>], vector<16xi32>,
    %gather3A_1750 = tpu.vector_load_idx %arg13[%gather3A_1749] : memref<1024xi32, #tpu.memory_space<vmem>>[vector<16xi32>], vector<16xi32>,
    %gather3A_1751 = tpu.vector_load_idx %arg14[%get3A_1744] : memref<1024xf32, #tpu.memory_space<vmem>>[vector<16xi32>], vector<16xf32>,
    %add3A_1752 = arith.addf %add3A_1732, %gather3A_1751 : vector<16xf32>
    %gather3A_1753 = tpu.vector_load_idx %arg15[%gather3A_1748] : memref<1024xf32, #tpu.memory_space<vmem>>[vector<16xi32>], vector<16xf32>,
    %add3A_1754 = arith.addf %add3A_1734, %gather3A_1753 : vector<16xf32>
    %gather3A_1755 = tpu.vector_load_idx %arg16[%gather3A_1749] : memref<1024xf32, #tpu.memory_space<vmem>>[vector<16xi32>], vector<16xf32>,
    %add3A_1756 = arith.addf %add3A_1736, %gather3A_1755 : vector<16xf32>
    %swap3A_1757 = arith.constant 976 : index
    %swap3A_1758 = tpu.vector_load %arg17[%swap3A_1757] {strides = array<i32>} : memref<1024xi32, #tpu.memory_space<vmem>>, vector<16xi32>,
    tpu.vector_store %arg17[%swap3A_1757], %gather3A_1748 {strides = array<i32>} : memref<1024xi32, #tpu.memory_space<vmem>>, vector<16xi32>,
    %swap3A_1759 = arith.constant 976 : index
    %swap3A_1760 = tpu.vector_load %arg18[%swap3A_1759] {strides = array<i32>} : memref<1024xi32, #tpu.memory_space<vmem>>, vector<16xi32>,
    tpu.vector_store %arg18[%swap3A_1759], %gather3A_1749 {strides = array<i32>} : memref<1024xi32, #tpu.memory_space<vmem>>, vector<16xi32>,
    %swap3A_1761 = arith.constant 976 : index
    %swap3A_1762 = tpu.vector_load %arg19[%swap3A_1761] {strides = array<i32>} : memref<1024xi32, #tpu.memory_space<vmem>>, vector<16xi32>,
    tpu.vector_store %arg19[%swap3A_1761], %gather3A_1750 {strides = array<i32>} : memref<1024xi32, #tpu.memory_space<vmem>>, vector<16xi32>,
    tpu.vector_store_idx %arg20[%get3A_1744], %broadcast_in_dim3A_516 : memref<1024xi32, #tpu.memory_space<vmem>>[vector<16xi32>], vector<16xi32>,
    tpu.vector_store_idx %arg21[%gather3A_1748], %broadcast_in_dim3A_516 : memref<1024xi32, #tpu.memory_space<vmem>>[vector<16xi32>], vector<16xi32>,
    tpu.vector_store_idx %arg22[%gather3A_1749], %broadcast_in_dim3A_516 : memref<1024xi32, #tpu.memory_space<vmem>>[vector<16xi32>], vector<16xi32>,
    tpu.vector_store_idx %arg23[%gather3A_1750], %broadcast_in_dim3A_516 : memref<1024xi32, #tpu.memory_space<vmem>>[vector<16xi32>], vector<16xi32>,
    %get3A_1763 = arith.constant 992 : index
    %get3A_1764 = tpu.vector_load %arg9[%get3A_1763] {strides = array<i32>} : memref<1024xi32, #tpu.memory_space<vmem>>, vector<16xi32>,
    %get3A_1765 = arith.constant 992 : index
    %get3A_1766 = tpu.vector_load %arg10[%get3A_1765] {strides = array<i32>} : memref<1024xf32, #tpu.memory_space<vmem>>, vector<16xf32>,
    %add3A_1767 = arith.addf %add3A_1747, %get3A_1766 : vector<16xf32>
    %gather3A_1768 = tpu.vector_load_idx %arg11[%get3A_1764] : memref<1024xi32, #tpu.memory_space<vmem>>[vector<16xi32>], vector<16xi32>,
    %gather3A_1769 = tpu.vector_load_idx %arg12[%gather3A_1768] : memref<1024xi32, #tpu.memory_space<vmem>>[vector<16xi32>], vector<16xi32>,
    %gather3A_1770 = tpu.vector_load_idx %arg13[%gather3A_1769] : memref<1024xi32, #tpu.memory_space<vmem>>[vector<16xi32>], vector<16xi32>,
    %gather3A_1771 = tpu.vector_load_idx %arg14[%get3A_1764] : memref<1024xf32, #tpu.memory_space<vmem>>[vector<16xi32>], vector<16xf32>,
    %add3A_1772 = arith.addf %add3A_1752, %gather3A_1771 : vector<16xf32>
    %gather3A_1773 = tpu.vector_load_idx %arg15[%gather3A_1768] : memref<1024xf32, #tpu.memory_space<vmem>>[vector<16xi32>], vector<16xf32>,
    %add3A_1774 = arith.addf %add3A_1754, %gather3A_1773 : vector<16xf32>
    %gather3A_1775 = tpu.vector_load_idx %arg16[%gather3A_1769] : memref<1024xf32, #tpu.memory_space<vmem>>[vector<16xi32>], vector<16xf32>,
    %add3A_1776 = arith.addf %add3A_1756, %gather3A_1775 : vector<16xf32>
    %swap3A_1777 = arith.constant 992 : index
    %swap3A_1778 = tpu.vector_load %arg17[%swap3A_1777] {strides = array<i32>} : memref<1024xi32, #tpu.memory_space<vmem>>, vector<16xi32>,
    tpu.vector_store %arg17[%swap3A_1777], %gather3A_1768 {strides = array<i32>} : memref<1024xi32, #tpu.memory_space<vmem>>, vector<16xi32>,
    %swap3A_1779 = arith.constant 992 : index
    %swap3A_1780 = tpu.vector_load %arg18[%swap3A_1779] {strides = array<i32>} : memref<1024xi32, #tpu.memory_space<vmem>>, vector<16xi32>,
    tpu.vector_store %arg18[%swap3A_1779], %gather3A_1769 {strides = array<i32>} : memref<1024xi32, #tpu.memory_space<vmem>>, vector<16xi32>,
    %swap3A_1781 = arith.constant 992 : index
    %swap3A_1782 = tpu.vector_load %arg19[%swap3A_1781] {strides = array<i32>} : memref<1024xi32, #tpu.memory_space<vmem>>, vector<16xi32>,
    tpu.vector_store %arg19[%swap3A_1781], %gather3A_1770 {strides = array<i32>} : memref<1024xi32, #tpu.memory_space<vmem>>, vector<16xi32>,
    tpu.vector_store_idx %arg20[%get3A_1764], %broadcast_in_dim3A_516 : memref<1024xi32, #tpu.memory_space<vmem>>[vector<16xi32>], vector<16xi32>,
    tpu.vector_store_idx %arg21[%gather3A_1768], %broadcast_in_dim3A_516 : memref<1024xi32, #tpu.memory_space<vmem>>[vector<16xi32>], vector<16xi32>,
    tpu.vector_store_idx %arg22[%gather3A_1769], %broadcast_in_dim3A_516 : memref<1024xi32, #tpu.memory_space<vmem>>[vector<16xi32>], vector<16xi32>,
    tpu.vector_store_idx %arg23[%gather3A_1770], %broadcast_in_dim3A_516 : memref<1024xi32, #tpu.memory_space<vmem>>[vector<16xi32>], vector<16xi32>,
    %get3A_1783 = arith.constant 1008 : index
    %get3A_1784 = tpu.vector_load %arg9[%get3A_1783] {strides = array<i32>} : memref<1024xi32, #tpu.memory_space<vmem>>, vector<16xi32>,
    %get3A_1785 = arith.constant 1008 : index
    %get3A_1786 = tpu.vector_load %arg10[%get3A_1785] {strides = array<i32>} : memref<1024xf32, #tpu.memory_space<vmem>>, vector<16xf32>,
    %add3A_1787 = arith.addf %add3A_1767, %get3A_1786 : vector<16xf32>
    %gather3A_1788 = tpu.vector_load_idx %arg11[%get3A_1784] : memref<1024xi32, #tpu.memory_space<vmem>>[vector<16xi32>], vector<16xi32>,
    %gather3A_1789 = tpu.vector_load_idx %arg12[%gather3A_1788] : memref<1024xi32, #tpu.memory_space<vmem>>[vector<16xi32>], vector<16xi32>,
    %gather3A_1790 = tpu.vector_load_idx %arg13[%gather3A_1789] : memref<1024xi32, #tpu.memory_space<vmem>>[vector<16xi32>], vector<16xi32>,
    %gather3A_1791 = tpu.vector_load_idx %arg14[%get3A_1784] : memref<1024xf32, #tpu.memory_space<vmem>>[vector<16xi32>], vector<16xf32>,
    %add3A_1792 = arith.addf %add3A_1772, %gather3A_1791 : vector<16xf32>
    %gather3A_1793 = tpu.vector_load_idx %arg15[%gather3A_1788] : memref<1024xf32, #tpu.memory_space<vmem>>[vector<16xi32>], vector<16xf32>,
    %add3A_1794 = arith.addf %add3A_1774, %gather3A_1793 : vector<16xf32>
    %gather3A_1795 = tpu.vector_load_idx %arg16[%gather3A_1789] : memref<1024xf32, #tpu.memory_space<vmem>>[vector<16xi32>], vector<16xf32>,
    %add3A_1796 = arith.addf %add3A_1776, %gather3A_1795 : vector<16xf32>
    %swap3A_1797 = arith.constant 1008 : index
    %swap3A_1798 = tpu.vector_load %arg17[%swap3A_1797] {strides = array<i32>} : memref<1024xi32, #tpu.memory_space<vmem>>, vector<16xi32>,
    tpu.vector_store %arg17[%swap3A_1797], %gather3A_1788 {strides = array<i32>} : memref<1024xi32, #tpu.memory_space<vmem>>, vector<16xi32>,
    %swap3A_1799 = arith.constant 1008 : index
    %swap3A_1800 = tpu.vector_load %arg18[%swap3A_1799] {strides = array<i32>} : memref<1024xi32, #tpu.memory_space<vmem>>, vector<16xi32>,
    tpu.vector_store %arg18[%swap3A_1799], %gather3A_1789 {strides = array<i32>} : memref<1024xi32, #tpu.memory_space<vmem>>, vector<16xi32>,
    %swap3A_1801 = arith.constant 1008 : index
    %swap3A_1802 = tpu.vector_load %arg19[%swap3A_1801] {strides = array<i32>} : memref<1024xi32, #tpu.memory_space<vmem>>, vector<16xi32>,
    tpu.vector_store %arg19[%swap3A_1801], %gather3A_1790 {strides = array<i32>} : memref<1024xi32, #tpu.memory_space<vmem>>, vector<16xi32>,
    tpu.vector_store_idx %arg20[%get3A_1784], %broadcast_in_dim3A_516 : memref<1024xi32, #tpu.memory_space<vmem>>[vector<16xi32>], vector<16xi32>,
    tpu.vector_store_idx %arg21[%gather3A_1788], %broadcast_in_dim3A_516 : memref<1024xi32, #tpu.memory_space<vmem>>[vector<16xi32>], vector<16xi32>,
    tpu.vector_store_idx %arg22[%gather3A_1789], %broadcast_in_dim3A_516 : memref<1024xi32, #tpu.memory_space<vmem>>[vector<16xi32>], vector<16xi32>,
    tpu.vector_store_idx %arg23[%gather3A_1790], %broadcast_in_dim3A_516 : memref<1024xi32, #tpu.memory_space<vmem>>[vector<16xi32>], vector<16xi32>,
    %swap3A_1803 = arith.constant 0 : index
    %swap3A_1804 = tpu.vector_load %arg24[%swap3A_1803] {strides = array<i32>} : memref<64xf32, #tpu.memory_space<vmem>>, vector<16xf32>,
    tpu.vector_store %arg24[%swap3A_1803], %add3A_1787 {strides = array<i32>} : memref<64xf32, #tpu.memory_space<vmem>>, vector<16xf32>,
    %swap3A_1805 = arith.constant 16 : index
    %swap3A_1806 = tpu.vector_load %arg24[%swap3A_1805] {strides = array<i32>} : memref<64xf32, #tpu.memory_space<vmem>>, vector<16xf32>,
    tpu.vector_store %arg24[%swap3A_1805], %add3A_1792 {strides = array<i32>} : memref<64xf32, #tpu.memory_space<vmem>>, vector<16xf32>,
    %swap3A_1807 = arith.constant 32 : index
    %swap3A_1808 = tpu.vector_load %arg24[%swap3A_1807] {strides = array<i32>} : memref<64xf32, #tpu.memory_space<vmem>>, vector<16xf32>,
    tpu.vector_store %arg24[%swap3A_1807], %add3A_1794 {strides = array<i32>} : memref<64xf32, #tpu.memory_space<vmem>>, vector<16xf32>,
    %swap3A_1809 = arith.constant 48 : index
    %swap3A_1810 = tpu.vector_load %arg24[%swap3A_1809] {strides = array<i32>} : memref<64xf32, #tpu.memory_space<vmem>>, vector<16xf32>,
    tpu.vector_store %arg24[%swap3A_1809], %add3A_1796 {strides = array<i32>} : memref<64xf32, #tpu.memory_space<vmem>>, vector<16xf32>,
    %add3A_1811 = arith.constant 0 : i32
    %add3A_1812 = arith.addi %add3A_1811, %mul3A_2 : i32
    "tpu.region"() ({
      %run_scoped3A = tpu.sem_alloc : memref<!tpu.dma_semaphore, #tpu.memory_space<semaphore_mem>>
      %dma_start3A = tpu.memref_slice %arg6[%add3A_1812] : memref<98304xi32, #tpu.memory_space<hbm>> -> memref<1024xi32, #tpu.memory_space<hbm>>
      %dma_start3A_1831 = tpu.memref_slice %arg6[%add3A_1812] : memref<98304xi32, #tpu.memory_space<hbm>> -> memref<1024xi32, #tpu.memory_space<hbm>>
      tpu.enqueue_dma source(%arg17 : memref<1024xi32, #tpu.memory_space<vmem>>) target(%dma_start3A_1831 : memref<1024xi32, #tpu.memory_space<hbm>>) target_semaphore(%run_scoped3A : memref<!tpu.dma_semaphore, #tpu.memory_space<semaphore_mem>>)
      %dma_wait3A = tpu.memref_slice %arg6[%add3A_1812] : memref<98304xi32, #tpu.memory_space<hbm>> -> memref<1024xi32, #tpu.memory_space<hbm>>
      %dma_wait3A_1832 = tpu.memref_slice %arg6[%add3A_1812] : memref<98304xi32, #tpu.memory_space<hbm>> -> memref<1024xi32, #tpu.memory_space<hbm>>
      tpu.wait_dma2 semaphore(%run_scoped3A : memref<!tpu.dma_semaphore, #tpu.memory_space<semaphore_mem>>) src(%arg17 : memref<1024xi32, #tpu.memory_space<vmem>>) dst(%dma_wait3A_1832 : memref<1024xi32, #tpu.memory_space<hbm>>)
      tpu.yield
    }) : () -> ()
    %add3A_1813 = arith.constant 32768 : i32
    %add3A_1814 = arith.addi %add3A_1813, %mul3A_2 : i32
    "tpu.region"() ({
      %run_scoped3A = tpu.sem_alloc : memref<!tpu.dma_semaphore, #tpu.memory_space<semaphore_mem>>
      %dma_start3A = tpu.memref_slice %arg6[%add3A_1814] : memref<98304xi32, #tpu.memory_space<hbm>> -> memref<1024xi32, #tpu.memory_space<hbm>>
      %dma_start3A_1831 = tpu.memref_slice %arg6[%add3A_1814] : memref<98304xi32, #tpu.memory_space<hbm>> -> memref<1024xi32, #tpu.memory_space<hbm>>
      tpu.enqueue_dma source(%arg18 : memref<1024xi32, #tpu.memory_space<vmem>>) target(%dma_start3A_1831 : memref<1024xi32, #tpu.memory_space<hbm>>) target_semaphore(%run_scoped3A : memref<!tpu.dma_semaphore, #tpu.memory_space<semaphore_mem>>)
      %dma_wait3A = tpu.memref_slice %arg6[%add3A_1814] : memref<98304xi32, #tpu.memory_space<hbm>> -> memref<1024xi32, #tpu.memory_space<hbm>>
      %dma_wait3A_1832 = tpu.memref_slice %arg6[%add3A_1814] : memref<98304xi32, #tpu.memory_space<hbm>> -> memref<1024xi32, #tpu.memory_space<hbm>>
      tpu.wait_dma2 semaphore(%run_scoped3A : memref<!tpu.dma_semaphore, #tpu.memory_space<semaphore_mem>>) src(%arg18 : memref<1024xi32, #tpu.memory_space<vmem>>) dst(%dma_wait3A_1832 : memref<1024xi32, #tpu.memory_space<hbm>>)
      tpu.yield
    }) : () -> ()
    %add3A_1815 = arith.constant 65536 : i32
    %add3A_1816 = arith.addi %add3A_1815, %mul3A_2 : i32
    "tpu.region"() ({
      %run_scoped3A = tpu.sem_alloc : memref<!tpu.dma_semaphore, #tpu.memory_space<semaphore_mem>>
      %dma_start3A = tpu.memref_slice %arg6[%add3A_1816] : memref<98304xi32, #tpu.memory_space<hbm>> -> memref<1024xi32, #tpu.memory_space<hbm>>
      %dma_start3A_1831 = tpu.memref_slice %arg6[%add3A_1816] : memref<98304xi32, #tpu.memory_space<hbm>> -> memref<1024xi32, #tpu.memory_space<hbm>>
      tpu.enqueue_dma source(%arg19 : memref<1024xi32, #tpu.memory_space<vmem>>) target(%dma_start3A_1831 : memref<1024xi32, #tpu.memory_space<hbm>>) target_semaphore(%run_scoped3A : memref<!tpu.dma_semaphore, #tpu.memory_space<semaphore_mem>>)
      %dma_wait3A = tpu.memref_slice %arg6[%add3A_1816] : memref<98304xi32, #tpu.memory_space<hbm>> -> memref<1024xi32, #tpu.memory_space<hbm>>
      %dma_wait3A_1832 = tpu.memref_slice %arg6[%add3A_1816] : memref<98304xi32, #tpu.memory_space<hbm>> -> memref<1024xi32, #tpu.memory_space<hbm>>
      tpu.wait_dma2 semaphore(%run_scoped3A : memref<!tpu.dma_semaphore, #tpu.memory_space<semaphore_mem>>) src(%arg19 : memref<1024xi32, #tpu.memory_space<vmem>>) dst(%dma_wait3A_1832 : memref<1024xi32, #tpu.memory_space<hbm>>)
      tpu.yield
    }) : () -> ()
    %mul3A_1817 = arith.constant 4 : i32
    %mul3A_1818 = arith.muli %add3A, %mul3A_1817 : i32
    %mul3A_1819 = arith.constant 1024 : i32
    %mul3A_1820 = arith.muli %mul3A_1818, %mul3A_1819 : i32
    "tpu.region"() ({
      %run_scoped3A = tpu.sem_alloc : memref<!tpu.dma_semaphore, #tpu.memory_space<semaphore_mem>>
      %dma_start3A = tpu.memref_slice %arg7[%mul3A_1820] : memref<131072xi32, #tpu.memory_space<hbm>> -> memref<1024xi32, #tpu.memory_space<hbm>>
      %dma_start3A_1831 = tpu.memref_slice %arg7[%mul3A_1820] : memref<131072xi32, #tpu.memory_space<hbm>> -> memref<1024xi32, #tpu.memory_space<hbm>>
      tpu.enqueue_dma source(%arg20 : memref<1024xi32, #tpu.memory_space<vmem>>) target(%dma_start3A_1831 : memref<1024xi32, #tpu.memory_space<hbm>>) target_semaphore(%run_scoped3A : memref<!tpu.dma_semaphore, #tpu.memory_space<semaphore_mem>>)
      %dma_wait3A = tpu.memref_slice %arg7[%mul3A_1820] : memref<131072xi32, #tpu.memory_space<hbm>> -> memref<1024xi32, #tpu.memory_space<hbm>>
      %dma_wait3A_1832 = tpu.memref_slice %arg7[%mul3A_1820] : memref<131072xi32, #tpu.memory_space<hbm>> -> memref<1024xi32, #tpu.memory_space<hbm>>
      tpu.wait_dma2 semaphore(%run_scoped3A : memref<!tpu.dma_semaphore, #tpu.memory_space<semaphore_mem>>) src(%arg20 : memref<1024xi32, #tpu.memory_space<vmem>>) dst(%dma_wait3A_1832 : memref<1024xi32, #tpu.memory_space<hbm>>)
      tpu.yield
    }) : () -> ()
    %add3A_1821 = arith.constant 1024 : i32
    %add3A_1822 = arith.addi %mul3A_1820, %add3A_1821 : i32
    "tpu.region"() ({
      %run_scoped3A = tpu.sem_alloc : memref<!tpu.dma_semaphore, #tpu.memory_space<semaphore_mem>>
      %dma_start3A = tpu.memref_slice %arg7[%add3A_1822] : memref<131072xi32, #tpu.memory_space<hbm>> -> memref<1024xi32, #tpu.memory_space<hbm>>
      %dma_start3A_1831 = tpu.memref_slice %arg7[%add3A_1822] : memref<131072xi32, #tpu.memory_space<hbm>> -> memref<1024xi32, #tpu.memory_space<hbm>>
      tpu.enqueue_dma source(%arg21 : memref<1024xi32, #tpu.memory_space<vmem>>) target(%dma_start3A_1831 : memref<1024xi32, #tpu.memory_space<hbm>>) target_semaphore(%run_scoped3A : memref<!tpu.dma_semaphore, #tpu.memory_space<semaphore_mem>>)
      %dma_wait3A = tpu.memref_slice %arg7[%add3A_1822] : memref<131072xi32, #tpu.memory_space<hbm>> -> memref<1024xi32, #tpu.memory_space<hbm>>
      %dma_wait3A_1832 = tpu.memref_slice %arg7[%add3A_1822] : memref<131072xi32, #tpu.memory_space<hbm>> -> memref<1024xi32, #tpu.memory_space<hbm>>
      tpu.wait_dma2 semaphore(%run_scoped3A : memref<!tpu.dma_semaphore, #tpu.memory_space<semaphore_mem>>) src(%arg21 : memref<1024xi32, #tpu.memory_space<vmem>>) dst(%dma_wait3A_1832 : memref<1024xi32, #tpu.memory_space<hbm>>)
      tpu.yield
    }) : () -> ()
    %add3A_1823 = arith.constant 2048 : i32
    %add3A_1824 = arith.addi %mul3A_1820, %add3A_1823 : i32
    "tpu.region"() ({
      %run_scoped3A = tpu.sem_alloc : memref<!tpu.dma_semaphore, #tpu.memory_space<semaphore_mem>>
      %dma_start3A = tpu.memref_slice %arg7[%add3A_1824] : memref<131072xi32, #tpu.memory_space<hbm>> -> memref<1024xi32, #tpu.memory_space<hbm>>
      %dma_start3A_1831 = tpu.memref_slice %arg7[%add3A_1824] : memref<131072xi32, #tpu.memory_space<hbm>> -> memref<1024xi32, #tpu.memory_space<hbm>>
      tpu.enqueue_dma source(%arg22 : memref<1024xi32, #tpu.memory_space<vmem>>) target(%dma_start3A_1831 : memref<1024xi32, #tpu.memory_space<hbm>>) target_semaphore(%run_scoped3A : memref<!tpu.dma_semaphore, #tpu.memory_space<semaphore_mem>>)
      %dma_wait3A = tpu.memref_slice %arg7[%add3A_1824] : memref<131072xi32, #tpu.memory_space<hbm>> -> memref<1024xi32, #tpu.memory_space<hbm>>
      %dma_wait3A_1832 = tpu.memref_slice %arg7[%add3A_1824] : memref<131072xi32, #tpu.memory_space<hbm>> -> memref<1024xi32, #tpu.memory_space<hbm>>
      tpu.wait_dma2 semaphore(%run_scoped3A : memref<!tpu.dma_semaphore, #tpu.memory_space<semaphore_mem>>) src(%arg22 : memref<1024xi32, #tpu.memory_space<vmem>>) dst(%dma_wait3A_1832 : memref<1024xi32, #tpu.memory_space<hbm>>)
      tpu.yield
    }) : () -> ()
    %add3A_1825 = arith.constant 3072 : i32
    %add3A_1826 = arith.addi %mul3A_1820, %add3A_1825 : i32
    "tpu.region"() ({
      %run_scoped3A = tpu.sem_alloc : memref<!tpu.dma_semaphore, #tpu.memory_space<semaphore_mem>>
      %dma_start3A = tpu.memref_slice %arg7[%add3A_1826] : memref<131072xi32, #tpu.memory_space<hbm>> -> memref<1024xi32, #tpu.memory_space<hbm>>
      %dma_start3A_1831 = tpu.memref_slice %arg7[%add3A_1826] : memref<131072xi32, #tpu.memory_space<hbm>> -> memref<1024xi32, #tpu.memory_space<hbm>>
      tpu.enqueue_dma source(%arg23 : memref<1024xi32, #tpu.memory_space<vmem>>) target(%dma_start3A_1831 : memref<1024xi32, #tpu.memory_space<hbm>>) target_semaphore(%run_scoped3A : memref<!tpu.dma_semaphore, #tpu.memory_space<semaphore_mem>>)
      %dma_wait3A = tpu.memref_slice %arg7[%add3A_1826] : memref<131072xi32, #tpu.memory_space<hbm>> -> memref<1024xi32, #tpu.memory_space<hbm>>
      %dma_wait3A_1832 = tpu.memref_slice %arg7[%add3A_1826] : memref<131072xi32, #tpu.memory_space<hbm>> -> memref<1024xi32, #tpu.memory_space<hbm>>
      tpu.wait_dma2 semaphore(%run_scoped3A : memref<!tpu.dma_semaphore, #tpu.memory_space<semaphore_mem>>) src(%arg23 : memref<1024xi32, #tpu.memory_space<vmem>>) dst(%dma_wait3A_1832 : memref<1024xi32, #tpu.memory_space<hbm>>)
      tpu.yield
    }) : () -> ()
    %mul3A_1827 = arith.constant 4 : i32
    %mul3A_1828 = arith.muli %add3A, %mul3A_1827 : i32
    %mul3A_1829 = arith.constant 16 : i32
    %mul3A_1830 = arith.muli %mul3A_1828, %mul3A_1829 : i32
    "tpu.region"() ({
      %run_scoped3A = tpu.sem_alloc : memref<!tpu.dma_semaphore, #tpu.memory_space<semaphore_mem>>
      %dma_start3A = tpu.memref_slice %arg8[%mul3A_1830] : memref<2048xf32, #tpu.memory_space<hbm>> -> memref<64xf32, #tpu.memory_space<hbm>>
      %dma_start3A_1831 = tpu.memref_slice %arg8[%mul3A_1830] : memref<2048xf32, #tpu.memory_space<hbm>> -> memref<64xf32, #tpu.memory_space<hbm>>
      tpu.enqueue_dma source(%arg24 : memref<64xf32, #tpu.memory_space<vmem>>) target(%dma_start3A_1831 : memref<64xf32, #tpu.memory_space<hbm>>) target_semaphore(%run_scoped3A : memref<!tpu.dma_semaphore, #tpu.memory_space<semaphore_mem>>)
      %dma_wait3A = tpu.memref_slice %arg8[%mul3A_1830] : memref<2048xf32, #tpu.memory_space<hbm>> -> memref<64xf32, #tpu.memory_space<hbm>>
      %dma_wait3A_1832 = tpu.memref_slice %arg8[%mul3A_1830] : memref<2048xf32, #tpu.memory_space<hbm>> -> memref<64xf32, #tpu.memory_space<hbm>>
      tpu.wait_dma2 semaphore(%run_scoped3A : memref<!tpu.dma_semaphore, #tpu.memory_space<semaphore_mem>>) src(%arg24 : memref<64xf32, #tpu.memory_space<vmem>>) dst(%dma_wait3A_1832 : memref<64xf32, #tpu.memory_space<hbm>>)
      tpu.yield
    }) : () -> ()
    return
  }
}

module attributes {stable_mosaic.version = 14 : i64} {
  func.func @_mapping_kernel(%arg0: i32, %arg1: memref<1x1024x256xf32, #tpu.memory_space<vmem>>, %arg2: memref<1x1024x256xf32, #tpu.memory_space<vmem>>, %arg3: memref<1x1x1024xf32, #tpu.memory_space<vmem>>, %arg4: memref<1x1x1024xf32, #tpu.memory_space<vmem>>, %arg5: memref<1x1x1024xi32, #tpu.memory_space<vmem>>, %arg6: memref<1x1x1024xf32, #tpu.memory_space<vmem>>) attributes {dimension_semantics = [#tpu.dimension_semantics<arbitrary>], iteration_bounds = array<i64: 3>, scalar_prefetch = 0 : i64, scratch_operands = 0 : i64, tpu.core_type = #tpu.core_type<tc>, window_params = [{transform_indices = @transform_0, window_bounds = array<i64: 1, 1024, 256>}, {transform_indices = @transform_1, window_bounds = array<i64: 1, 1024, 256>}, {transform_indices = @transform_2, window_bounds = array<i64: 1, 1, 1024>}, {transform_indices = @transform_3, window_bounds = array<i64: 1, 1, 1024>}, {transform_indices = @transform_4, window_bounds = array<i64: 1, 1, 1024>}, {transform_indices = @transform_5, window_bounds = array<i64: 1, 1, 1024>}]} {
    %get3A = arith.constant 0 : index
    %get3A_0 = arith.constant 0 : index
    %get3A_1 = arith.constant 0 : index
    %get3A_2 = vector.load %arg1[%get3A, %get3A_0, %get3A_1] : memref<1x1024x256xf32, #tpu.memory_space<vmem>>, vector<1x1024x256xf32>
    %get3A_3 = vector.shape_cast %get3A_2 : vector<1x1024x256xf32> to vector<1024x256xf32>
    %get3A_4 = arith.constant 0 : index
    %get3A_5 = arith.constant 0 : index
    %get3A_6 = arith.constant 0 : index
    %get3A_7 = vector.load %arg2[%get3A_4, %get3A_5, %get3A_6] : memref<1x1024x256xf32, #tpu.memory_space<vmem>>, vector<1x1024x256xf32>
    %get3A_8 = vector.shape_cast %get3A_7 : vector<1x1024x256xf32> to vector<1024x256xf32>
    %get3A_9 = arith.constant 0 : index
    %get3A_10 = arith.constant 0 : index
    %get3A_11 = arith.constant 0 : index
    %get3A_12 = vector.load %arg3[%get3A_9, %get3A_10, %get3A_11] : memref<1x1x1024xf32, #tpu.memory_space<vmem>>, vector<1x1x1024xf32>
    %get3A_13 = vector.shape_cast %get3A_12 : vector<1x1x1024xf32> to vector<1024xf32>
    %get3A_14 = arith.constant 0 : index
    %get3A_15 = arith.constant 0 : index
    %get3A_16 = arith.constant 0 : index
    %get3A_17 = vector.load %arg4[%get3A_14, %get3A_15, %get3A_16] : memref<1x1x1024xf32, #tpu.memory_space<vmem>>, vector<1x1x1024xf32>
    %get3A_18 = vector.shape_cast %get3A_17 : vector<1x1x1024xf32> to vector<1024xf32>
    %dot_general3A = arith.constant dense<0.000000e+00> : vector<1024x1024xf32>
    %dot_general3A_19 = tpu.matmul %get3A_3, %get3A_8, %dot_general3A {dimension_numbers = #tpu.dot_dimension_numbers<[1], [1], [0], [0], [0, 0, 1, 0], [], []>, transpose_lhs_hint = false} : vector<1024x256xf32>, vector<1024x256xf32>, vector<1024x1024xf32> -> vector<1024x1024xf32>
    %broadcast_in_dim3A = vector.shape_cast %get3A_13 : vector<1024xf32> to vector<1024x1xf32>
    %broadcast_in_dim3A_20 = vector.shape_cast %get3A_18 : vector<1024xf32> to vector<1x1024xf32>
    %add3A = vector.broadcast %broadcast_in_dim3A : vector<1024x1xf32> to vector<1024x1024xf32>
    %add3A_21 = vector.broadcast %broadcast_in_dim3A_20 : vector<1x1024xf32> to vector<1024x1024xf32>
    %add3A_22 = arith.addf %add3A, %add3A_21 : vector<1024x1024xf32>
    %mul3A = arith.constant 2.000000e+00 : f32
    %mul3A_23 = vector.broadcast %mul3A : f32 to vector<1024x1024xf32>
    %mul3A_24 = arith.mulf %mul3A_23, %dot_general3A_19 : vector<1024x1024xf32>
    %sub3A = arith.subf %add3A_22, %mul3A_24 : vector<1024x1024xf32>
    %max3A = arith.constant 0.000000e+00 : f32
    %max3A_25 = vector.broadcast %max3A : f32 to vector<1024x1024xf32>
    %max3A_26 = arith.maximumf %sub3A, %max3A_25 : vector<1024x1024xf32>
    %sqrt3A = math.sqrt %max3A_26 : vector<1024x1024xf32>
    %reduce_min3A = arith.constant dense<0x7F800000> : vector<1024xf32>
    %reduce_min3A_27 = vector.multi_reduction <minimumf>, %sqrt3A, %reduce_min3A [1] : vector<1024x1024xf32> to vector<1024xf32>
    %broadcast_in_dim3A_28 = vector.shape_cast %reduce_min3A_27 : vector<1024xf32> to vector<1024x1xf32>
    %iota3A = tpu.iota {dimensions = array<i32: 1>} : vector<1024x1024xi32>
    %eq3A = vector.broadcast %broadcast_in_dim3A_28 : vector<1024x1xf32> to vector<1024x1024xf32>
    %eq3A_29 = arith.cmpf oeq, %sqrt3A, %eq3A : vector<1024x1024xf32>
    %jit3A = arith.constant 1024 : i32
    %broadcast_in_dim3A_30 = vector.broadcast %jit3A : i32 to vector<1024x1024xi32>
    %select_n3A = arith.select %eq3A_29, %iota3A, %broadcast_in_dim3A_30 : vector<1024x1024xi1>, vector<1024x1024xi32>
    %reduce_min3A_31 = arith.constant dense<2147483647> : vector<1024xi32>
    %reduce_min3A_32 = vector.multi_reduction <minsi>, %select_n3A, %reduce_min3A_31 [1] : vector<1024x1024xi32> to vector<1024xi32>
    %swap3A = arith.constant 0 : index
    %swap3A_33 = arith.constant 0 : index
    %swap3A_34 = arith.constant 0 : index
    %swap3A_35 = vector.load %arg5[%swap3A, %swap3A_33, %swap3A_34] : memref<1x1x1024xi32, #tpu.memory_space<vmem>>, vector<1x1x1024xi32>
    %swap3A_36 = vector.shape_cast %swap3A_35 : vector<1x1x1024xi32> to vector<1024xi32>
    %swap3A_37 = vector.shape_cast %reduce_min3A_32 : vector<1024xi32> to vector<1x1x1024xi32>
    tpu.vector_store %arg5[%swap3A, %swap3A_33, %swap3A_34], %swap3A_37 {strides = array<i32>} : memref<1x1x1024xi32, #tpu.memory_space<vmem>>, vector<1x1x1024xi32>,
    %reduce_min3A_38 = arith.constant dense<0x7F800000> : vector<1024xf32>
    %reduce_min3A_39 = vector.multi_reduction <minimumf>, %sub3A, %reduce_min3A_38 [1] : vector<1024x1024xf32> to vector<1024xf32>
    %max3A_40 = arith.constant 0.000000e+00 : f32
    %max3A_41 = vector.broadcast %max3A_40 : f32 to vector<1024xf32>
    %max3A_42 = arith.maximumf %reduce_min3A_39, %max3A_41 : vector<1024xf32>
    %swap3A_43 = arith.constant 0 : index
    %swap3A_44 = arith.constant 0 : index
    %swap3A_45 = arith.constant 0 : index
    %swap3A_46 = vector.load %arg6[%swap3A_43, %swap3A_44, %swap3A_45] : memref<1x1x1024xf32, #tpu.memory_space<vmem>>, vector<1x1x1024xf32>
    %swap3A_47 = vector.shape_cast %swap3A_46 : vector<1x1x1024xf32> to vector<1024xf32>
    %swap3A_48 = vector.shape_cast %max3A_42 : vector<1024xf32> to vector<1x1x1024xf32>
    tpu.vector_store %arg6[%swap3A_43, %swap3A_44, %swap3A_45], %swap3A_48 {strides = array<i32>} : memref<1x1x1024xf32, #tpu.memory_space<vmem>>, vector<1x1x1024xf32>,
    return
  }
  func.func @transform_0(%arg0: i32) -> (i32, i32, i32) {
    %c0_i32 = arith.constant 0 : i32
    %c0_i32_0 = arith.constant 0 : i32
    %c0_i32_1 = arith.constant 0 : i32
    return %arg0, %c0_i32, %c0_i32_0 : i32, i32, i32
  }
  func.func @transform_1(%arg0: i32) -> (i32, i32, i32) {
    %add3A = arith.constant 1 : i32
    %add3A_0 = arith.addi %arg0, %add3A : i32
    %c0_i32 = arith.constant 0 : i32
    %c0_i32_1 = arith.constant 0 : i32
    %c0_i32_2 = arith.constant 0 : i32
    return %add3A_0, %c0_i32, %c0_i32_1 : i32, i32, i32
  }
  func.func @transform_2(%arg0: i32) -> (i32, i32, i32) {
    %c0_i32 = arith.constant 0 : i32
    %c0_i32_0 = arith.constant 0 : i32
    %c0_i32_1 = arith.constant 0 : i32
    return %arg0, %c0_i32, %c0_i32_0 : i32, i32, i32
  }
  func.func @transform_3(%arg0: i32) -> (i32, i32, i32) {
    %add3A = arith.constant 1 : i32
    %add3A_0 = arith.addi %arg0, %add3A : i32
    %c0_i32 = arith.constant 0 : i32
    %c0_i32_1 = arith.constant 0 : i32
    %c0_i32_2 = arith.constant 0 : i32
    return %add3A_0, %c0_i32, %c0_i32_1 : i32, i32, i32
  }
  func.func @transform_4(%arg0: i32) -> (i32, i32, i32) {
    %c0_i32 = arith.constant 0 : i32
    %c0_i32_0 = arith.constant 0 : i32
    %c0_i32_1 = arith.constant 0 : i32
    return %arg0, %c0_i32, %c0_i32_0 : i32, i32, i32
  }
  func.func @transform_5(%arg0: i32) -> (i32, i32, i32) {
    %c0_i32 = arith.constant 0 : i32
    %c0_i32_0 = arith.constant 0 : i32
    %c0_i32_1 = arith.constant 0 : i32
    return %arg0, %c0_i32, %c0_i32_0 : i32, i32, i32
  }
}

module attributes {stable_mosaic.version = 14 : i64} {
  func.func @_cdist_code_kernel(%arg0: i32, %arg1: memref<1024x256xf32, #tpu.memory_space<vmem>>, %arg2: memref<1x1x1024xf32, #tpu.memory_space<vmem>>, %arg3: memref<1024x256xf32, #tpu.memory_space<vmem>>, %arg4: memref<1x1x1024xf32, #tpu.memory_space<vmem>>, %arg5: memref<1x1x1024xi32, #tpu.memory_space<vmem>>, %arg6: memref<1x1x1024xf32, #tpu.memory_space<vmem>>) attributes {dimension_semantics = [#tpu.dimension_semantics<arbitrary>], iteration_bounds = array<i64: 32>, scalar_prefetch = 0 : i64, scratch_operands = 0 : i64, tpu.core_type = #tpu.core_type<tc>, window_params = [{transform_indices = @transform_0, window_bounds = array<i64: 1024, 256>}, {transform_indices = @transform_1, window_bounds = array<i64: 1, 1, 1024>}, {pipeline_mode = #tpu.pipeline_mode<synchronous>, transform_indices = @transform_2, window_bounds = array<i64: 1024, 256>}, {pipeline_mode = #tpu.pipeline_mode<synchronous>, transform_indices = @transform_3, window_bounds = array<i64: 1, 1, 1024>}, {transform_indices = @transform_4, window_bounds = array<i64: 1, 1, 1024>}, {transform_indices = @transform_5, window_bounds = array<i64: 1, 1, 1024>}]} {
    %get3A = arith.constant 0 : index
    %get3A_0 = arith.constant 0 : index
    %get3A_1 = vector.load %arg1[%get3A, %get3A_0] : memref<1024x256xf32, #tpu.memory_space<vmem>>, vector<1024x256xf32>
    %get3A_2 = arith.constant 0 : index
    %get3A_3 = arith.constant 0 : index
    %get3A_4 = arith.constant 0 : index
    %get3A_5 = vector.load %arg2[%get3A_2, %get3A_3, %get3A_4] : memref<1x1x1024xf32, #tpu.memory_space<vmem>>, vector<1x1x1024xf32>
    %get3A_6 = vector.shape_cast %get3A_5 : vector<1x1x1024xf32> to vector<1024xf32>
    %get3A_7 = arith.constant 0 : index
    %get3A_8 = arith.constant 0 : index
    %get3A_9 = vector.load %arg3[%get3A_7, %get3A_8] : memref<1024x256xf32, #tpu.memory_space<vmem>>, vector<1024x256xf32>
    %get3A_10 = arith.constant 0 : index
    %get3A_11 = arith.constant 0 : index
    %get3A_12 = arith.constant 0 : index
    %get3A_13 = vector.load %arg4[%get3A_10, %get3A_11, %get3A_12] : memref<1x1x1024xf32, #tpu.memory_space<vmem>>, vector<1x1x1024xf32>
    %get3A_14 = vector.shape_cast %get3A_13 : vector<1x1x1024xf32> to vector<1024xf32>
    %dot_general3A = arith.constant dense<0.000000e+00> : vector<1024x1024xf32>
    %dot_general3A_15 = tpu.matmul %get3A_1, %get3A_9, %dot_general3A {dimension_numbers = #tpu.dot_dimension_numbers<[1], [1], [0], [0], [0, 0, 1, 0], [], []>, transpose_lhs_hint = false} : vector<1024x256xf32>, vector<1024x256xf32>, vector<1024x1024xf32> -> vector<1024x1024xf32>
    %broadcast_in_dim3A = vector.shape_cast %get3A_6 : vector<1024xf32> to vector<1024x1xf32>
    %broadcast_in_dim3A_16 = vector.shape_cast %get3A_14 : vector<1024xf32> to vector<1x1024xf32>
    %add3A = vector.broadcast %broadcast_in_dim3A : vector<1024x1xf32> to vector<1024x1024xf32>
    %add3A_17 = vector.broadcast %broadcast_in_dim3A_16 : vector<1x1024xf32> to vector<1024x1024xf32>
    %add3A_18 = arith.addf %add3A, %add3A_17 : vector<1024x1024xf32>
    %mul3A = arith.constant 2.000000e+00 : f32
    %mul3A_19 = vector.broadcast %mul3A : f32 to vector<1024x1024xf32>
    %mul3A_20 = arith.mulf %mul3A_19, %dot_general3A_15 : vector<1024x1024xf32>
    %sub3A = arith.subf %add3A_18, %mul3A_20 : vector<1024x1024xf32>
    %max3A = arith.constant 0.000000e+00 : f32
    %max3A_21 = vector.broadcast %max3A : f32 to vector<1024x1024xf32>
    %max3A_22 = arith.maximumf %sub3A, %max3A_21 : vector<1024x1024xf32>
    %sqrt3A = math.sqrt %max3A_22 : vector<1024x1024xf32>
    %reduce_min3A = arith.constant dense<0x7F800000> : vector<1024xf32>
    %reduce_min3A_23 = vector.multi_reduction <minimumf>, %sqrt3A, %reduce_min3A [1] : vector<1024x1024xf32> to vector<1024xf32>
    %broadcast_in_dim3A_24 = vector.shape_cast %reduce_min3A_23 : vector<1024xf32> to vector<1024x1xf32>
    %iota3A = tpu.iota {dimensions = array<i32: 1>} : vector<1024x1024xi32>
    %eq3A = vector.broadcast %broadcast_in_dim3A_24 : vector<1024x1xf32> to vector<1024x1024xf32>
    %eq3A_25 = arith.cmpf oeq, %sqrt3A, %eq3A : vector<1024x1024xf32>
    %jit3A = arith.constant 1024 : i32
    %broadcast_in_dim3A_26 = vector.broadcast %jit3A : i32 to vector<1024x1024xi32>
    %select_n3A = arith.select %eq3A_25, %iota3A, %broadcast_in_dim3A_26 : vector<1024x1024xi1>, vector<1024x1024xi32>
    %reduce_min3A_27 = arith.constant dense<2147483647> : vector<1024xi32>
    %reduce_min3A_28 = vector.multi_reduction <minsi>, %select_n3A, %reduce_min3A_27 [1] : vector<1024x1024xi32> to vector<1024xi32>
    %swap3A = arith.constant 0 : index
    %swap3A_29 = arith.constant 0 : index
    %swap3A_30 = arith.constant 0 : index
    %swap3A_31 = vector.load %arg5[%swap3A, %swap3A_29, %swap3A_30] : memref<1x1x1024xi32, #tpu.memory_space<vmem>>, vector<1x1x1024xi32>
    %swap3A_32 = vector.shape_cast %swap3A_31 : vector<1x1x1024xi32> to vector<1024xi32>
    %swap3A_33 = vector.shape_cast %reduce_min3A_28 : vector<1024xi32> to vector<1x1x1024xi32>
    tpu.vector_store %arg5[%swap3A, %swap3A_29, %swap3A_30], %swap3A_33 {strides = array<i32>} : memref<1x1x1024xi32, #tpu.memory_space<vmem>>, vector<1x1x1024xi32>,
    %reduce_min3A_34 = arith.constant dense<0x7F800000> : vector<1024xf32>
    %reduce_min3A_35 = vector.multi_reduction <minimumf>, %sub3A, %reduce_min3A_34 [1] : vector<1024x1024xf32> to vector<1024xf32>
    %max3A_36 = arith.constant 0.000000e+00 : f32
    %max3A_37 = vector.broadcast %max3A_36 : f32 to vector<1024xf32>
    %max3A_38 = arith.maximumf %reduce_min3A_35, %max3A_37 : vector<1024xf32>
    %swap3A_39 = arith.constant 0 : index
    %swap3A_40 = arith.constant 0 : index
    %swap3A_41 = arith.constant 0 : index
    %swap3A_42 = vector.load %arg6[%swap3A_39, %swap3A_40, %swap3A_41] : memref<1x1x1024xf32, #tpu.memory_space<vmem>>, vector<1x1x1024xf32>
    %swap3A_43 = vector.shape_cast %swap3A_42 : vector<1x1x1024xf32> to vector<1024xf32>
    %swap3A_44 = vector.shape_cast %max3A_38 : vector<1024xf32> to vector<1x1x1024xf32>
    tpu.vector_store %arg6[%swap3A_39, %swap3A_40, %swap3A_41], %swap3A_44 {strides = array<i32>} : memref<1x1x1024xf32, #tpu.memory_space<vmem>>, vector<1x1x1024xf32>,
    return
  }
  func.func @transform_0(%arg0: i32) -> (i32, i32) {
    %c0_i32 = arith.constant 0 : i32
    %c0_i32_0 = arith.constant 0 : i32
    return %arg0, %c0_i32 : i32, i32
  }
  func.func @transform_1(%arg0: i32) -> (i32, i32, i32) {
    %c0_i32 = arith.constant 0 : i32
    %c0_i32_0 = arith.constant 0 : i32
    %c0_i32_1 = arith.constant 0 : i32
    return %arg0, %c0_i32, %c0_i32_0 : i32, i32, i32
  }
  func.func @transform_2(%arg0: i32) -> (i32, i32) {
    %c0_i32 = arith.constant 0 : i32
    %c0_i32_0 = arith.constant 0 : i32
    %c0_i32_1 = arith.constant 0 : i32
    return %c0_i32, %c0_i32_0 : i32, i32
  }
  func.func @transform_3(%arg0: i32) -> (i32, i32, i32) {
    %c0_i32 = arith.constant 0 : i32
    %c0_i32_0 = arith.constant 0 : i32
    %c0_i32_1 = arith.constant 0 : i32
    %c0_i32_2 = arith.constant 0 : i32
    return %c0_i32, %c0_i32_0, %c0_i32_1 : i32, i32, i32
  }
  func.func @transform_4(%arg0: i32) -> (i32, i32, i32) {
    %c0_i32 = arith.constant 0 : i32
    %c0_i32_0 = arith.constant 0 : i32
    %c0_i32_1 = arith.constant 0 : i32
    return %arg0, %c0_i32, %c0_i32_0 : i32, i32, i32
  }
  func.func @transform_5(%arg0: i32) -> (i32, i32, i32) {
    %c0_i32 = arith.constant 0 : i32
    %c0_i32_0 = arith.constant 0 : i32
    %c0_i32_1 = arith.constant 0 : i32
    return %arg0, %c0_i32, %c0_i32_0 : i32, i32, i32
  }
}

module attributes {stable_mosaic.version = 14 : i64} {
  func.func @_scalars_kernel(%arg0: memref<32x4x16xf32, #tpu.memory_space<vmem>>, %arg1: memref<32x4x1024xi32, #tpu.memory_space<vmem>>, %arg2: memref<1x1xf32, #tpu.memory_space<smem>>, %arg3: memref<1x1xf32, #tpu.memory_space<smem>>, %arg4: memref<1x1xi32, #tpu.memory_space<smem>>) attributes {dimension_semantics = [], scalar_prefetch = 0 : i64, scratch_operands = 0 : i64, tpu.core_type = #tpu.core_type<tc>} {
    %get3A = arith.constant 0 : index
    %get3A_0 = arith.constant 0 : index
    %get3A_1 = arith.constant 0 : index
    %get3A_2 = vector.load %arg0[%get3A, %get3A_0, %get3A_1] : memref<32x4x16xf32, #tpu.memory_space<vmem>>, vector<32x4x16xf32>
    %reduce_sum3A = arith.constant dense<0.000000e+00> : vector<4x16xf32>
    %reduce_sum3A_3 = vector.multi_reduction <add>, %get3A_2, %reduce_sum3A [0] : vector<32x4x16xf32> to vector<4x16xf32>
    %reduce_sum3A_4 = arith.constant dense<0.000000e+00> : vector<4xf32>
    %reduce_sum3A_5 = vector.multi_reduction <add>, %reduce_sum3A_3, %reduce_sum3A_4 [1] : vector<4x16xf32> to vector<4xf32>
    %div3A = arith.constant 0x4B000000 : f32
    %div3A_6 = vector.broadcast %div3A : f32 to vector<4xf32>
    %div3A_7 = arith.divf %reduce_sum3A_5, %div3A_6 : vector<4xf32>
    %mul3A = arith.constant 1.250000e+00 : f32
    %mul3A_8 = vector.broadcast %mul3A : f32 to vector<4xf32>
    %mul3A_9 = arith.mulf %mul3A_8, %div3A_7 : vector<4xf32>
    %reduce_sum3A_10 = vector.shape_cast %mul3A_9 : vector<4xf32> to vector<1x4xf32>
    %reduce_sum3A_11 = arith.constant dense<0.000000e+00> : vector<1xf32>
    %reduce_sum3A_12 = vector.multi_reduction <add>, %reduce_sum3A_10, %reduce_sum3A_11 [1] : vector<1x4xf32> to vector<1xf32>
    %reduce_sum3A_13 = vector.shape_cast %reduce_sum3A_12 : vector<1xf32> to vector<1x1xf32>
    %reduce_sum3A_14 = vector.extract %reduce_sum3A_13[0, 0] : f32 from vector<1x1xf32>
    %div3A_15 = arith.constant 4.000000e+00 : f32
    %div3A_16 = arith.divf %reduce_sum3A_14, %div3A_15 : f32
    %get3A_17 = arith.constant 0 : index
    %get3A_18 = arith.constant 0 : index
    %get3A_19 = arith.constant 0 : index
    %get3A_20 = vector.load %arg1[%get3A_17, %get3A_18, %get3A_19] : memref<32x4x1024xi32, #tpu.memory_space<vmem>>, vector<32x4x1024xi32>
    %reduce_sum3A_21 = arith.constant dense<0> : vector<4x1024xi32>
    %reduce_sum3A_22 = vector.multi_reduction <add>, %get3A_20, %reduce_sum3A_21 [0] : vector<32x4x1024xi32> to vector<4x1024xi32>
    %gt3A = arith.constant 0 : i32
    %gt3A_23 = vector.broadcast %gt3A : i32 to vector<4x1024xi32>
    %gt3A_24 = arith.cmpi sgt, %reduce_sum3A_22, %gt3A_23 : vector<4x1024xi32>
    %convert_element_type3A = arith.extui %gt3A_24 : vector<4x1024xi1> to vector<4x1024xi32>
    %convert_element_type3A_25 = arith.sitofp %convert_element_type3A : vector<4x1024xi32> to vector<4x1024xf32>
    %reduce_sum3A_26 = arith.constant dense<0.000000e+00> : vector<4xf32>
    %reduce_sum3A_27 = vector.multi_reduction <add>, %convert_element_type3A_25, %reduce_sum3A_26 [1] : vector<4x1024xf32> to vector<4xf32>
    %reduce_sum3A_28 = vector.shape_cast %reduce_sum3A_27 : vector<4xf32> to vector<1x4xf32>
    %reduce_sum3A_29 = arith.constant dense<0.000000e+00> : vector<1xf32>
    %reduce_sum3A_30 = vector.multi_reduction <add>, %reduce_sum3A_28, %reduce_sum3A_29 [1] : vector<1x4xf32> to vector<1xf32>
    %reduce_sum3A_31 = vector.shape_cast %reduce_sum3A_30 : vector<1xf32> to vector<1x1xf32>
    %reduce_sum3A_32 = vector.extract %reduce_sum3A_31[0, 0] : f32 from vector<1x1xf32>
    %div3A_33 = arith.constant 4.000000e+00 : f32
    %div3A_34 = arith.divf %reduce_sum3A_32, %div3A_33 : f32
    %reduce_sum3A_35 = arith.constant dense<0> : vector<1024xi32>
    %reduce_sum3A_36 = vector.multi_reduction <add>, %reduce_sum3A_22, %reduce_sum3A_35 [0] : vector<4x1024xi32> to vector<1024xi32>
    %gt3A_37 = arith.constant 0 : i32
    %gt3A_38 = vector.broadcast %gt3A_37 : i32 to vector<1024xi32>
    %gt3A_39 = arith.cmpi sgt, %reduce_sum3A_36, %gt3A_38 : vector<1024xi32>
    %convert_element_type3A_40 = arith.extui %gt3A_39 : vector<1024xi1> to vector<1024xi32>
    %reduce_sum3A_41 = vector.shape_cast %convert_element_type3A_40 : vector<1024xi32> to vector<1x1024xi32>
    %reduce_sum3A_42 = arith.constant dense<0> : vector<1xi32>
    %reduce_sum3A_43 = vector.multi_reduction <add>, %reduce_sum3A_41, %reduce_sum3A_42 [1] : vector<1x1024xi32> to vector<1xi32>
    %reduce_sum3A_44 = vector.shape_cast %reduce_sum3A_43 : vector<1xi32> to vector<1x1xi32>
    %reduce_sum3A_45 = vector.extract %reduce_sum3A_44[0, 0] : i32 from vector<1x1xi32>
    %swap3A = arith.constant 0 : index
    %swap3A_46 = arith.constant 0 : index
    %swap3A_47 = memref.load %arg2[%swap3A, %swap3A_46] : memref<1x1xf32, #tpu.memory_space<smem>>
    memref.store %div3A_16, %arg2[%swap3A, %swap3A_46] : memref<1x1xf32, #tpu.memory_space<smem>>
    %swap3A_48 = arith.constant 0 : index
    %swap3A_49 = arith.constant 0 : index
    %swap3A_50 = memref.load %arg3[%swap3A_48, %swap3A_49] : memref<1x1xf32, #tpu.memory_space<smem>>
    memref.store %div3A_34, %arg3[%swap3A_48, %swap3A_49] : memref<1x1xf32, #tpu.memory_space<smem>>
    %swap3A_51 = arith.constant 0 : index
    %swap3A_52 = arith.constant 0 : index
    %swap3A_53 = memref.load %arg4[%swap3A_51, %swap3A_52] : memref<1x1xi32, #tpu.memory_space<smem>>
    memref.store %reduce_sum3A_45, %arg4[%swap3A_51, %swap3A_52] : memref<1x1xi32, #tpu.memory_space<smem>>
    return
  }
}

</mosaic_0001>

<sc_bundles>
// kernel: kernel.6.cloned.1.call-start
scs
__scs_entry_jumppad:
0x0: {  	(pc) =	sbr.rel $0x88, $3  }
0x1: {  	(tag) =	ssettag $0x0;
	lr =	simm.s32 $0x1  }
0x2: {  	[smem:$0x3F9D] =	sst lr;
	_ =	strace $0xD0000000  }
0x3: {  	_ = 	snop  }
0x4: {  	_ = 	snop  }
0x5: {  	_ = 	snop  }
0x6: {  	_ = 	snop  }
0x7: {  	_ = 	snop  }
__scs_overlays_trampoline_lowered:
0x8: {  	[smem:$0x3FAC] =	sst s0  }
0x9: {  	[smem:$0x3FAD] =	sst s1  }
0xa: {  	[smem:$0x3FAE] =	sst s2  }
0xb: {  	[smem:$0x3FAF] =	sst s3  }
0xc: {  	[smem:$0x3FB0] =	sst s4  }
0xd: {  	[smem:$0x3FB1] =	sst s5  }
0xe: {  	[smem:$0x3FB2] =	sst s6  }
0xf: {  	[smem:$0x3FB3] =	sst s7  }
0x10: {  	[smem:$0x3FB4] =	sst s8  }
0x11: {  	[smem:$0x3FB5] =	sst s9;
	s0 =	simm.s32 @!p0 $0x0  }
0x12: {  	s1 =	sld [smem:$0x3F9B];
	s0 =	simm.s32 @p0 $0x1  }
0x13: {  	[smem:$0x3FB6] =	sst s0;
	s0 =	simm.s32 @!p1 $0x0  }
0x14: {  	s2 =	sld [smem:$0x3F9A];
	s0 =	simm.s32 @p1 $0x1  }
0x15: {  	[smem:$0x3FB7] =	sst s0;
	s0 =	simm.s32 @!p2 $0x0  }
0x16: {  	s3 =	sld [smem:$0x3FDB];
	s0 =	simm.s32 @p2 $0x1  }
0x17: {  	s4 =	simm.s32 $0x1BF5;
	[smem:$0x3FB9] =	sst s0  }
0x18: {  	s0 =	sld [smem:$0x3F9C];
	_ =	swait.ge [sflag:s4], $0x0  }
0x19: {  	s7 =	sld [smem:$0x3F9D]  }
0x1a: {  	s8 =	sadd.s32 $0xFFFFE003, lr  }
0x1b: {  	s9 =	sadd.s32 $0xFFFFFEF7, lr;
	s5 =	simm.s32 $0xFFFFFFFF;
	p2 =	slt.u32 s8, $0xFFFFF086  }
0x1c: {  	p1 =	slt.u32 s9, $0xF7A;
	s5 =	simm.s32 @!p2 $0x0  }
0x1d: {  	s5 =	simm.s32 @p1 $0x1;
	p0 =	seq.s32 s7, s2  }
0x1e: {  	s7 =	smul.u32 @!p0 $0xF7A, s2;
	p2 =	seq.s32 @!p0 s5, $0x0  }
0x1f: {  	s9 =	smul.u32 $0xF7A, s1;
	s8 =	simm.s32 @!p0 $0x1BF5;
	p2 =	por !p2, p0  }
0x20: {  	[sflag:s8] =	ssyncset.s32 @!p0 $0xFFFFF086;
	s6 =	sadd.s32 @!p0 s3, s7;
	s7 =	simm.s32 @!p0 $0x108  }
0x21: {  	s3 =	sadd.s32 s3, s9;
	s6 =	sadd.s32 @!p0 $0x88, s6;
	s7 =	simm.s32 @p2 $0x1082  }
0x22: {  	[simem:s7], [sflag:s8] =	dma.local @!p0 [hbm:s6], $0xF7A  }
0x23: {  	s9 =	sor.u32 $0xD0000000, s2;
	s6 =	simm.s32 $0x108;
	_ =	swait.ge @!p0 [sflag:s8], $0x0  }
0x24: {  	s3 =	sadd.s32 $0x88, s3;
	s6 =	simm.s32 @!p1 $0x1082;
	[sflag:s4] =	ssyncset.s32 $0xFFFFF086  }
0x25: {  	[simem:s6], [sflag:s4] =	dma.local [hbm:s3], $0xF7A  }
0x26: {  	[smem:$0x3F9D] =	sst s1;
	(tag) =	ssettag s2;
	_ =	strace s9  }
0x27: {  	s1 =	sld [smem:$0x3FAD]  }
0x28: {  	s2 =	sld [smem:$0x3FAE]  }
0x29: {  	s4 =	sld [smem:$0x3FB0]  }
0x2a: {  	p0 =	seq.s32 s5, $0x0;
	s5 =	sld [smem:$0x3FB1]  }
0x2b: {  	s6 =	sld [smem:$0x3FB2]  }
0x2c: {  	s7 =	sld [smem:$0x3FB3]  }
0x2d: {  	s3 =	simm.s32 $0x108;
	s8 =	sld [smem:$0x3FB4]  }
0x2e: {  	s3 =	simm.s32 @!p0 $0x1082;
	s9 =	sld [smem:$0x3FB5]  }
0x2f: {  	lr =	sadd.s32 s0, s3;
	s0 =	sld [smem:$0x3FAC]  }
0x30: {  	s3 =	sld [smem:$0x3FAF]  }
0x31: {  	[smem:$0x3FB8] =	sst s10  }
0x32: {  	s10 =	sld [smem:$0x3FB6];
	_ =	sdelay $0x3  }
0x33: {  	p0 =	seq.s32 s10, $0x1;
	s10 =	sld [smem:$0x3FB8];
	_ =	sdelay $0x3  }
0x34: {  	[smem:$0x3FB8] =	sst s10  }
0x35: {  	s10 =	sld [smem:$0x3FB7];
	_ =	sdelay $0x3  }
0x36: {  	p1 =	seq.s32 s10, $0x1;
	s10 =	sld [smem:$0x3FB8];
	_ =	sdelay $0x3  }
0x37: {  	[smem:$0x3FB8] =	sst s10  }
0x38: {  	s10 =	sld [smem:$0x3FB9]  }
0x39: {  	_ = 	snop;
	(pc) =	sbr.ind lr, $3  }
0x3a: {  	_ = 	snop  }
0x3b: {  	_ = 	snop  }
0x3c: {  	p2 =	seq.s32 s10, $0x1;
	s10 =	sld [smem:$0x3FB8]  }
0x3d: {  	_ =	shalt  }
0x3e: {  	_ =	shalt  }
0x3f: {  	_ =	shalt  }
0x40: {  	_ =	shalt  }
0x41: {  	_ =	shalt  }
0x42: {  	_ =	shalt  }
0x43: {  	_ =	shalt  }
0x44: {  	_ =	shalt  }
0x45: {  	_ =	shalt  }
0x46: {  	_ =	shalt  }
0x47: {  	_ =	shalt  }
0x48: {  	_ =	shalt  }
0x49: {  	_ =	shalt  }
0x4a: {  	_ =	shalt  }
0x4b: {  	_ =	shalt  }
0x4c: {  	_ =	shalt  }
0x4d: {  	_ =	shalt  }
0x4e: {  	_ =	shalt  }
0x4f: {  	_ =	shalt  }
0x50: {  	_ =	shalt  }
0x51: {  	_ =	shalt  }
0x52: {  	_ =	shalt  }
0x53: {  	_ =	shalt  }
0x54: {  	_ =	shalt  }
0x55: {  	_ =	shalt  }
0x56: {  	_ =	shalt  }
0x57: {  	_ =	shalt  }
0x58: {  	_ =	shalt  }
0x59: {  	_ =	shalt  }
0x5a: {  	_ =	shalt  }
0x5b: {  	_ =	shalt  }
0x5c: {  	_ =	shalt  }
0x5d: {  	_ =	shalt  }
0x5e: {  	_ =	shalt  }
0x5f: {  	_ =	shalt  }
0x60: {  	_ =	shalt  }
0x61: {  	_ =	shalt  }
0x62: {  	_ =	shalt  }
0x63: {  	_ =	shalt  }
0x64: {  	_ =	shalt  }
0x65: {  	_ =	shalt  }
0x66: {  	_ =	shalt  }
0x67: {  	_ =	shalt  }
0x68: {  	_ =	shalt  }
0x69: {  	_ =	shalt  }
0x6a: {  	_ =	shalt  }
0x6b: {  	_ =	shalt  }
0x6c: {  	_ =	shalt  }
0x6d: {  	_ =	shalt  }
0x6e: {  	_ =	shalt  }
0x6f: {  	_ =	shalt  }
0x70: {  	_ =	shalt  }
0x71: {  	_ =	shalt  }
0x72: {  	_ =	shalt  }
0x73: {  	_ =	shalt  }
0x74: {  	_ =	shalt  }
0x75: {  	_ =	shalt  }
0x76: {  	_ =	shalt  }
0x77: {  	_ =	shalt  }
0x78: {  	_ =	shalt  }
0x79: {  	_ =	shalt  }
0x7a: {  	_ =	shalt  }
0x7b: {  	_ =	shalt  }
0x7c: {  	_ =	shalt  }
0x7d: {  	_ =	shalt  }
0x7e: {  	_ =	shalt  }
0x7f: {  	_ =	shalt  }
0x80: {  	_ =	shalt  }
0x81: {  	_ =	shalt  }
0x82: {  	_ =	shalt  }
0x83: {  	_ =	shalt  }
0x84: {  	_ =	shalt  }
0x85: {  	_ =	shalt  }
0x86: {  	_ =	shalt  }
0x87: {  	_ =	shalt  }
.Lfunc_end0:
.L_simem_size_0:
called_computation_lowered:
.L_overlay_start_0:
0x88: {  	s2 =	sld [smem:$0x3FD9]  }
0x89: {  	s3 =	sld [smem:$0x3FFE];
	_ =	sdelay $0x1  }
0x8a: {  	s1 =	srdreg.scid  }
0x8b: {  	s0 =	sand.u32 $0x1, s1  }
0x8c: {  	s14 =	sshll.u32 s0, $0xA;
	s2 =	sadd.s32 s3, s2  }
0x8d: {  	s2 =	sadd.s32 s2, s14  }
0x8e: {  	[smem:$0x3FC4] =	sst s2  }
0x8f: {  	_ = 	snop  }
0x90: {  	s2 =	sld [smem:$0x3FD0];
	_ =	sdelay $0x2  }
0x91: {  	s15 =	simm.s32 $0xA;
	s4 =	simm.s32 $0x10  }
0x92: {  	[smem:s4], [sflag:s15] =	dma.local [hbm:s2], $0x1  }
0x93: {  	_ =	swait.eq [sflag:s15], $0x1  }
0x94: {  	[sflag:s15] =	ssyncset.done $0x0  }
0x95: {  	[sflag:s15] =	ssyncadd.s32 $0xFFFFFFFF  }
0x96: {  	s16 =	sld [smem:$0x10];
	(tm) =	ssettm $0x1  }
0x97: {  	s17 =	sld [smem:$0x3FFB];
	_ =	sdelay $0x3  }
0x98: {  	_ =	strace s17  }
0x99: {  	s3 =	sld [smem:$0x3FFC];
	_ =	sdelay $0x3  }
0x9a: {  	_ =	strace s3  }
0x9b: {  	s3 =	sld [smem:$0x3FFD];
	_ =	sdelay $0x3  }
0x9c: {  	_ =	strace s3  }
0x9d: {  	_ =	strace $0x8FFFFFFF  }
0x9e: {  	s18 =	sld [smem:$0x3FDB];
	_ =	sdelay $0x1  }
0x9f: {  	s19 =	simm.s32 $_scs_section_size  }
0xa0: {  	s5 =	simm.s32 $_size__tile_overlayer_lowered;
	s6 =	simm.s32 $_tile_overlayer_lowered  }
0xa1: {  	s22 =	simm.s32 $0x1BFF;
	s21 =	sshll.u32 s6, $0x1;
	s3 =	sadd.s32 s19, s18  }
0xa2: {  	s7 =	simm.s32 $0x0;
	s20 =	sshll.u32 s5, $0x1;
	s5 =	sadd.s32 s21, s3  }
0xa3: {  	[timem:s7], [sflag:s22] =	dma.local [hbm:s5], s20  }
0xa4: {  	_ =	swait.ge [sflag:s22], s20  }
0xa5: {  	s4 =	ssub.s32 $0x0, s20;
	[sflag:s22] =	ssyncset.done $0x0  }
0xa6: {  	[sflag:s22] =	ssyncadd.s32 s4;
	_ =	sdelay $0x1  }
0xa7: {  	s23 =	simm.s32 $0x1B8B  }
0xa8: {  	_ =	swait.ge [sflag:s23], $0x1  }
0xa9: {  	[sflag:s23] =	ssyncset.done $0x0  }
0xaa: {  	s25 =	simm.s32 $0x1B8E;
	s24 =	sld [smem:$0x3FFE];
	[sflag:s23] =	ssyncadd.s32 $0xFFFFFFFF  }
0xab: {  	s26 =	simm.s32 $execute0_lowered;
	[smem:$0x3FD2] =	sst s25  }
0xac: {  	s5 =	sshll.u32 s26, $0x1;
	_ =	strace $0x80000046;
	[dreg:$0x1] =	wrdreg $0xFFFFFFFF  }
0xad: {  	s28 =	simm.s32 $_size_execute0_lowered;
	s3 =	sadd.s32 s3, s5;
	[dreg:$0x0] =	wrdreg $0x0  }
0xae: {  	s5 =	sshll.u32 s28, $0x1;
	[dreg:$0x2] =	wrdreg s3  }
0xaf: {  	[dreg:$0x3] =	wrdreg s5  }
0xb0: {  	[dreg:$0x4] =	wrdreg $0xC0  }
0xb1: {  	_ =	task [dreg:s7], $0x5FFFF  }
0xb2: {  	[dreg:$0x1] =	wrdreg $0xFFFFFFFF  }
0xb3: {  	[dreg:$0x0] =	wrdreg $0x60  }
0xb4: {  	[dreg:$0x2] =	wrdreg s24  }
0xb5: {  	[dreg:$0x3] =	wrdreg s16  }
0xb6: {  	[dreg:$0x4] =	wrdreg $0x9  }
0xb7: {  	_ =	task.clear_ibuf [dreg:s7], $0x5FFFF;
	_ =	strace $0x90000046  }
0xb8: {  	s29 =	simm.s32 $0x9;
	_ =	strace $0x80000048  }
0xb9: {  	_ =	swait.ge [sflag:s29], $0x1  }
0xba: {  	[sflag:s29] =	ssyncadd.s32 $0xFFFFFFFF  }
0xbb: {  	_ =	strace $0x90000048  }
0xbc: {  	_ =	sfence  }
0xbd: {  	s30 =	sld [smem:$0x0];
	_ =	sdelay $0x2  }
0xbe: {  	s31 =	sshll.u32 s1, $0xD;
	s1 =	sshrl.u32 s1, $0x2  }
0xbf: {  	s3 =	sand.u32 $0x4000, s31;
	s1 =	sadd.s32 s1, s30  }
0xc0: {  	s0 =	sor.u32 s3, s0;
	s1 =	sshll.u32 s1, $0x11  }
0xc1: {  	s0 =	sor.u32 s1, s0  }
0xc2: {  	s0 =	sadd.s32 $0x8F2B, s0  }
0xc3: {  	[sflag:s0] =	ssyncadd.remote.s32 $0x1  }
0xc4: {  	_ =	sfence.sel $0xFFFF  }
0xc5: {  	[dreg:$0x0] =	wrdreg $0xFFFFFFFF;
	(pc) =	sbr.abs _section_cstart, $3  }
0xc6: {  	[dreg:$0x1] =	wrdreg $0xFFFFFFFF  }
0xc7: {  	_ =	task.clear_ibuf [dreg:s7], $0x2FFFF;
	_ =	strace $0x9FFFFFFF  }
0xc8: {  	(tm) =	ssettm $0x7FFFFFFF  }
0xc9: {  	_ =	shalt  }
tec
execute0_lowered:
.L_overlay_start_1:
0x0: {  	(tag) =	ssettag $0x1  }
0x1: {  	s0 =	rddreg [dreg:$0x0]  }
0x2: {  	s10 =	rddreg [dreg:$0x1];
	s2 =	simm.s32 $0x0;
	s3 =	srdreg.scid  }
0x3: {  	s1 =	stileid.u32;
	s16 =	simm.s32 $0x1;
	s17 =	simm.s32 $0x400  }
0x4: {  	s18 =	simm.s32 $0x800;
	s19 =	simm.s32 $0xC00;
	s28 =	simm.s32 $0x3800  }
0x5: {  	s29 =	simm.s32 $0x2000;
	s30 =	simm.s32 $0x2400;
	s31 =	simm.s32 $0x2800  }
0x6: {  	[smem:$0x7FF] =	sst s2;
	s4 =	sadd.s32 $0x100C00, s0;
	s3 =	sand.u32 $0x1, s3  }
0x7: {  	s5 =	sshll.u32 s1, $0x1;
	s20 =	sadd.s32 $0x100E00, s0;
	s6 =	sadd.s32 $0x100F00, s0  }
0x8: {  	_ =	strace $0x80000047;
	[dreg:$0x3] =	wrdreg s4;
	s8 =	sor.u32 s3, s5  }
0x9: {  	[dreg:$0x4] =	wrdreg s20;
	s3 =	ssub.s32 $0x2, s3;
	s4 =	sadd.s32 $0x100D00, s0  }
0xa: {  	s5 =	sadd.s32 $0x100E80, s0;
	s20 =	simm.s32 $0x1000;
	s21 =	sshll.u32 s8, $0x7  }
0xb: {  	s22 =	sshll.u32 s8, $0x3;
	s23 =	sshrl.u32 s3, $0x1;
	s26 =	sshll.u32 s8, $0x9  }
0xc: {  	s9 =	sadd.s32 s21, s0;
	s14 =	sadd.s32 s22, s0;
	s15 =	ssub.s32 s3, s23  }
0xd: {  	s3 =	sadd.s32 $0x100C80, s0;
	s10 =	sadd.s32 s10, s26;
	s21 =	simm.s32 $0x1400  }
0xe: {  	s22 =	simm.s32 $0x1800;
	s23 =	simm.s32 $0x1C00;
	s26 =	simm.s32 $0x3400  }
0xf: {  	s0 =	simm.s32 $0x3C00;
	s24 =	sadd.s32 $0xC00, s9;
	s25 =	sadd.s32 $0x1C00, s9  }
0x10: {  	s7 =	sadd.s32 $0x2E00, s9;
	s8 =	sadd.s32 $0x3E00, s9;
	s9 =	sadd.s32 $0x4E00, s9  }
0x11: {  	s11 =	sadd.s32 $0x80, s10;
	s12 =	sadd.s32 $0x100, s10;
	s13 =	sadd.s32 $0x180, s10  }
0x12: {  	s14 =	sadd.s32 $0x2C00, s14;
	s15 =	smax.u32 s15, $0x1;
	[dreg:$0x5] =	wrdreg s24  }
0x13: {  	v0 =	vimm.s32 $0x0;
	v1 =	vimm.s32 $0x1;
	[dreg:$0x6] =	wrdreg s25;
	s24 =	simm.s32 $0x2C00;
	s25 =	simm.s32 $0x3000  }
.LBB2_1:
0x14: {  	s1 =	rddreg [dreg:$0x5]  }
0x15: {  	[tilespmem:s2], [sflag:$0x1] =	stream.linear.gather [hbm4b:s1+s2], $0x400, $0x38;
	[tilespmem:$0x3C80] =	vst v63  }
0x16: {  	_ =	swait.ge [sflag:s16], $0x400  }
0x17: {  	[sflag:s16] =	ssyncset.done $0x0  }
0x18: {  	s1 =	rddreg [dreg:$0x6];
	[sflag:s16] =	ssyncadd.s32 $0xFFFFFC00  }
0x19: {  	[tilespmem:s17], [sflag:$0x1] =	stream.linear.gather [hbm4b:s1+s2], $0x400, $0x38;
	[tilespmem:$0x3C80] =	vst v63  }
0x1a: {  	_ =	swait.ge [sflag:s16], $0x400  }
0x1b: {  	[sflag:s16] =	ssyncset.done $0x0  }
0x1c: {  	s1 =	rddreg [dreg:$0x3];
	[sflag:s16] =	ssyncadd.s32 $0xFFFFFC00  }
0x1d: {  	[tilespmem:s18], [sflag:$0x1] =	stream.linear.gather [hbm4b:s1+s2], $0x400, $0x38;
	[tilespmem:$0x3C80] =	vst v63  }
0x1e: {  	_ =	swait.ge [sflag:s16], $0x400  }
0x1f: {  	[sflag:s16] =	ssyncset.done $0x0  }
0x20: {  	[sflag:s16] =	ssyncadd.s32 $0xFFFFFC00  }
0x21: {  	[tilespmem:s19], [sflag:$0x1] =	stream.linear.gather [hbm4b:s3+s2], $0x400, $0x38;
	[tilespmem:$0x3C80] =	vst v63  }
0x22: {  	_ =	swait.ge [sflag:s16], $0x400  }
0x23: {  	[sflag:s16] =	ssyncset.done $0x0  }
0x24: {  	[sflag:s16] =	ssyncadd.s32 $0xFFFFFC00  }
0x25: {  	[tilespmem:s20], [sflag:$0x1] =	stream.linear.gather [hbm4b:s4+s2], $0x400, $0x38;
	[tilespmem:$0x3C80] =	vst v63  }
0x26: {  	_ =	swait.ge [sflag:s16], $0x400  }
0x27: {  	[sflag:s16] =	ssyncset.done $0x0  }
0x28: {  	s1 =	rddreg [dreg:$0x4];
	[sflag:s16] =	ssyncadd.s32 $0xFFFFFC00  }
0x29: {  	[tilespmem:s21], [sflag:$0x1] =	stream.linear.gather [hbm4b:s1+s2], $0x400, $0x38;
	[tilespmem:$0x3C80] =	vst v63  }
0x2a: {  	_ =	swait.ge [sflag:s16], $0x400  }
0x2b: {  	[sflag:s16] =	ssyncset.done $0x0  }
0x2c: {  	[sflag:s16] =	ssyncadd.s32 $0xFFFFFC00  }
0x2d: {  	[tilespmem:s22], [sflag:$0x1] =	stream.linear.gather [hbm4b:s5+s2], $0x400, $0x38;
	[tilespmem:$0x3C80] =	vst v63  }
0x2e: {  	_ =	swait.ge [sflag:s16], $0x400  }
0x2f: {  	[sflag:s16] =	ssyncset.done $0x0  }
0x30: {  	[sflag:s16] =	ssyncadd.s32 $0xFFFFFC00  }
0x31: {  	[tilespmem:s23], [sflag:$0x1] =	stream.linear.gather [hbm4b:s6+s2], $0x400, $0x38;
	[tilespmem:$0x3C80] =	vst v63  }
0x32: {  	_ =	swait.ge [sflag:s16], $0x400  }
0x33: {  	[sflag:s16] =	ssyncset.done $0x0  }
0x34: {  	[sflag:s16] =	ssyncadd.s32 $0xFFFFFC00  }
0x35: {  	[tilespmem:$0x2C00] =	vst v0  }
0x36: {  	[tilespmem:$0x3000] =	vst v0  }
0x37: {  	[tilespmem:$0x3400] =	vst v0  }
0x38: {  	[tilespmem:$0x3800] =	vst v0  }
0x39: {  	[tilespmem:$0x2C10] =	vst v0  }
0x3a: {  	[tilespmem:$0x3010] =	vst v0  }
0x3b: {  	[tilespmem:$0x3410] =	vst v0  }
0x3c: {  	[tilespmem:$0x3810] =	vst v0  }
0x3d: {  	[tilespmem:$0x2C20] =	vst v0  }
0x3e: {  	[tilespmem:$0x3020] =	vst v0  }
0x3f: {  	[tilespmem:$0x3420] =	vst v0  }
0x40: {  	[tilespmem:$0x3820] =	vst v0  }
0x41: {  	[tilespmem:$0x2C30] =	vst v0  }
0x42: {  	[tilespmem:$0x3030] =	vst v0  }
0x43: {  	[tilespmem:$0x3430] =	vst v0  }
0x44: {  	[tilespmem:$0x3830] =	vst v0  }
0x45: {  	[tilespmem:$0x2C40] =	vst v0  }
0x46: {  	[tilespmem:$0x3040] =	vst v0  }
0x47: {  	[tilespmem:$0x3440] =	vst v0  }
0x48: {  	[tilespmem:$0x3840] =	vst v0  }
0x49: {  	[tilespmem:$0x2C50] =	vst v0  }
0x4a: {  	[tilespmem:$0x3050] =	vst v0  }
0x4b: {  	[tilespmem:$0x3450] =	vst v0  }
0x4c: {  	[tilespmem:$0x3850] =	vst v0  }
0x4d: {  	[tilespmem:$0x2C60] =	vst v0  }
0x4e: {  	[tilespmem:$0x3060] =	vst v0  }
0x4f: {  	[tilespmem:$0x3460] =	vst v0  }
0x50: {  	[tilespmem:$0x3860] =	vst v0  }
0x51: {  	[tilespmem:$0x2C70] =	vst v0  }
0x52: {  	[tilespmem:$0x3070] =	vst v0  }
0x53: {  	[tilespmem:$0x3470] =	vst v0  }
0x54: {  	[tilespmem:$0x3870] =	vst v0  }
0x55: {  	[tilespmem:$0x2C80] =	vst v0  }
0x56: {  	[tilespmem:$0x3080] =	vst v0  }
0x57: {  	[tilespmem:$0x3480] =	vst v0  }
0x58: {  	[tilespmem:$0x3880] =	vst v0  }
0x59: {  	[tilespmem:$0x2C90] =	vst v0  }
0x5a: {  	[tilespmem:$0x3090] =	vst v0  }
0x5b: {  	[tilespmem:$0x3490] =	vst v0  }
0x5c: {  	[tilespmem:$0x3890] =	vst v0  }
0x5d: {  	[tilespmem:$0x2CA0] =	vst v0  }
0x5e: {  	[tilespmem:$0x30A0] =	vst v0  }
0x5f: {  	[tilespmem:$0x34A0] =	vst v0  }
0x60: {  	[tilespmem:$0x38A0] =	vst v0  }
0x61: {  	[tilespmem:$0x2CB0] =	vst v0  }
0x62: {  	[tilespmem:$0x30B0] =	vst v0  }
0x63: {  	[tilespmem:$0x34B0] =	vst v0  }
0x64: {  	[tilespmem:$0x38B0] =	vst v0  }
0x65: {  	[tilespmem:$0x2CC0] =	vst v0  }
0x66: {  	[tilespmem:$0x30C0] =	vst v0  }
0x67: {  	[tilespmem:$0x34C0] =	vst v0  }
0x68: {  	[tilespmem:$0x38C0] =	vst v0  }
0x69: {  	[tilespmem:$0x2CD0] =	vst v0  }
0x6a: {  	[tilespmem:$0x30D0] =	vst v0  }
0x6b: {  	[tilespmem:$0x34D0] =	vst v0  }
0x6c: {  	[tilespmem:$0x38D0] =	vst v0  }
0x6d: {  	[tilespmem:$0x2CE0] =	vst v0  }
0x6e: {  	[tilespmem:$0x30E0] =	vst v0  }
0x6f: {  	[tilespmem:$0x34E0] =	vst v0  }
0x70: {  	[tilespmem:$0x38E0] =	vst v0  }
0x71: {  	[tilespmem:$0x2CF0] =	vst v0  }
0x72: {  	[tilespmem:$0x30F0] =	vst v0  }
0x73: {  	[tilespmem:$0x34F0] =	vst v0  }
0x74: {  	[tilespmem:$0x38F0] =	vst v0  }
0x75: {  	[tilespmem:$0x2D00] =	vst v0  }
0x76: {  	[tilespmem:$0x3100] =	vst v0  }
0x77: {  	[tilespmem:$0x3500] =	vst v0  }
0x78: {  	[tilespmem:$0x3900] =	vst v0  }
0x79: {  	[tilespmem:$0x2D10] =	vst v0  }
0x7a: {  	[tilespmem:$0x3110] =	vst v0  }
0x7b: {  	[tilespmem:$0x3510] =	vst v0  }
0x7c: {  	[tilespmem:$0x3910] =	vst v0  }
0x7d: {  	[tilespmem:$0x2D20] =	vst v0  }
0x7e: {  	[tilespmem:$0x3120] =	vst v0  }
0x7f: {  	[tilespmem:$0x3520] =	vst v0  }
0x80: {  	[tilespmem:$0x3920] =	vst v0  }
0x81: {  	[tilespmem:$0x2D30] =	vst v0  }
0x82: {  	[tilespmem:$0x3130] =	vst v0  }
0x83: {  	[tilespmem:$0x3530] =	vst v0  }
0x84: {  	[tilespmem:$0x3930] =	vst v0  }
0x85: {  	[tilespmem:$0x2D40] =	vst v0  }
0x86: {  	[tilespmem:$0x3140] =	vst v0  }
0x87: {  	[tilespmem:$0x3540] =	vst v0  }
0x88: {  	[tilespmem:$0x3940] =	vst v0  }
0x89: {  	[tilespmem:$0x2D50] =	vst v0  }
0x8a: {  	[tilespmem:$0x3150] =	vst v0  }
0x8b: {  	[tilespmem:$0x3550] =	vst v0  }
0x8c: {  	[tilespmem:$0x3950] =	vst v0  }
0x8d: {  	[tilespmem:$0x2D60] =	vst v0  }
0x8e: {  	[tilespmem:$0x3160] =	vst v0  }
0x8f: {  	[tilespmem:$0x3560] =	vst v0  }
0x90: {  	[tilespmem:$0x3960] =	vst v0  }
0x91: {  	[tilespmem:$0x2D70] =	vst v0  }
0x92: {  	[tilespmem:$0x3170] =	vst v0  }
0x93: {  	[tilespmem:$0x3570] =	vst v0  }
0x94: {  	[tilespmem:$0x3970] =	vst v0  }
0x95: {  	[tilespmem:$0x2D80] =	vst v0  }
0x96: {  	[tilespmem:$0x3180] =	vst v0  }
0x97: {  	[tilespmem:$0x3580] =	vst v0  }
0x98: {  	[tilespmem:$0x3980] =	vst v0  }
0x99: {  	[tilespmem:$0x2D90] =	vst v0  }
0x9a: {  	[tilespmem:$0x3190] =	vst v0  }
0x9b: {  	[tilespmem:$0x3590] =	vst v0  }
0x9c: {  	[tilespmem:$0x3990] =	vst v0  }
0x9d: {  	[tilespmem:$0x2DA0] =	vst v0  }
0x9e: {  	[tilespmem:$0x31A0] =	vst v0  }
0x9f: {  	[tilespmem:$0x35A0] =	vst v0  }
0xa0: {  	[tilespmem:$0x39A0] =	vst v0  }
0xa1: {  	[tilespmem:$0x2DB0] =	vst v0  }
0xa2: {  	[tilespmem:$0x31B0] =	vst v0  }
0xa3: {  	[tilespmem:$0x35B0] =	vst v0  }
0xa4: {  	[tilespmem:$0x39B0] =	vst v0  }
0xa5: {  	[tilespmem:$0x2DC0] =	vst v0  }
0xa6: {  	[tilespmem:$0x31C0] =	vst v0  }
0xa7: {  	[tilespmem:$0x35C0] =	vst v0  }
0xa8: {  	[tilespmem:$0x39C0] =	vst v0  }
0xa9: {  	[tilespmem:$0x2DD0] =	vst v0  }
0xaa: {  	[tilespmem:$0x31D0] =	vst v0  }
0xab: {  	[tilespmem:$0x35D0] =	vst v0  }
0xac: {  	[tilespmem:$0x39D0] =	vst v0  }
0xad: {  	[tilespmem:$0x2DE0] =	vst v0  }
0xae: {  	[tilespmem:$0x31E0] =	vst v0  }
0xaf: {  	[tilespmem:$0x35E0] =	vst v0  }
0xb0: {  	[tilespmem:$0x39E0] =	vst v0  }
0xb1: {  	[tilespmem:$0x2DF0] =	vst v0  }
0xb2: {  	[tilespmem:$0x31F0] =	vst v0  }
0xb3: {  	[tilespmem:$0x35F0] =	vst v0  }
0xb4: {  	[tilespmem:$0x39F0] =	vst v0  }
0xb5: {  	[tilespmem:$0x2E00] =	vst v0  }
0xb6: {  	[tilespmem:$0x3200] =	vst v0  }
0xb7: {  	[tilespmem:$0x3600] =	vst v0  }
0xb8: {  	[tilespmem:$0x3A00] =	vst v0  }
0xb9: {  	[tilespmem:$0x2E10] =	vst v0  }
0xba: {  	[tilespmem:$0x3210] =	vst v0  }
0xbb: {  	[tilespmem:$0x3610] =	vst v0  }
0xbc: {  	[tilespmem:$0x3A10] =	vst v0  }
0xbd: {  	[tilespmem:$0x2E20] =	vst v0  }
0xbe: {  	[tilespmem:$0x3220] =	vst v0  }
0xbf: {  	[tilespmem:$0x3620] =	vst v0  }
0xc0: {  	[tilespmem:$0x3A20] =	vst v0  }
0xc1: {  	[tilespmem:$0x2E30] =	vst v0  }
0xc2: {  	[tilespmem:$0x3230] =	vst v0  }
0xc3: {  	[tilespmem:$0x3630] =	vst v0  }
0xc4: {  	[tilespmem:$0x3A30] =	vst v0  }
0xc5: {  	[tilespmem:$0x2E40] =	vst v0  }
0xc6: {  	[tilespmem:$0x3240] =	vst v0  }
0xc7: {  	[tilespmem:$0x3640] =	vst v0  }
0xc8: {  	[tilespmem:$0x3A40] =	vst v0  }
0xc9: {  	[tilespmem:$0x2E50] =	vst v0  }
0xca: {  	[tilespmem:$0x3250] =	vst v0  }
0xcb: {  	[tilespmem:$0x3650] =	vst v0  }
0xcc: {  	[tilespmem:$0x3A50] =	vst v0  }
0xcd: {  	[tilespmem:$0x2E60] =	vst v0  }
0xce: {  	[tilespmem:$0x3260] =	vst v0  }
0xcf: {  	[tilespmem:$0x3660] =	vst v0  }
0xd0: {  	[tilespmem:$0x3A60] =	vst v0  }
0xd1: {  	[tilespmem:$0x2E70] =	vst v0  }
0xd2: {  	[tilespmem:$0x3270] =	vst v0  }
0xd3: {  	[tilespmem:$0x3670] =	vst v0  }
0xd4: {  	[tilespmem:$0x3A70] =	vst v0  }
0xd5: {  	[tilespmem:$0x2E80] =	vst v0  }
0xd6: {  	[tilespmem:$0x3280] =	vst v0  }
0xd7: {  	[tilespmem:$0x3680] =	vst v0  }
0xd8: {  	[tilespmem:$0x3A80] =	vst v0  }
0xd9: {  	[tilespmem:$0x2E90] =	vst v0  }
0xda: {  	[tilespmem:$0x3290] =	vst v0  }
0xdb: {  	[tilespmem:$0x3690] =	vst v0  }
0xdc: {  	[tilespmem:$0x3A90] =	vst v0  }
0xdd: {  	[tilespmem:$0x2EA0] =	vst v0  }
0xde: {  	[tilespmem:$0x32A0] =	vst v0  }
0xdf: {  	[tilespmem:$0x36A0] =	vst v0  }
0xe0: {  	[tilespmem:$0x3AA0] =	vst v0  }
0xe1: {  	[tilespmem:$0x2EB0] =	vst v0  }
0xe2: {  	[tilespmem:$0x32B0] =	vst v0  }
0xe3: {  	[tilespmem:$0x36B0] =	vst v0  }
0xe4: {  	[tilespmem:$0x3AB0] =	vst v0  }
0xe5: {  	[tilespmem:$0x2EC0] =	vst v0  }
0xe6: {  	[tilespmem:$0x32C0] =	vst v0  }
0xe7: {  	[tilespmem:$0x36C0] =	vst v0  }
0xe8: {  	[tilespmem:$0x3AC0] =	vst v0  }
0xe9: {  	[tilespmem:$0x2ED0] =	vst v0  }
0xea: {  	[tilespmem:$0x32D0] =	vst v0  }
0xeb: {  	[tilespmem:$0x36D0] =	vst v0  }
0xec: {  	[tilespmem:$0x3AD0] =	vst v0  }
0xed: {  	[tilespmem:$0x2EE0] =	vst v0  }
0xee: {  	[tilespmem:$0x32E0] =	vst v0  }
0xef: {  	[tilespmem:$0x36E0] =	vst v0  }
0xf0: {  	[tilespmem:$0x3AE0] =	vst v0  }
0xf1: {  	[tilespmem:$0x2EF0] =	vst v0  }
0xf2: {  	[tilespmem:$0x32F0] =	vst v0  }
0xf3: {  	[tilespmem:$0x36F0] =	vst v0  }
0xf4: {  	[tilespmem:$0x3AF0] =	vst v0  }
0xf5: {  	[tilespmem:$0x2F00] =	vst v0  }
0xf6: {  	[tilespmem:$0x3300] =	vst v0  }
0xf7: {  	[tilespmem:$0x3700] =	vst v0  }
0xf8: {  	[tilespmem:$0x3B00] =	vst v0  }
0xf9: {  	[tilespmem:$0x2F10] =	vst v0  }
0xfa: {  	[tilespmem:$0x3310] =	vst v0  }
0xfb: {  	[tilespmem:$0x3710] =	vst v0  }
0xfc: {  	[tilespmem:$0x3B10] =	vst v0  }
0xfd: {  	[tilespmem:$0x2F20] =	vst v0  }
0xfe: {  	[tilespmem:$0x3320] =	vst v0  }
0xff: {  	[tilespmem:$0x3720] =	vst v0  }
0x100: {  	[tilespmem:$0x3B20] =	vst v0  }
0x101: {  	[tilespmem:$0x2F30] =	vst v0  }
0x102: {  	[tilespmem:$0x3330] =	vst v0  }
0x103: {  	[tilespmem:$0x3730] =	vst v0  }
0x104: {  	[tilespmem:$0x3B30] =	vst v0  }
0x105: {  	[tilespmem:$0x2F40] =	vst v0  }
0x106: {  	[tilespmem:$0x3340] =	vst v0  }
0x107: {  	[tilespmem:$0x3740] =	vst v0  }
0x108: {  	[tilespmem:$0x3B40] =	vst v0  }
0x109: {  	[tilespmem:$0x2F50] =	vst v0  }
0x10a: {  	[tilespmem:$0x3350] =	vst v0  }
0x10b: {  	[tilespmem:$0x3750] =	vst v0  }
0x10c: {  	[tilespmem:$0x3B50] =	vst v0  }
0x10d: {  	[tilespmem:$0x2F60] =	vst v0  }
0x10e: {  	[tilespmem:$0x3360] =	vst v0  }
0x10f: {  	[tilespmem:$0x3760] =	vst v0  }
0x110: {  	[tilespmem:$0x3B60] =	vst v0  }
0x111: {  	[tilespmem:$0x2F70] =	vst v0  }
0x112: {  	[tilespmem:$0x3370] =	vst v0  }
0x113: {  	[tilespmem:$0x3770] =	vst v0  }
0x114: {  	[tilespmem:$0x3B70] =	vst v0  }
0x115: {  	[tilespmem:$0x2F80] =	vst v0  }
0x116: {  	[tilespmem:$0x3380] =	vst v0  }
0x117: {  	[tilespmem:$0x3780] =	vst v0  }
0x118: {  	[tilespmem:$0x3B80] =	vst v0  }
0x119: {  	[tilespmem:$0x2F90] =	vst v0  }
0x11a: {  	[tilespmem:$0x3390] =	vst v0  }
0x11b: {  	[tilespmem:$0x3790] =	vst v0  }
0x11c: {  	[tilespmem:$0x3B90] =	vst v0  }
0x11d: {  	[tilespmem:$0x2FA0] =	vst v0  }
0x11e: {  	[tilespmem:$0x33A0] =	vst v0  }
0x11f: {  	[tilespmem:$0x37A0] =	vst v0  }
0x120: {  	[tilespmem:$0x3BA0] =	vst v0  }
0x121: {  	[tilespmem:$0x2FB0] =	vst v0  }
0x122: {  	[tilespmem:$0x33B0] =	vst v0  }
0x123: {  	[tilespmem:$0x37B0] =	vst v0  }
0x124: {  	[tilespmem:$0x3BB0] =	vst v0  }
0x125: {  	[tilespmem:$0x2FC0] =	vst v0  }
0x126: {  	[tilespmem:$0x33C0] =	vst v0  }
0x127: {  	[tilespmem:$0x37C0] =	vst v0  }
0x128: {  	[tilespmem:$0x3BC0] =	vst v0  }
0x129: {  	[tilespmem:$0x2FD0] =	vst v0  }
0x12a: {  	[tilespmem:$0x33D0] =	vst v0  }
0x12b: {  	[tilespmem:$0x37D0] =	vst v0  }
0x12c: {  	[tilespmem:$0x3BD0] =	vst v0  }
0x12d: {  	[tilespmem:$0x2FE0] =	vst v0;
	v2 =	vld [tilespmem:$0x0]  }
0x12e: {  	[tilespmem:$0x33E0] =	vst v0  }
0x12f: {  	[tilespmem:$0x37E0] =	vst v0  }
0x130: {  	[tilespmem:$0x3BE0] =	vst v0  }
0x131: {  	[tilespmem:$0x2FF0] =	vst v0  }
0x132: {  	[tilespmem:$0x33F0] =	vst v0  }
0x133: {  	[tilespmem:$0x37F0] =	vst v0  }
0x134: {  	[tilespmem:$0x3BF0] =	vst v0  }
0x135: {  	v3 =	vld.idx.msk [tilespmem:v2+s18+$0x0], $0xffff;
	_ =	sdelay $0x7  }
0x136: {  	v4 =	vld.idx.msk [tilespmem:v3+s19+$0x0], $0xffff;
	_ =	sdelay $0x7  }
0x137: {  	v5 =	vld.idx.msk [tilespmem:v4+s20+$0x0], $0xffff  }
0x138: {  	v9 =	vld.idx.msk [tilespmem:v2+s21+$0x0], $0xffff  }
0x139: {  	v6 =	vld.idx.msk [tilespmem:v3+s22+$0x0], $0xffff  }
0x13a: {  	v7 =	vld.idx.msk [tilespmem:v4+s23+$0x0], $0xffff;
	[tilespmem:$0x2000] =	vst v3  }
0x13b: {  	[tilespmem:$0x2400] =	vst v4  }
0x13c: {  	[tilespmem:$0x2800] =	vst v5  }
0x13d: {  	v10 =	vld [tilespmem:$0x400];
	[tilespmem:v2+s24+$0x0] =	vst.idx.msk $0xffff, v1  }
0x13e: {  	[tilespmem:v3+s25+$0x0] =	vst.idx.msk $0xffff, v1  }
0x13f: {  	[tilespmem:v4+s26+$0x0] =	vst.idx.msk $0xffff, v1  }
0x140: {  	[tilespmem:v5+s28+$0x0] =	vst.idx.msk $0xffff, v1  }
0x141: {  	v2 =	vld [tilespmem:$0x10];
	_ =	sdelay $0x7  }
0x142: {  	v3 =	vld.idx.msk [tilespmem:v2+s18+$0x0], $0xffff;
	_ =	sdelay $0x7  }
0x143: {  	v4 =	vld.idx.msk [tilespmem:v3+s19+$0x0], $0xffff;
	_ =	sdelay $0x7  }
0x144: {  	v5 =	vld.idx.msk [tilespmem:v4+s20+$0x0], $0xffff  }
0x145: {  	v13 =	vld.idx.msk [tilespmem:v2+s21+$0x0], $0xffff  }
0x146: {  	v12 =	vld.idx.msk [tilespmem:v3+s22+$0x0], $0xffff  }
0x147: {  	v11 =	vld.idx.msk [tilespmem:v4+s23+$0x0], $0xffff;
	[tilespmem:$0x2010] =	vst v3  }
0x148: {  	[tilespmem:$0x2410] =	vst v4  }
0x149: {  	[tilespmem:$0x2810] =	vst v5  }
0x14a: {  	v14 =	vld [tilespmem:$0x410];
	[tilespmem:v2+s24+$0x0] =	vst.idx.msk $0xffff, v1  }
0x14b: {  	[tilespmem:v3+s25+$0x0] =	vst.idx.msk $0xffff, v1  }
0x14c: {  	[tilespmem:v4+s26+$0x0] =	vst.idx.msk $0xffff, v1  }
0x14d: {  	[tilespmem:v5+s28+$0x0] =	vst.idx.msk $0xffff, v1  }
0x14e: {  	v2 =	vld [tilespmem:$0x20];
	_ =	sdelay $0x7  }
0x14f: {  	v3 =	vld.idx.msk [tilespmem:v2+s18+$0x0], $0xffff;
	_ =	sdelay $0x7  }
0x150: {  	v4 =	vld.idx.msk [tilespmem:v3+s19+$0x0], $0xffff;
	_ =	sdelay $0x7  }
0x151: {  	v5 =	vld.idx.msk [tilespmem:v4+s20+$0x0], $0xffff  }
0x152: {  	v16 =	vld.idx.msk [tilespmem:v2+s21+$0x0], $0xffff  }
0x153: {  	v17 =	vld.idx.msk [tilespmem:v3+s22+$0x0], $0xffff  }
0x154: {  	v15 =	vld.idx.msk [tilespmem:v4+s23+$0x0], $0xffff;
	[tilespmem:$0x2020] =	vst v3  }
0x155: {  	[tilespmem:$0x2420] =	vst v4  }
0x156: {  	[tilespmem:$0x2820] =	vst v5  }
0x157: {  	v18 =	vld [tilespmem:$0x420];
	[tilespmem:v2+s24+$0x0] =	vst.idx.msk $0xffff, v1  }
0x158: {  	[tilespmem:v3+s25+$0x0] =	vst.idx.msk $0xffff, v1  }
0x159: {  	[tilespmem:v4+s26+$0x0] =	vst.idx.msk $0xffff, v1  }
0x15a: {  	[tilespmem:v5+s28+$0x0] =	vst.idx.msk $0xffff, v1  }
0x15b: {  	v2 =	vld [tilespmem:$0x30];
	_ =	sdelay $0x7  }
0x15c: {  	v3 =	vld.idx.msk [tilespmem:v2+s18+$0x0], $0xffff;
	_ =	sdelay $0x7  }
0x15d: {  	v4 =	vld.idx.msk [tilespmem:v3+s19+$0x0], $0xffff;
	_ =	sdelay $0x7  }
0x15e: {  	v5 =	vld.idx.msk [tilespmem:v4+s20+$0x0], $0xffff  }
0x15f: {  	v20 =	vld.idx.msk [tilespmem:v2+s21+$0x0], $0xffff  }
0x160: {  	v21 =	vld.idx.msk [tilespmem:v3+s22+$0x0], $0xffff  }
0x161: {  	v19 =	vld.idx.msk [tilespmem:v4+s23+$0x0], $0xffff;
	[tilespmem:$0x2030] =	vst v3  }
0x162: {  	[tilespmem:$0x2430] =	vst v4  }
0x163: {  	[tilespmem:$0x2830] =	vst v5  }
0x164: {  	v8 =	vld [tilespmem:$0x430];
	[tilespmem:v2+s24+$0x0] =	vst.idx.msk $0xffff, v1  }
0x165: {  	[tilespmem:v3+s25+$0x0] =	vst.idx.msk $0xffff, v1  }
0x166: {  	[tilespmem:v4+s26+$0x0] =	vst.idx.msk $0xffff, v1  }
0x167: {  	[tilespmem:v5+s28+$0x0] =	vst.idx.msk $0xffff, v1  }
0x168: {  	v2 =	vld [tilespmem:$0x40];
	_ =	sdelay $0x7  }
0x169: {  	v3 =	vld.idx.msk [tilespmem:v2+s18+$0x0], $0xffff;
	_ =	sdelay $0x7  }
0x16a: {  	v4 =	vld.idx.msk [tilespmem:v3+s19+$0x0], $0xffff;
	_ =	sdelay $0x7  }
0x16b: {  	v5 =	vld.idx.msk [tilespmem:v4+s20+$0x0], $0xffff  }
0x16c: {  	v50 =	vld.idx.msk [tilespmem:v2+s21+$0x0], $0xffff  }
0x16d: {  	v51 =	vld.idx.msk [tilespmem:v3+s22+$0x0], $0xffff  }
0x16e: {  	v52 =	vld.idx.msk [tilespmem:v4+s23+$0x0], $0xffff;
	[tilespmem:$0x2040] =	vst v3  }
0x16f: {  	[tilespmem:$0x2440] =	vst v4  }
0x170: {  	[tilespmem:$0x2840] =	vst v5  }
0x171: {  	v53 =	vld [tilespmem:$0x440];
	[tilespmem:v2+s24+$0x0] =	vst.idx.msk $0xffff, v1  }
0x172: {  	[tilespmem:v3+s25+$0x0] =	vst.idx.msk $0xffff, v1  }
0x173: {  	[tilespmem:v4+s26+$0x0] =	vst.idx.msk $0xffff, v1  }
0x174: {  	[tilespmem:v5+s28+$0x0] =	vst.idx.msk $0xffff, v1  }
0x175: {  	v2 =	vld [tilespmem:$0x50];
	_ =	sdelay $0x7  }
0x176: {  	v3 =	vld.idx.msk [tilespmem:v2+s18+$0x0], $0xffff;
	_ =	sdelay $0x7  }
0x177: {  	v4 =	vld.idx.msk [tilespmem:v3+s19+$0x0], $0xffff;
	_ =	sdelay $0x7  }
0x178: {  	v5 =	vld.idx.msk [tilespmem:v4+s20+$0x0], $0xffff  }
0x179: {  	v54 =	vld.idx.msk [tilespmem:v2+s21+$0x0], $0xffff  }
0x17a: {  	v55 =	vld.idx.msk [tilespmem:v3+s22+$0x0], $0xffff  }
0x17b: {  	v56 =	vld.idx.msk [tilespmem:v4+s23+$0x0], $0xffff;
	[tilespmem:$0x2050] =	vst v3  }
0x17c: {  	[tilespmem:$0x2450] =	vst v4  }
0x17d: {  	[tilespmem:$0x2850] =	vst v5  }
0x17e: {  	v57 =	vld [tilespmem:$0x450];
	[tilespmem:v2+s24+$0x0] =	vst.idx.msk $0xffff, v1  }
0x17f: {  	[tilespmem:v3+s25+$0x0] =	vst.idx.msk $0xffff, v1  }
0x180: {  	[tilespmem:v4+s26+$0x0] =	vst.idx.msk $0xffff, v1  }
0x181: {  	[tilespmem:v5+s28+$0x0] =	vst.idx.msk $0xffff, v1  }
0x182: {  	v2 =	vld [tilespmem:$0x60];
	_ =	sdelay $0x7  }
0x183: {  	v3 =	vld.idx.msk [tilespmem:v2+s18+$0x0], $0xffff;
	_ =	sdelay $0x7  }
0x184: {  	v4 =	vld.idx.msk [tilespmem:v3+s19+$0x0], $0xffff;
	_ =	sdelay $0x7  }
0x185: {  	v5 =	vld.idx.msk [tilespmem:v4+s20+$0x0], $0xffff  }
0x186: {  	v58 =	vld.idx.msk [tilespmem:v2+s21+$0x0], $0xffff  }
0x187: {  	v59 =	vld.idx.msk [tilespmem:v3+s22+$0x0], $0xffff  }
0x188: {  	v60 =	vld.idx.msk [tilespmem:v4+s23+$0x0], $0xffff;
	[tilespmem:$0x2060] =	vst v3  }
0x189: {  	[tilespmem:$0x2460] =	vst v4  }
0x18a: {  	[tilespmem:$0x2860] =	vst v5  }
0x18b: {  	v61 =	vld [tilespmem:$0x460];
	[tilespmem:v2+s24+$0x0] =	vst.idx.msk $0xffff, v1  }
0x18c: {  	[tilespmem:v3+s25+$0x0] =	vst.idx.msk $0xffff, v1  }
0x18d: {  	[tilespmem:v4+s26+$0x0] =	vst.idx.msk $0xffff, v1  }
0x18e: {  	[tilespmem:v5+s28+$0x0] =	vst.idx.msk $0xffff, v1  }
0x18f: {  	v2 =	vld [tilespmem:$0x70];
	_ =	sdelay $0x7  }
0x190: {  	v3 =	vld.idx.msk [tilespmem:v2+s18+$0x0], $0xffff;
	_ =	sdelay $0x7  }
0x191: {  	v4 =	vld.idx.msk [tilespmem:v3+s19+$0x0], $0xffff;
	_ =	sdelay $0x7  }
0x192: {  	v5 =	vld.idx.msk [tilespmem:v4+s20+$0x0], $0xffff  }
0x193: {  	v62 =	vld.idx.msk [tilespmem:v2+s21+$0x0], $0xffff  }
0x194: {  	v63 =	vld.idx.msk [tilespmem:v3+s22+$0x0], $0xffff  }
0x195: {  	v22 =	vld.idx.msk [tilespmem:v4+s23+$0x0], $0xffff;
	[tilespmem:$0x2070] =	vst v3  }
0x196: {  	[tilespmem:$0x2470] =	vst v4  }
0x197: {  	[tilespmem:$0x2870] =	vst v5  }
0x198: {  	v23 =	vld [tilespmem:$0x470];
	[tilespmem:v2+s24+$0x0] =	vst.idx.msk $0xffff, v1  }
0x199: {  	[tilespmem:v3+s25+$0x0] =	vst.idx.msk $0xffff, v1  }
0x19a: {  	[tilespmem:v4+s26+$0x0] =	vst.idx.msk $0xffff, v1  }
0x19b: {  	[tilespmem:v5+s28+$0x0] =	vst.idx.msk $0xffff, v1  }
0x19c: {  	v2 =	vld [tilespmem:$0x80];
	_ =	sdelay $0x7  }
0x19d: {  	v3 =	vld.idx.msk [tilespmem:v2+s18+$0x0], $0xffff;
	_ =	sdelay $0x7  }
0x19e: {  	v4 =	vld.idx.msk [tilespmem:v3+s19+$0x0], $0xffff;
	_ =	sdelay $0x7  }
0x19f: {  	v5 =	vld.idx.msk [tilespmem:v4+s20+$0x0], $0xffff  }
0x1a0: {  	v24 =	vld.idx.msk [tilespmem:v2+s21+$0x0], $0xffff  }
0x1a1: {  	v25 =	vld.idx.msk [tilespmem:v3+s22+$0x0], $0xffff  }
0x1a2: {  	v26 =	vld.idx.msk [tilespmem:v4+s23+$0x0], $0xffff;
	[tilespmem:$0x2080] =	vst v3  }
0x1a3: {  	[tilespmem:$0x2480] =	vst v4  }
0x1a4: {  	[tilespmem:$0x2880] =	vst v5  }
0x1a5: {  	v27 =	vld [tilespmem:$0x480];
	[tilespmem:v2+s24+$0x0] =	vst.idx.msk $0xffff, v1  }
0x1a6: {  	[tilespmem:v3+s25+$0x0] =	vst.idx.msk $0xffff, v1  }
0x1a7: {  	[tilespmem:v4+s26+$0x0] =	vst.idx.msk $0xffff, v1  }
0x1a8: {  	[tilespmem:v5+s28+$0x0] =	vst.idx.msk $0xffff, v1  }
0x1a9: {  	v2 =	vld [tilespmem:$0x90];
	_ =	sdelay $0x7  }
0x1aa: {  	v3 =	vld.idx.msk [tilespmem:v2+s18+$0x0], $0xffff;
	_ =	sdelay $0x7  }
0x1ab: {  	v4 =	vld.idx.msk [tilespmem:v3+s19+$0x0], $0xffff;
	_ =	sdelay $0x7  }
0x1ac: {  	v5 =	vld.idx.msk [tilespmem:v4+s20+$0x0], $0xffff  }
0x1ad: {  	v28 =	vld.idx.msk [tilespmem:v2+s21+$0x0], $0xffff  }
0x1ae: {  	v29 =	vld.idx.msk [tilespmem:v3+s22+$0x0], $0xffff  }
0x1af: {  	v30 =	vld.idx.msk [tilespmem:v4+s23+$0x0], $0xffff;
	[tilespmem:$0x2090] =	vst v3  }
0x1b0: {  	[tilespmem:$0x2490] =	vst v4  }
0x1b1: {  	[tilespmem:$0x2890] =	vst v5  }
0x1b2: {  	v31 =	vld [tilespmem:$0x490];
	[tilespmem:v2+s24+$0x0] =	vst.idx.msk $0xffff, v1  }
0x1b3: {  	[tilespmem:v3+s25+$0x0] =	vst.idx.msk $0xffff, v1  }
0x1b4: {  	[tilespmem:v4+s26+$0x0] =	vst.idx.msk $0xffff, v1  }
0x1b5: {  	[tilespmem:v5+s28+$0x0] =	vst.idx.msk $0xffff, v1  }
0x1b6: {  	v2 =	vld [tilespmem:$0xA0];
	_ =	sdelay $0x7  }
0x1b7: {  	v3 =	vld.idx.msk [tilespmem:v2+s18+$0x0], $0xffff;
	_ =	sdelay $0x7  }
0x1b8: {  	v4 =	vld.idx.msk [tilespmem:v3+s19+$0x0], $0xffff;
	_ =	sdelay $0x7  }
0x1b9: {  	v5 =	vld.idx.msk [tilespmem:v4+s20+$0x0], $0xffff  }
0x1ba: {  	v32 =	vld.idx.msk [tilespmem:v2+s21+$0x0], $0xffff  }
0x1bb: {  	v33 =	vld.idx.msk [tilespmem:v3+s22+$0x0], $0xffff  }
0x1bc: {  	v34 =	vld.idx.msk [tilespmem:v4+s23+$0x0], $0xffff;
	[tilespmem:$0x20A0] =	vst v3  }
0x1bd: {  	[tilespmem:$0x24A0] =	vst v4  }
0x1be: {  	[tilespmem:$0x28A0] =	vst v5  }
0x1bf: {  	v35 =	vld [tilespmem:$0x4A0];
	[tilespmem:v2+s24+$0x0] =	vst.idx.msk $0xffff, v1  }
0x1c0: {  	[tilespmem:v3+s25+$0x0] =	vst.idx.msk $0xffff, v1  }
0x1c1: {  	[tilespmem:v4+s26+$0x0] =	vst.idx.msk $0xffff, v1  }
0x1c2: {  	[tilespmem:v5+s28+$0x0] =	vst.idx.msk $0xffff, v1  }
0x1c3: {  	v2 =	vld [tilespmem:$0xB0];
	_ =	sdelay $0x7  }
0x1c4: {  	v3 =	vld.idx.msk [tilespmem:v2+s18+$0x0], $0xffff;
	_ =	sdelay $0x7  }
0x1c5: {  	v4 =	vld.idx.msk [tilespmem:v3+s19+$0x0], $0xffff;
	_ =	sdelay $0x7  }
0x1c6: {  	v5 =	vld.idx.msk [tilespmem:v4+s20+$0x0], $0xffff  }
0x1c7: {  	v36 =	vld.idx.msk [tilespmem:v2+s21+$0x0], $0xffff  }
0x1c8: {  	v37 =	vld.idx.msk [tilespmem:v3+s22+$0x0], $0xffff  }
0x1c9: {  	v38 =	vld.idx.msk [tilespmem:v4+s23+$0x0], $0xffff;
	[tilespmem:$0x20B0] =	vst v3  }
0x1ca: {  	[tilespmem:$0x24B0] =	vst v4  }
0x1cb: {  	[tilespmem:$0x28B0] =	vst v5  }
0x1cc: {  	v39 =	vld [tilespmem:$0x4B0];
	[tilespmem:v2+s24+$0x0] =	vst.idx.msk $0xffff, v1  }
0x1cd: {  	[tilespmem:v3+s25+$0x0] =	vst.idx.msk $0xffff, v1  }
0x1ce: {  	[tilespmem:v4+s26+$0x0] =	vst.idx.msk $0xffff, v1  }
0x1cf: {  	[tilespmem:v5+s28+$0x0] =	vst.idx.msk $0xffff, v1  }
0x1d0: {  	v2 =	vld [tilespmem:$0xC0];
	_ =	sdelay $0x7  }
0x1d1: {  	v3 =	vld.idx.msk [tilespmem:v2+s18+$0x0], $0xffff;
	_ =	sdelay $0x7  }
0x1d2: {  	v4 =	vld.idx.msk [tilespmem:v3+s19+$0x0], $0xffff;
	_ =	sdelay $0x7  }
0x1d3: {  	v5 =	vld.idx.msk [tilespmem:v4+s20+$0x0], $0xffff  }
0x1d4: {  	v40 =	vld.idx.msk [tilespmem:v2+s21+$0x0], $0xffff  }
0x1d5: {  	v41 =	vld.idx.msk [tilespmem:v3+s22+$0x0], $0xffff  }
0x1d6: {  	v42 =	vld.idx.msk [tilespmem:v4+s23+$0x0], $0xffff;
	[tilespmem:$0x20C0] =	vst v3  }
0x1d7: {  	[tilespmem:$0x24C0] =	vst v4  }
0x1d8: {  	[tilespmem:$0x28C0] =	vst v5  }
0x1d9: {  	v43 =	vld [tilespmem:$0x4C0];
	[tilespmem:v2+s24+$0x0] =	vst.idx.msk $0xffff, v1  }
0x1da: {  	[tilespmem:v3+s25+$0x0] =	vst.idx.msk $0xffff, v1  }
0x1db: {  	[tilespmem:v4+s26+$0x0] =	vst.idx.msk $0xffff, v1  }
0x1dc: {  	[tilespmem:v5+s28+$0x0] =	vst.idx.msk $0xffff, v1  }
0x1dd: {  	v2 =	vld [tilespmem:$0xD0];
	_ =	sdelay $0x7  }
0x1de: {  	v3 =	vld.idx.msk [tilespmem:v2+s18+$0x0], $0xffff;
	_ =	sdelay $0x7  }
0x1df: {  	v4 =	vld.idx.msk [tilespmem:v3+s19+$0x0], $0xffff;
	_ =	sdelay $0x7  }
0x1e0: {  	v5 =	vld.idx.msk [tilespmem:v4+s20+$0x0], $0xffff  }
0x1e1: {  	v44 =	vld.idx.msk [tilespmem:v2+s21+$0x0], $0xffff  }
0x1e2: {  	v45 =	vld.idx.msk [tilespmem:v3+s22+$0x0], $0xffff  }
0x1e3: {  	v46 =	vld.idx.msk [tilespmem:v4+s23+$0x0], $0xffff;
	[tilespmem:$0x20D0] =	vst v3  }
0x1e4: {  	[tilespmem:$0x24D0] =	vst v4  }
0x1e5: {  	[tilespmem:$0x28D0] =	vst v5  }
0x1e6: {  	v47 =	vld [tilespmem:$0x4D0];
	[tilespmem:v2+s24+$0x0] =	vst.idx.msk $0xffff, v1  }
0x1e7: {  	[tilespmem:v3+s25+$0x0] =	vst.idx.msk $0xffff, v1  }
0x1e8: {  	[tilespmem:v4+s26+$0x0] =	vst.idx.msk $0xffff, v1  }
0x1e9: {  	[tilespmem:v5+s28+$0x0] =	vst.idx.msk $0xffff, v1  }
0x1ea: {  	v2 =	vld [tilespmem:$0xE0];
	_ =	sdelay $0x7  }
0x1eb: {  	v3 =	vld.idx.msk [tilespmem:v2+s18+$0x0], $0xffff;
	_ =	sdelay $0x7  }
0x1ec: {  	v4 =	vld.idx.msk [tilespmem:v3+s19+$0x0], $0xffff;
	_ =	sdelay $0x7  }
0x1ed: {  	v5 =	vld.idx.msk [tilespmem:v4+s20+$0x0], $0xffff  }
0x1ee: {  	[tilespmem:$0x1F4B0] =	vst v50;
	v48 =	vld.idx.msk [tilespmem:v2+s21+$0x0], $0xffff  }
0x1ef: {  	[tilespmem:$0x1F4C0] =	vst v51;
	v49 =	vld.idx.msk [tilespmem:v3+s22+$0x0], $0xffff  }
0x1f0: {  	v50 =	vld.idx.msk [tilespmem:v4+s23+$0x0], $0xffff;
	[tilespmem:$0x20E0] =	vst v3  }
0x1f1: {  	[tilespmem:$0x24E0] =	vst v4  }
0x1f2: {  	[tilespmem:$0x28E0] =	vst v5  }
0x1f3: {  	v51 =	vld [tilespmem:$0x4E0];
	[tilespmem:v2+s24+$0x0] =	vst.idx.msk $0xffff, v1  }
0x1f4: {  	[tilespmem:v3+s25+$0x0] =	vst.idx.msk $0xffff, v1  }
0x1f5: {  	[tilespmem:v4+s26+$0x0] =	vst.idx.msk $0xffff, v1  }
0x1f6: {  	[tilespmem:v5+s28+$0x0] =	vst.idx.msk $0xffff, v1  }
0x1f7: {  	v2 =	vld [tilespmem:$0xF0];
	_ =	sdelay $0x7  }
0x1f8: {  	v3 =	vld.idx.msk [tilespmem:v2+s18+$0x0], $0xffff;
	_ =	sdelay $0x7  }
0x1f9: {  	v4 =	vld.idx.msk [tilespmem:v3+s19+$0x0], $0xffff;
	_ =	sdelay $0x6  }
0x1fa: {  	[tilespmem:$0x1F4A0] =	vst v53  }
0x1fb: {  	[tilespmem:$0x1F4E0] =	vst v52;
	v5 =	vld.idx.msk [tilespmem:v4+s20+$0x0], $0xffff  }
0x1fc: {  	[tilespmem:$0x1F4F0] =	vst v54;
	v52 =	vld.idx.msk [tilespmem:v2+s21+$0x0], $0xffff  }
0x1fd: {  	[tilespmem:$0x1F500] =	vst v55;
	v53 =	vld.idx.msk [tilespmem:v3+s22+$0x0], $0xffff  }
0x1fe: {  	v54 =	vld.idx.msk [tilespmem:v4+s23+$0x0], $0xffff;
	[tilespmem:$0x20F0] =	vst v3  }
0x1ff: {  	[tilespmem:$0x24F0] =	vst v4  }
0x200: {  	[tilespmem:$0x28F0] =	vst v5  }
0x201: {  	v55 =	vld [tilespmem:$0x4F0];
	[tilespmem:v2+s24+$0x0] =	vst.idx.msk $0xffff, v1  }
0x202: {  	[tilespmem:v3+s25+$0x0] =	vst.idx.msk $0xffff, v1  }
0x203: {  	[tilespmem:v4+s26+$0x0] =	vst.idx.msk $0xffff, v1  }
0x204: {  	[tilespmem:v5+s28+$0x0] =	vst.idx.msk $0xffff, v1  }
0x205: {  	v2 =	vld [tilespmem:$0x100];
	_ =	sdelay $0x7  }
0x206: {  	v3 =	vld.idx.msk [tilespmem:v2+s18+$0x0], $0xffff;
	_ =	sdelay $0x7  }
0x207: {  	v4 =	vld.idx.msk [tilespmem:v3+s19+$0x0], $0xffff;
	_ =	sdelay $0x6  }
0x208: {  	[tilespmem:$0x1F4D0] =	vst v57  }
0x209: {  	[tilespmem:$0x1F520] =	vst v56;
	v5 =	vld.idx.msk [tilespmem:v4+s20+$0x0], $0xffff  }
0x20a: {  	[tilespmem:$0x1F530] =	vst v58;
	v56 =	vld.idx.msk [tilespmem:v2+s21+$0x0], $0xffff  }
0x20b: {  	[tilespmem:$0x1F540] =	vst v59;
	v57 =	vld.idx.msk [tilespmem:v3+s22+$0x0], $0xffff  }
0x20c: {  	v58 =	vld.idx.msk [tilespmem:v4+s23+$0x0], $0xffff;
	[tilespmem:$0x2100] =	vst v3  }
0x20d: {  	[tilespmem:$0x2500] =	vst v4  }
0x20e: {  	[tilespmem:$0x2900] =	vst v5  }
0x20f: {  	v59 =	vld [tilespmem:$0x500];
	[tilespmem:v2+s24+$0x0] =	vst.idx.msk $0xffff, v1  }
0x210: {  	[tilespmem:v3+s25+$0x0] =	vst.idx.msk $0xffff, v1  }
0x211: {  	[tilespmem:v4+s26+$0x0] =	vst.idx.msk $0xffff, v1  }
0x212: {  	[tilespmem:v5+s28+$0x0] =	vst.idx.msk $0xffff, v1  }
0x213: {  	v2 =	vld [tilespmem:$0x110];
	_ =	sdelay $0x7  }
0x214: {  	v3 =	vld.idx.msk [tilespmem:v2+s18+$0x0], $0xffff;
	_ =	sdelay $0x7  }
0x215: {  	v4 =	vld.idx.msk [tilespmem:v3+s19+$0x0], $0xffff;
	_ =	sdelay $0x6  }
0x216: {  	[tilespmem:$0x1F510] =	vst v61  }
0x217: {  	[tilespmem:$0x1F560] =	vst v60;
	v5 =	vld.idx.msk [tilespmem:v4+s20+$0x0], $0xffff  }
0x218: {  	[tilespmem:$0x1F570] =	vst v62;
	v60 =	vld.idx.msk [tilespmem:v2+s21+$0x0], $0xffff  }
0x219: {  	[tilespmem:$0x1F580] =	vst v63;
	v61 =	vld.idx.msk [tilespmem:v3+s22+$0x0], $0xffff  }
0x21a: {  	v62 =	vld.idx.msk [tilespmem:v4+s23+$0x0], $0xffff;
	[tilespmem:$0x2110] =	vst v3  }
0x21b: {  	[tilespmem:$0x2510] =	vst v4  }
0x21c: {  	[tilespmem:$0x2910] =	vst v5  }
0x21d: {  	v63 =	vld [tilespmem:$0x510];
	[tilespmem:v2+s24+$0x0] =	vst.idx.msk $0xffff, v1  }
0x21e: {  	[tilespmem:v3+s25+$0x0] =	vst.idx.msk $0xffff, v1  }
0x21f: {  	[tilespmem:v4+s26+$0x0] =	vst.idx.msk $0xffff, v1  }
0x220: {  	[tilespmem:v5+s28+$0x0] =	vst.idx.msk $0xffff, v1  }
0x221: {  	v2 =	vld [tilespmem:$0x120];
	_ =	sdelay $0x4  }
0x222: {  	[tilespmem:$0x1F490] =	vst v8  }
0x223: {  	[tilespmem:$0x1F550] =	vst v23  }
0x224: {  	[tilespmem:$0x1F5A0] =	vst v22  }
0x225: {  	[tilespmem:$0x1F590] =	vst v27;
	v3 =	vld.idx.msk [tilespmem:v2+s18+$0x0], $0xffff  }
0x226: {  	[tilespmem:$0x1F5B0] =	vst v24  }
0x227: {  	[tilespmem:$0x1F5C0] =	vst v25  }
0x228: {  	[tilespmem:$0x1F5E0] =	vst v26  }
0x229: {  	[tilespmem:$0x1F5D0] =	vst v31  }
0x22a: {  	[tilespmem:$0x1F5F0] =	vst v28  }
0x22b: {  	[tilespmem:$0x1F600] =	vst v29  }
0x22c: {  	[tilespmem:$0x1F620] =	vst v30  }
0x22d: {  	[tilespmem:$0x1F610] =	vst v35;
	v4 =	vld.idx.msk [tilespmem:v3+s19+$0x0], $0xffff  }
0x22e: {  	[tilespmem:$0x1F630] =	vst v32  }
0x22f: {  	[tilespmem:$0x1F640] =	vst v33  }
0x230: {  	[tilespmem:$0x1F660] =	vst v34  }
0x231: {  	[tilespmem:$0x1F650] =	vst v39  }
0x232: {  	[tilespmem:$0x1F670] =	vst v36  }
0x233: {  	[tilespmem:$0x1F680] =	vst v37  }
0x234: {  	[tilespmem:$0x1F6A0] =	vst v38  }
0x235: {  	[tilespmem:$0x1F690] =	vst v43;
	v5 =	vld.idx.msk [tilespmem:v4+s20+$0x0], $0xffff  }
0x236: {  	[tilespmem:$0x1F6B0] =	vst v40;
	v22 =	vld.idx.msk [tilespmem:v2+s21+$0x0], $0xffff  }
0x237: {  	[tilespmem:$0x1F6C0] =	vst v41;
	v23 =	vld.idx.msk [tilespmem:v3+s22+$0x0], $0xffff  }
0x238: {  	v24 =	vld.idx.msk [tilespmem:v4+s23+$0x0], $0xffff;
	[tilespmem:$0x2120] =	vst v3  }
0x239: {  	[tilespmem:$0x2520] =	vst v4  }
0x23a: {  	[tilespmem:$0x2920] =	vst v5  }
0x23b: {  	v25 =	vld [tilespmem:$0x520];
	[tilespmem:v2+s24+$0x0] =	vst.idx.msk $0xffff, v1  }
0x23c: {  	[tilespmem:v3+s25+$0x0] =	vst.idx.msk $0xffff, v1  }
0x23d: {  	[tilespmem:v4+s26+$0x0] =	vst.idx.msk $0xffff, v1  }
0x23e: {  	[tilespmem:v5+s28+$0x0] =	vst.idx.msk $0xffff, v1  }
0x23f: {  	[tilespmem:$0x1F6E0] =	vst v42;
	v2 =	vld [tilespmem:$0x130]  }
0x240: {  	[tilespmem:$0x1F6D0] =	vst v47  }
0x241: {  	[tilespmem:$0x1F6F0] =	vst v44  }
0x242: {  	[tilespmem:$0x1F700] =	vst v45  }
0x243: {  	[tilespmem:$0x1F720] =	vst v46  }
0x244: {  	[tilespmem:$0x1F710] =	vst v51  }
0x245: {  	[tilespmem:$0x1F730] =	vst v48  }
0x246: {  	[tilespmem:$0x1F740] =	vst v49  }
0x247: {  	[tilespmem:$0x1F760] =	vst v50;
	v3 =	vld.idx.msk [tilespmem:v2+s18+$0x0], $0xffff  }
0x248: {  	[tilespmem:$0x1F750] =	vst v55  }
0x249: {  	[tilespmem:$0x1F770] =	vst v52  }
0x24a: {  	[tilespmem:$0x1F780] =	vst v53  }
0x24b: {  	[tilespmem:$0x1F7A0] =	vst v54  }
0x24c: {  	[tilespmem:$0x1F790] =	vst v59  }
0x24d: {  	[tilespmem:$0x1F7B0] =	vst v56  }
0x24e: {  	[tilespmem:$0x1F7C0] =	vst v57  }
0x24f: {  	[tilespmem:$0x1F7E0] =	vst v58;
	v4 =	vld.idx.msk [tilespmem:v3+s19+$0x0], $0xffff  }
0x250: {  	[tilespmem:$0x1F7D0] =	vst v63  }
0x251: {  	[tilespmem:$0x1F7F0] =	vst v60  }
0x252: {  	[tilespmem:$0x1F800] =	vst v61  }
0x253: {  	[tilespmem:$0x1F820] =	vst v62;
	v26 =	vld.idx.msk [tilespmem:v2+s21+$0x0], $0xffff  }
0x254: {  	[tilespmem:$0x1F810] =	vst v25;
	v27 =	vld.idx.msk [tilespmem:v3+s22+$0x0], $0xffff  }
0x255: {  	[tilespmem:$0x1F830] =	vst v22  }
0x256: {  	[tilespmem:$0x1F840] =	vst v23  }
0x257: {  	[tilespmem:$0x1F860] =	vst v24;
	v5 =	vld.idx.msk [tilespmem:v4+s20+$0x0], $0xffff  }
0x258: {  	[tilespmem:$0x1F870] =	vst v26  }
0x259: {  	[tilespmem:$0x1F880] =	vst v27  }
0x25a: {  	v8 =	vld.idx.msk [tilespmem:v4+s23+$0x0], $0xffff;
	[tilespmem:$0x2130] =	vst v3  }
0x25b: {  	[tilespmem:$0x2530] =	vst v4  }
0x25c: {  	[tilespmem:$0x2930] =	vst v5  }
0x25d: {  	v28 =	vld [tilespmem:$0x530];
	[tilespmem:v2+s24+$0x0] =	vst.idx.msk $0xffff, v1  }
0x25e: {  	[tilespmem:v3+s25+$0x0] =	vst.idx.msk $0xffff, v1  }
0x25f: {  	[tilespmem:v4+s26+$0x0] =	vst.idx.msk $0xffff, v1  }
0x260: {  	[tilespmem:v5+s28+$0x0] =	vst.idx.msk $0xffff, v1  }
0x261: {  	v2 =	vld [tilespmem:$0x140];
	_ =	sdelay $0x7  }
0x262: {  	v3 =	vld.idx.msk [tilespmem:v2+s18+$0x0], $0xffff;
	_ =	sdelay $0x7  }
0x263: {  	v4 =	vld.idx.msk [tilespmem:v3+s19+$0x0], $0xffff;
	_ =	sdelay $0x7  }
0x264: {  	v5 =	vld.idx.msk [tilespmem:v4+s20+$0x0], $0xffff  }
0x265: {  	v29 =	vld.idx.msk [tilespmem:v2+s21+$0x0], $0xffff  }
0x266: {  	v30 =	vld.idx.msk [tilespmem:v3+s22+$0x0], $0xffff  }
0x267: {  	v31 =	vld.idx.msk [tilespmem:v4+s23+$0x0], $0xffff;
	[tilespmem:$0x2140] =	vst v3  }
0x268: {  	[tilespmem:$0x2540] =	vst v4  }
0x269: {  	[tilespmem:$0x2940] =	vst v5  }
0x26a: {  	v32 =	vld [tilespmem:$0x540];
	[tilespmem:v2+s24+$0x0] =	vst.idx.msk $0xffff, v1  }
0x26b: {  	[tilespmem:v3+s25+$0x0] =	vst.idx.msk $0xffff, v1  }
0x26c: {  	[tilespmem:v4+s26+$0x0] =	vst.idx.msk $0xffff, v1  }
0x26d: {  	[tilespmem:v5+s28+$0x0] =	vst.idx.msk $0xffff, v1  }
0x26e: {  	v2 =	vld [tilespmem:$0x150];
	_ =	sdelay $0x7  }
0x26f: {  	v3 =	vld.idx.msk [tilespmem:v2+s18+$0x0], $0xffff;
	_ =	sdelay $0x7  }
0x270: {  	v4 =	vld.idx.msk [tilespmem:v3+s19+$0x0], $0xffff;
	_ =	sdelay $0x7  }
0x271: {  	v5 =	vld.idx.msk [tilespmem:v4+s20+$0x0], $0xffff  }
0x272: {  	v33 =	vld.idx.msk [tilespmem:v2+s21+$0x0], $0xffff  }
0x273: {  	v34 =	vld.idx.msk [tilespmem:v3+s22+$0x0], $0xffff  }
0x274: {  	v35 =	vld.idx.msk [tilespmem:v4+s23+$0x0], $0xffff;
	[tilespmem:$0x2150] =	vst v3  }
0x275: {  	[tilespmem:$0x2550] =	vst v4  }
0x276: {  	[tilespmem:$0x2950] =	vst v5  }
0x277: {  	v36 =	vld [tilespmem:$0x550];
	[tilespmem:v2+s24+$0x0] =	vst.idx.msk $0xffff, v1  }
0x278: {  	[tilespmem:v3+s25+$0x0] =	vst.idx.msk $0xffff, v1  }
0x279: {  	[tilespmem:v4+s26+$0x0] =	vst.idx.msk $0xffff, v1  }
0x27a: {  	[tilespmem:v5+s28+$0x0] =	vst.idx.msk $0xffff, v1  }
0x27b: {  	v2 =	vld [tilespmem:$0x160];
	_ =	sdelay $0x7  }
0x27c: {  	v3 =	vld.idx.msk [tilespmem:v2+s18+$0x0], $0xffff;
	_ =	sdelay $0x7  }
0x27d: {  	v4 =	vld.idx.msk [tilespmem:v3+s19+$0x0], $0xffff;
	_ =	sdelay $0x7  }
0x27e: {  	v5 =	vld.idx.msk [tilespmem:v4+s20+$0x0], $0xffff  }
0x27f: {  	v37 =	vld.idx.msk [tilespmem:v2+s21+$0x0], $0xffff  }
0x280: {  	v38 =	vld.idx.msk [tilespmem:v3+s22+$0x0], $0xffff  }
0x281: {  	v39 =	vld.idx.msk [tilespmem:v4+s23+$0x0], $0xffff;
	[tilespmem:$0x2160] =	vst v3  }
0x282: {  	[tilespmem:$0x2560] =	vst v4  }
0x283: {  	[tilespmem:$0x2960] =	vst v5  }
0x284: {  	v40 =	vld [tilespmem:$0x560];
	[tilespmem:v2+s24+$0x0] =	vst.idx.msk $0xffff, v1  }
0x285: {  	[tilespmem:v3+s25+$0x0] =	vst.idx.msk $0xffff, v1  }
0x286: {  	[tilespmem:v4+s26+$0x0] =	vst.idx.msk $0xffff, v1  }
0x287: {  	[tilespmem:v5+s28+$0x0] =	vst.idx.msk $0xffff, v1  }
0x288: {  	v2 =	vld [tilespmem:$0x170];
	_ =	sdelay $0x7  }
0x289: {  	v3 =	vld.idx.msk [tilespmem:v2+s18+$0x0], $0xffff;
	_ =	sdelay $0x7  }
0x28a: {  	v4 =	vld.idx.msk [tilespmem:v3+s19+$0x0], $0xffff;
	_ =	sdelay $0x7  }
0x28b: {  	v5 =	vld.idx.msk [tilespmem:v4+s20+$0x0], $0xffff  }
0x28c: {  	v41 =	vld.idx.msk [tilespmem:v2+s21+$0x0], $0xffff  }
0x28d: {  	v42 =	vld.idx.msk [tilespmem:v3+s22+$0x0], $0xffff  }
0x28e: {  	v43 =	vld.idx.msk [tilespmem:v4+s23+$0x0], $0xffff;
	[tilespmem:$0x2170] =	vst v3  }
0x28f: {  	[tilespmem:$0x2570] =	vst v4  }
0x290: {  	[tilespmem:$0x2970] =	vst v5  }
0x291: {  	v44 =	vld [tilespmem:$0x570];
	[tilespmem:v2+s24+$0x0] =	vst.idx.msk $0xffff, v1  }
0x292: {  	[tilespmem:v3+s25+$0x0] =	vst.idx.msk $0xffff, v1  }
0x293: {  	[tilespmem:v4+s26+$0x0] =	vst.idx.msk $0xffff, v1  }
0x294: {  	[tilespmem:v5+s28+$0x0] =	vst.idx.msk $0xffff, v1  }
0x295: {  	v2 =	vld [tilespmem:$0x180];
	_ =	sdelay $0x7  }
0x296: {  	v3 =	vld.idx.msk [tilespmem:v2+s18+$0x0], $0xffff;
	_ =	sdelay $0x7  }
0x297: {  	v4 =	vld.idx.msk [tilespmem:v3+s19+$0x0], $0xffff;
	_ =	sdelay $0x7  }
0x298: {  	v5 =	vld.idx.msk [tilespmem:v4+s20+$0x0], $0xffff  }
0x299: {  	v45 =	vld.idx.msk [tilespmem:v2+s21+$0x0], $0xffff  }
0x29a: {  	v46 =	vld.idx.msk [tilespmem:v3+s22+$0x0], $0xffff  }
0x29b: {  	v47 =	vld.idx.msk [tilespmem:v4+s23+$0x0], $0xffff;
	[tilespmem:$0x2180] =	vst v3  }
0x29c: {  	[tilespmem:$0x2580] =	vst v4  }
0x29d: {  	[tilespmem:$0x2980] =	vst v5  }
0x29e: {  	v48 =	vld [tilespmem:$0x580];
	[tilespmem:v2+s24+$0x0] =	vst.idx.msk $0xffff, v1  }
0x29f: {  	[tilespmem:v3+s25+$0x0] =	vst.idx.msk $0xffff, v1  }
0x2a0: {  	[tilespmem:v4+s26+$0x0] =	vst.idx.msk $0xffff, v1  }
0x2a1: {  	[tilespmem:v5+s28+$0x0] =	vst.idx.msk $0xffff, v1  }
0x2a2: {  	v2 =	vld [tilespmem:$0x190];
	_ =	sdelay $0x7  }
0x2a3: {  	v3 =	vld.idx.msk [tilespmem:v2+s18+$0x0], $0xffff;
	_ =	sdelay $0x7  }
0x2a4: {  	v4 =	vld.idx.msk [tilespmem:v3+s19+$0x0], $0xffff;
	_ =	sdelay $0x7  }
0x2a5: {  	v5 =	vld.idx.msk [tilespmem:v4+s20+$0x0], $0xffff  }
0x2a6: {  	v49 =	vld.idx.msk [tilespmem:v2+s21+$0x0], $0xffff  }
0x2a7: {  	v50 =	vld.idx.msk [tilespmem:v3+s22+$0x0], $0xffff  }
0x2a8: {  	v51 =	vld.idx.msk [tilespmem:v4+s23+$0x0], $0xffff;
	[tilespmem:$0x2190] =	vst v3  }
0x2a9: {  	[tilespmem:$0x2590] =	vst v4  }
0x2aa: {  	[tilespmem:$0x2990] =	vst v5  }
0x2ab: {  	v52 =	vld [tilespmem:$0x590];
	[tilespmem:v2+s24+$0x0] =	vst.idx.msk $0xffff, v1  }
0x2ac: {  	[tilespmem:v3+s25+$0x0] =	vst.idx.msk $0xffff, v1  }
0x2ad: {  	[tilespmem:v4+s26+$0x0] =	vst.idx.msk $0xffff, v1  }
0x2ae: {  	[tilespmem:v5+s28+$0x0] =	vst.idx.msk $0xffff, v1  }
0x2af: {  	v2 =	vld [tilespmem:$0x1A0];
	_ =	sdelay $0x7  }
0x2b0: {  	v3 =	vld.idx.msk [tilespmem:v2+s18+$0x0], $0xffff;
	_ =	sdelay $0x7  }
0x2b1: {  	v4 =	vld.idx.msk [tilespmem:v3+s19+$0x0], $0xffff;
	_ =	sdelay $0x7  }
0x2b2: {  	v5 =	vld.idx.msk [tilespmem:v4+s20+$0x0], $0xffff  }
0x2b3: {  	v53 =	vld.idx.msk [tilespmem:v2+s21+$0x0], $0xffff  }
0x2b4: {  	v54 =	vld.idx.msk [tilespmem:v3+s22+$0x0], $0xffff  }
0x2b5: {  	v55 =	vld.idx.msk [tilespmem:v4+s23+$0x0], $0xffff;
	[tilespmem:$0x21A0] =	vst v3  }
0x2b6: {  	[tilespmem:$0x25A0] =	vst v4  }
0x2b7: {  	[tilespmem:$0x29A0] =	vst v5  }
0x2b8: {  	v56 =	vld [tilespmem:$0x5A0];
	[tilespmem:v2+s24+$0x0] =	vst.idx.msk $0xffff, v1  }
0x2b9: {  	[tilespmem:v3+s25+$0x0] =	vst.idx.msk $0xffff, v1  }
0x2ba: {  	[tilespmem:v4+s26+$0x0] =	vst.idx.msk $0xffff, v1  }
0x2bb: {  	[tilespmem:v5+s28+$0x0] =	vst.idx.msk $0xffff, v1  }
0x2bc: {  	v2 =	vld [tilespmem:$0x1B0];
	_ =	sdelay $0x7  }
0x2bd: {  	v3 =	vld.idx.msk [tilespmem:v2+s18+$0x0], $0xffff;
	_ =	sdelay $0x7  }
0x2be: {  	v4 =	vld.idx.msk [tilespmem:v3+s19+$0x0], $0xffff;
	_ =	sdelay $0x7  }
0x2bf: {  	v5 =	vld.idx.msk [tilespmem:v4+s20+$0x0], $0xffff  }
0x2c0: {  	v57 =	vld.idx.msk [tilespmem:v2+s21+$0x0], $0xffff  }
0x2c1: {  	v58 =	vld.idx.msk [tilespmem:v3+s22+$0x0], $0xffff  }
0x2c2: {  	v59 =	vld.idx.msk [tilespmem:v4+s23+$0x0], $0xffff;
	[tilespmem:$0x21B0] =	vst v3  }
0x2c3: {  	[tilespmem:$0x25B0] =	vst v4  }
0x2c4: {  	[tilespmem:$0x29B0] =	vst v5  }
0x2c5: {  	v60 =	vld [tilespmem:$0x5B0];
	[tilespmem:v2+s24+$0x0] =	vst.idx.msk $0xffff, v1  }
0x2c6: {  	[tilespmem:v3+s25+$0x0] =	vst.idx.msk $0xffff, v1  }
0x2c7: {  	[tilespmem:v4+s26+$0x0] =	vst.idx.msk $0xffff, v1  }
0x2c8: {  	[tilespmem:v5+s28+$0x0] =	vst.idx.msk $0xffff, v1  }
0x2c9: {  	v2 =	vld [tilespmem:$0x1C0];
	_ =	sdelay $0x7  }
0x2ca: {  	v3 =	vld.idx.msk [tilespmem:v2+s18+$0x0], $0xffff;
	_ =	sdelay $0x7  }
0x2cb: {  	v4 =	vld.idx.msk [tilespmem:v3+s19+$0x0], $0xffff;
	_ =	sdelay $0x7  }
0x2cc: {  	v5 =	vld.idx.msk [tilespmem:v4+s20+$0x0], $0xffff  }
0x2cd: {  	v61 =	vld.idx.msk [tilespmem:v2+s21+$0x0], $0xffff  }
0x2ce: {  	v62 =	vld.idx.msk [tilespmem:v3+s22+$0x0], $0xffff  }
0x2cf: {  	v63 =	vld.idx.msk [tilespmem:v4+s23+$0x0], $0xffff;
	[tilespmem:$0x21C0] =	vst v3  }
0x2d0: {  	[tilespmem:$0x25C0] =	vst v4  }
0x2d1: {  	[tilespmem:$0x29C0] =	vst v5  }
0x2d2: {  	v22 =	vld [tilespmem:$0x5C0];
	[tilespmem:v2+s24+$0x0] =	vst.idx.msk $0xffff, v1  }
0x2d3: {  	[tilespmem:v3+s25+$0x0] =	vst.idx.msk $0xffff, v1  }
0x2d4: {  	[tilespmem:v4+s26+$0x0] =	vst.idx.msk $0xffff, v1  }
0x2d5: {  	[tilespmem:v5+s28+$0x0] =	vst.idx.msk $0xffff, v1  }
0x2d6: {  	v2 =	vld [tilespmem:$0x1D0];
	_ =	sdelay $0x7  }
0x2d7: {  	v3 =	vld.idx.msk [tilespmem:v2+s18+$0x0], $0xffff;
	_ =	sdelay $0x7  }
0x2d8: {  	v4 =	vld.idx.msk [tilespmem:v3+s19+$0x0], $0xffff;
	_ =	sdelay $0x7  }
0x2d9: {  	v5 =	vld.idx.msk [tilespmem:v4+s20+$0x0], $0xffff  }
0x2da: {  	v23 =	vld.idx.msk [tilespmem:v2+s21+$0x0], $0xffff  }
0x2db: {  	v24 =	vld.idx.msk [tilespmem:v3+s22+$0x0], $0xffff  }
0x2dc: {  	v25 =	vld.idx.msk [tilespmem:v4+s23+$0x0], $0xffff;
	[tilespmem:$0x21D0] =	vst v3  }
0x2dd: {  	[tilespmem:$0x25D0] =	vst v4  }
0x2de: {  	[tilespmem:$0x29D0] =	vst v5  }
0x2df: {  	v26 =	vld [tilespmem:$0x5D0];
	[tilespmem:v2+s24+$0x0] =	vst.idx.msk $0xffff, v1  }
0x2e0: {  	[tilespmem:v3+s25+$0x0] =	vst.idx.msk $0xffff, v1  }
0x2e1: {  	[tilespmem:v4+s26+$0x0] =	vst.idx.msk $0xffff, v1  }
0x2e2: {  	[tilespmem:v5+s28+$0x0] =	vst.idx.msk $0xffff, v1  }
0x2e3: {  	v2 =	vld [tilespmem:$0x1E0];
	_ =	sdelay $0x7  }
0x2e4: {  	v3 =	vld.idx.msk [tilespmem:v2+s18+$0x0], $0xffff;
	_ =	sdelay $0x7  }
0x2e5: {  	v4 =	vld.idx.msk [tilespmem:v3+s19+$0x0], $0xffff;
	_ =	sdelay $0x7  }
0x2e6: {  	[tilespmem:$0x1F850] =	vst v28;
	v5 =	vld.idx.msk [tilespmem:v4+s20+$0x0], $0xffff  }
0x2e7: {  	[tilespmem:$0x1F8B0] =	vst v29;
	v27 =	vld.idx.msk [tilespmem:v2+s21+$0x0], $0xffff  }
0x2e8: {  	[tilespmem:$0x1F8C0] =	vst v30;
	v28 =	vld.idx.msk [tilespmem:v3+s22+$0x0], $0xffff  }
0x2e9: {  	v29 =	vld.idx.msk [tilespmem:v4+s23+$0x0], $0xffff;
	[tilespmem:$0x21E0] =	vst v3  }
0x2ea: {  	[tilespmem:$0x25E0] =	vst v4  }
0x2eb: {  	[tilespmem:$0x29E0] =	vst v5  }
0x2ec: {  	v30 =	vld [tilespmem:$0x5E0];
	[tilespmem:v2+s24+$0x0] =	vst.idx.msk $0xffff, v1  }
0x2ed: {  	[tilespmem:v3+s25+$0x0] =	vst.idx.msk $0xffff, v1  }
0x2ee: {  	[tilespmem:v4+s26+$0x0] =	vst.idx.msk $0xffff, v1  }
0x2ef: {  	[tilespmem:v5+s28+$0x0] =	vst.idx.msk $0xffff, v1  }
0x2f0: {  	v2 =	vld [tilespmem:$0x1F0];
	_ =	sdelay $0x7  }
0x2f1: {  	v3 =	vld.idx.msk [tilespmem:v2+s18+$0x0], $0xffff;
	_ =	sdelay $0x7  }
0x2f2: {  	v4 =	vld.idx.msk [tilespmem:v3+s19+$0x0], $0xffff;
	_ =	sdelay $0x6  }
0x2f3: {  	[tilespmem:$0x1F890] =	vst v32  }
0x2f4: {  	[tilespmem:$0x1F8E0] =	vst v31;
	v5 =	vld.idx.msk [tilespmem:v4+s20+$0x0], $0xffff  }
0x2f5: {  	[tilespmem:$0x1F8F0] =	vst v33;
	v31 =	vld.idx.msk [tilespmem:v2+s21+$0x0], $0xffff  }
0x2f6: {  	[tilespmem:$0x1F900] =	vst v34;
	v32 =	vld.idx.msk [tilespmem:v3+s22+$0x0], $0xffff  }
0x2f7: {  	v33 =	vld.idx.msk [tilespmem:v4+s23+$0x0], $0xffff;
	[tilespmem:$0x21F0] =	vst v3  }
0x2f8: {  	[tilespmem:$0x25F0] =	vst v4  }
0x2f9: {  	[tilespmem:$0x29F0] =	vst v5  }
0x2fa: {  	v34 =	vld [tilespmem:$0x5F0];
	[tilespmem:v2+s24+$0x0] =	vst.idx.msk $0xffff, v1  }
0x2fb: {  	[tilespmem:v3+s25+$0x0] =	vst.idx.msk $0xffff, v1  }
0x2fc: {  	[tilespmem:v4+s26+$0x0] =	vst.idx.msk $0xffff, v1  }
0x2fd: {  	[tilespmem:v5+s28+$0x0] =	vst.idx.msk $0xffff, v1  }
0x2fe: {  	v2 =	vld [tilespmem:$0x200];
	_ =	sdelay $0x7  }
0x2ff: {  	v3 =	vld.idx.msk [tilespmem:v2+s18+$0x0], $0xffff;
	_ =	sdelay $0x7  }
0x300: {  	v4 =	vld.idx.msk [tilespmem:v3+s19+$0x0], $0xffff;
	_ =	sdelay $0x6  }
0x301: {  	[tilespmem:$0x1F8D0] =	vst v36  }
0x302: {  	[tilespmem:$0x1F920] =	vst v35;
	v35 =	vld.idx.msk [tilespmem:v4+s20+$0x0], $0xffff  }
0x303: {  	[tilespmem:$0x1F930] =	vst v37;
	v36 =	vld.idx.msk [tilespmem:v2+s21+$0x0], $0xffff  }
0x304: {  	[tilespmem:$0x1F940] =	vst v38;
	v37 =	vld.idx.msk [tilespmem:v3+s22+$0x0], $0xffff  }
0x305: {  	v38 =	vld.idx.msk [tilespmem:v4+s23+$0x0], $0xffff;
	[tilespmem:$0x2200] =	vst v3  }
0x306: {  	[tilespmem:$0x2600] =	vst v4  }
0x307: {  	[tilespmem:$0x2A00] =	vst v35  }
0x308: {  	v5 =	vld [tilespmem:$0x600];
	[tilespmem:v2+s24+$0x0] =	vst.idx.msk $0xffff, v1  }
0x309: {  	[tilespmem:v3+s25+$0x0] =	vst.idx.msk $0xffff, v1  }
0x30a: {  	[tilespmem:v4+s26+$0x0] =	vst.idx.msk $0xffff, v1  }
0x30b: {  	[tilespmem:v35+s28+$0x0] =	vst.idx.msk $0xffff, v1  }
0x30c: {  	v2 =	vld [tilespmem:$0x210];
	_ =	sdelay $0x7  }
0x30d: {  	v3 =	vld.idx.msk [tilespmem:v2+s18+$0x0], $0xffff;
	_ =	sdelay $0x7  }
0x30e: {  	v4 =	vld.idx.msk [tilespmem:v3+s19+$0x0], $0xffff;
	_ =	sdelay $0x5  }
0x30f: {  	[tilespmem:$0x1F910] =	vst v40  }
0x310: {  	[tilespmem:$0x1F960] =	vst v39  }
0x311: {  	[tilespmem:$0x1FB90] =	vst v5;
	v5 =	vld.idx.msk [tilespmem:v4+s20+$0x0], $0xffff  }
0x312: {  	[tilespmem:$0x1F970] =	vst v41;
	v39 =	vld.idx.msk [tilespmem:v2+s21+$0x0], $0xffff  }
0x313: {  	[tilespmem:$0x1F980] =	vst v42;
	v40 =	vld.idx.msk [tilespmem:v3+s22+$0x0], $0xffff  }
0x314: {  	v41 =	vld.idx.msk [tilespmem:v4+s23+$0x0], $0xffff;
	[tilespmem:$0x2210] =	vst v3  }
0x315: {  	[tilespmem:$0x2610] =	vst v4  }
0x316: {  	[tilespmem:$0x2A10] =	vst v5  }
0x317: {  	v42 =	vld [tilespmem:$0x610];
	[tilespmem:v2+s24+$0x0] =	vst.idx.msk $0xffff, v1  }
0x318: {  	[tilespmem:v3+s25+$0x0] =	vst.idx.msk $0xffff, v1  }
0x319: {  	[tilespmem:v4+s26+$0x0] =	vst.idx.msk $0xffff, v1  }
0x31a: {  	[tilespmem:v5+s28+$0x0] =	vst.idx.msk $0xffff, v1  }
0x31b: {  	v2 =	vld [tilespmem:$0x220];
	_ =	sdelay $0x7  }
0x31c: {  	v3 =	vld.idx.msk [tilespmem:v2+s18+$0x0], $0xffff;
	_ =	sdelay $0x7  }
0x31d: {  	v4 =	vld.idx.msk [tilespmem:v3+s19+$0x0], $0xffff;
	_ =	sdelay $0x6  }
0x31e: {  	[tilespmem:$0x1F950] =	vst v44  }
0x31f: {  	[tilespmem:$0x1F9A0] =	vst v43;
	v5 =	vld.idx.msk [tilespmem:v4+s20+$0x0], $0xffff  }
0x320: {  	[tilespmem:$0x1F9B0] =	vst v45;
	v43 =	vld.idx.msk [tilespmem:v2+s21+$0x0], $0xffff  }
0x321: {  	[tilespmem:$0x1F9C0] =	vst v46;
	v44 =	vld.idx.msk [tilespmem:v3+s22+$0x0], $0xffff  }
0x322: {  	v45 =	vld.idx.msk [tilespmem:v4+s23+$0x0], $0xffff;
	[tilespmem:$0x2220] =	vst v3  }
0x323: {  	[tilespmem:$0x2620] =	vst v4  }
0x324: {  	[tilespmem:$0x2A20] =	vst v5  }
0x325: {  	v46 =	vld [tilespmem:$0x620];
	[tilespmem:v2+s24+$0x0] =	vst.idx.msk $0xffff, v1  }
0x326: {  	[tilespmem:v3+s25+$0x0] =	vst.idx.msk $0xffff, v1  }
0x327: {  	[tilespmem:v4+s26+$0x0] =	vst.idx.msk $0xffff, v1  }
0x328: {  	[tilespmem:v5+s28+$0x0] =	vst.idx.msk $0xffff, v1  }
0x329: {  	v2 =	vld [tilespmem:$0x230];
	_ =	sdelay $0x7  }
0x32a: {  	v3 =	vld.idx.msk [tilespmem:v2+s18+$0x0], $0xffff;
	_ =	sdelay $0x7  }
0x32b: {  	v4 =	vld.idx.msk [tilespmem:v3+s19+$0x0], $0xffff;
	_ =	sdelay $0x6  }
0x32c: {  	[tilespmem:$0x1F990] =	vst v48  }
0x32d: {  	[tilespmem:$0x1F9E0] =	vst v47;
	v5 =	vld.idx.msk [tilespmem:v4+s20+$0x0], $0xffff  }
0x32e: {  	[tilespmem:$0x1F9F0] =	vst v49;
	v47 =	vld.idx.msk [tilespmem:v2+s21+$0x0], $0xffff  }
0x32f: {  	[tilespmem:$0x1FA00] =	vst v50;
	v48 =	vld.idx.msk [tilespmem:v3+s22+$0x0], $0xffff  }
0x330: {  	v49 =	vld.idx.msk [tilespmem:v4+s23+$0x0], $0xffff;
	[tilespmem:$0x2230] =	vst v3  }
0x331: {  	[tilespmem:$0x2630] =	vst v4  }
0x332: {  	[tilespmem:$0x2A30] =	vst v5  }
0x333: {  	v50 =	vld [tilespmem:$0x630];
	[tilespmem:v2+s24+$0x0] =	vst.idx.msk $0xffff, v1  }
0x334: {  	[tilespmem:v3+s25+$0x0] =	vst.idx.msk $0xffff, v1  }
0x335: {  	[tilespmem:v4+s26+$0x0] =	vst.idx.msk $0xffff, v1  }
0x336: {  	[tilespmem:v5+s28+$0x0] =	vst.idx.msk $0xffff, v1  }
0x337: {  	v2 =	vld [tilespmem:$0x240];
	_ =	sdelay $0x7  }
0x338: {  	v3 =	vld.idx.msk [tilespmem:v2+s18+$0x0], $0xffff;
	_ =	sdelay $0x7  }
0x339: {  	v4 =	vld.idx.msk [tilespmem:v3+s19+$0x0], $0xffff;
	_ =	sdelay $0x6  }
0x33a: {  	[tilespmem:$0x1F9D0] =	vst v52  }
0x33b: {  	[tilespmem:$0x1FA20] =	vst v51;
	v5 =	vld.idx.msk [tilespmem:v4+s20+$0x0], $0xffff  }
0x33c: {  	[tilespmem:$0x1FA30] =	vst v53;
	v51 =	vld.idx.msk [tilespmem:v2+s21+$0x0], $0xffff  }
0x33d: {  	[tilespmem:$0x1FA40] =	vst v54;
	v52 =	vld.idx.msk [tilespmem:v3+s22+$0x0], $0xffff  }
0x33e: {  	v53 =	vld.idx.msk [tilespmem:v4+s23+$0x0], $0xffff;
	[tilespmem:$0x2240] =	vst v3  }
0x33f: {  	[tilespmem:$0x2640] =	vst v4  }
0x340: {  	[tilespmem:$0x2A40] =	vst v5  }
0x341: {  	v54 =	vld [tilespmem:$0x640];
	[tilespmem:v2+s24+$0x0] =	vst.idx.msk $0xffff, v1  }
0x342: {  	[tilespmem:v3+s25+$0x0] =	vst.idx.msk $0xffff, v1  }
0x343: {  	[tilespmem:v4+s26+$0x0] =	vst.idx.msk $0xffff, v1  }
0x344: {  	[tilespmem:v5+s28+$0x0] =	vst.idx.msk $0xffff, v1  }
0x345: {  	v2 =	vld [tilespmem:$0x250];
	_ =	sdelay $0x7  }
0x346: {  	v3 =	vld.idx.msk [tilespmem:v2+s18+$0x0], $0xffff;
	_ =	sdelay $0x7  }
0x347: {  	v4 =	vld.idx.msk [tilespmem:v3+s19+$0x0], $0xffff;
	_ =	sdelay $0x6  }
0x348: {  	[tilespmem:$0x1FA10] =	vst v56  }
0x349: {  	[tilespmem:$0x1FA60] =	vst v55;
	v5 =	vld.idx.msk [tilespmem:v4+s20+$0x0], $0xffff  }
0x34a: {  	[tilespmem:$0x1FA70] =	vst v57;
	v55 =	vld.idx.msk [tilespmem:v2+s21+$0x0], $0xffff  }
0x34b: {  	[tilespmem:$0x1FA80] =	vst v58;
	v56 =	vld.idx.msk [tilespmem:v3+s22+$0x0], $0xffff  }
0x34c: {  	v57 =	vld.idx.msk [tilespmem:v4+s23+$0x0], $0xffff;
	[tilespmem:$0x2250] =	vst v3  }
0x34d: {  	[tilespmem:$0x2650] =	vst v4  }
0x34e: {  	[tilespmem:$0x2A50] =	vst v5  }
0x34f: {  	v58 =	vld [tilespmem:$0x650];
	[tilespmem:v2+s24+$0x0] =	vst.idx.msk $0xffff, v1  }
0x350: {  	[tilespmem:v3+s25+$0x0] =	vst.idx.msk $0xffff, v1  }
0x351: {  	[tilespmem:v4+s26+$0x0] =	vst.idx.msk $0xffff, v1  }
0x352: {  	[tilespmem:v5+s28+$0x0] =	vst.idx.msk $0xffff, v1  }
0x353: {  	v2 =	vld [tilespmem:$0x260];
	_ =	sdelay $0x7  }
0x354: {  	v3 =	vld.idx.msk [tilespmem:v2+s18+$0x0], $0xffff;
	_ =	sdelay $0x7  }
0x355: {  	v4 =	vld.idx.msk [tilespmem:v3+s19+$0x0], $0xffff;
	_ =	sdelay $0x6  }
0x356: {  	[tilespmem:$0x1FA50] =	vst v60  }
0x357: {  	[tilespmem:$0x1FAA0] =	vst v59;
	v5 =	vld.idx.msk [tilespmem:v4+s20+$0x0], $0xffff  }
0x358: {  	[tilespmem:$0x1FAB0] =	vst v61;
	v59 =	vld.idx.msk [tilespmem:v2+s21+$0x0], $0xffff  }
0x359: {  	[tilespmem:$0x1FAC0] =	vst v62;
	v60 =	vld.idx.msk [tilespmem:v3+s22+$0x0], $0xffff  }
0x35a: {  	v61 =	vld.idx.msk [tilespmem:v4+s23+$0x0], $0xffff;
	[tilespmem:$0x2260] =	vst v3  }
0x35b: {  	[tilespmem:$0x2660] =	vst v4  }
0x35c: {  	[tilespmem:$0x2A60] =	vst v5  }
0x35d: {  	v62 =	vld [tilespmem:$0x660];
	[tilespmem:v2+s24+$0x0] =	vst.idx.msk $0xffff, v1  }
0x35e: {  	[tilespmem:v3+s25+$0x0] =	vst.idx.msk $0xffff, v1  }
0x35f: {  	[tilespmem:v4+s26+$0x0] =	vst.idx.msk $0xffff, v1  }
0x360: {  	[tilespmem:v5+s28+$0x0] =	vst.idx.msk $0xffff, v1  }
0x361: {  	v2 =	vld [tilespmem:$0x270];
	_ =	sdelay $0x7  }
0x362: {  	v3 =	vld.idx.msk [tilespmem:v2+s18+$0x0], $0xffff;
	_ =	sdelay $0x7  }
0x363: {  	v4 =	vld.idx.msk [tilespmem:v3+s19+$0x0], $0xffff;
	_ =	sdelay $0x6  }
0x364: {  	[tilespmem:$0x1FA90] =	vst v22  }
0x365: {  	[tilespmem:$0x1FAE0] =	vst v63;
	v5 =	vld.idx.msk [tilespmem:v4+s20+$0x0], $0xffff  }
0x366: {  	[tilespmem:$0x1FAF0] =	vst v23;
	v63 =	vld.idx.msk [tilespmem:v2+s21+$0x0], $0xffff  }
0x367: {  	[tilespmem:$0x1FB00] =	vst v24;
	v22 =	vld.idx.msk [tilespmem:v3+s22+$0x0], $0xffff  }
0x368: {  	v23 =	vld.idx.msk [tilespmem:v4+s23+$0x0], $0xffff;
	[tilespmem:$0x2270] =	vst v3  }
0x369: {  	[tilespmem:$0x2670] =	vst v4  }
0x36a: {  	[tilespmem:$0x2A70] =	vst v5  }
0x36b: {  	v24 =	vld [tilespmem:$0x670];
	[tilespmem:v2+s24+$0x0] =	vst.idx.msk $0xffff, v1  }
0x36c: {  	[tilespmem:v3+s25+$0x0] =	vst.idx.msk $0xffff, v1  }
0x36d: {  	[tilespmem:v4+s26+$0x0] =	vst.idx.msk $0xffff, v1  }
0x36e: {  	[tilespmem:v5+s28+$0x0] =	vst.idx.msk $0xffff, v1  }
0x36f: {  	v2 =	vld [tilespmem:$0x280];
	_ =	sdelay $0x7  }
0x370: {  	v3 =	vld.idx.msk [tilespmem:v2+s18+$0x0], $0xffff;
	_ =	sdelay $0x7  }
0x371: {  	v4 =	vld.idx.msk [tilespmem:v3+s19+$0x0], $0xffff;
	_ =	sdelay $0x6  }
0x372: {  	[tilespmem:$0x1FAD0] =	vst v26  }
0x373: {  	[tilespmem:$0x1FB20] =	vst v25;
	v5 =	vld.idx.msk [tilespmem:v4+s20+$0x0], $0xffff  }
0x374: {  	[tilespmem:$0x1FB30] =	vst v27;
	v25 =	vld.idx.msk [tilespmem:v2+s21+$0x0], $0xffff  }
0x375: {  	[tilespmem:$0x1FB40] =	vst v28;
	v26 =	vld.idx.msk [tilespmem:v3+s22+$0x0], $0xffff  }
0x376: {  	v27 =	vld.idx.msk [tilespmem:v4+s23+$0x0], $0xffff;
	[tilespmem:$0x2280] =	vst v3  }
0x377: {  	[tilespmem:$0x2680] =	vst v4  }
0x378: {  	[tilespmem:$0x2A80] =	vst v5  }
0x379: {  	v28 =	vld [tilespmem:$0x680];
	[tilespmem:v2+s24+$0x0] =	vst.idx.msk $0xffff, v1  }
0x37a: {  	[tilespmem:v3+s25+$0x0] =	vst.idx.msk $0xffff, v1  }
0x37b: {  	[tilespmem:v4+s26+$0x0] =	vst.idx.msk $0xffff, v1  }
0x37c: {  	[tilespmem:v5+s28+$0x0] =	vst.idx.msk $0xffff, v1  }
0x37d: {  	v2 =	vld [tilespmem:$0x290];
	_ =	sdelay $0x7  }
0x37e: {  	v3 =	vld.idx.msk [tilespmem:v2+s18+$0x0], $0xffff;
	_ =	sdelay $0x7  }
0x37f: {  	v4 =	vld.idx.msk [tilespmem:v3+s19+$0x0], $0xffff;
	_ =	sdelay $0x6  }
0x380: {  	[tilespmem:$0x1FB10] =	vst v30  }
0x381: {  	[tilespmem:$0x1FB60] =	vst v29;
	v5 =	vld.idx.msk [tilespmem:v4+s20+$0x0], $0xffff  }
0x382: {  	[tilespmem:$0x1FB70] =	vst v31;
	v29 =	vld.idx.msk [tilespmem:v2+s21+$0x0], $0xffff  }
0x383: {  	[tilespmem:$0x1FB80] =	vst v32;
	v30 =	vld.idx.msk [tilespmem:v3+s22+$0x0], $0xffff  }
0x384: {  	v31 =	vld.idx.msk [tilespmem:v4+s23+$0x0], $0xffff;
	[tilespmem:$0x2290] =	vst v3  }
0x385: {  	[tilespmem:$0x2690] =	vst v4  }
0x386: {  	[tilespmem:$0x2A90] =	vst v5  }
0x387: {  	v32 =	vld [tilespmem:$0x690];
	[tilespmem:v2+s24+$0x0] =	vst.idx.msk $0xffff, v1  }
0x388: {  	[tilespmem:v3+s25+$0x0] =	vst.idx.msk $0xffff, v1  }
0x389: {  	[tilespmem:v4+s26+$0x0] =	vst.idx.msk $0xffff, v1  }
0x38a: {  	[tilespmem:v5+s28+$0x0] =	vst.idx.msk $0xffff, v1  }
0x38b: {  	v2 =	vld [tilespmem:$0x2A0];
	_ =	sdelay $0x7  }
0x38c: {  	v3 =	vld.idx.msk [tilespmem:v2+s18+$0x0], $0xffff;
	_ =	sdelay $0x7  }
0x38d: {  	v4 =	vld.idx.msk [tilespmem:v3+s19+$0x0], $0xffff;
	_ =	sdelay $0x7  }
0x38e: {  	[tilespmem:$0x1FB50] =	vst v34;
	v5 =	vld.idx.msk [tilespmem:v4+s20+$0x0], $0xffff  }
0x38f: {  	[tilespmem:$0x1FBA0] =	vst v33;
	v33 =	vld.idx.msk [tilespmem:v2+s21+$0x0], $0xffff  }
0x390: {  	[tilespmem:$0x1FBB0] =	vst v36;
	v34 =	vld.idx.msk [tilespmem:v3+s22+$0x0], $0xffff  }
0x391: {  	v35 =	vld.idx.msk [tilespmem:v4+s23+$0x0], $0xffff;
	[tilespmem:$0x22A0] =	vst v3  }
0x392: {  	[tilespmem:$0x26A0] =	vst v4  }
0x393: {  	[tilespmem:$0x2AA0] =	vst v5  }
0x394: {  	v36 =	vld [tilespmem:$0x6A0];
	[tilespmem:v2+s24+$0x0] =	vst.idx.msk $0xffff, v1  }
0x395: {  	[tilespmem:v3+s25+$0x0] =	vst.idx.msk $0xffff, v1  }
0x396: {  	[tilespmem:v4+s26+$0x0] =	vst.idx.msk $0xffff, v1  }
0x397: {  	[tilespmem:v5+s28+$0x0] =	vst.idx.msk $0xffff, v1  }
0x398: {  	v2 =	vld [tilespmem:$0x2B0];
	_ =	sdelay $0x7  }
0x399: {  	v3 =	vld.idx.msk [tilespmem:v2+s18+$0x0], $0xffff;
	_ =	sdelay $0x7  }
0x39a: {  	v4 =	vld.idx.msk [tilespmem:v3+s19+$0x0], $0xffff;
	_ =	sdelay $0x6  }
0x39b: {  	[tilespmem:$0x1FBC0] =	vst v37  }
0x39c: {  	[tilespmem:$0x1FBE0] =	vst v38;
	v5 =	vld.idx.msk [tilespmem:v4+s20+$0x0], $0xffff  }
0x39d: {  	[tilespmem:$0x1FBF0] =	vst v39;
	v37 =	vld.idx.msk [tilespmem:v2+s21+$0x0], $0xffff  }
0x39e: {  	[tilespmem:$0x1FD70] =	vst v63;
	v63 =	vld.idx.msk [tilespmem:v3+s22+$0x0], $0xffff  }
0x39f: {  	v38 =	vld.idx.msk [tilespmem:v4+s23+$0x0], $0xffff;
	[tilespmem:$0x22B0] =	vst v3  }
0x3a0: {  	[tilespmem:$0x26B0] =	vst v4  }
0x3a1: {  	[tilespmem:$0x2AB0] =	vst v5  }
0x3a2: {  	v39 =	vld [tilespmem:$0x6B0];
	[tilespmem:v2+s24+$0x0] =	vst.idx.msk $0xffff, v1  }
0x3a3: {  	[tilespmem:v3+s25+$0x0] =	vst.idx.msk $0xffff, v1  }
0x3a4: {  	[tilespmem:v4+s26+$0x0] =	vst.idx.msk $0xffff, v1  }
0x3a5: {  	[tilespmem:v5+s28+$0x0] =	vst.idx.msk $0xffff, v1  }
0x3a6: {  	v2 =	vld [tilespmem:$0x2C0];
	_ =	sdelay $0x4  }
0x3a7: {  	[tilespmem:$0x1F8A0] =	vst v8  }
0x3a8: {  	[tilespmem:$0x1FBD0] =	vst v42  }
0x3a9: {  	[tilespmem:$0x1FC00] =	vst v40  }
0x3aa: {  	[tilespmem:$0x1FC20] =	vst v41;
	v3 =	vld.idx.msk [tilespmem:v2+s18+$0x0], $0xffff  }
0x3ab: {  	[tilespmem:$0x1FC10] =	vst v46  }
0x3ac: {  	[tilespmem:$0x1FC30] =	vst v43  }
0x3ad: {  	[tilespmem:$0x1FC40] =	vst v44  }
0x3ae: {  	[tilespmem:$0x1FC60] =	vst v45  }
0x3af: {  	[tilespmem:$0x1FC50] =	vst v50  }
0x3b0: {  	[tilespmem:$0x1FC70] =	vst v47  }
0x3b1: {  	[tilespmem:$0x1FC80] =	vst v48  }
0x3b2: {  	[tilespmem:$0x1FCA0] =	vst v49;
	v4 =	vld.idx.msk [tilespmem:v3+s19+$0x0], $0xffff  }
0x3b3: {  	[tilespmem:$0x1FC90] =	vst v54  }
0x3b4: {  	[tilespmem:$0x1FCB0] =	vst v51  }
0x3b5: {  	[tilespmem:$0x1FCC0] =	vst v52  }
0x3b6: {  	[tilespmem:$0x1FCE0] =	vst v53  }
0x3b7: {  	[tilespmem:$0x1FCD0] =	vst v58  }
0x3b8: {  	[tilespmem:$0x1FCF0] =	vst v55  }
0x3b9: {  	[tilespmem:$0x1FD00] =	vst v56  }
0x3ba: {  	[tilespmem:$0x1FD20] =	vst v57;
	v5 =	vld.idx.msk [tilespmem:v4+s20+$0x0], $0xffff  }
0x3bb: {  	[tilespmem:$0x1FD10] =	vst v62;
	v40 =	vld.idx.msk [tilespmem:v2+s21+$0x0], $0xffff  }
0x3bc: {  	[tilespmem:$0x1FD30] =	vst v59;
	v41 =	vld.idx.msk [tilespmem:v3+s22+$0x0], $0xffff  }
0x3bd: {  	v42 =	vld.idx.msk [tilespmem:v4+s23+$0x0], $0xffff;
	[tilespmem:$0x22C0] =	vst v3  }
0x3be: {  	[tilespmem:$0x26C0] =	vst v4  }
0x3bf: {  	[tilespmem:$0x2AC0] =	vst v5  }
0x3c0: {  	v43 =	vld [tilespmem:$0x6C0];
	[tilespmem:v2+s24+$0x0] =	vst.idx.msk $0xffff, v1  }
0x3c1: {  	[tilespmem:v3+s25+$0x0] =	vst.idx.msk $0xffff, v1  }
0x3c2: {  	[tilespmem:v4+s26+$0x0] =	vst.idx.msk $0xffff, v1  }
0x3c3: {  	[tilespmem:v5+s28+$0x0] =	vst.idx.msk $0xffff, v1  }
0x3c4: {  	[tilespmem:$0x1FD40] =	vst v60;
	v2 =	vld [tilespmem:$0x2D0]  }
0x3c5: {  	[tilespmem:$0x1FD60] =	vst v61  }
0x3c6: {  	[tilespmem:$0x1FD50] =	vst v24  }
0x3c7: {  	[tilespmem:$0x1FD80] =	vst v22  }
0x3c8: {  	[tilespmem:$0x1FDA0] =	vst v23  }
0x3c9: {  	[tilespmem:$0x1FD90] =	vst v28  }
0x3ca: {  	[tilespmem:$0x1FDB0] =	vst v25  }
0x3cb: {  	[tilespmem:$0x1FDC0] =	vst v26  }
0x3cc: {  	[tilespmem:$0x1FDE0] =	vst v27;
	v3 =	vld.idx.msk [tilespmem:v2+s18+$0x0], $0xffff  }
0x3cd: {  	[tilespmem:$0x1FDD0] =	vst v32  }
0x3ce: {  	[tilespmem:$0x1FDF0] =	vst v29  }
0x3cf: {  	[tilespmem:$0x1FE00] =	vst v30  }
0x3d0: {  	[tilespmem:$0x1FE20] =	vst v31  }
0x3d1: {  	[tilespmem:$0x1FE10] =	vst v36  }
0x3d2: {  	[tilespmem:$0x1FE30] =	vst v33  }
0x3d3: {  	[tilespmem:$0x1FE40] =	vst v34  }
0x3d4: {  	[tilespmem:$0x1FE60] =	vst v35;
	v4 =	vld.idx.msk [tilespmem:v3+s19+$0x0], $0xffff  }
0x3d5: {  	[tilespmem:$0x1FE50] =	vst v39  }
0x3d6: {  	[tilespmem:$0x1FE70] =	vst v37  }
0x3d7: {  	[tilespmem:$0x1FE90] =	vst v38;
	v47 =	vld [tilespmem:$0x6D0]  }
0x3d8: {  	[tilespmem:$0x1FE80] =	vst v43;
	v44 =	vld.idx.msk [tilespmem:v2+s21+$0x0], $0xffff  }
0x3d9: {  	[tilespmem:$0x1FEA0] =	vst v40;
	v45 =	vld.idx.msk [tilespmem:v3+s22+$0x0], $0xffff  }
0x3da: {  	[tilespmem:$0x1FEB0] =	vst v41  }
0x3db: {  	[tilespmem:$0x1FED0] =	vst v42  }
0x3dc: {  	[tilespmem:$0x1FEC0] =	vst v47;
	v46 =	vld.idx.msk [tilespmem:v4+s23+$0x0], $0xffff  }
0x3dd: {  	[tilespmem:$0x1FEE0] =	vst v44;
	v5 =	vld.idx.msk [tilespmem:v4+s20+$0x0], $0xffff  }
0x3de: {  	[tilespmem:$0x1FEF0] =	vst v45  }
0x3df: {  	[tilespmem:$0x22D0] =	vst v3  }
0x3e0: {  	[tilespmem:$0x26D0] =	vst v4  }
0x3e1: {  	[tilespmem:$0x1FF10] =	vst v46  }
0x3e2: {  	[tilespmem:$0x2AD0] =	vst v5  }
0x3e3: {  	[tilespmem:v2+s24+$0x0] =	vst.idx.msk $0xffff, v1  }
0x3e4: {  	[tilespmem:v3+s25+$0x0] =	vst.idx.msk $0xffff, v1  }
0x3e5: {  	[tilespmem:v4+s26+$0x0] =	vst.idx.msk $0xffff, v1  }
0x3e6: {  	[tilespmem:v5+s28+$0x0] =	vst.idx.msk $0xffff, v1  }
0x3e7: {  	v2 =	vld [tilespmem:$0x2E0];
	_ =	sdelay $0x7  }
0x3e8: {  	v3 =	vld.idx.msk [tilespmem:v2+s18+$0x0], $0xffff;
	_ =	sdelay $0x7  }
0x3e9: {  	v4 =	vld.idx.msk [tilespmem:v3+s19+$0x0], $0xffff;
	_ =	sdelay $0x7  }
0x3ea: {  	v5 =	vld.idx.msk [tilespmem:v4+s20+$0x0], $0xffff  }
0x3eb: {  	v48 =	vld.idx.msk [tilespmem:v2+s21+$0x0], $0xffff  }
0x3ec: {  	v49 =	vld.idx.msk [tilespmem:v3+s22+$0x0], $0xffff  }
0x3ed: {  	v50 =	vld.idx.msk [tilespmem:v4+s23+$0x0], $0xffff;
	[tilespmem:$0x22E0] =	vst v3  }
0x3ee: {  	[tilespmem:$0x26E0] =	vst v4  }
0x3ef: {  	[tilespmem:$0x2AE0] =	vst v5  }
0x3f0: {  	v51 =	vld [tilespmem:$0x6E0];
	[tilespmem:v2+s24+$0x0] =	vst.idx.msk $0xffff, v1  }
0x3f1: {  	[tilespmem:v3+s25+$0x0] =	vst.idx.msk $0xffff, v1  }
0x3f2: {  	[tilespmem:v4+s26+$0x0] =	vst.idx.msk $0xffff, v1  }
0x3f3: {  	[tilespmem:v5+s28+$0x0] =	vst.idx.msk $0xffff, v1  }
0x3f4: {  	v2 =	vld [tilespmem:$0x2F0];
	_ =	sdelay $0x7  }
0x3f5: {  	v3 =	vld.idx.msk [tilespmem:v2+s18+$0x0], $0xffff;
	_ =	sdelay $0x7  }
0x3f6: {  	v4 =	vld.idx.msk [tilespmem:v3+s19+$0x0], $0xffff;
	_ =	sdelay $0x7  }
0x3f7: {  	v5 =	vld.idx.msk [tilespmem:v4+s20+$0x0], $0xffff  }
0x3f8: {  	v52 =	vld.idx.msk [tilespmem:v2+s21+$0x0], $0xffff  }
0x3f9: {  	v53 =	vld.idx.msk [tilespmem:v3+s22+$0x0], $0xffff  }
0x3fa: {  	v54 =	vld.idx.msk [tilespmem:v4+s23+$0x0], $0xffff;
	[tilespmem:$0x22F0] =	vst v3  }
0x3fb: {  	[tilespmem:$0x26F0] =	vst v4  }
0x3fc: {  	[tilespmem:$0x2AF0] =	vst v5  }
0x3fd: {  	v55 =	vld [tilespmem:$0x6F0];
	[tilespmem:v2+s24+$0x0] =	vst.idx.msk $0xffff, v1  }
0x3fe: {  	[tilespmem:v3+s25+$0x0] =	vst.idx.msk $0xffff, v1  }
0x3ff: {  	[tilespmem:v4+s26+$0x0] =	vst.idx.msk $0xffff, v1  }
0x400: {  	[tilespmem:v5+s28+$0x0] =	vst.idx.msk $0xffff, v1  }
0x401: {  	v2 =	vld [tilespmem:$0x300];
	_ =	sdelay $0x7  }
0x402: {  	v3 =	vld.idx.msk [tilespmem:v2+s18+$0x0], $0xffff;
	_ =	sdelay $0x7  }
0x403: {  	v4 =	vld.idx.msk [tilespmem:v3+s19+$0x0], $0xffff;
	_ =	sdelay $0x7  }
0x404: {  	v5 =	vld.idx.msk [tilespmem:v4+s20+$0x0], $0xffff  }
0x405: {  	v56 =	vld.idx.msk [tilespmem:v2+s21+$0x0], $0xffff  }
0x406: {  	v57 =	vld.idx.msk [tilespmem:v3+s22+$0x0], $0xffff  }
0x407: {  	v58 =	vld.idx.msk [tilespmem:v4+s23+$0x0], $0xffff;
	[tilespmem:$0x2300] =	vst v3  }
0x408: {  	[tilespmem:$0x2700] =	vst v4  }
0x409: {  	[tilespmem:$0x2B00] =	vst v5  }
0x40a: {  	v59 =	vld [tilespmem:$0x700];
	[tilespmem:v2+s24+$0x0] =	vst.idx.msk $0xffff, v1  }
0x40b: {  	[tilespmem:v3+s25+$0x0] =	vst.idx.msk $0xffff, v1  }
0x40c: {  	[tilespmem:v4+s26+$0x0] =	vst.idx.msk $0xffff, v1  }
0x40d: {  	[tilespmem:v5+s28+$0x0] =	vst.idx.msk $0xffff, v1  }
0x40e: {  	v2 =	vld [tilespmem:$0x310];
	_ =	sdelay $0x7  }
0x40f: {  	v3 =	vld.idx.msk [tilespmem:v2+s18+$0x0], $0xffff;
	_ =	sdelay $0x7  }
0x410: {  	v4 =	vld.idx.msk [tilespmem:v3+s19+$0x0], $0xffff;
	_ =	sdelay $0x7  }
0x411: {  	v62 =	vld.idx.msk [tilespmem:v4+s23+$0x0], $0xffff  }
0x412: {  	v5 =	vld.idx.msk [tilespmem:v4+s20+$0x0], $0xffff  }
0x413: {  	v60 =	vld.idx.msk [tilespmem:v2+s21+$0x0], $0xffff  }
0x414: {  	v61 =	vld.idx.msk [tilespmem:v3+s22+$0x0], $0xffff;
	[tilespmem:$0x2310] =	vst v3  }
0x415: {  	[tilespmem:$0x2710] =	vst v4  }
0x416: {  	[tilespmem:$0x1FFF0] =	vst v62  }
0x417: {  	[tilespmem:$0x2B10] =	vst v5  }
0x418: {  	v62 =	vld [tilespmem:$0x710];
	[tilespmem:v2+s24+$0x0] =	vst.idx.msk $0xffff, v1  }
0x419: {  	[tilespmem:v3+s25+$0x0] =	vst.idx.msk $0xffff, v1  }
0x41a: {  	[tilespmem:v4+s26+$0x0] =	vst.idx.msk $0xffff, v1  }
0x41b: {  	[tilespmem:v5+s28+$0x0] =	vst.idx.msk $0xffff, v1  }
0x41c: {  	v2 =	vld [tilespmem:$0x320];
	_ =	sdelay $0x7  }
0x41d: {  	v3 =	vld.idx.msk [tilespmem:v2+s18+$0x0], $0xffff;
	_ =	sdelay $0x7  }
0x41e: {  	v4 =	vld.idx.msk [tilespmem:v3+s19+$0x0], $0xffff;
	_ =	sdelay $0x6  }
0x41f: {  	[tilespmem:$0x1FF80] =	vst v59  }
0x420: {  	[tilespmem:$0x1FFC0] =	vst v58;
	v5 =	vld.idx.msk [tilespmem:v4+s20+$0x0], $0xffff  }
0x421: {  	[tilespmem:$0x1FFD0] =	vst v60;
	v59 =	vld.idx.msk [tilespmem:v2+s21+$0x0], $0xffff  }
0x422: {  	[tilespmem:$0x1FFE0] =	vst v61;
	v60 =	vld.idx.msk [tilespmem:v3+s22+$0x0], $0xffff  }
0x423: {  	v61 =	vld.idx.msk [tilespmem:v4+s23+$0x0], $0xffff;
	[tilespmem:$0x2320] =	vst v3  }
0x424: {  	[tilespmem:$0x2720] =	vst v4  }
0x425: {  	[tilespmem:$0x2B20] =	vst v5  }
0x426: {  	v58 =	vld [tilespmem:$0x720];
	[tilespmem:v2+s24+$0x0] =	vst.idx.msk $0xffff, v1  }
0x427: {  	[tilespmem:v3+s25+$0x0] =	vst.idx.msk $0xffff, v1  }
0x428: {  	[tilespmem:v4+s26+$0x0] =	vst.idx.msk $0xffff, v1  }
0x429: {  	[tilespmem:v5+s28+$0x0] =	vst.idx.msk $0xffff, v1  }
0x42a: {  	v2 =	vld [tilespmem:$0x330];
	_ =	sdelay $0x7  }
0x42b: {  	v3 =	vld.idx.msk [tilespmem:v2+s18+$0x0], $0xffff;
	_ =	sdelay $0x7  }
0x42c: {  	v4 =	vld.idx.msk [tilespmem:v3+s19+$0x0], $0xffff;
	_ =	sdelay $0x6  }
0x42d: {  	[tilespmem:$0x1FF40] =	vst v55  }
0x42e: {  	[tilespmem:$0x1FF90] =	vst v54;
	v5 =	vld.idx.msk [tilespmem:v4+s20+$0x0], $0xffff  }
0x42f: {  	[tilespmem:$0x1FFA0] =	vst v56;
	v56 =	vld.idx.msk [tilespmem:v2+s21+$0x0], $0xffff  }
0x430: {  	[tilespmem:$0x1FFB0] =	vst v57;
	v55 =	vld.idx.msk [tilespmem:v3+s22+$0x0], $0xffff  }
0x431: {  	v57 =	vld.idx.msk [tilespmem:v4+s23+$0x0], $0xffff;
	[tilespmem:$0x2330] =	vst v3  }
0x432: {  	[tilespmem:$0x2730] =	vst v4  }
0x433: {  	[tilespmem:$0x2B30] =	vst v5  }
0x434: {  	v54 =	vld [tilespmem:$0x730];
	[tilespmem:v2+s24+$0x0] =	vst.idx.msk $0xffff, v1  }
0x435: {  	[tilespmem:v3+s25+$0x0] =	vst.idx.msk $0xffff, v1  }
0x436: {  	[tilespmem:v4+s26+$0x0] =	vst.idx.msk $0xffff, v1  }
0x437: {  	[tilespmem:v5+s28+$0x0] =	vst.idx.msk $0xffff, v1  }
0x438: {  	v2 =	vld [tilespmem:$0x340];
	_ =	sdelay $0x7  }
0x439: {  	v3 =	vld.idx.msk [tilespmem:v2+s18+$0x0], $0xffff;
	_ =	sdelay $0x7  }
0x43a: {  	v4 =	vld.idx.msk [tilespmem:v3+s19+$0x0], $0xffff;
	_ =	sdelay $0x6  }
0x43b: {  	[tilespmem:$0x1FF00] =	vst v51  }
0x43c: {  	[tilespmem:$0x1FF50] =	vst v50;
	v5 =	vld.idx.msk [tilespmem:v4+s20+$0x0], $0xffff  }
0x43d: {  	[tilespmem:$0x1FF60] =	vst v52;
	v52 =	vld.idx.msk [tilespmem:v2+s21+$0x0], $0xffff  }
0x43e: {  	[tilespmem:$0x1FF70] =	vst v53;
	v51 =	vld.idx.msk [tilespmem:v3+s22+$0x0], $0xffff  }
0x43f: {  	v53 =	vld.idx.msk [tilespmem:v4+s23+$0x0], $0xffff;
	[tilespmem:$0x2340] =	vst v3  }
0x440: {  	[tilespmem:$0x2740] =	vst v4  }
0x441: {  	[tilespmem:$0x2B40] =	vst v5  }
0x442: {  	v50 =	vld [tilespmem:$0x740];
	[tilespmem:v2+s24+$0x0] =	vst.idx.msk $0xffff, v1  }
0x443: {  	[tilespmem:v3+s25+$0x0] =	vst.idx.msk $0xffff, v1  }
0x444: {  	[tilespmem:v4+s26+$0x0] =	vst.idx.msk $0xffff, v1  }
0x445: {  	[tilespmem:v5+s28+$0x0] =	vst.idx.msk $0xffff, v1  }
0x446: {  	v2 =	vld [tilespmem:$0x350];
	_ =	sdelay $0x7  }
0x447: {  	v3 =	vld.idx.msk [tilespmem:v2+s18+$0x0], $0xffff;
	_ =	sdelay $0x7  }
0x448: {  	v4 =	vld.idx.msk [tilespmem:v3+s19+$0x0], $0xffff;
	_ =	sdelay $0x7  }
0x449: {  	v5 =	vld.idx.msk [tilespmem:v4+s20+$0x0], $0xffff  }
0x44a: {  	[tilespmem:$0x1FF20] =	vst v48;
	v48 =	vld.idx.msk [tilespmem:v2+s21+$0x0], $0xffff  }
0x44b: {  	[tilespmem:$0x1FF30] =	vst v49;
	v47 =	vld.idx.msk [tilespmem:v3+s22+$0x0], $0xffff  }
0x44c: {  	v49 =	vld.idx.msk [tilespmem:v4+s23+$0x0], $0xffff;
	[tilespmem:$0x2350] =	vst v3  }
0x44d: {  	[tilespmem:$0x2750] =	vst v4  }
0x44e: {  	[tilespmem:$0x2B50] =	vst v5  }
0x44f: {  	v46 =	vld [tilespmem:$0x750];
	[tilespmem:v2+s24+$0x0] =	vst.idx.msk $0xffff, v1  }
0x450: {  	[tilespmem:v3+s25+$0x0] =	vst.idx.msk $0xffff, v1  }
0x451: {  	[tilespmem:v4+s26+$0x0] =	vst.idx.msk $0xffff, v1  }
0x452: {  	[tilespmem:v5+s28+$0x0] =	vst.idx.msk $0xffff, v1  }
0x453: {  	v2 =	vld [tilespmem:$0x360];
	_ =	sdelay $0x7  }
0x454: {  	v3 =	vld.idx.msk [tilespmem:v2+s18+$0x0], $0xffff;
	_ =	sdelay $0x7  }
0x455: {  	v4 =	vld.idx.msk [tilespmem:v3+s19+$0x0], $0xffff;
	_ =	sdelay $0x7  }
0x456: {  	v5 =	vld.idx.msk [tilespmem:v4+s20+$0x0], $0xffff  }
0x457: {  	v43 =	vld.idx.msk [tilespmem:v2+s21+$0x0], $0xffff  }
0x458: {  	v44 =	vld.idx.msk [tilespmem:v3+s22+$0x0], $0xffff  }
0x459: {  	v45 =	vld.idx.msk [tilespmem:v4+s23+$0x0], $0xffff;
	[tilespmem:$0x2360] =	vst v3  }
0x45a: {  	[tilespmem:$0x2760] =	vst v4  }
0x45b: {  	[tilespmem:$0x2B60] =	vst v5  }
0x45c: {  	v42 =	vld [tilespmem:$0x760];
	[tilespmem:v2+s24+$0x0] =	vst.idx.msk $0xffff, v1  }
0x45d: {  	[tilespmem:v3+s25+$0x0] =	vst.idx.msk $0xffff, v1  }
0x45e: {  	[tilespmem:v4+s26+$0x0] =	vst.idx.msk $0xffff, v1  }
0x45f: {  	[tilespmem:v5+s28+$0x0] =	vst.idx.msk $0xffff, v1  }
0x460: {  	v2 =	vld [tilespmem:$0x370];
	_ =	sdelay $0x7  }
0x461: {  	v3 =	vld.idx.msk [tilespmem:v2+s18+$0x0], $0xffff;
	_ =	sdelay $0x7  }
0x462: {  	v4 =	vld.idx.msk [tilespmem:v3+s19+$0x0], $0xffff;
	_ =	sdelay $0x7  }
0x463: {  	v5 =	vld.idx.msk [tilespmem:v4+s20+$0x0], $0xffff  }
0x464: {  	v40 =	vld.idx.msk [tilespmem:v2+s21+$0x0], $0xffff  }
0x465: {  	v39 =	vld.idx.msk [tilespmem:v3+s22+$0x0], $0xffff  }
0x466: {  	v41 =	vld.idx.msk [tilespmem:v4+s23+$0x0], $0xffff;
	[tilespmem:$0x2370] =	vst v3  }
0x467: {  	[tilespmem:$0x2770] =	vst v4  }
0x468: {  	[tilespmem:$0x2B70] =	vst v5  }
0x469: {  	v38 =	vld [tilespmem:$0x770];
	[tilespmem:v2+s24+$0x0] =	vst.idx.msk $0xffff, v1  }
0x46a: {  	[tilespmem:v3+s25+$0x0] =	vst.idx.msk $0xffff, v1  }
0x46b: {  	[tilespmem:v4+s26+$0x0] =	vst.idx.msk $0xffff, v1  }
0x46c: {  	[tilespmem:v5+s28+$0x0] =	vst.idx.msk $0xffff, v1  }
0x46d: {  	v2 =	vld [tilespmem:$0x380];
	_ =	sdelay $0x7  }
0x46e: {  	v3 =	vld.idx.msk [tilespmem:v2+s18+$0x0], $0xffff;
	_ =	sdelay $0x7  }
0x46f: {  	v4 =	vld.idx.msk [tilespmem:v3+s19+$0x0], $0xffff;
	_ =	sdelay $0x7  }
0x470: {  	v5 =	vld.idx.msk [tilespmem:v4+s20+$0x0], $0xffff  }
0x471: {  	v36 =	vld.idx.msk [tilespmem:v2+s21+$0x0], $0xffff  }
0x472: {  	v35 =	vld.idx.msk [tilespmem:v3+s22+$0x0], $0xffff  }
0x473: {  	v37 =	vld.idx.msk [tilespmem:v4+s23+$0x0], $0xffff;
	[tilespmem:$0x2380] =	vst v3  }
0x474: {  	[tilespmem:$0x2780] =	vst v4  }
0x475: {  	[tilespmem:$0x2B80] =	vst v5  }
0x476: {  	v34 =	vld [tilespmem:$0x780];
	[tilespmem:v2+s24+$0x0] =	vst.idx.msk $0xffff, v1  }
0x477: {  	[tilespmem:v3+s25+$0x0] =	vst.idx.msk $0xffff, v1  }
0x478: {  	[tilespmem:v4+s26+$0x0] =	vst.idx.msk $0xffff, v1  }
0x479: {  	[tilespmem:v5+s28+$0x0] =	vst.idx.msk $0xffff, v1  }
0x47a: {  	v2 =	vld [tilespmem:$0x390];
	_ =	sdelay $0x7  }
0x47b: {  	v3 =	vld.idx.msk [tilespmem:v2+s18+$0x0], $0xffff;
	_ =	sdelay $0x7  }
0x47c: {  	v4 =	vld.idx.msk [tilespmem:v3+s19+$0x0], $0xffff;
	_ =	sdelay $0x7  }
0x47d: {  	v5 =	vld.idx.msk [tilespmem:v4+s20+$0x0], $0xffff  }
0x47e: {  	v32 =	vld.idx.msk [tilespmem:v2+s21+$0x0], $0xffff  }
0x47f: {  	v31 =	vld.idx.msk [tilespmem:v3+s22+$0x0], $0xffff  }
0x480: {  	v33 =	vld.idx.msk [tilespmem:v4+s23+$0x0], $0xffff;
	[tilespmem:$0x2390] =	vst v3  }
0x481: {  	[tilespmem:$0x2790] =	vst v4  }
0x482: {  	[tilespmem:$0x2B90] =	vst v5  }
0x483: {  	v30 =	vld [tilespmem:$0x790];
	[tilespmem:v2+s24+$0x0] =	vst.idx.msk $0xffff, v1  }
0x484: {  	[tilespmem:v3+s25+$0x0] =	vst.idx.msk $0xffff, v1  }
0x485: {  	[tilespmem:v4+s26+$0x0] =	vst.idx.msk $0xffff, v1  }
0x486: {  	[tilespmem:v5+s28+$0x0] =	vst.idx.msk $0xffff, v1  }
0x487: {  	v2 =	vld [tilespmem:$0x3A0];
	_ =	sdelay $0x7  }
0x488: {  	v3 =	vld.idx.msk [tilespmem:v2+s18+$0x0], $0xffff;
	_ =	sdelay $0x7  }
0x489: {  	v4 =	vld.idx.msk [tilespmem:v3+s19+$0x0], $0xffff;
	_ =	sdelay $0x7  }
0x48a: {  	v5 =	vld.idx.msk [tilespmem:v4+s20+$0x0], $0xffff  }
0x48b: {  	v27 =	vld.idx.msk [tilespmem:v2+s21+$0x0], $0xffff  }
0x48c: {  	v28 =	vld.idx.msk [tilespmem:v3+s22+$0x0], $0xffff  }
0x48d: {  	v29 =	vld.idx.msk [tilespmem:v4+s23+$0x0], $0xffff;
	[tilespmem:$0x23A0] =	vst v3  }
0x48e: {  	[tilespmem:$0x27A0] =	vst v4  }
0x48f: {  	[tilespmem:$0x2BA0] =	vst v5  }
0x490: {  	v24 =	vld [tilespmem:$0x7A0];
	[tilespmem:v2+s24+$0x0] =	vst.idx.msk $0xffff, v1  }
0x491: {  	[tilespmem:v3+s25+$0x0] =	vst.idx.msk $0xffff, v1  }
0x492: {  	[tilespmem:v4+s26+$0x0] =	vst.idx.msk $0xffff, v1  }
0x493: {  	[tilespmem:v5+s28+$0x0] =	vst.idx.msk $0xffff, v1  }
0x494: {  	v2 =	vld [tilespmem:$0x3B0];
	_ =	sdelay $0x7  }
0x495: {  	v3 =	vld.idx.msk [tilespmem:v2+s18+$0x0], $0xffff;
	_ =	sdelay $0x7  }
0x496: {  	v6 =	vadd.f32 $0.0e+00, v6;
	v4 =	vld.idx.msk [tilespmem:v3+s19+$0x0], $0xffff;
	_ =	sdelay $0x1  }
0x497: {  	v6 =	vadd.f32 v12, v6  }
0x498: {  	v7 =	vadd.f32 $0.0e+00, v7  }
0x499: {  	v6 =	vadd.f32 v17, v6  }
0x49a: {  	v7 =	vadd.f32 v11, v7  }
0x49b: {  	v6 =	vadd.f32 v21, v6;
	v21 =	vld [tilespmem:$0x1F4A0]  }
0x49c: {  	v7 =	vadd.f32 v15, v7;
	v15 =	vld [tilespmem:$0x1F4E0]  }
0x49d: {  	v5 =	vld.idx.msk [tilespmem:v4+s20+$0x0], $0xffff  }
0x49e: {  	v23 =	vld.idx.msk [tilespmem:v2+s21+$0x0], $0xffff  }
0x49f: {  	v25 =	vld.idx.msk [tilespmem:v3+s22+$0x0], $0xffff  }
0x4a0: {  	v26 =	vld.idx.msk [tilespmem:v4+s23+$0x0], $0xffff;
	[tilespmem:$0x23B0] =	vst v3  }
0x4a1: {  	v12 =	vld [tilespmem:$0x1F4B0];
	[tilespmem:$0x27B0] =	vst v4  }
0x4a2: {  	v17 =	vld [tilespmem:$0x1F500];
	[tilespmem:$0x2BB0] =	vst v5  }
0x4a3: {  	v7 =	vadd.f32 v19, v7;
	v22 =	vld [tilespmem:$0x7B0];
	[tilespmem:v2+s24+$0x0] =	vst.idx.msk $0xffff, v1  }
0x4a4: {  	v19 =	vld [tilespmem:$0x1F520];
	[tilespmem:v3+s25+$0x0] =	vst.idx.msk $0xffff, v1  }
0x4a5: {  	v11 =	vld [tilespmem:$0x1F650];
	v7 =	vadd.f32 v15, v7;
	[tilespmem:v4+s26+$0x0] =	vst.idx.msk $0xffff, v1  }
0x4a6: {  	v15 =	vld [tilespmem:$0x1F580];
	v4 =	vadd.f32 $0.0e+00, v10;
	v10 =	vadd.f32 $0.0e+00, v9;
	[tilespmem:v5+s28+$0x0] =	vst.idx.msk $0xffff, v1  }
0x4a7: {  	v8 =	vld [tilespmem:$0x3C0]  }
0x4a8: {  	v5 =	vadd.f32 v13, v10;
	v13 =	vld [tilespmem:$0x1F4C0]  }
0x4a9: {  	v4 =	vadd.f32 v14, v4;
	v14 =	vld [tilespmem:$0x1F4D0]  }
0x4aa: {  	v10 =	vld [tilespmem:$0x1F630]  }
0x4ab: {  	v4 =	vadd.f32 v18, v4;
	v5 =	vadd.f32 v16, v5;
	v18 =	vld [tilespmem:$0x1F490]  }
0x4ac: {  	v16 =	vld [tilespmem:$0x1F4F0]  }
0x4ad: {  	v5 =	vadd.f32 v20, v5;
	v20 =	vld [tilespmem:$0x1F530]  }
0x4ae: {  	v6 =	vadd.f32 v13, v6;
	v13 =	vld [tilespmem:$0x1F560]  }
0x4af: {  	v5 =	vadd.f32 v12, v5;
	v12 =	vld [tilespmem:$0x1F550]  }
0x4b0: {  	v4 =	vadd.f32 v18, v4;
	v18 =	vld [tilespmem:$0x1F510]  }
0x4b1: {  	v6 =	vadd.f32 v17, v6;
	v17 =	vld [tilespmem:$0x1F5A0]  }
0x4b2: {  	v3 =	vld.idx.msk [tilespmem:v8+s18+$0x0], $0xffff  }
0x4b3: {  	v7 =	vadd.f32 v19, v7;
	v19 =	vld.idx.msk [tilespmem:v8+s21+$0x0], $0xffff  }
0x4b4: {  	v5 =	vadd.f32 v16, v5;
	v16 =	vld [tilespmem:$0x1F590];
	v4 =	vadd.f32 v21, v4  }
0x4b5: {  	v21 =	vld [tilespmem:$0x1F540]  }
0x4b6: {  	v7 =	vadd.f32 v13, v7;
	v13 =	vld [tilespmem:$0x1F5D0];
	v4 =	vadd.f32 v14, v4  }
0x4b7: {  	v14 =	vld [tilespmem:$0x1F570]  }
0x4b8: {  	v7 =	vadd.f32 v17, v7;
	v17 =	vld [tilespmem:$0x1F610];
	v4 =	vadd.f32 v18, v4  }
0x4b9: {  	v18 =	vld [tilespmem:$0x1F5B0]  }
0x4ba: {  	v4 =	vadd.f32 v12, v4;
	v12 =	vld [tilespmem:$0x1F5C0]  }
0x4bb: {  	v5 =	vadd.f32 v20, v5;
	v2 =	vld.idx.msk [tilespmem:v3+s19+$0x0], $0xffff  }
0x4bc: {  	v6 =	vadd.f32 v21, v6;
	v20 =	vld.idx.msk [tilespmem:v3+s22+$0x0], $0xffff  }
0x4bd: {  	v5 =	vadd.f32 v14, v5;
	v14 =	vld [tilespmem:$0x1F5E0]  }
0x4be: {  	v6 =	vadd.f32 v15, v6;
	v15 =	vld [tilespmem:$0x1F5F0]  }
0x4bf: {  	v4 =	vadd.f32 v16, v4;
	v16 =	vld [tilespmem:$0x1F600]  }
0x4c0: {  	v5 =	vadd.f32 v18, v5;
	v18 =	vld [tilespmem:$0x7C0]  }
0x4c1: {  	v4 =	vadd.f32 v13, v4;
	v13 =	vld [tilespmem:$0x1F670]  }
0x4c2: {  	v6 =	vadd.f32 v12, v6;
	v12 =	vld [tilespmem:$0x1F660]  }
0x4c3: {  	v7 =	vadd.f32 v14, v7;
	v14 =	vld [tilespmem:$0x1F680]  }
0x4c4: {  	v5 =	vadd.f32 v15, v5;
	v15 =	vld [tilespmem:$0x1F690]  }
0x4c5: {  	v4 =	vadd.f32 v17, v4;
	v17 =	vld [tilespmem:$0x1F6B0]  }
0x4c6: {  	v6 =	vadd.f32 v16, v6;
	v16 =	vld [tilespmem:$0x1F6A0]  }
0x4c7: {  	v5 =	vadd.f32 v10, v5;
	v4 =	vadd.f32 v11, v4;
	v11 =	vld [tilespmem:$0x1F6D0]  }
0x4c8: {  	v9 =	vld.idx.msk [tilespmem:v2+s20+$0x0], $0xffff  }
0x4c9: {  	v5 =	vadd.f32 v13, v5;
	v13 =	vld [tilespmem:$0x1F6F0]  }
0x4ca: {  	v21 =	vld.idx.msk [tilespmem:v2+s23+$0x0], $0xffff  }
0x4cb: {  	[tilespmem:$0x23C0] =	vst v3;
	v4 =	vadd.f32 v15, v4;
	v15 =	vld [tilespmem:$0x1F710]  }
0x4cc: {  	[tilespmem:$0x27C0] =	vst v2;
	v5 =	vadd.f32 v17, v5;
	v17 =	vld [tilespmem:$0x1F730]  }
0x4cd: {  	v4 =	vadd.f32 v11, v4;
	v11 =	vld [tilespmem:$0x1F750];
	[tilespmem:$0x2BC0] =	vst v9  }
0x4ce: {  	[tilespmem:v8+s24+$0x0] =	vst.idx.msk $0xffff, v1;
	v5 =	vadd.f32 v13, v5;
	v13 =	vld [tilespmem:$0x1F770]  }
0x4cf: {  	[tilespmem:v3+s25+$0x0] =	vst.idx.msk $0xffff, v1;
	v3 =	vld [tilespmem:$0x1F620]  }
0x4d0: {  	v4 =	vadd.f32 v15, v4;
	v15 =	vld [tilespmem:$0x1F790]  }
0x4d1: {  	[tilespmem:v2+s26+$0x0] =	vst.idx.msk $0xffff, v1;
	v2 =	vld [tilespmem:$0x1F640]  }
0x4d2: {  	v5 =	vadd.f32 v17, v5;
	v17 =	vld [tilespmem:$0x1F7B0]  }
0x4d3: {  	[tilespmem:v9+s28+$0x0] =	vst.idx.msk $0xffff, v1;
	v9 =	vld [tilespmem:$0x1F6C0]  }
0x4d4: {  	v4 =	vadd.f32 v11, v4;
	v11 =	vld [tilespmem:$0x1F7D0]  }
0x4d5: {  	v10 =	vld [tilespmem:$0x3D0]  }
0x4d6: {  	v5 =	vadd.f32 v13, v5;
	v13 =	vld [tilespmem:$0x1F7F0]  }
0x4d7: {  	v3 =	vadd.f32 v3, v7;
	v4 =	vadd.f32 v15, v4;
	v15 =	vld [tilespmem:$0x1F810]  }
0x4d8: {  	v5 =	vadd.f32 v17, v5;
	v17 =	vld [tilespmem:$0x1F830]  }
0x4d9: {  	v2 =	vadd.f32 v2, v6;
	v3 =	vadd.f32 v12, v3;
	v12 =	vld [tilespmem:$0x1F6E0]  }
0x4da: {  	v4 =	vadd.f32 v11, v4;
	v11 =	vld [tilespmem:$0x1F850]  }
0x4db: {  	v2 =	vadd.f32 v14, v2;
	v14 =	vld [tilespmem:$0x1F700]  }
0x4dc: {  	v3 =	vadd.f32 v16, v3;
	v16 =	vld [tilespmem:$0x1F720]  }
0x4dd: {  	v5 =	vadd.f32 v13, v5;
	v13 =	vld [tilespmem:$0x1F870]  }
0x4de: {  	v2 =	vadd.f32 v9, v2;
	v9 =	vld [tilespmem:$0x1F740]  }
0x4df: {  	v4 =	vadd.f32 v15, v4;
	v15 =	vld [tilespmem:$0x1F890]  }
0x4e0: {  	v3 =	vadd.f32 v12, v3;
	v12 =	vld [tilespmem:$0x1F760]  }
0x4e1: {  	v7 =	vld.idx.msk [tilespmem:v10+s18+$0x0], $0xffff  }
0x4e2: {  	v5 =	vadd.f32 v17, v5;
	v17 =	vld [tilespmem:$0x1F8B0]  }
0x4e3: {  	v3 =	vadd.f32 v16, v3;
	v16 =	vld [tilespmem:$0x1F7A0]  }
0x4e4: {  	v4 =	vadd.f32 v11, v4;
	v11 =	vld [tilespmem:$0x1F8D0]  }
0x4e5: {  	v3 =	vadd.f32 v12, v3;
	v12 =	vld [tilespmem:$0x1F7E0]  }
0x4e6: {  	v2 =	vadd.f32 v14, v2;
	v14 =	vld [tilespmem:$0x1F780]  }
0x4e7: {  	v5 =	vadd.f32 v13, v5;
	v13 =	vld [tilespmem:$0x1F8F0]  }
0x4e8: {  	v3 =	vadd.f32 v16, v3;
	v16 =	vld [tilespmem:$0x1F820]  }
0x4e9: {  	v2 =	vadd.f32 v9, v2;
	v9 =	vld [tilespmem:$0x1F7C0]  }
0x4ea: {  	v3 =	vadd.f32 v12, v3;
	v12 =	vld [tilespmem:$0x1F860]  }
0x4eb: {  	v4 =	vadd.f32 v15, v4;
	v15 =	vld [tilespmem:$0x1F910]  }
0x4ec: {  	v2 =	vadd.f32 v14, v2;
	v14 =	vld [tilespmem:$0x1F800]  }
0x4ed: {  	v3 =	vadd.f32 v16, v3;
	v16 =	vld [tilespmem:$0x1F8A0]  }
0x4ee: {  	v2 =	vadd.f32 v9, v2;
	v9 =	vld [tilespmem:$0x1F840]  }
0x4ef: {  	v3 =	vadd.f32 v12, v3;
	v12 =	vld [tilespmem:$0x1F8E0]  }
0x4f0: {  	v5 =	vadd.f32 v17, v5;
	v17 =	vld [tilespmem:$0x1F930]  }
0x4f1: {  	v2 =	vadd.f32 v14, v2;
	v14 =	vld [tilespmem:$0x1F880]  }
0x4f2: {  	v3 =	vadd.f32 v16, v3;
	v16 =	vld [tilespmem:$0x1F920]  }
0x4f3: {  	v2 =	vadd.f32 v9, v2;
	v9 =	vld [tilespmem:$0x1F8C0]  }
0x4f4: {  	v3 =	vadd.f32 v12, v3;
	v12 =	vld [tilespmem:$0x1F960]  }
0x4f5: {  	v5 =	vadd.f32 v13, v5;
	v13 =	vld [tilespmem:$0x1F970]  }
0x4f6: {  	v2 =	vadd.f32 v14, v2;
	v14 =	vld [tilespmem:$0x1F900]  }
0x4f7: {  	v4 =	vadd.f32 v11, v4;
	v11 =	vld [tilespmem:$0x1F950];
	v3 =	vadd.f32 v16, v3  }
0x4f8: {  	v8 =	vld.idx.msk [tilespmem:v7+s19+$0x0], $0xffff;
	v5 =	vadd.f32 v17, v5  }
0x4f9: {  	v2 =	vadd.f32 v9, v2;
	v3 =	vadd.f32 v12, v3;
	v12 =	vld [tilespmem:$0x1F9A0]  }
0x4fa: {  	v4 =	vadd.f32 v15, v4;
	v15 =	vld [tilespmem:$0x1F9D0]  }
0x4fb: {  	v2 =	vadd.f32 v14, v2;
	v14 =	vadd.f32 v13, v5;
	v13 =	vld [tilespmem:$0x1F9B0]  }
0x4fc: {  	v9 =	vld [tilespmem:$0x1F940]  }
0x4fd: {  	v17 =	vld [tilespmem:$0x1F980]  }
0x4fe: {  	v3 =	vadd.f32 v12, v3;
	v12 =	vld [tilespmem:$0x1F9E0]  }
0x4ff: {  	v4 =	vadd.f32 v11, v4;
	v11 =	vld [tilespmem:$0x1F990]  }
0x500: {  	v5 =	vadd.f32 v13, v14;
	v14 =	vld [tilespmem:$0x1F9C0]  }
0x501: {  	v2 =	vadd.f32 v9, v2;
	v13 =	vld [tilespmem:$0x1F9F0];
	_ =	sdelay $0x1  }
0x502: {  	v2 =	vadd.f32 v17, v2;
	v3 =	vadd.f32 v12, v3;
	v12 =	vld [tilespmem:$0x1FA10]  }
0x503: {  	v4 =	vadd.f32 v11, v4  }
0x504: {  	v2 =	vadd.f32 v14, v2;
	v14 =	vld [tilespmem:$0x1FA00]  }
0x505: {  	v4 =	vadd.f32 v15, v4;
	v5 =	vadd.f32 v13, v5;
	v13 =	vld [tilespmem:$0x1FA20];
	_ =	sdelay $0x1  }
0x506: {  	v4 =	vadd.f32 v12, v4;
	v12 =	vld [tilespmem:$0x1FA40]  }
0x507: {  	v6 =	vld.idx.msk [tilespmem:v8+s20+$0x0], $0xffff  }
0x508: {  	v11 =	vld [tilespmem:$0x1FA90]  }
0x509: {  	v2 =	vadd.f32 v14, v2;
	v3 =	vadd.f32 v13, v3;
	v13 =	vld [tilespmem:$0x1FA50]  }
0x50a: {  	v15 =	vld.idx.msk [tilespmem:v8+s23+$0x0], $0xffff  }
0x50b: {  	v2 =	vadd.f32 v12, v2;
	v12 =	vld [tilespmem:$0x1FA60]  }
0x50c: {  	v14 =	vld [tilespmem:$0x1FA30]  }
0x50d: {  	v16 =	vld.idx.msk [tilespmem:v7+s22+$0x0], $0xffff  }
0x50e: {  	v4 =	vadd.f32 v13, v4;
	v13 =	vld [tilespmem:$0x1FA70]  }
0x50f: {  	v17 =	vld.idx.msk [tilespmem:v10+s21+$0x0], $0xffff;
	[tilespmem:$0x23D0] =	vst v7  }
0x510: {  	[tilespmem:$0x27D0] =	vst v8;
	v3 =	vadd.f32 v12, v3;
	v12 =	vld [tilespmem:$0x1FAA0]  }
0x511: {  	[tilespmem:$0x2BD0] =	vst v6;
	v5 =	vadd.f32 v14, v5;
	v14 =	vld [tilespmem:$0x7D0]  }
0x512: {  	[tilespmem:v10+s24+$0x0] =	vst.idx.msk $0xffff, v1;
	v10 =	vld [tilespmem:$0x1FA80]  }
0x513: {  	v5 =	vadd.f32 v13, v5;
	v13 =	vld [tilespmem:$0x1FAB0]  }
0x514: {  	v9 =	vld [tilespmem:$0x1FAC0]  }
0x515: {  	v3 =	vadd.f32 v12, v3;
	v12 =	vld [tilespmem:$0x1FAF0]  }
0x516: {  	v4 =	vadd.f32 v11, v4;
	v11 =	vld [tilespmem:$0x1FAE0]  }
0x517: {  	v2 =	vadd.f32 v10, v2;
	v10 =	vld [tilespmem:$0x1FAD0]  }
0x518: {  	v5 =	vadd.f32 v13, v5;
	v13 =	vld [tilespmem:$0x1FB00]  }
0x519: {  	v2 =	vadd.f32 v9, v2;
	v9 =	vld [tilespmem:$0x1FB10]  }
0x51a: {  	v5 =	vadd.f32 v12, v5;
	v12 =	vld [tilespmem:$0x1FB40];
	_ =	sdelay $0x1  }
0x51b: {  	v4 =	vadd.f32 v10, v4;
	v10 =	vld [tilespmem:$0x1FB20]  }
0x51c: {  	v2 =	vadd.f32 v13, v2;
	v13 =	vld [tilespmem:$0x1FB50]  }
0x51d: {  	v4 =	vadd.f32 v9, v4;
	v9 =	vld [tilespmem:$0x1FB60]  }
0x51e: {  	v3 =	vadd.f32 v11, v3;
	v2 =	vadd.f32 v12, v2;
	v12 =	vld [tilespmem:$0x1FB90]  }
0x51f: {  	v11 =	vld [tilespmem:$0x1FB30]  }
0x520: {  	v3 =	vadd.f32 v10, v3;
	v10 =	vld [tilespmem:$0x1FB70]  }
0x521: {  	v4 =	vadd.f32 v13, v4;
	v13 =	vld [tilespmem:$0x1FBA0];
	_ =	sdelay $0x1  }
0x522: {  	v4 =	vadd.f32 v12, v4;
	v12 =	vld [tilespmem:$0x1FBE0]  }
0x523: {  	v3 =	vadd.f32 v9, v3;
	v5 =	vadd.f32 v11, v5;
	v11 =	vld [tilespmem:$0x1FB80]  }
0x524: {  	v9 =	vld [tilespmem:$0x1FBB0]  }
0x525: {  	v5 =	vadd.f32 v10, v5;
	v10 =	vld [tilespmem:$0x1FBC0];
	v3 =	vadd.f32 v13, v3  }
0x526: {  	v13 =	vld [tilespmem:$0x1FBF0]  }
0x527: {  	v3 =	vadd.f32 v12, v3;
	v12 =	vld [tilespmem:$0x1FC00]  }
0x528: {  	v2 =	vadd.f32 v11, v2  }
0x529: {  	v5 =	vadd.f32 v9, v5;
	v11 =	vld [tilespmem:$0x1FBD0]  }
0x52a: {  	v2 =	vadd.f32 v10, v2  }
0x52b: {  	v5 =	vadd.f32 v13, v5;
	v13 =	vld [tilespmem:$0x1FC10]  }
0x52c: {  	v2 =	vadd.f32 v12, v2;
	v12 =	vld [tilespmem:$0x1FC20];
	_ =	sdelay $0x1  }
0x52d: {  	v4 =	vadd.f32 v11, v4;
	_ =	sdelay $0x1  }
0x52e: {  	v4 =	vadd.f32 v13, v4;
	v13 =	vld [tilespmem:$0x1FC30]  }
0x52f: {  	v3 =	vadd.f32 v12, v3;
	v12 =	vld [tilespmem:$0x1FC40];
	_ =	sdelay $0x3  }
0x530: {  	v5 =	vadd.f32 v13, v5;
	v13 =	vld [tilespmem:$0x1FC50]  }
0x531: {  	v2 =	vadd.f32 v12, v2;
	v12 =	vld [tilespmem:$0x1FC60];
	_ =	sdelay $0x3  }
0x532: {  	v4 =	vadd.f32 v13, v4;
	v13 =	vld [tilespmem:$0x1FC70]  }
0x533: {  	v3 =	vadd.f32 v12, v3;
	v12 =	vld [tilespmem:$0x1FC80];
	_ =	sdelay $0x3  }
0x534: {  	v5 =	vadd.f32 v13, v5;
	v13 =	vld [tilespmem:$0x1FC90]  }
0x535: {  	v2 =	vadd.f32 v12, v2;
	v12 =	vld [tilespmem:$0x1FCA0];
	_ =	sdelay $0x3  }
0x536: {  	v4 =	vadd.f32 v13, v4;
	v13 =	vld [tilespmem:$0x1FCB0]  }
0x537: {  	v3 =	vadd.f32 v12, v3;
	v12 =	vld [tilespmem:$0x1FCC0];
	_ =	sdelay $0x3  }
0x538: {  	v5 =	vadd.f32 v13, v5;
	v13 =	vld [tilespmem:$0x1FCD0]  }
0x539: {  	v2 =	vadd.f32 v12, v2;
	v12 =	vld [tilespmem:$0x1FCE0];
	_ =	sdelay $0x3  }
0x53a: {  	v4 =	vadd.f32 v13, v4;
	v13 =	vld [tilespmem:$0x1FCF0]  }
0x53b: {  	v3 =	vadd.f32 v12, v3;
	v12 =	vld [tilespmem:$0x1FD00];
	_ =	sdelay $0x3  }
0x53c: {  	v5 =	vadd.f32 v13, v5;
	v13 =	vld [tilespmem:$0x1FD10]  }
0x53d: {  	v2 =	vadd.f32 v12, v2;
	v12 =	vld [tilespmem:$0x1FD20];
	_ =	sdelay $0x3  }
0x53e: {  	v4 =	vadd.f32 v13, v4;
	v13 =	vld [tilespmem:$0x1FD30]  }
0x53f: {  	v3 =	vadd.f32 v12, v3;
	v12 =	vld [tilespmem:$0x1FD40];
	_ =	sdelay $0x3  }
0x540: {  	v5 =	vadd.f32 v13, v5;
	v13 =	vld [tilespmem:$0x1FD50]  }
0x541: {  	v2 =	vadd.f32 v12, v2;
	v12 =	vld [tilespmem:$0x1FD60];
	_ =	sdelay $0x3  }
0x542: {  	v4 =	vadd.f32 v13, v4;
	v13 =	vld [tilespmem:$0x1FD70]  }
0x543: {  	v3 =	vadd.f32 v12, v3;
	v12 =	vld [tilespmem:$0x1FD80];
	_ =	sdelay $0x3  }
0x544: {  	v5 =	vadd.f32 v13, v5;
	v13 =	vld [tilespmem:$0x1FD90]  }
0x545: {  	v2 =	vadd.f32 v12, v2;
	v12 =	vld [tilespmem:$0x1FDA0];
	_ =	sdelay $0x3  }
0x546: {  	v4 =	vadd.f32 v13, v4;
	v13 =	vld [tilespmem:$0x1FDB0]  }
0x547: {  	v3 =	vadd.f32 v12, v3;
	v12 =	vld [tilespmem:$0x1FDC0];
	_ =	sdelay $0x3  }
0x548: {  	v5 =	vadd.f32 v13, v5;
	v13 =	vld [tilespmem:$0x1FDD0]  }
0x549: {  	v2 =	vadd.f32 v12, v2;
	v12 =	vld [tilespmem:$0x1FDE0];
	_ =	sdelay $0x1  }
0x54a: {  	v9 =	vld [tilespmem:$0x1FE20];
	_ =	sdelay $0x2  }
0x54b: {  	v4 =	vadd.f32 v13, v4;
	v13 =	vld [tilespmem:$0x1FDF0];
	v3 =	vadd.f32 v12, v3;
	_ =	sdelay $0x1  }
0x54c: {  	v3 =	vadd.f32 v9, v3;
	v9 =	vld [tilespmem:$0x1FE30];
	_ =	sdelay $0x2  }
0x54d: {  	v5 =	vadd.f32 v13, v5;
	v12 =	vld [tilespmem:$0x1FE00];
	_ =	sdelay $0x1  }
0x54e: {  	v5 =	vadd.f32 v9, v5;
	v9 =	vld [tilespmem:$0x1FE40];
	_ =	sdelay $0x2  }
0x54f: {  	v2 =	vadd.f32 v12, v2;
	v12 =	vld [tilespmem:$0x1FE10];
	_ =	sdelay $0x1  }
0x550: {  	v2 =	vadd.f32 v9, v2;
	v9 =	vld [tilespmem:$0x1FE50]  }
0x551: {  	[tilespmem:v7+s25+$0x0] =	vst.idx.msk $0xffff, v1  }
0x552: {  	[tilespmem:v8+s26+$0x0] =	vst.idx.msk $0xffff, v1;
	v2 =	vadd.f32 v63, v2;
	v63 =	vld [tilespmem:$0x1FE80]  }
0x553: {  	[tilespmem:v6+s28+$0x0] =	vst.idx.msk $0xffff, v1;
	v4 =	vadd.f32 v12, v4  }
0x554: {  	v6 =	vld [tilespmem:$0x3E0]  }
0x555: {  	v4 =	vadd.f32 v9, v4;
	v9 =	vld [tilespmem:$0x1FE60];
	_ =	sdelay $0x1  }
0x556: {  	v4 =	vadd.f32 v63, v4;
	v63 =	vld [tilespmem:$0x1FE90];
	_ =	sdelay $0x2  }
0x557: {  	v3 =	vadd.f32 v9, v3;
	v9 =	vld [tilespmem:$0x1FE70];
	_ =	sdelay $0x1  }
0x558: {  	v3 =	vadd.f32 v63, v3;
	v63 =	vld [tilespmem:$0x1FEA0]  }
0x559: {  	v7 =	vld.idx.msk [tilespmem:v6+s18+$0x0], $0xffff;
	_ =	sdelay $0x1  }
0x55a: {  	v5 =	vadd.f32 v9, v5;
	_ =	sdelay $0x1  }
0x55b: {  	v5 =	vadd.f32 v63, v5;
	v63 =	vld [tilespmem:$0x1FEB0];
	_ =	sdelay $0x3  }
0x55c: {  	v8 =	vld.idx.msk [tilespmem:v7+s19+$0x0], $0xffff  }
0x55d: {  	v2 =	vadd.f32 v63, v2;
	v63 =	vld [tilespmem:$0x1FEC0];
	_ =	sdelay $0x4  }
0x55e: {  	v4 =	vadd.f32 v63, v4;
	v63 =	vld [tilespmem:$0x1FED0];
	_ =	sdelay $0x1  }
0x55f: {  	v10 =	vld.idx.msk [tilespmem:v8+s20+$0x0], $0xffff  }
0x560: {  	v11 =	vld.idx.msk [tilespmem:v8+s23+$0x0], $0xffff  }
0x561: {  	v13 =	vld.idx.msk [tilespmem:v6+s21+$0x0], $0xffff  }
0x562: {  	v3 =	vadd.f32 v63, v3;
	v63 =	vld [tilespmem:$0x1FEE0]  }
0x563: {  	v12 =	vld.idx.msk [tilespmem:v7+s22+$0x0], $0xffff;
	[tilespmem:$0x23E0] =	vst v7  }
0x564: {  	[tilespmem:$0x27E0] =	vst v8  }
0x565: {  	[tilespmem:$0x2BE0] =	vst v10  }
0x566: {  	v9 =	vld [tilespmem:$0x7E0];
	[tilespmem:v6+s24+$0x0] =	vst.idx.msk $0xffff, v1  }
0x567: {  	[tilespmem:v7+s25+$0x0] =	vst.idx.msk $0xffff, v1;
	v5 =	vadd.f32 v63, v5;
	v63 =	vld [tilespmem:$0x1FEF0]  }
0x568: {  	[tilespmem:v8+s26+$0x0] =	vst.idx.msk $0xffff, v1  }
0x569: {  	[tilespmem:v10+s28+$0x0] =	vst.idx.msk $0xffff, v1;
	v10 =	vld [tilespmem:$0x1FF10];
	_ =	sdelay $0x2  }
0x56a: {  	v2 =	vadd.f32 v63, v2;
	v63 =	vld [tilespmem:$0x1FF00];
	_ =	sdelay $0x1  }
0x56b: {  	v3 =	vadd.f32 v10, v3;
	v10 =	vld [tilespmem:$0x1FF30];
	_ =	sdelay $0x2  }
0x56c: {  	v4 =	vadd.f32 v63, v4;
	v63 =	vld [tilespmem:$0x1FF20];
	_ =	sdelay $0x1  }
0x56d: {  	v2 =	vadd.f32 v10, v2;
	v10 =	vld [tilespmem:$0x1FF50];
	_ =	sdelay $0x2  }
0x56e: {  	v5 =	vadd.f32 v63, v5;
	v63 =	vld [tilespmem:$0x1FF40];
	_ =	sdelay $0x1  }
0x56f: {  	v3 =	vadd.f32 v10, v3;
	v10 =	vld [tilespmem:$0x1FF70];
	_ =	sdelay $0x2  }
0x570: {  	v4 =	vadd.f32 v63, v4;
	v63 =	vld [tilespmem:$0x1FF60];
	_ =	sdelay $0x1  }
0x571: {  	v2 =	vadd.f32 v10, v2;
	v10 =	vld [tilespmem:$0x1FF90];
	_ =	sdelay $0x2  }
0x572: {  	v5 =	vadd.f32 v63, v5;
	v63 =	vld [tilespmem:$0x1FF80];
	_ =	sdelay $0x1  }
0x573: {  	v3 =	vadd.f32 v10, v3;
	v10 =	vld [tilespmem:$0x1FFB0];
	_ =	sdelay $0x2  }
0x574: {  	v4 =	vadd.f32 v63, v4;
	v63 =	vld [tilespmem:$0x1FFA0]  }
0x575: {  	v6 =	vld [tilespmem:$0x3F0]  }
0x576: {  	v2 =	vadd.f32 v10, v2;
	v10 =	vld [tilespmem:$0x1FFE0];
	v4 =	vadd.f32 v62, v4  }
0x577: {  	v62 =	vld [tilespmem:$0x1FFC0]  }
0x578: {  	v4 =	vadd.f32 v58, v4;
	v58 =	vld [tilespmem:$0x1FFF0]  }
0x579: {  	v5 =	vadd.f32 v63, v5;
	v63 =	vld [tilespmem:$0x1FFD0];
	_ =	sdelay $0x2  }
0x57a: {  	v3 =	vadd.f32 v62, v3  }
0x57b: {  	v2 =	vadd.f32 v10, v2  }
0x57c: {  	v3 =	vadd.f32 v58, v3;
	v5 =	vadd.f32 v63, v5  }
0x57d: {  	v2 =	vadd.f32 v60, v2;
	v4 =	vadd.f32 v54, v4  }
0x57e: {  	v3 =	vadd.f32 v61, v3;
	v5 =	vadd.f32 v59, v5;
	v59 =	vld.idx.msk [tilespmem:v6+s18+$0x0], $0xffff  }
0x57f: {  	v2 =	vadd.f32 v55, v2  }
0x580: {  	v4 =	vadd.f32 v50, v4;
	v3 =	vadd.f32 v57, v3  }
0x581: {  	v2 =	vadd.f32 v51, v2;
	v5 =	vadd.f32 v56, v5  }
0x582: {  	v4 =	vadd.f32 v46, v4;
	v3 =	vadd.f32 v53, v3  }
0x583: {  	v2 =	vadd.f32 v47, v2;
	v5 =	vadd.f32 v52, v5  }
0x584: {  	v4 =	vadd.f32 v42, v4;
	v3 =	vadd.f32 v49, v3  }
0x585: {  	v2 =	vadd.f32 v44, v2;
	v5 =	vadd.f32 v48, v5  }
0x586: {  	v4 =	vadd.f32 v38, v4;
	v3 =	vadd.f32 v45, v3;
	v8 =	vld.idx.msk [tilespmem:v59+s19+$0x0], $0xffff  }
0x587: {  	v2 =	vadd.f32 v39, v2;
	v5 =	vadd.f32 v43, v5  }
0x588: {  	v4 =	vadd.f32 v34, v4;
	v3 =	vadd.f32 v41, v3  }
0x589: {  	v2 =	vadd.f32 v35, v2;
	v5 =	vadd.f32 v40, v5  }
0x58a: {  	v4 =	vadd.f32 v30, v4;
	v3 =	vadd.f32 v37, v3  }
0x58b: {  	v2 =	vadd.f32 v31, v2;
	v5 =	vadd.f32 v36, v5  }
0x58c: {  	v4 =	vadd.f32 v24, v4;
	v3 =	vadd.f32 v33, v3  }
0x58d: {  	v60 =	vld.idx.msk [tilespmem:v6+s21+$0x0], $0xffff;
	v2 =	vadd.f32 v28, v2;
	v5 =	vadd.f32 v32, v5  }
0x58e: {  	v4 =	vadd.f32 v22, v4;
	v3 =	vadd.f32 v29, v3;
	v10 =	vld.idx.msk [tilespmem:v8+s20+$0x0], $0xffff  }
0x58f: {  	v63 =	vld [tilespmem:$0x7F0];
	v2 =	vadd.f32 v25, v2;
	v5 =	vadd.f32 v27, v5  }
0x590: {  	v61 =	vld.idx.msk [tilespmem:v59+s22+$0x0], $0xffff;
	v4 =	vadd.f32 v18, v4;
	v3 =	vadd.f32 v26, v3  }
0x591: {  	v2 =	vadd.f32 v20, v2;
	v62 =	vld.idx.msk [tilespmem:v8+s23+$0x0], $0xffff;
	[tilespmem:$0x23F0] =	vst v59;
	v5 =	vadd.f32 v23, v5  }
0x592: {  	v4 =	vadd.f32 v14, v4;
	[tilespmem:$0x27F0] =	vst v8;
	v3 =	vadd.f32 v21, v3  }
0x593: {  	v2 =	vadd.f32 v16, v2;
	v5 =	vadd.f32 v19, v5;
	[tilespmem:$0x2BF0] =	vst v10  }
0x594: {  	v4 =	vadd.f32 v9, v4;
	v3 =	vadd.f32 v15, v3;
	[tilespmem:v6+s24+$0x0] =	vst.idx.msk $0xffff, v1  }
0x595: {  	v2 =	vadd.f32 v12, v2;
	v5 =	vadd.f32 v17, v5;
	[tilespmem:v59+s25+$0x0] =	vst.idx.msk $0xffff, v1  }
0x596: {  	v4 =	vadd.f32 v63, v4;
	v3 =	vadd.f32 v11, v3;
	[tilespmem:v8+s26+$0x0] =	vst.idx.msk $0xffff, v1  }
0x597: {  	v2 =	vadd.f32 v61, v2;
	v5 =	vadd.f32 v13, v5;
	[tilespmem:v10+s28+$0x0] =	vst.idx.msk $0xffff, v1  }
0x598: {  	v3 =	vadd.f32 v62, v3;
	[tilespmem:$0x3C00] =	vst v4  }
0x599: {  	v5 =	vadd.f32 v60, v5;
	[tilespmem:$0x3C20] =	vst v2  }
0x59a: {  	[tilespmem:$0x3C30] =	vst v3  }
0x59b: {  	[tilespmem:$0x3C10] =	vst v5  }
0x59c: {  	[hbm4b:s7+s2] =	stream.linear.scatter [tilespmem:s29], [sflag:$0x1], $0x400, $0x38;
	[tilespmem:$0x3C80] =	vst v63  }
0x59d: {  	_ =	swait.ge [sflag:s16], $0x400  }
0x59e: {  	[sflag:s16] =	ssyncset.done $0x0  }
0x59f: {  	[sflag:s16] =	ssyncadd.s32 $0xFFFFFC00  }
0x5a0: {  	[hbm4b:s8+s2] =	stream.linear.scatter [tilespmem:s30], [sflag:$0x1], $0x400, $0x38;
	[tilespmem:$0x3C80] =	vst v63  }
0x5a1: {  	_ =	swait.ge [sflag:s16], $0x400  }
0x5a2: {  	[sflag:s16] =	ssyncset.done $0x0  }
0x5a3: {  	[sflag:s16] =	ssyncadd.s32 $0xFFFFFC00  }
0x5a4: {  	[hbm4b:s9+s2] =	stream.linear.scatter [tilespmem:s31], [sflag:$0x1], $0x400, $0x38;
	[tilespmem:$0x3C80] =	vst v63  }
0x5a5: {  	_ =	swait.ge [sflag:s16], $0x400  }
0x5a6: {  	[sflag:s16] =	ssyncset.done $0x0  }
0x5a7: {  	[sflag:s16] =	ssyncadd.s32 $0xFFFFFC00  }
0x5a8: {  	[hbm4b:s10+s2] =	stream.linear.scatter [tilespmem:s24], [sflag:$0x1], $0x400, $0x38;
	[tilespmem:$0x3C80] =	vst v63  }
0x5a9: {  	_ =	swait.ge [sflag:s16], $0x400  }
0x5aa: {  	[sflag:s16] =	ssyncset.done $0x0  }
0x5ab: {  	[sflag:s16] =	ssyncadd.s32 $0xFFFFFC00  }
0x5ac: {  	[hbm4b:s11+s2] =	stream.linear.scatter [tilespmem:s25], [sflag:$0x1], $0x400, $0x38;
	[tilespmem:$0x3C80] =	vst v63  }
0x5ad: {  	_ =	swait.ge [sflag:s16], $0x400  }
0x5ae: {  	[sflag:s16] =	ssyncset.done $0x0  }
0x5af: {  	[sflag:s16] =	ssyncadd.s32 $0xFFFFFC00  }
0x5b0: {  	[hbm4b:s12+s2] =	stream.linear.scatter [tilespmem:s26], [sflag:$0x1], $0x400, $0x38;
	[tilespmem:$0x3C80] =	vst v63  }
0x5b1: {  	_ =	swait.ge [sflag:s16], $0x400  }
0x5b2: {  	[sflag:s16] =	ssyncset.done $0x0  }
0x5b3: {  	[sflag:s16] =	ssyncadd.s32 $0xFFFFFC00  }
0x5b4: {  	[hbm4b:s13+s2] =	stream.linear.scatter [tilespmem:s28], [sflag:$0x1], $0x400, $0x38;
	[tilespmem:$0x3C80] =	vst v63  }
0x5b5: {  	_ =	swait.ge [sflag:s16], $0x400  }
0x5b6: {  	p0 =	sne.s32 s15, $0x1;
	[sflag:s16] =	ssyncset.done $0x0  }
.Ltmp0:
0x5b7: {  	[sflag:s16] =	ssyncadd.s32 $0xFFFFFC00;
	(pc) =	sbr.rel @p0 .LBB2_1-.Ltmp0, $4  }
0x5b8: {  	[hbm4b:s14+s2] =	stream.linear.scatter [tilespmem:s0], [sflag:$0x1], $0x40, $0x38;
	[tilespmem:$0x3C80] =	vst v63  }
0x5b9: {  	_ =	swait.ge [sflag:s16], $0x40  }
0x5ba: {  	[sflag:s16] =	ssyncset.done $0x0  }
0x5bb: {  	s15 =	sadd.s32 $0xFFFFFFFF, s15;
	[sflag:s16] =	ssyncadd.s32 $0xFFFFFFC0  }
0x5bc: {  	_ =	sfence.sel $0x180000  }
0x5bd: {  	[bflag:$0x0] =	sbarrier.arrive $0xFFFF  }
0x5be: {  	_ =	strace $0x90000047  }
0x5bf: {  	s0 =	stileid.u32;
	[bflag:$0x2] =	sbarrier.arrive $0xFFFF  }
0x5c0: {  	p0 =	sne.s32 s0, $0x0;
	s0 =	rddreg [dreg:$0x2]  }
0x5c1: {  	s0 =	sadd.s32 @!p0 $0x100000, s0  }
0x5c2: {  	[sflag:s0] =	ssyncadd.tile.s32 @!p0 $0x1;
	_ =	shalt  }
.Lfunc_end2:
_tile_overlayer_lowered:
.L_overlay_start_2:
0x5c3: {  	(tag) =	ssettag $0x2  }
0x5c4: {  	s0 =	rddreg [dreg:$0x0];
	s2 =	stileid.u32  }
0x5c5: {  	s1 =	rddreg [dreg:$0x1];
	p0 =	sne.s32 s2, $0x0  }
0x5c6: {  	s3 =	rddreg [dreg:$0x2];
	[bflag:$0x3] =	sbarrier.arrive $0xFFFF;
	s2 =	simm.s32 @!p0 $0x1C01  }
0x5c7: {  	[timem:s3], [sflag:s2] =	dma.local @!p0 [hbm:s0], s1  }
0x5c8: {  	s0 =	simm.s32 @!p0 $0x1  }
0x5c9: {  	_ =	swait.ge @!p0 [sflag:s0], s1  }
0x5ca: {  	s1 =	ssub.s32 @!p0 $0x0, s1;
	[sflag:s0] =	ssyncset.done @!p0 $0x0  }
0x5cb: {  	[sflag:s0] =	ssyncadd.s32 @!p0 s1  }
0x5cc: {  	[bflag:$0x3] =	sbarrier.arrive $0xFFFF  }
0x5cd: {  	_ =	shalt  }

</sc_bundles>
